<compile_context>
chip_gen: v7x
topology: tpu7x:2x2x1
jax: 0.10.2.dev20260603
libtpu: 0.0.44.dev20260713+nightly
codegen_flags: <defaults>
</compile_context>

<pallas_src>
import dataclasses
import functools

import jax
import jax.numpy as jnp
from jax import lax
from jax.experimental import pallas as pl
from jax.experimental.pallas import tpu as pltpu
from jax.experimental.pallas import tpu_sc as plsc

_NUM_CORES = 2
_NUM_SUBCORES = 16
_NW = _NUM_CORES * _NUM_SUBCORES


@functools.partial(jax.jit, static_argnames=("bb", "t"))
def _sc_lookup(table, idx, bb, t):
    V, D = table.shape
    (B,) = idx.shape
    assert B == bb * t and B % (8 * _NW) == 0
    b_per_w = B // _NW

    mesh = plsc.VectorSubcoreMesh(core_axis_name="c", subcore_axis_name="s")
    cp = pltpu.CompilerParams()
    if "use_tc_tiling_on_sc" in pltpu.CompilerParams.__dataclass_fields__:
        cp = dataclasses.replace(cp, use_tc_tiling_on_sc=True)

    @functools.partial(
        pl.kernel,
        mesh=mesh,
        out_type=jax.ShapeDtypeStruct((bb, t, D), jnp.float32),
        compiler_params=cp,
        scratch_types=[
            pltpu.VMEM((V, D), jnp.float32),
            pltpu.VMEM((b_per_w,), jnp.int32),
            pltpu.SemaphoreType.DMA,
        ],
    )
    def k(table_hbm, idx_hbm, out_hbm, table_v, idx_v, wsem):
        wid = lax.axis_index("s") * _NUM_CORES + lax.axis_index("c")
        base = wid * b_per_w
        pltpu.sync_copy(table_hbm, table_v)
        pltpu.sync_copy(idx_hbm.at[pl.ds(base, b_per_w)], idx_v)

        def wait_row():
            pltpu.make_async_copy(table_v.at[0], out_hbm.at[0, 0], wsem).wait()

        n_groups = b_per_w // 16

        def fire_group(g):
            vec = idx_v[pl.ds(g * 16, 16)]
            j0 = base + g * 16
            for l in range(16):
                j = j0 + l
                pltpu.async_copy(
                    table_v.at[vec[l]], out_hbm.at[j // t, j % t], wsem
                )

        fire_group(0)

        @pl.loop(1, n_groups)
        def _(g):
            fire_group(g)
            for _ in range(16):
                wait_row()

        for _ in range(16):
            wait_row()

    return k(table, idx)


def kernel(indices, embedding_weight):
    bb, t = indices.shape
    flat_idx = indices.reshape(-1).astype(jnp.int32)
    return _sc_lookup(embedding_weight, flat_idx, bb, t)

# --- scband reference (transcript-rebuilt; emitter-appended) ---
"""Pipeline reference for scband-xprompt-embedding-231928234395 (READ-ONLY COPY).

The authoritative reference and input builder live on the scoring server;
editing this copy changes nothing except your own understanding.
"""

import jax, jax.numpy as jnp
import numpy as np

TOTAL_VIRTUAL_TOKENS = 100  # num_virtual_tokens(50) * num_transformer_submodules(2)
TOKEN_DIM = 1024
BATCH = 1024


def setup_inputs(seed: int = 0) -> dict:
    key = jax.random.key(seed)
    k_idx, k_tab = jax.random.split(key)
    indices = jax.random.randint(k_idx, (BATCH, TOTAL_VIRTUAL_TOKENS), 0, TOTAL_VIRTUAL_TOKENS).astype(jnp.int64 if jax.config.jax_enable_x64 else jnp.int32)
    embedding_weight = jax.random.normal(k_tab, (TOTAL_VIRTUAL_TOKENS, TOKEN_DIM), dtype=jnp.float32)
    return {"indices": indices, "embedding_weight": embedding_weight}


def reference(indices, embedding_weight):
    # XPromptEmbedding.forward: prompt_embeddings = self.embedding(indices)
    # nn.Embedding lookup == row gather from the weight table.
    prompt_embeddings = jnp.take(embedding_weight, indices, axis=0)
    return prompt_embeddings

if __name__ == "__main__":
    import jax
    _d = setup_inputs()
    print(jax.jit(kernel)(*tuple(_d.values())))

</pallas_src>

<mosaic_0001>
#map = affine_map<(d0, d1) -> (0, 0)>
#map1 = affine_map<(d0, d1) -> (0)>
#map2 = affine_map<(d0, d1) -> (0, 0, 0)>
module attributes {stable_mosaic.version = 14 : i64} {
  func.func @k(%arg0: i32, %arg1: i32, %arg2: memref<100x1024xf32, #tpu.memory_space<hbm>>, %arg3: memref<102400xi32, #tpu.memory_space<hbm>>, %arg4: memref<1024x100x1024xf32, #tpu.memory_space<hbm>>, %arg5: memref<100x1024xf32, #tpu.memory_space<vmem>>, %arg6: memref<3200xi32, #tpu.memory_space<vmem>>, %arg7: memref<!tpu.dma_semaphore, #tpu.memory_space<semaphore_mem>>) attributes {dimension_semantics = [#tpu.dimension_semantics<core_parallel>, #tpu.dimension_semantics<subcore_parallel>], iteration_bounds = array<i64: 2, 16>, scalar_prefetch = 0 : i64, scratch_operands = 3 : i64, tpu.core_type = #tpu.core_type<sc_vector_subcore>, window_params = [{transform_indices = #map}, {transform_indices = #map1}, {transform_indices = #map2}]} {
    %mul3A = arith.constant 2 : i32
    %mul3A_0 = arith.muli %arg1, %mul3A : i32
    %add3A = arith.addi %mul3A_0, %arg0 : i32
    %mul3A_1 = arith.constant 3200 : i32
    %mul3A_2 = arith.muli %add3A, %mul3A_1 : i32
    "tpu.region"() ({
      %run_scoped3A = tpu.sem_alloc : memref<!tpu.dma_semaphore, #tpu.memory_space<semaphore_mem>>
      tpu.enqueue_dma source(%arg2 : memref<100x1024xf32, #tpu.memory_space<hbm>>) target(%arg5 : memref<100x1024xf32, #tpu.memory_space<vmem>>) target_semaphore(%run_scoped3A : memref<!tpu.dma_semaphore, #tpu.memory_space<semaphore_mem>>)
      tpu.wait_dma2 semaphore(%run_scoped3A : memref<!tpu.dma_semaphore, #tpu.memory_space<semaphore_mem>>) src(%arg2 : memref<100x1024xf32, #tpu.memory_space<hbm>>) dst(%arg5 : memref<100x1024xf32, #tpu.memory_space<vmem>>)
      tpu.yield
    }) : () -> ()
    "tpu.region"() ({
      %run_scoped3A = tpu.sem_alloc : memref<!tpu.dma_semaphore, #tpu.memory_space<semaphore_mem>>
      %dma_start3A_1133 = tpu.memref_slice %arg3[%mul3A_2] : memref<102400xi32, #tpu.memory_space<hbm>> -> memref<3200xi32, #tpu.memory_space<hbm>>
      %dma_start3A_1134 = tpu.memref_slice %arg3[%mul3A_2] : memref<102400xi32, #tpu.memory_space<hbm>> -> memref<3200xi32, #tpu.memory_space<hbm>>
      tpu.enqueue_dma source(%dma_start3A_1134 : memref<3200xi32, #tpu.memory_space<hbm>>) target(%arg6 : memref<3200xi32, #tpu.memory_space<vmem>>) target_semaphore(%run_scoped3A : memref<!tpu.dma_semaphore, #tpu.memory_space<semaphore_mem>>)
      %dma_wait3A_1135 = tpu.memref_slice %arg3[%mul3A_2] : memref<102400xi32, #tpu.memory_space<hbm>> -> memref<3200xi32, #tpu.memory_space<hbm>>
      %dma_wait3A_1136 = tpu.memref_slice %arg3[%mul3A_2] : memref<102400xi32, #tpu.memory_space<hbm>> -> memref<3200xi32, #tpu.memory_space<hbm>>
      tpu.wait_dma2 semaphore(%run_scoped3A : memref<!tpu.dma_semaphore, #tpu.memory_space<semaphore_mem>>) src(%dma_wait3A_1136 : memref<3200xi32, #tpu.memory_space<hbm>>) dst(%arg6 : memref<3200xi32, #tpu.memory_space<vmem>>)
      tpu.yield
    }) : () -> ()
    %get3A = arith.constant 0 : index
    %get3A_3 = tpu.vector_load %arg6[%get3A] {strides = array<i32>} : memref<3200xi32, #tpu.memory_space<vmem>>, vector<16xi32>,
    %get3A_4 = vector.shape_cast %get3A_3 : vector<16xi32> to vector<16xi32>
    %add3A_5 = arith.constant 0 : i32
    %add3A_6 = arith.addi %mul3A_2, %add3A_5 : i32
    %add3A_7 = arith.constant 0 : i32
    %add3A_8 = arith.addi %add3A_6, %add3A_7 : i32
    %slice3A = vector.extract_strided_slice %get3A_4 {offsets = [0], sizes = [1], strides = [1]} : vector<16xi32> to vector<1xi32>
    %squeeze3A = vector.extract %slice3A[0] : i32 from vector<1xi32>
    %jit3A = arith.constant 100 : i32
    %div3A = arith.divsi %add3A_8, %jit3A : i32
    %sign3A = arith.constant 0 : i32
    %sign3A_9 = arith.cmpi sgt, %add3A_8, %sign3A : i32
    %sign3A_10 = arith.extui %sign3A_9 : i1 to i32
    %sign3A_11 = arith.constant 0 : i32
    %sign3A_12 = arith.cmpi slt, %add3A_8, %sign3A_11 : i32
    %sign3A_13 = arith.extui %sign3A_12 : i1 to i32
    %sign3A_14 = arith.subi %sign3A_10, %sign3A_13 : i32
    %sign3A_15 = arith.constant 0 : i32
    %sign3A_16 = arith.cmpi sgt, %jit3A, %sign3A_15 : i32
    %sign3A_17 = arith.extui %sign3A_16 : i1 to i32
    %sign3A_18 = arith.constant 0 : i32
    %sign3A_19 = arith.cmpi slt, %jit3A, %sign3A_18 : i32
    %sign3A_20 = arith.extui %sign3A_19 : i1 to i32
    %sign3A_21 = arith.subi %sign3A_17, %sign3A_20 : i32
    %ne3A = arith.cmpi ne, %sign3A_14, %sign3A_21 : i32
    %rem3A = arith.remsi %add3A_8, %jit3A : i32
    %ne3A_22 = arith.constant 0 : i32
    %ne3A_23 = arith.cmpi ne, %rem3A, %ne3A_22 : i32
    %and3A = arith.andi %ne3A, %ne3A_23 : i1
    %sub3A = arith.constant 1 : i32
    %sub3A_24 = arith.subi %div3A, %sub3A : i32
    %select_n3A = arith.select %and3A, %sub3A_24, %div3A : i32
    %jit3A_25 = arith.constant 100 : i32
    %eq3A = arith.constant 0 : i32
    %eq3A_26 = arith.cmpi eq, %jit3A_25, %eq3A : i32
    %jit3A_27 = arith.constant 1 : i32
    %select_n3A_28 = arith.select %eq3A_26, %jit3A_27, %jit3A_25 : i32
    %rem3A_29 = arith.remsi %add3A_8, %select_n3A_28 : i32
    %ne3A_30 = arith.constant 0 : i32
    %ne3A_31 = arith.cmpi ne, %rem3A_29, %ne3A_30 : i32
    %lt3A = arith.constant 0 : i32
    %lt3A_32 = arith.cmpi slt, %rem3A_29, %lt3A : i32
    %lt3A_33 = arith.constant 0 : i32
    %lt3A_34 = arith.cmpi slt, %select_n3A_28, %lt3A_33 : i32
    %ne3A_35 = arith.xori %lt3A_32, %lt3A_34 : i1
    %and3A_36 = arith.andi %ne3A_35, %ne3A_31 : i1
    %add3A_37 = arith.addi %rem3A_29, %select_n3A_28 : i32
    %select_n3A_38 = arith.select %and3A_36, %add3A_37, %rem3A_29 : i32
    %dma_start3A = arith.constant 0 : i32
    %dma_start3A_39 = tpu.memref_slice %arg5[%squeeze3A, %dma_start3A] : memref<100x1024xf32, #tpu.memory_space<vmem>> -> memref<1x1024xf32, #tpu.memory_space<vmem>>
    %dma_start3A_40 = tpu.memref_squeeze %dma_start3A_39 : memref<1x1024xf32, #tpu.memory_space<vmem>> -> memref<1024xf32, #tpu.memory_space<vmem>>
    %dma_start3A_41 = arith.constant 0 : i32
    %dma_start3A_42 = tpu.memref_slice %arg4[%select_n3A, %select_n3A_38, %dma_start3A_41] : memref<1024x100x1024xf32, #tpu.memory_space<hbm>> -> memref<1x1x1024xf32, #tpu.memory_space<hbm>>
    %dma_start3A_43 = tpu.memref_squeeze %dma_start3A_42 : memref<1x1x1024xf32, #tpu.memory_space<hbm>> -> memref<1024xf32, #tpu.memory_space<hbm>>
    %dma_start3A_44 = arith.constant 0 : i32
    %dma_start3A_45 = tpu.memref_slice %arg4[%select_n3A, %select_n3A_38, %dma_start3A_44] : memref<1024x100x1024xf32, #tpu.memory_space<hbm>> -> memref<1x1x1024xf32, #tpu.memory_space<hbm>>
    %dma_start3A_46 = tpu.memref_squeeze %dma_start3A_45 : memref<1x1x1024xf32, #tpu.memory_space<hbm>> -> memref<1024xf32, #tpu.memory_space<hbm>>
    %dma_start3A_47 = arith.constant 0 : i32
    %dma_start3A_48 = tpu.memref_slice %arg5[%squeeze3A, %dma_start3A_47] : memref<100x1024xf32, #tpu.memory_space<vmem>> -> memref<1x1024xf32, #tpu.memory_space<vmem>>
    %dma_start3A_49 = tpu.memref_squeeze %dma_start3A_48 : memref<1x1024xf32, #tpu.memory_space<vmem>> -> memref<1024xf32, #tpu.memory_space<vmem>>
    tpu.enqueue_dma source(%dma_start3A_49 : memref<1024xf32, #tpu.memory_space<vmem>>) target(%dma_start3A_46 : memref<1024xf32, #tpu.memory_space<hbm>>) target_semaphore(%arg7 : memref<!tpu.dma_semaphore, #tpu.memory_space<semaphore_mem>>)
    %add3A_50 = arith.constant 1 : i32
    %add3A_51 = arith.addi %add3A_6, %add3A_50 : i32
    %slice3A_52 = vector.extract_strided_slice %get3A_4 {offsets = [1], sizes = [1], strides = [1]} : vector<16xi32> to vector<1xi32>
    %squeeze3A_53 = vector.extract %slice3A_52[0] : i32 from vector<1xi32>
    %jit3A_54 = arith.constant 100 : i32
    %div3A_55 = arith.divsi %add3A_51, %jit3A_54 : i32
    %sign3A_56 = arith.constant 0 : i32
    %sign3A_57 = arith.cmpi sgt, %add3A_51, %sign3A_56 : i32
    %sign3A_58 = arith.extui %sign3A_57 : i1 to i32
    %sign3A_59 = arith.constant 0 : i32
    %sign3A_60 = arith.cmpi slt, %add3A_51, %sign3A_59 : i32
    %sign3A_61 = arith.extui %sign3A_60 : i1 to i32
    %sign3A_62 = arith.subi %sign3A_58, %sign3A_61 : i32
    %sign3A_63 = arith.constant 0 : i32
    %sign3A_64 = arith.cmpi sgt, %jit3A_54, %sign3A_63 : i32
    %sign3A_65 = arith.extui %sign3A_64 : i1 to i32
    %sign3A_66 = arith.constant 0 : i32
    %sign3A_67 = arith.cmpi slt, %jit3A_54, %sign3A_66 : i32
    %sign3A_68 = arith.extui %sign3A_67 : i1 to i32
    %sign3A_69 = arith.subi %sign3A_65, %sign3A_68 : i32
    %ne3A_70 = arith.cmpi ne, %sign3A_62, %sign3A_69 : i32
    %rem3A_71 = arith.remsi %add3A_51, %jit3A_54 : i32
    %ne3A_72 = arith.constant 0 : i32
    %ne3A_73 = arith.cmpi ne, %rem3A_71, %ne3A_72 : i32
    %and3A_74 = arith.andi %ne3A_70, %ne3A_73 : i1
    %sub3A_75 = arith.constant 1 : i32
    %sub3A_76 = arith.subi %div3A_55, %sub3A_75 : i32
    %select_n3A_77 = arith.select %and3A_74, %sub3A_76, %div3A_55 : i32
    %jit3A_78 = arith.constant 100 : i32
    %eq3A_79 = arith.constant 0 : i32
    %eq3A_80 = arith.cmpi eq, %jit3A_78, %eq3A_79 : i32
    %jit3A_81 = arith.constant 1 : i32
    %select_n3A_82 = arith.select %eq3A_80, %jit3A_81, %jit3A_78 : i32
    %rem3A_83 = arith.remsi %add3A_51, %select_n3A_82 : i32
    %ne3A_84 = arith.constant 0 : i32
    %ne3A_85 = arith.cmpi ne, %rem3A_83, %ne3A_84 : i32
    %lt3A_86 = arith.constant 0 : i32
    %lt3A_87 = arith.cmpi slt, %rem3A_83, %lt3A_86 : i32
    %lt3A_88 = arith.constant 0 : i32
    %lt3A_89 = arith.cmpi slt, %select_n3A_82, %lt3A_88 : i32
    %ne3A_90 = arith.xori %lt3A_87, %lt3A_89 : i1
    %and3A_91 = arith.andi %ne3A_90, %ne3A_85 : i1
    %add3A_92 = arith.addi %rem3A_83, %select_n3A_82 : i32
    %select_n3A_93 = arith.select %and3A_91, %add3A_92, %rem3A_83 : i32
    %dma_start3A_94 = arith.constant 0 : i32
    %dma_start3A_95 = tpu.memref_slice %arg5[%squeeze3A_53, %dma_start3A_94] : memref<100x1024xf32, #tpu.memory_space<vmem>> -> memref<1x1024xf32, #tpu.memory_space<vmem>>
    %dma_start3A_96 = tpu.memref_squeeze %dma_start3A_95 : memref<1x1024xf32, #tpu.memory_space<vmem>> -> memref<1024xf32, #tpu.memory_space<vmem>>
    %dma_start3A_97 = arith.constant 0 : i32
    %dma_start3A_98 = tpu.memref_slice %arg4[%select_n3A_77, %select_n3A_93, %dma_start3A_97] : memref<1024x100x1024xf32, #tpu.memory_space<hbm>> -> memref<1x1x1024xf32, #tpu.memory_space<hbm>>
    %dma_start3A_99 = tpu.memref_squeeze %dma_start3A_98 : memref<1x1x1024xf32, #tpu.memory_space<hbm>> -> memref<1024xf32, #tpu.memory_space<hbm>>
    %dma_start3A_100 = arith.constant 0 : i32
    %dma_start3A_101 = tpu.memref_slice %arg4[%select_n3A_77, %select_n3A_93, %dma_start3A_100] : memref<1024x100x1024xf32, #tpu.memory_space<hbm>> -> memref<1x1x1024xf32, #tpu.memory_space<hbm>>
    %dma_start3A_102 = tpu.memref_squeeze %dma_start3A_101 : memref<1x1x1024xf32, #tpu.memory_space<hbm>> -> memref<1024xf32, #tpu.memory_space<hbm>>
    %dma_start3A_103 = arith.constant 0 : i32
    %dma_start3A_104 = tpu.memref_slice %arg5[%squeeze3A_53, %dma_start3A_103] : memref<100x1024xf32, #tpu.memory_space<vmem>> -> memref<1x1024xf32, #tpu.memory_space<vmem>>
    %dma_start3A_105 = tpu.memref_squeeze %dma_start3A_104 : memref<1x1024xf32, #tpu.memory_space<vmem>> -> memref<1024xf32, #tpu.memory_space<vmem>>
    tpu.enqueue_dma source(%dma_start3A_105 : memref<1024xf32, #tpu.memory_space<vmem>>) target(%dma_start3A_102 : memref<1024xf32, #tpu.memory_space<hbm>>) target_semaphore(%arg7 : memref<!tpu.dma_semaphore, #tpu.memory_space<semaphore_mem>>)
    %add3A_106 = arith.constant 2 : i32
    %add3A_107 = arith.addi %add3A_6, %add3A_106 : i32
    %slice3A_108 = vector.extract_strided_slice %get3A_4 {offsets = [2], sizes = [1], strides = [1]} : vector<16xi32> to vector<1xi32>
    %squeeze3A_109 = vector.extract %slice3A_108[0] : i32 from vector<1xi32>
    %jit3A_110 = arith.constant 100 : i32
    %div3A_111 = arith.divsi %add3A_107, %jit3A_110 : i32
    %sign3A_112 = arith.constant 0 : i32
    %sign3A_113 = arith.cmpi sgt, %add3A_107, %sign3A_112 : i32
    %sign3A_114 = arith.extui %sign3A_113 : i1 to i32
    %sign3A_115 = arith.constant 0 : i32
    %sign3A_116 = arith.cmpi slt, %add3A_107, %sign3A_115 : i32
    %sign3A_117 = arith.extui %sign3A_116 : i1 to i32
    %sign3A_118 = arith.subi %sign3A_114, %sign3A_117 : i32
    %sign3A_119 = arith.constant 0 : i32
    %sign3A_120 = arith.cmpi sgt, %jit3A_110, %sign3A_119 : i32
    %sign3A_121 = arith.extui %sign3A_120 : i1 to i32
    %sign3A_122 = arith.constant 0 : i32
    %sign3A_123 = arith.cmpi slt, %jit3A_110, %sign3A_122 : i32
    %sign3A_124 = arith.extui %sign3A_123 : i1 to i32
    %sign3A_125 = arith.subi %sign3A_121, %sign3A_124 : i32
    %ne3A_126 = arith.cmpi ne, %sign3A_118, %sign3A_125 : i32
    %rem3A_127 = arith.remsi %add3A_107, %jit3A_110 : i32
    %ne3A_128 = arith.constant 0 : i32
    %ne3A_129 = arith.cmpi ne, %rem3A_127, %ne3A_128 : i32
    %and3A_130 = arith.andi %ne3A_126, %ne3A_129 : i1
    %sub3A_131 = arith.constant 1 : i32
    %sub3A_132 = arith.subi %div3A_111, %sub3A_131 : i32
    %select_n3A_133 = arith.select %and3A_130, %sub3A_132, %div3A_111 : i32
    %jit3A_134 = arith.constant 100 : i32
    %eq3A_135 = arith.constant 0 : i32
    %eq3A_136 = arith.cmpi eq, %jit3A_134, %eq3A_135 : i32
    %jit3A_137 = arith.constant 1 : i32
    %select_n3A_138 = arith.select %eq3A_136, %jit3A_137, %jit3A_134 : i32
    %rem3A_139 = arith.remsi %add3A_107, %select_n3A_138 : i32
    %ne3A_140 = arith.constant 0 : i32
    %ne3A_141 = arith.cmpi ne, %rem3A_139, %ne3A_140 : i32
    %lt3A_142 = arith.constant 0 : i32
    %lt3A_143 = arith.cmpi slt, %rem3A_139, %lt3A_142 : i32
    %lt3A_144 = arith.constant 0 : i32
    %lt3A_145 = arith.cmpi slt, %select_n3A_138, %lt3A_144 : i32
    %ne3A_146 = arith.xori %lt3A_143, %lt3A_145 : i1
    %and3A_147 = arith.andi %ne3A_146, %ne3A_141 : i1
    %add3A_148 = arith.addi %rem3A_139, %select_n3A_138 : i32
    %select_n3A_149 = arith.select %and3A_147, %add3A_148, %rem3A_139 : i32
    %dma_start3A_150 = arith.constant 0 : i32
    %dma_start3A_151 = tpu.memref_slice %arg5[%squeeze3A_109, %dma_start3A_150] : memref<100x1024xf32, #tpu.memory_space<vmem>> -> memref<1x1024xf32, #tpu.memory_space<vmem>>
    %dma_start3A_152 = tpu.memref_squeeze %dma_start3A_151 : memref<1x1024xf32, #tpu.memory_space<vmem>> -> memref<1024xf32, #tpu.memory_space<vmem>>
    %dma_start3A_153 = arith.constant 0 : i32
    %dma_start3A_154 = tpu.memref_slice %arg4[%select_n3A_133, %select_n3A_149, %dma_start3A_153] : memref<1024x100x1024xf32, #tpu.memory_space<hbm>> -> memref<1x1x1024xf32, #tpu.memory_space<hbm>>
    %dma_start3A_155 = tpu.memref_squeeze %dma_start3A_154 : memref<1x1x1024xf32, #tpu.memory_space<hbm>> -> memref<1024xf32, #tpu.memory_space<hbm>>
    %dma_start3A_156 = arith.constant 0 : i32
    %dma_start3A_157 = tpu.memref_slice %arg4[%select_n3A_133, %select_n3A_149, %dma_start3A_156] : memref<1024x100x1024xf32, #tpu.memory_space<hbm>> -> memref<1x1x1024xf32, #tpu.memory_space<hbm>>
    %dma_start3A_158 = tpu.memref_squeeze %dma_start3A_157 : memref<1x1x1024xf32, #tpu.memory_space<hbm>> -> memref<1024xf32, #tpu.memory_space<hbm>>
    %dma_start3A_159 = arith.constant 0 : i32
    %dma_start3A_160 = tpu.memref_slice %arg5[%squeeze3A_109, %dma_start3A_159] : memref<100x1024xf32, #tpu.memory_space<vmem>> -> memref<1x1024xf32, #tpu.memory_space<vmem>>
    %dma_start3A_161 = tpu.memref_squeeze %dma_start3A_160 : memref<1x1024xf32, #tpu.memory_space<vmem>> -> memref<1024xf32, #tpu.memory_space<vmem>>
    tpu.enqueue_dma source(%dma_start3A_161 : memref<1024xf32, #tpu.memory_space<vmem>>) target(%dma_start3A_158 : memref<1024xf32, #tpu.memory_space<hbm>>) target_semaphore(%arg7 : memref<!tpu.dma_semaphore, #tpu.memory_space<semaphore_mem>>)
    %add3A_162 = arith.constant 3 : i32
    %add3A_163 = arith.addi %add3A_6, %add3A_162 : i32
    %slice3A_164 = vector.extract_strided_slice %get3A_4 {offsets = [3], sizes = [1], strides = [1]} : vector<16xi32> to vector<1xi32>
    %squeeze3A_165 = vector.extract %slice3A_164[0] : i32 from vector<1xi32>
    %jit3A_166 = arith.constant 100 : i32
    %div3A_167 = arith.divsi %add3A_163, %jit3A_166 : i32
    %sign3A_168 = arith.constant 0 : i32
    %sign3A_169 = arith.cmpi sgt, %add3A_163, %sign3A_168 : i32
    %sign3A_170 = arith.extui %sign3A_169 : i1 to i32
    %sign3A_171 = arith.constant 0 : i32
    %sign3A_172 = arith.cmpi slt, %add3A_163, %sign3A_171 : i32
    %sign3A_173 = arith.extui %sign3A_172 : i1 to i32
    %sign3A_174 = arith.subi %sign3A_170, %sign3A_173 : i32
    %sign3A_175 = arith.constant 0 : i32
    %sign3A_176 = arith.cmpi sgt, %jit3A_166, %sign3A_175 : i32
    %sign3A_177 = arith.extui %sign3A_176 : i1 to i32
    %sign3A_178 = arith.constant 0 : i32
    %sign3A_179 = arith.cmpi slt, %jit3A_166, %sign3A_178 : i32
    %sign3A_180 = arith.extui %sign3A_179 : i1 to i32
    %sign3A_181 = arith.subi %sign3A_177, %sign3A_180 : i32
    %ne3A_182 = arith.cmpi ne, %sign3A_174, %sign3A_181 : i32
    %rem3A_183 = arith.remsi %add3A_163, %jit3A_166 : i32
    %ne3A_184 = arith.constant 0 : i32
    %ne3A_185 = arith.cmpi ne, %rem3A_183, %ne3A_184 : i32
    %and3A_186 = arith.andi %ne3A_182, %ne3A_185 : i1
    %sub3A_187 = arith.constant 1 : i32
    %sub3A_188 = arith.subi %div3A_167, %sub3A_187 : i32
    %select_n3A_189 = arith.select %and3A_186, %sub3A_188, %div3A_167 : i32
    %jit3A_190 = arith.constant 100 : i32
    %eq3A_191 = arith.constant 0 : i32
    %eq3A_192 = arith.cmpi eq, %jit3A_190, %eq3A_191 : i32
    %jit3A_193 = arith.constant 1 : i32
    %select_n3A_194 = arith.select %eq3A_192, %jit3A_193, %jit3A_190 : i32
    %rem3A_195 = arith.remsi %add3A_163, %select_n3A_194 : i32
    %ne3A_196 = arith.constant 0 : i32
    %ne3A_197 = arith.cmpi ne, %rem3A_195, %ne3A_196 : i32
    %lt3A_198 = arith.constant 0 : i32
    %lt3A_199 = arith.cmpi slt, %rem3A_195, %lt3A_198 : i32
    %lt3A_200 = arith.constant 0 : i32
    %lt3A_201 = arith.cmpi slt, %select_n3A_194, %lt3A_200 : i32
    %ne3A_202 = arith.xori %lt3A_199, %lt3A_201 : i1
    %and3A_203 = arith.andi %ne3A_202, %ne3A_197 : i1
    %add3A_204 = arith.addi %rem3A_195, %select_n3A_194 : i32
    %select_n3A_205 = arith.select %and3A_203, %add3A_204, %rem3A_195 : i32
    %dma_start3A_206 = arith.constant 0 : i32
    %dma_start3A_207 = tpu.memref_slice %arg5[%squeeze3A_165, %dma_start3A_206] : memref<100x1024xf32, #tpu.memory_space<vmem>> -> memref<1x1024xf32, #tpu.memory_space<vmem>>
    %dma_start3A_208 = tpu.memref_squeeze %dma_start3A_207 : memref<1x1024xf32, #tpu.memory_space<vmem>> -> memref<1024xf32, #tpu.memory_space<vmem>>
    %dma_start3A_209 = arith.constant 0 : i32
    %dma_start3A_210 = tpu.memref_slice %arg4[%select_n3A_189, %select_n3A_205, %dma_start3A_209] : memref<1024x100x1024xf32, #tpu.memory_space<hbm>> -> memref<1x1x1024xf32, #tpu.memory_space<hbm>>
    %dma_start3A_211 = tpu.memref_squeeze %dma_start3A_210 : memref<1x1x1024xf32, #tpu.memory_space<hbm>> -> memref<1024xf32, #tpu.memory_space<hbm>>
    %dma_start3A_212 = arith.constant 0 : i32
    %dma_start3A_213 = tpu.memref_slice %arg4[%select_n3A_189, %select_n3A_205, %dma_start3A_212] : memref<1024x100x1024xf32, #tpu.memory_space<hbm>> -> memref<1x1x1024xf32, #tpu.memory_space<hbm>>
    %dma_start3A_214 = tpu.memref_squeeze %dma_start3A_213 : memref<1x1x1024xf32, #tpu.memory_space<hbm>> -> memref<1024xf32, #tpu.memory_space<hbm>>
    %dma_start3A_215 = arith.constant 0 : i32
    %dma_start3A_216 = tpu.memref_slice %arg5[%squeeze3A_165, %dma_start3A_215] : memref<100x1024xf32, #tpu.memory_space<vmem>> -> memref<1x1024xf32, #tpu.memory_space<vmem>>
    %dma_start3A_217 = tpu.memref_squeeze %dma_start3A_216 : memref<1x1024xf32, #tpu.memory_space<vmem>> -> memref<1024xf32, #tpu.memory_space<vmem>>
    tpu.enqueue_dma source(%dma_start3A_217 : memref<1024xf32, #tpu.memory_space<vmem>>) target(%dma_start3A_214 : memref<1024xf32, #tpu.memory_space<hbm>>) target_semaphore(%arg7 : memref<!tpu.dma_semaphore, #tpu.memory_space<semaphore_mem>>)
    %add3A_218 = arith.constant 4 : i32
    %add3A_219 = arith.addi %add3A_6, %add3A_218 : i32
    %slice3A_220 = vector.extract_strided_slice %get3A_4 {offsets = [4], sizes = [1], strides = [1]} : vector<16xi32> to vector<1xi32>
    %squeeze3A_221 = vector.extract %slice3A_220[0] : i32 from vector<1xi32>
    %jit3A_222 = arith.constant 100 : i32
    %div3A_223 = arith.divsi %add3A_219, %jit3A_222 : i32
    %sign3A_224 = arith.constant 0 : i32
    %sign3A_225 = arith.cmpi sgt, %add3A_219, %sign3A_224 : i32
    %sign3A_226 = arith.extui %sign3A_225 : i1 to i32
    %sign3A_227 = arith.constant 0 : i32
    %sign3A_228 = arith.cmpi slt, %add3A_219, %sign3A_227 : i32
    %sign3A_229 = arith.extui %sign3A_228 : i1 to i32
    %sign3A_230 = arith.subi %sign3A_226, %sign3A_229 : i32
    %sign3A_231 = arith.constant 0 : i32
    %sign3A_232 = arith.cmpi sgt, %jit3A_222, %sign3A_231 : i32
    %sign3A_233 = arith.extui %sign3A_232 : i1 to i32
    %sign3A_234 = arith.constant 0 : i32
    %sign3A_235 = arith.cmpi slt, %jit3A_222, %sign3A_234 : i32
    %sign3A_236 = arith.extui %sign3A_235 : i1 to i32
    %sign3A_237 = arith.subi %sign3A_233, %sign3A_236 : i32
    %ne3A_238 = arith.cmpi ne, %sign3A_230, %sign3A_237 : i32
    %rem3A_239 = arith.remsi %add3A_219, %jit3A_222 : i32
    %ne3A_240 = arith.constant 0 : i32
    %ne3A_241 = arith.cmpi ne, %rem3A_239, %ne3A_240 : i32
    %and3A_242 = arith.andi %ne3A_238, %ne3A_241 : i1
    %sub3A_243 = arith.constant 1 : i32
    %sub3A_244 = arith.subi %div3A_223, %sub3A_243 : i32
    %select_n3A_245 = arith.select %and3A_242, %sub3A_244, %div3A_223 : i32
    %jit3A_246 = arith.constant 100 : i32
    %eq3A_247 = arith.constant 0 : i32
    %eq3A_248 = arith.cmpi eq, %jit3A_246, %eq3A_247 : i32
    %jit3A_249 = arith.constant 1 : i32
    %select_n3A_250 = arith.select %eq3A_248, %jit3A_249, %jit3A_246 : i32
    %rem3A_251 = arith.remsi %add3A_219, %select_n3A_250 : i32
    %ne3A_252 = arith.constant 0 : i32
    %ne3A_253 = arith.cmpi ne, %rem3A_251, %ne3A_252 : i32
    %lt3A_254 = arith.constant 0 : i32
    %lt3A_255 = arith.cmpi slt, %rem3A_251, %lt3A_254 : i32
    %lt3A_256 = arith.constant 0 : i32
    %lt3A_257 = arith.cmpi slt, %select_n3A_250, %lt3A_256 : i32
    %ne3A_258 = arith.xori %lt3A_255, %lt3A_257 : i1
    %and3A_259 = arith.andi %ne3A_258, %ne3A_253 : i1
    %add3A_260 = arith.addi %rem3A_251, %select_n3A_250 : i32
    %select_n3A_261 = arith.select %and3A_259, %add3A_260, %rem3A_251 : i32
    %dma_start3A_262 = arith.constant 0 : i32
    %dma_start3A_263 = tpu.memref_slice %arg5[%squeeze3A_221, %dma_start3A_262] : memref<100x1024xf32, #tpu.memory_space<vmem>> -> memref<1x1024xf32, #tpu.memory_space<vmem>>
    %dma_start3A_264 = tpu.memref_squeeze %dma_start3A_263 : memref<1x1024xf32, #tpu.memory_space<vmem>> -> memref<1024xf32, #tpu.memory_space<vmem>>
    %dma_start3A_265 = arith.constant 0 : i32
    %dma_start3A_266 = tpu.memref_slice %arg4[%select_n3A_245, %select_n3A_261, %dma_start3A_265] : memref<1024x100x1024xf32, #tpu.memory_space<hbm>> -> memref<1x1x1024xf32, #tpu.memory_space<hbm>>
    %dma_start3A_267 = tpu.memref_squeeze %dma_start3A_266 : memref<1x1x1024xf32, #tpu.memory_space<hbm>> -> memref<1024xf32, #tpu.memory_space<hbm>>
    %dma_start3A_268 = arith.constant 0 : i32
    %dma_start3A_269 = tpu.memref_slice %arg4[%select_n3A_245, %select_n3A_261, %dma_start3A_268] : memref<1024x100x1024xf32, #tpu.memory_space<hbm>> -> memref<1x1x1024xf32, #tpu.memory_space<hbm>>
    %dma_start3A_270 = tpu.memref_squeeze %dma_start3A_269 : memref<1x1x1024xf32, #tpu.memory_space<hbm>> -> memref<1024xf32, #tpu.memory_space<hbm>>
    %dma_start3A_271 = arith.constant 0 : i32
    %dma_start3A_272 = tpu.memref_slice %arg5[%squeeze3A_221, %dma_start3A_271] : memref<100x1024xf32, #tpu.memory_space<vmem>> -> memref<1x1024xf32, #tpu.memory_space<vmem>>
    %dma_start3A_273 = tpu.memref_squeeze %dma_start3A_272 : memref<1x1024xf32, #tpu.memory_space<vmem>> -> memref<1024xf32, #tpu.memory_space<vmem>>
    tpu.enqueue_dma source(%dma_start3A_273 : memref<1024xf32, #tpu.memory_space<vmem>>) target(%dma_start3A_270 : memref<1024xf32, #tpu.memory_space<hbm>>) target_semaphore(%arg7 : memref<!tpu.dma_semaphore, #tpu.memory_space<semaphore_mem>>)
    %add3A_274 = arith.constant 5 : i32
    %add3A_275 = arith.addi %add3A_6, %add3A_274 : i32
    %slice3A_276 = vector.extract_strided_slice %get3A_4 {offsets = [5], sizes = [1], strides = [1]} : vector<16xi32> to vector<1xi32>
    %squeeze3A_277 = vector.extract %slice3A_276[0] : i32 from vector<1xi32>
    %jit3A_278 = arith.constant 100 : i32
    %div3A_279 = arith.divsi %add3A_275, %jit3A_278 : i32
    %sign3A_280 = arith.constant 0 : i32
    %sign3A_281 = arith.cmpi sgt, %add3A_275, %sign3A_280 : i32
    %sign3A_282 = arith.extui %sign3A_281 : i1 to i32
    %sign3A_283 = arith.constant 0 : i32
    %sign3A_284 = arith.cmpi slt, %add3A_275, %sign3A_283 : i32
    %sign3A_285 = arith.extui %sign3A_284 : i1 to i32
    %sign3A_286 = arith.subi %sign3A_282, %sign3A_285 : i32
    %sign3A_287 = arith.constant 0 : i32
    %sign3A_288 = arith.cmpi sgt, %jit3A_278, %sign3A_287 : i32
    %sign3A_289 = arith.extui %sign3A_288 : i1 to i32
    %sign3A_290 = arith.constant 0 : i32
    %sign3A_291 = arith.cmpi slt, %jit3A_278, %sign3A_290 : i32
    %sign3A_292 = arith.extui %sign3A_291 : i1 to i32
    %sign3A_293 = arith.subi %sign3A_289, %sign3A_292 : i32
    %ne3A_294 = arith.cmpi ne, %sign3A_286, %sign3A_293 : i32
    %rem3A_295 = arith.remsi %add3A_275, %jit3A_278 : i32
    %ne3A_296 = arith.constant 0 : i32
    %ne3A_297 = arith.cmpi ne, %rem3A_295, %ne3A_296 : i32
    %and3A_298 = arith.andi %ne3A_294, %ne3A_297 : i1
    %sub3A_299 = arith.constant 1 : i32
    %sub3A_300 = arith.subi %div3A_279, %sub3A_299 : i32
    %select_n3A_301 = arith.select %and3A_298, %sub3A_300, %div3A_279 : i32
    %jit3A_302 = arith.constant 100 : i32
    %eq3A_303 = arith.constant 0 : i32
    %eq3A_304 = arith.cmpi eq, %jit3A_302, %eq3A_303 : i32
    %jit3A_305 = arith.constant 1 : i32
    %select_n3A_306 = arith.select %eq3A_304, %jit3A_305, %jit3A_302 : i32
    %rem3A_307 = arith.remsi %add3A_275, %select_n3A_306 : i32
    %ne3A_308 = arith.constant 0 : i32
    %ne3A_309 = arith.cmpi ne, %rem3A_307, %ne3A_308 : i32
    %lt3A_310 = arith.constant 0 : i32
    %lt3A_311 = arith.cmpi slt, %rem3A_307, %lt3A_310 : i32
    %lt3A_312 = arith.constant 0 : i32
    %lt3A_313 = arith.cmpi slt, %select_n3A_306, %lt3A_312 : i32
    %ne3A_314 = arith.xori %lt3A_311, %lt3A_313 : i1
    %and3A_315 = arith.andi %ne3A_314, %ne3A_309 : i1
    %add3A_316 = arith.addi %rem3A_307, %select_n3A_306 : i32
    %select_n3A_317 = arith.select %and3A_315, %add3A_316, %rem3A_307 : i32
    %dma_start3A_318 = arith.constant 0 : i32
    %dma_start3A_319 = tpu.memref_slice %arg5[%squeeze3A_277, %dma_start3A_318] : memref<100x1024xf32, #tpu.memory_space<vmem>> -> memref<1x1024xf32, #tpu.memory_space<vmem>>
    %dma_start3A_320 = tpu.memref_squeeze %dma_start3A_319 : memref<1x1024xf32, #tpu.memory_space<vmem>> -> memref<1024xf32, #tpu.memory_space<vmem>>
    %dma_start3A_321 = arith.constant 0 : i32
    %dma_start3A_322 = tpu.memref_slice %arg4[%select_n3A_301, %select_n3A_317, %dma_start3A_321] : memref<1024x100x1024xf32, #tpu.memory_space<hbm>> -> memref<1x1x1024xf32, #tpu.memory_space<hbm>>
    %dma_start3A_323 = tpu.memref_squeeze %dma_start3A_322 : memref<1x1x1024xf32, #tpu.memory_space<hbm>> -> memref<1024xf32, #tpu.memory_space<hbm>>
    %dma_start3A_324 = arith.constant 0 : i32
    %dma_start3A_325 = tpu.memref_slice %arg4[%select_n3A_301, %select_n3A_317, %dma_start3A_324] : memref<1024x100x1024xf32, #tpu.memory_space<hbm>> -> memref<1x1x1024xf32, #tpu.memory_space<hbm>>
    %dma_start3A_326 = tpu.memref_squeeze %dma_start3A_325 : memref<1x1x1024xf32, #tpu.memory_space<hbm>> -> memref<1024xf32, #tpu.memory_space<hbm>>
    %dma_start3A_327 = arith.constant 0 : i32
    %dma_start3A_328 = tpu.memref_slice %arg5[%squeeze3A_277, %dma_start3A_327] : memref<100x1024xf32, #tpu.memory_space<vmem>> -> memref<1x1024xf32, #tpu.memory_space<vmem>>
    %dma_start3A_329 = tpu.memref_squeeze %dma_start3A_328 : memref<1x1024xf32, #tpu.memory_space<vmem>> -> memref<1024xf32, #tpu.memory_space<vmem>>
    tpu.enqueue_dma source(%dma_start3A_329 : memref<1024xf32, #tpu.memory_space<vmem>>) target(%dma_start3A_326 : memref<1024xf32, #tpu.memory_space<hbm>>) target_semaphore(%arg7 : memref<!tpu.dma_semaphore, #tpu.memory_space<semaphore_mem>>)
    %add3A_330 = arith.constant 6 : i32
    %add3A_331 = arith.addi %add3A_6, %add3A_330 : i32
    %slice3A_332 = vector.extract_strided_slice %get3A_4 {offsets = [6], sizes = [1], strides = [1]} : vector<16xi32> to vector<1xi32>
    %squeeze3A_333 = vector.extract %slice3A_332[0] : i32 from vector<1xi32>
    %jit3A_334 = arith.constant 100 : i32
    %div3A_335 = arith.divsi %add3A_331, %jit3A_334 : i32
    %sign3A_336 = arith.constant 0 : i32
    %sign3A_337 = arith.cmpi sgt, %add3A_331, %sign3A_336 : i32
    %sign3A_338 = arith.extui %sign3A_337 : i1 to i32
    %sign3A_339 = arith.constant 0 : i32
    %sign3A_340 = arith.cmpi slt, %add3A_331, %sign3A_339 : i32
    %sign3A_341 = arith.extui %sign3A_340 : i1 to i32
    %sign3A_342 = arith.subi %sign3A_338, %sign3A_341 : i32
    %sign3A_343 = arith.constant 0 : i32
    %sign3A_344 = arith.cmpi sgt, %jit3A_334, %sign3A_343 : i32
    %sign3A_345 = arith.extui %sign3A_344 : i1 to i32
    %sign3A_346 = arith.constant 0 : i32
    %sign3A_347 = arith.cmpi slt, %jit3A_334, %sign3A_346 : i32
    %sign3A_348 = arith.extui %sign3A_347 : i1 to i32
    %sign3A_349 = arith.subi %sign3A_345, %sign3A_348 : i32
    %ne3A_350 = arith.cmpi ne, %sign3A_342, %sign3A_349 : i32
    %rem3A_351 = arith.remsi %add3A_331, %jit3A_334 : i32
    %ne3A_352 = arith.constant 0 : i32
    %ne3A_353 = arith.cmpi ne, %rem3A_351, %ne3A_352 : i32
    %and3A_354 = arith.andi %ne3A_350, %ne3A_353 : i1
    %sub3A_355 = arith.constant 1 : i32
    %sub3A_356 = arith.subi %div3A_335, %sub3A_355 : i32
    %select_n3A_357 = arith.select %and3A_354, %sub3A_356, %div3A_335 : i32
    %jit3A_358 = arith.constant 100 : i32
    %eq3A_359 = arith.constant 0 : i32
    %eq3A_360 = arith.cmpi eq, %jit3A_358, %eq3A_359 : i32
    %jit3A_361 = arith.constant 1 : i32
    %select_n3A_362 = arith.select %eq3A_360, %jit3A_361, %jit3A_358 : i32
    %rem3A_363 = arith.remsi %add3A_331, %select_n3A_362 : i32
    %ne3A_364 = arith.constant 0 : i32
    %ne3A_365 = arith.cmpi ne, %rem3A_363, %ne3A_364 : i32
    %lt3A_366 = arith.constant 0 : i32
    %lt3A_367 = arith.cmpi slt, %rem3A_363, %lt3A_366 : i32
    %lt3A_368 = arith.constant 0 : i32
    %lt3A_369 = arith.cmpi slt, %select_n3A_362, %lt3A_368 : i32
    %ne3A_370 = arith.xori %lt3A_367, %lt3A_369 : i1
    %and3A_371 = arith.andi %ne3A_370, %ne3A_365 : i1
    %add3A_372 = arith.addi %rem3A_363, %select_n3A_362 : i32
    %select_n3A_373 = arith.select %and3A_371, %add3A_372, %rem3A_363 : i32
    %dma_start3A_374 = arith.constant 0 : i32
    %dma_start3A_375 = tpu.memref_slice %arg5[%squeeze3A_333, %dma_start3A_374] : memref<100x1024xf32, #tpu.memory_space<vmem>> -> memref<1x1024xf32, #tpu.memory_space<vmem>>
    %dma_start3A_376 = tpu.memref_squeeze %dma_start3A_375 : memref<1x1024xf32, #tpu.memory_space<vmem>> -> memref<1024xf32, #tpu.memory_space<vmem>>
    %dma_start3A_377 = arith.constant 0 : i32
    %dma_start3A_378 = tpu.memref_slice %arg4[%select_n3A_357, %select_n3A_373, %dma_start3A_377] : memref<1024x100x1024xf32, #tpu.memory_space<hbm>> -> memref<1x1x1024xf32, #tpu.memory_space<hbm>>
    %dma_start3A_379 = tpu.memref_squeeze %dma_start3A_378 : memref<1x1x1024xf32, #tpu.memory_space<hbm>> -> memref<1024xf32, #tpu.memory_space<hbm>>
    %dma_start3A_380 = arith.constant 0 : i32
    %dma_start3A_381 = tpu.memref_slice %arg4[%select_n3A_357, %select_n3A_373, %dma_start3A_380] : memref<1024x100x1024xf32, #tpu.memory_space<hbm>> -> memref<1x1x1024xf32, #tpu.memory_space<hbm>>
    %dma_start3A_382 = tpu.memref_squeeze %dma_start3A_381 : memref<1x1x1024xf32, #tpu.memory_space<hbm>> -> memref<1024xf32, #tpu.memory_space<hbm>>
    %dma_start3A_383 = arith.constant 0 : i32
    %dma_start3A_384 = tpu.memref_slice %arg5[%squeeze3A_333, %dma_start3A_383] : memref<100x1024xf32, #tpu.memory_space<vmem>> -> memref<1x1024xf32, #tpu.memory_space<vmem>>
    %dma_start3A_385 = tpu.memref_squeeze %dma_start3A_384 : memref<1x1024xf32, #tpu.memory_space<vmem>> -> memref<1024xf32, #tpu.memory_space<vmem>>
    tpu.enqueue_dma source(%dma_start3A_385 : memref<1024xf32, #tpu.memory_space<vmem>>) target(%dma_start3A_382 : memref<1024xf32, #tpu.memory_space<hbm>>) target_semaphore(%arg7 : memref<!tpu.dma_semaphore, #tpu.memory_space<semaphore_mem>>)
    %add3A_386 = arith.constant 7 : i32
    %add3A_387 = arith.addi %add3A_6, %add3A_386 : i32
    %slice3A_388 = vector.extract_strided_slice %get3A_4 {offsets = [7], sizes = [1], strides = [1]} : vector<16xi32> to vector<1xi32>
    %squeeze3A_389 = vector.extract %slice3A_388[0] : i32 from vector<1xi32>
    %jit3A_390 = arith.constant 100 : i32
    %div3A_391 = arith.divsi %add3A_387, %jit3A_390 : i32
    %sign3A_392 = arith.constant 0 : i32
    %sign3A_393 = arith.cmpi sgt, %add3A_387, %sign3A_392 : i32
    %sign3A_394 = arith.extui %sign3A_393 : i1 to i32
    %sign3A_395 = arith.constant 0 : i32
    %sign3A_396 = arith.cmpi slt, %add3A_387, %sign3A_395 : i32
    %sign3A_397 = arith.extui %sign3A_396 : i1 to i32
    %sign3A_398 = arith.subi %sign3A_394, %sign3A_397 : i32
    %sign3A_399 = arith.constant 0 : i32
    %sign3A_400 = arith.cmpi sgt, %jit3A_390, %sign3A_399 : i32
    %sign3A_401 = arith.extui %sign3A_400 : i1 to i32
    %sign3A_402 = arith.constant 0 : i32
    %sign3A_403 = arith.cmpi slt, %jit3A_390, %sign3A_402 : i32
    %sign3A_404 = arith.extui %sign3A_403 : i1 to i32
    %sign3A_405 = arith.subi %sign3A_401, %sign3A_404 : i32
    %ne3A_406 = arith.cmpi ne, %sign3A_398, %sign3A_405 : i32
    %rem3A_407 = arith.remsi %add3A_387, %jit3A_390 : i32
    %ne3A_408 = arith.constant 0 : i32
    %ne3A_409 = arith.cmpi ne, %rem3A_407, %ne3A_408 : i32
    %and3A_410 = arith.andi %ne3A_406, %ne3A_409 : i1
    %sub3A_411 = arith.constant 1 : i32
    %sub3A_412 = arith.subi %div3A_391, %sub3A_411 : i32
    %select_n3A_413 = arith.select %and3A_410, %sub3A_412, %div3A_391 : i32
    %jit3A_414 = arith.constant 100 : i32
    %eq3A_415 = arith.constant 0 : i32
    %eq3A_416 = arith.cmpi eq, %jit3A_414, %eq3A_415 : i32
    %jit3A_417 = arith.constant 1 : i32
    %select_n3A_418 = arith.select %eq3A_416, %jit3A_417, %jit3A_414 : i32
    %rem3A_419 = arith.remsi %add3A_387, %select_n3A_418 : i32
    %ne3A_420 = arith.constant 0 : i32
    %ne3A_421 = arith.cmpi ne, %rem3A_419, %ne3A_420 : i32
    %lt3A_422 = arith.constant 0 : i32
    %lt3A_423 = arith.cmpi slt, %rem3A_419, %lt3A_422 : i32
    %lt3A_424 = arith.constant 0 : i32
    %lt3A_425 = arith.cmpi slt, %select_n3A_418, %lt3A_424 : i32
    %ne3A_426 = arith.xori %lt3A_423, %lt3A_425 : i1
    %and3A_427 = arith.andi %ne3A_426, %ne3A_421 : i1
    %add3A_428 = arith.addi %rem3A_419, %select_n3A_418 : i32
    %select_n3A_429 = arith.select %and3A_427, %add3A_428, %rem3A_419 : i32
    %dma_start3A_430 = arith.constant 0 : i32
    %dma_start3A_431 = tpu.memref_slice %arg5[%squeeze3A_389, %dma_start3A_430] : memref<100x1024xf32, #tpu.memory_space<vmem>> -> memref<1x1024xf32, #tpu.memory_space<vmem>>
    %dma_start3A_432 = tpu.memref_squeeze %dma_start3A_431 : memref<1x1024xf32, #tpu.memory_space<vmem>> -> memref<1024xf32, #tpu.memory_space<vmem>>
    %dma_start3A_433 = arith.constant 0 : i32
    %dma_start3A_434 = tpu.memref_slice %arg4[%select_n3A_413, %select_n3A_429, %dma_start3A_433] : memref<1024x100x1024xf32, #tpu.memory_space<hbm>> -> memref<1x1x1024xf32, #tpu.memory_space<hbm>>
    %dma_start3A_435 = tpu.memref_squeeze %dma_start3A_434 : memref<1x1x1024xf32, #tpu.memory_space<hbm>> -> memref<1024xf32, #tpu.memory_space<hbm>>
    %dma_start3A_436 = arith.constant 0 : i32
    %dma_start3A_437 = tpu.memref_slice %arg4[%select_n3A_413, %select_n3A_429, %dma_start3A_436] : memref<1024x100x1024xf32, #tpu.memory_space<hbm>> -> memref<1x1x1024xf32, #tpu.memory_space<hbm>>
    %dma_start3A_438 = tpu.memref_squeeze %dma_start3A_437 : memref<1x1x1024xf32, #tpu.memory_space<hbm>> -> memref<1024xf32, #tpu.memory_space<hbm>>
    %dma_start3A_439 = arith.constant 0 : i32
    %dma_start3A_440 = tpu.memref_slice %arg5[%squeeze3A_389, %dma_start3A_439] : memref<100x1024xf32, #tpu.memory_space<vmem>> -> memref<1x1024xf32, #tpu.memory_space<vmem>>
    %dma_start3A_441 = tpu.memref_squeeze %dma_start3A_440 : memref<1x1024xf32, #tpu.memory_space<vmem>> -> memref<1024xf32, #tpu.memory_space<vmem>>
    tpu.enqueue_dma source(%dma_start3A_441 : memref<1024xf32, #tpu.memory_space<vmem>>) target(%dma_start3A_438 : memref<1024xf32, #tpu.memory_space<hbm>>) target_semaphore(%arg7 : memref<!tpu.dma_semaphore, #tpu.memory_space<semaphore_mem>>)
    %add3A_442 = arith.constant 8 : i32
    %add3A_443 = arith.addi %add3A_6, %add3A_442 : i32
    %slice3A_444 = vector.extract_strided_slice %get3A_4 {offsets = [8], sizes = [1], strides = [1]} : vector<16xi32> to vector<1xi32>
    %squeeze3A_445 = vector.extract %slice3A_444[0] : i32 from vector<1xi32>
    %jit3A_446 = arith.constant 100 : i32
    %div3A_447 = arith.divsi %add3A_443, %jit3A_446 : i32
    %sign3A_448 = arith.constant 0 : i32
    %sign3A_449 = arith.cmpi sgt, %add3A_443, %sign3A_448 : i32
    %sign3A_450 = arith.extui %sign3A_449 : i1 to i32
    %sign3A_451 = arith.constant 0 : i32
    %sign3A_452 = arith.cmpi slt, %add3A_443, %sign3A_451 : i32
    %sign3A_453 = arith.extui %sign3A_452 : i1 to i32
    %sign3A_454 = arith.subi %sign3A_450, %sign3A_453 : i32
    %sign3A_455 = arith.constant 0 : i32
    %sign3A_456 = arith.cmpi sgt, %jit3A_446, %sign3A_455 : i32
    %sign3A_457 = arith.extui %sign3A_456 : i1 to i32
    %sign3A_458 = arith.constant 0 : i32
    %sign3A_459 = arith.cmpi slt, %jit3A_446, %sign3A_458 : i32
    %sign3A_460 = arith.extui %sign3A_459 : i1 to i32
    %sign3A_461 = arith.subi %sign3A_457, %sign3A_460 : i32
    %ne3A_462 = arith.cmpi ne, %sign3A_454, %sign3A_461 : i32
    %rem3A_463 = arith.remsi %add3A_443, %jit3A_446 : i32
    %ne3A_464 = arith.constant 0 : i32
    %ne3A_465 = arith.cmpi ne, %rem3A_463, %ne3A_464 : i32
    %and3A_466 = arith.andi %ne3A_462, %ne3A_465 : i1
    %sub3A_467 = arith.constant 1 : i32
    %sub3A_468 = arith.subi %div3A_447, %sub3A_467 : i32
    %select_n3A_469 = arith.select %and3A_466, %sub3A_468, %div3A_447 : i32
    %jit3A_470 = arith.constant 100 : i32
    %eq3A_471 = arith.constant 0 : i32
    %eq3A_472 = arith.cmpi eq, %jit3A_470, %eq3A_471 : i32
    %jit3A_473 = arith.constant 1 : i32
    %select_n3A_474 = arith.select %eq3A_472, %jit3A_473, %jit3A_470 : i32
    %rem3A_475 = arith.remsi %add3A_443, %select_n3A_474 : i32
    %ne3A_476 = arith.constant 0 : i32
    %ne3A_477 = arith.cmpi ne, %rem3A_475, %ne3A_476 : i32
    %lt3A_478 = arith.constant 0 : i32
    %lt3A_479 = arith.cmpi slt, %rem3A_475, %lt3A_478 : i32
    %lt3A_480 = arith.constant 0 : i32
    %lt3A_481 = arith.cmpi slt, %select_n3A_474, %lt3A_480 : i32
    %ne3A_482 = arith.xori %lt3A_479, %lt3A_481 : i1
    %and3A_483 = arith.andi %ne3A_482, %ne3A_477 : i1
    %add3A_484 = arith.addi %rem3A_475, %select_n3A_474 : i32
    %select_n3A_485 = arith.select %and3A_483, %add3A_484, %rem3A_475 : i32
    %dma_start3A_486 = arith.constant 0 : i32
    %dma_start3A_487 = tpu.memref_slice %arg5[%squeeze3A_445, %dma_start3A_486] : memref<100x1024xf32, #tpu.memory_space<vmem>> -> memref<1x1024xf32, #tpu.memory_space<vmem>>
    %dma_start3A_488 = tpu.memref_squeeze %dma_start3A_487 : memref<1x1024xf32, #tpu.memory_space<vmem>> -> memref<1024xf32, #tpu.memory_space<vmem>>
    %dma_start3A_489 = arith.constant 0 : i32
    %dma_start3A_490 = tpu.memref_slice %arg4[%select_n3A_469, %select_n3A_485, %dma_start3A_489] : memref<1024x100x1024xf32, #tpu.memory_space<hbm>> -> memref<1x1x1024xf32, #tpu.memory_space<hbm>>
    %dma_start3A_491 = tpu.memref_squeeze %dma_start3A_490 : memref<1x1x1024xf32, #tpu.memory_space<hbm>> -> memref<1024xf32, #tpu.memory_space<hbm>>
    %dma_start3A_492 = arith.constant 0 : i32
    %dma_start3A_493 = tpu.memref_slice %arg4[%select_n3A_469, %select_n3A_485, %dma_start3A_492] : memref<1024x100x1024xf32, #tpu.memory_space<hbm>> -> memref<1x1x1024xf32, #tpu.memory_space<hbm>>
    %dma_start3A_494 = tpu.memref_squeeze %dma_start3A_493 : memref<1x1x1024xf32, #tpu.memory_space<hbm>> -> memref<1024xf32, #tpu.memory_space<hbm>>
    %dma_start3A_495 = arith.constant 0 : i32
    %dma_start3A_496 = tpu.memref_slice %arg5[%squeeze3A_445, %dma_start3A_495] : memref<100x1024xf32, #tpu.memory_space<vmem>> -> memref<1x1024xf32, #tpu.memory_space<vmem>>
    %dma_start3A_497 = tpu.memref_squeeze %dma_start3A_496 : memref<1x1024xf32, #tpu.memory_space<vmem>> -> memref<1024xf32, #tpu.memory_space<vmem>>
    tpu.enqueue_dma source(%dma_start3A_497 : memref<1024xf32, #tpu.memory_space<vmem>>) target(%dma_start3A_494 : memref<1024xf32, #tpu.memory_space<hbm>>) target_semaphore(%arg7 : memref<!tpu.dma_semaphore, #tpu.memory_space<semaphore_mem>>)
    %add3A_498 = arith.constant 9 : i32
    %add3A_499 = arith.addi %add3A_6, %add3A_498 : i32
    %slice3A_500 = vector.extract_strided_slice %get3A_4 {offsets = [9], sizes = [1], strides = [1]} : vector<16xi32> to vector<1xi32>
    %squeeze3A_501 = vector.extract %slice3A_500[0] : i32 from vector<1xi32>
    %jit3A_502 = arith.constant 100 : i32
    %div3A_503 = arith.divsi %add3A_499, %jit3A_502 : i32
    %sign3A_504 = arith.constant 0 : i32
    %sign3A_505 = arith.cmpi sgt, %add3A_499, %sign3A_504 : i32
    %sign3A_506 = arith.extui %sign3A_505 : i1 to i32
    %sign3A_507 = arith.constant 0 : i32
    %sign3A_508 = arith.cmpi slt, %add3A_499, %sign3A_507 : i32
    %sign3A_509 = arith.extui %sign3A_508 : i1 to i32
    %sign3A_510 = arith.subi %sign3A_506, %sign3A_509 : i32
    %sign3A_511 = arith.constant 0 : i32
    %sign3A_512 = arith.cmpi sgt, %jit3A_502, %sign3A_511 : i32
    %sign3A_513 = arith.extui %sign3A_512 : i1 to i32
    %sign3A_514 = arith.constant 0 : i32
    %sign3A_515 = arith.cmpi slt, %jit3A_502, %sign3A_514 : i32
    %sign3A_516 = arith.extui %sign3A_515 : i1 to i32
    %sign3A_517 = arith.subi %sign3A_513, %sign3A_516 : i32
    %ne3A_518 = arith.cmpi ne, %sign3A_510, %sign3A_517 : i32
    %rem3A_519 = arith.remsi %add3A_499, %jit3A_502 : i32
    %ne3A_520 = arith.constant 0 : i32
    %ne3A_521 = arith.cmpi ne, %rem3A_519, %ne3A_520 : i32
    %and3A_522 = arith.andi %ne3A_518, %ne3A_521 : i1
    %sub3A_523 = arith.constant 1 : i32
    %sub3A_524 = arith.subi %div3A_503, %sub3A_523 : i32
    %select_n3A_525 = arith.select %and3A_522, %sub3A_524, %div3A_503 : i32
    %jit3A_526 = arith.constant 100 : i32
    %eq3A_527 = arith.constant 0 : i32
    %eq3A_528 = arith.cmpi eq, %jit3A_526, %eq3A_527 : i32
    %jit3A_529 = arith.constant 1 : i32
    %select_n3A_530 = arith.select %eq3A_528, %jit3A_529, %jit3A_526 : i32
    %rem3A_531 = arith.remsi %add3A_499, %select_n3A_530 : i32
    %ne3A_532 = arith.constant 0 : i32
    %ne3A_533 = arith.cmpi ne, %rem3A_531, %ne3A_532 : i32
    %lt3A_534 = arith.constant 0 : i32
    %lt3A_535 = arith.cmpi slt, %rem3A_531, %lt3A_534 : i32
    %lt3A_536 = arith.constant 0 : i32
    %lt3A_537 = arith.cmpi slt, %select_n3A_530, %lt3A_536 : i32
    %ne3A_538 = arith.xori %lt3A_535, %lt3A_537 : i1
    %and3A_539 = arith.andi %ne3A_538, %ne3A_533 : i1
    %add3A_540 = arith.addi %rem3A_531, %select_n3A_530 : i32
    %select_n3A_541 = arith.select %and3A_539, %add3A_540, %rem3A_531 : i32
    %dma_start3A_542 = arith.constant 0 : i32
    %dma_start3A_543 = tpu.memref_slice %arg5[%squeeze3A_501, %dma_start3A_542] : memref<100x1024xf32, #tpu.memory_space<vmem>> -> memref<1x1024xf32, #tpu.memory_space<vmem>>
    %dma_start3A_544 = tpu.memref_squeeze %dma_start3A_543 : memref<1x1024xf32, #tpu.memory_space<vmem>> -> memref<1024xf32, #tpu.memory_space<vmem>>
    %dma_start3A_545 = arith.constant 0 : i32
    %dma_start3A_546 = tpu.memref_slice %arg4[%select_n3A_525, %select_n3A_541, %dma_start3A_545] : memref<1024x100x1024xf32, #tpu.memory_space<hbm>> -> memref<1x1x1024xf32, #tpu.memory_space<hbm>>
    %dma_start3A_547 = tpu.memref_squeeze %dma_start3A_546 : memref<1x1x1024xf32, #tpu.memory_space<hbm>> -> memref<1024xf32, #tpu.memory_space<hbm>>
    %dma_start3A_548 = arith.constant 0 : i32
    %dma_start3A_549 = tpu.memref_slice %arg4[%select_n3A_525, %select_n3A_541, %dma_start3A_548] : memref<1024x100x1024xf32, #tpu.memory_space<hbm>> -> memref<1x1x1024xf32, #tpu.memory_space<hbm>>
    %dma_start3A_550 = tpu.memref_squeeze %dma_start3A_549 : memref<1x1x1024xf32, #tpu.memory_space<hbm>> -> memref<1024xf32, #tpu.memory_space<hbm>>
    %dma_start3A_551 = arith.constant 0 : i32
    %dma_start3A_552 = tpu.memref_slice %arg5[%squeeze3A_501, %dma_start3A_551] : memref<100x1024xf32, #tpu.memory_space<vmem>> -> memref<1x1024xf32, #tpu.memory_space<vmem>>
    %dma_start3A_553 = tpu.memref_squeeze %dma_start3A_552 : memref<1x1024xf32, #tpu.memory_space<vmem>> -> memref<1024xf32, #tpu.memory_space<vmem>>
    tpu.enqueue_dma source(%dma_start3A_553 : memref<1024xf32, #tpu.memory_space<vmem>>) target(%dma_start3A_550 : memref<1024xf32, #tpu.memory_space<hbm>>) target_semaphore(%arg7 : memref<!tpu.dma_semaphore, #tpu.memory_space<semaphore_mem>>)
    %add3A_554 = arith.constant 10 : i32
    %add3A_555 = arith.addi %add3A_6, %add3A_554 : i32
    %slice3A_556 = vector.extract_strided_slice %get3A_4 {offsets = [10], sizes = [1], strides = [1]} : vector<16xi32> to vector<1xi32>
    %squeeze3A_557 = vector.extract %slice3A_556[0] : i32 from vector<1xi32>
    %jit3A_558 = arith.constant 100 : i32
    %div3A_559 = arith.divsi %add3A_555, %jit3A_558 : i32
    %sign3A_560 = arith.constant 0 : i32
    %sign3A_561 = arith.cmpi sgt, %add3A_555, %sign3A_560 : i32
    %sign3A_562 = arith.extui %sign3A_561 : i1 to i32
    %sign3A_563 = arith.constant 0 : i32
    %sign3A_564 = arith.cmpi slt, %add3A_555, %sign3A_563 : i32
    %sign3A_565 = arith.extui %sign3A_564 : i1 to i32
    %sign3A_566 = arith.subi %sign3A_562, %sign3A_565 : i32
    %sign3A_567 = arith.constant 0 : i32
    %sign3A_568 = arith.cmpi sgt, %jit3A_558, %sign3A_567 : i32
    %sign3A_569 = arith.extui %sign3A_568 : i1 to i32
    %sign3A_570 = arith.constant 0 : i32
    %sign3A_571 = arith.cmpi slt, %jit3A_558, %sign3A_570 : i32
    %sign3A_572 = arith.extui %sign3A_571 : i1 to i32
    %sign3A_573 = arith.subi %sign3A_569, %sign3A_572 : i32
    %ne3A_574 = arith.cmpi ne, %sign3A_566, %sign3A_573 : i32
    %rem3A_575 = arith.remsi %add3A_555, %jit3A_558 : i32
    %ne3A_576 = arith.constant 0 : i32
    %ne3A_577 = arith.cmpi ne, %rem3A_575, %ne3A_576 : i32
    %and3A_578 = arith.andi %ne3A_574, %ne3A_577 : i1
    %sub3A_579 = arith.constant 1 : i32
    %sub3A_580 = arith.subi %div3A_559, %sub3A_579 : i32
    %select_n3A_581 = arith.select %and3A_578, %sub3A_580, %div3A_559 : i32
    %jit3A_582 = arith.constant 100 : i32
    %eq3A_583 = arith.constant 0 : i32
    %eq3A_584 = arith.cmpi eq, %jit3A_582, %eq3A_583 : i32
    %jit3A_585 = arith.constant 1 : i32
    %select_n3A_586 = arith.select %eq3A_584, %jit3A_585, %jit3A_582 : i32
    %rem3A_587 = arith.remsi %add3A_555, %select_n3A_586 : i32
    %ne3A_588 = arith.constant 0 : i32
    %ne3A_589 = arith.cmpi ne, %rem3A_587, %ne3A_588 : i32
    %lt3A_590 = arith.constant 0 : i32
    %lt3A_591 = arith.cmpi slt, %rem3A_587, %lt3A_590 : i32
    %lt3A_592 = arith.constant 0 : i32
    %lt3A_593 = arith.cmpi slt, %select_n3A_586, %lt3A_592 : i32
    %ne3A_594 = arith.xori %lt3A_591, %lt3A_593 : i1
    %and3A_595 = arith.andi %ne3A_594, %ne3A_589 : i1
    %add3A_596 = arith.addi %rem3A_587, %select_n3A_586 : i32
    %select_n3A_597 = arith.select %and3A_595, %add3A_596, %rem3A_587 : i32
    %dma_start3A_598 = arith.constant 0 : i32
    %dma_start3A_599 = tpu.memref_slice %arg5[%squeeze3A_557, %dma_start3A_598] : memref<100x1024xf32, #tpu.memory_space<vmem>> -> memref<1x1024xf32, #tpu.memory_space<vmem>>
    %dma_start3A_600 = tpu.memref_squeeze %dma_start3A_599 : memref<1x1024xf32, #tpu.memory_space<vmem>> -> memref<1024xf32, #tpu.memory_space<vmem>>
    %dma_start3A_601 = arith.constant 0 : i32
    %dma_start3A_602 = tpu.memref_slice %arg4[%select_n3A_581, %select_n3A_597, %dma_start3A_601] : memref<1024x100x1024xf32, #tpu.memory_space<hbm>> -> memref<1x1x1024xf32, #tpu.memory_space<hbm>>
    %dma_start3A_603 = tpu.memref_squeeze %dma_start3A_602 : memref<1x1x1024xf32, #tpu.memory_space<hbm>> -> memref<1024xf32, #tpu.memory_space<hbm>>
    %dma_start3A_604 = arith.constant 0 : i32
    %dma_start3A_605 = tpu.memref_slice %arg4[%select_n3A_581, %select_n3A_597, %dma_start3A_604] : memref<1024x100x1024xf32, #tpu.memory_space<hbm>> -> memref<1x1x1024xf32, #tpu.memory_space<hbm>>
    %dma_start3A_606 = tpu.memref_squeeze %dma_start3A_605 : memref<1x1x1024xf32, #tpu.memory_space<hbm>> -> memref<1024xf32, #tpu.memory_space<hbm>>
    %dma_start3A_607 = arith.constant 0 : i32
    %dma_start3A_608 = tpu.memref_slice %arg5[%squeeze3A_557, %dma_start3A_607] : memref<100x1024xf32, #tpu.memory_space<vmem>> -> memref<1x1024xf32, #tpu.memory_space<vmem>>
    %dma_start3A_609 = tpu.memref_squeeze %dma_start3A_608 : memref<1x1024xf32, #tpu.memory_space<vmem>> -> memref<1024xf32, #tpu.memory_space<vmem>>
    tpu.enqueue_dma source(%dma_start3A_609 : memref<1024xf32, #tpu.memory_space<vmem>>) target(%dma_start3A_606 : memref<1024xf32, #tpu.memory_space<hbm>>) target_semaphore(%arg7 : memref<!tpu.dma_semaphore, #tpu.memory_space<semaphore_mem>>)
    %add3A_610 = arith.constant 11 : i32
    %add3A_611 = arith.addi %add3A_6, %add3A_610 : i32
    %slice3A_612 = vector.extract_strided_slice %get3A_4 {offsets = [11], sizes = [1], strides = [1]} : vector<16xi32> to vector<1xi32>
    %squeeze3A_613 = vector.extract %slice3A_612[0] : i32 from vector<1xi32>
    %jit3A_614 = arith.constant 100 : i32
    %div3A_615 = arith.divsi %add3A_611, %jit3A_614 : i32
    %sign3A_616 = arith.constant 0 : i32
    %sign3A_617 = arith.cmpi sgt, %add3A_611, %sign3A_616 : i32
    %sign3A_618 = arith.extui %sign3A_617 : i1 to i32
    %sign3A_619 = arith.constant 0 : i32
    %sign3A_620 = arith.cmpi slt, %add3A_611, %sign3A_619 : i32
    %sign3A_621 = arith.extui %sign3A_620 : i1 to i32
    %sign3A_622 = arith.subi %sign3A_618, %sign3A_621 : i32
    %sign3A_623 = arith.constant 0 : i32
    %sign3A_624 = arith.cmpi sgt, %jit3A_614, %sign3A_623 : i32
    %sign3A_625 = arith.extui %sign3A_624 : i1 to i32
    %sign3A_626 = arith.constant 0 : i32
    %sign3A_627 = arith.cmpi slt, %jit3A_614, %sign3A_626 : i32
    %sign3A_628 = arith.extui %sign3A_627 : i1 to i32
    %sign3A_629 = arith.subi %sign3A_625, %sign3A_628 : i32
    %ne3A_630 = arith.cmpi ne, %sign3A_622, %sign3A_629 : i32
    %rem3A_631 = arith.remsi %add3A_611, %jit3A_614 : i32
    %ne3A_632 = arith.constant 0 : i32
    %ne3A_633 = arith.cmpi ne, %rem3A_631, %ne3A_632 : i32
    %and3A_634 = arith.andi %ne3A_630, %ne3A_633 : i1
    %sub3A_635 = arith.constant 1 : i32
    %sub3A_636 = arith.subi %div3A_615, %sub3A_635 : i32
    %select_n3A_637 = arith.select %and3A_634, %sub3A_636, %div3A_615 : i32
    %jit3A_638 = arith.constant 100 : i32
    %eq3A_639 = arith.constant 0 : i32
    %eq3A_640 = arith.cmpi eq, %jit3A_638, %eq3A_639 : i32
    %jit3A_641 = arith.constant 1 : i32
    %select_n3A_642 = arith.select %eq3A_640, %jit3A_641, %jit3A_638 : i32
    %rem3A_643 = arith.remsi %add3A_611, %select_n3A_642 : i32
    %ne3A_644 = arith.constant 0 : i32
    %ne3A_645 = arith.cmpi ne, %rem3A_643, %ne3A_644 : i32
    %lt3A_646 = arith.constant 0 : i32
    %lt3A_647 = arith.cmpi slt, %rem3A_643, %lt3A_646 : i32
    %lt3A_648 = arith.constant 0 : i32
    %lt3A_649 = arith.cmpi slt, %select_n3A_642, %lt3A_648 : i32
    %ne3A_650 = arith.xori %lt3A_647, %lt3A_649 : i1
    %and3A_651 = arith.andi %ne3A_650, %ne3A_645 : i1
    %add3A_652 = arith.addi %rem3A_643, %select_n3A_642 : i32
    %select_n3A_653 = arith.select %and3A_651, %add3A_652, %rem3A_643 : i32
    %dma_start3A_654 = arith.constant 0 : i32
    %dma_start3A_655 = tpu.memref_slice %arg5[%squeeze3A_613, %dma_start3A_654] : memref<100x1024xf32, #tpu.memory_space<vmem>> -> memref<1x1024xf32, #tpu.memory_space<vmem>>
    %dma_start3A_656 = tpu.memref_squeeze %dma_start3A_655 : memref<1x1024xf32, #tpu.memory_space<vmem>> -> memref<1024xf32, #tpu.memory_space<vmem>>
    %dma_start3A_657 = arith.constant 0 : i32
    %dma_start3A_658 = tpu.memref_slice %arg4[%select_n3A_637, %select_n3A_653, %dma_start3A_657] : memref<1024x100x1024xf32, #tpu.memory_space<hbm>> -> memref<1x1x1024xf32, #tpu.memory_space<hbm>>
    %dma_start3A_659 = tpu.memref_squeeze %dma_start3A_658 : memref<1x1x1024xf32, #tpu.memory_space<hbm>> -> memref<1024xf32, #tpu.memory_space<hbm>>
    %dma_start3A_660 = arith.constant 0 : i32
    %dma_start3A_661 = tpu.memref_slice %arg4[%select_n3A_637, %select_n3A_653, %dma_start3A_660] : memref<1024x100x1024xf32, #tpu.memory_space<hbm>> -> memref<1x1x1024xf32, #tpu.memory_space<hbm>>
    %dma_start3A_662 = tpu.memref_squeeze %dma_start3A_661 : memref<1x1x1024xf32, #tpu.memory_space<hbm>> -> memref<1024xf32, #tpu.memory_space<hbm>>
    %dma_start3A_663 = arith.constant 0 : i32
    %dma_start3A_664 = tpu.memref_slice %arg5[%squeeze3A_613, %dma_start3A_663] : memref<100x1024xf32, #tpu.memory_space<vmem>> -> memref<1x1024xf32, #tpu.memory_space<vmem>>
    %dma_start3A_665 = tpu.memref_squeeze %dma_start3A_664 : memref<1x1024xf32, #tpu.memory_space<vmem>> -> memref<1024xf32, #tpu.memory_space<vmem>>
    tpu.enqueue_dma source(%dma_start3A_665 : memref<1024xf32, #tpu.memory_space<vmem>>) target(%dma_start3A_662 : memref<1024xf32, #tpu.memory_space<hbm>>) target_semaphore(%arg7 : memref<!tpu.dma_semaphore, #tpu.memory_space<semaphore_mem>>)
    %add3A_666 = arith.constant 12 : i32
    %add3A_667 = arith.addi %add3A_6, %add3A_666 : i32
    %slice3A_668 = vector.extract_strided_slice %get3A_4 {offsets = [12], sizes = [1], strides = [1]} : vector<16xi32> to vector<1xi32>
    %squeeze3A_669 = vector.extract %slice3A_668[0] : i32 from vector<1xi32>
    %jit3A_670 = arith.constant 100 : i32
    %div3A_671 = arith.divsi %add3A_667, %jit3A_670 : i32
    %sign3A_672 = arith.constant 0 : i32
    %sign3A_673 = arith.cmpi sgt, %add3A_667, %sign3A_672 : i32
    %sign3A_674 = arith.extui %sign3A_673 : i1 to i32
    %sign3A_675 = arith.constant 0 : i32
    %sign3A_676 = arith.cmpi slt, %add3A_667, %sign3A_675 : i32
    %sign3A_677 = arith.extui %sign3A_676 : i1 to i32
    %sign3A_678 = arith.subi %sign3A_674, %sign3A_677 : i32
    %sign3A_679 = arith.constant 0 : i32
    %sign3A_680 = arith.cmpi sgt, %jit3A_670, %sign3A_679 : i32
    %sign3A_681 = arith.extui %sign3A_680 : i1 to i32
    %sign3A_682 = arith.constant 0 : i32
    %sign3A_683 = arith.cmpi slt, %jit3A_670, %sign3A_682 : i32
    %sign3A_684 = arith.extui %sign3A_683 : i1 to i32
    %sign3A_685 = arith.subi %sign3A_681, %sign3A_684 : i32
    %ne3A_686 = arith.cmpi ne, %sign3A_678, %sign3A_685 : i32
    %rem3A_687 = arith.remsi %add3A_667, %jit3A_670 : i32
    %ne3A_688 = arith.constant 0 : i32
    %ne3A_689 = arith.cmpi ne, %rem3A_687, %ne3A_688 : i32
    %and3A_690 = arith.andi %ne3A_686, %ne3A_689 : i1
    %sub3A_691 = arith.constant 1 : i32
    %sub3A_692 = arith.subi %div3A_671, %sub3A_691 : i32
    %select_n3A_693 = arith.select %and3A_690, %sub3A_692, %div3A_671 : i32
    %jit3A_694 = arith.constant 100 : i32
    %eq3A_695 = arith.constant 0 : i32
    %eq3A_696 = arith.cmpi eq, %jit3A_694, %eq3A_695 : i32
    %jit3A_697 = arith.constant 1 : i32
    %select_n3A_698 = arith.select %eq3A_696, %jit3A_697, %jit3A_694 : i32
    %rem3A_699 = arith.remsi %add3A_667, %select_n3A_698 : i32
    %ne3A_700 = arith.constant 0 : i32
    %ne3A_701 = arith.cmpi ne, %rem3A_699, %ne3A_700 : i32
    %lt3A_702 = arith.constant 0 : i32
    %lt3A_703 = arith.cmpi slt, %rem3A_699, %lt3A_702 : i32
    %lt3A_704 = arith.constant 0 : i32
    %lt3A_705 = arith.cmpi slt, %select_n3A_698, %lt3A_704 : i32
    %ne3A_706 = arith.xori %lt3A_703, %lt3A_705 : i1
    %and3A_707 = arith.andi %ne3A_706, %ne3A_701 : i1
    %add3A_708 = arith.addi %rem3A_699, %select_n3A_698 : i32
    %select_n3A_709 = arith.select %and3A_707, %add3A_708, %rem3A_699 : i32
    %dma_start3A_710 = arith.constant 0 : i32
    %dma_start3A_711 = tpu.memref_slice %arg5[%squeeze3A_669, %dma_start3A_710] : memref<100x1024xf32, #tpu.memory_space<vmem>> -> memref<1x1024xf32, #tpu.memory_space<vmem>>
    %dma_start3A_712 = tpu.memref_squeeze %dma_start3A_711 : memref<1x1024xf32, #tpu.memory_space<vmem>> -> memref<1024xf32, #tpu.memory_space<vmem>>
    %dma_start3A_713 = arith.constant 0 : i32
    %dma_start3A_714 = tpu.memref_slice %arg4[%select_n3A_693, %select_n3A_709, %dma_start3A_713] : memref<1024x100x1024xf32, #tpu.memory_space<hbm>> -> memref<1x1x1024xf32, #tpu.memory_space<hbm>>
    %dma_start3A_715 = tpu.memref_squeeze %dma_start3A_714 : memref<1x1x1024xf32, #tpu.memory_space<hbm>> -> memref<1024xf32, #tpu.memory_space<hbm>>
    %dma_start3A_716 = arith.constant 0 : i32
    %dma_start3A_717 = tpu.memref_slice %arg4[%select_n3A_693, %select_n3A_709, %dma_start3A_716] : memref<1024x100x1024xf32, #tpu.memory_space<hbm>> -> memref<1x1x1024xf32, #tpu.memory_space<hbm>>
    %dma_start3A_718 = tpu.memref_squeeze %dma_start3A_717 : memref<1x1x1024xf32, #tpu.memory_space<hbm>> -> memref<1024xf32, #tpu.memory_space<hbm>>
    %dma_start3A_719 = arith.constant 0 : i32
    %dma_start3A_720 = tpu.memref_slice %arg5[%squeeze3A_669, %dma_start3A_719] : memref<100x1024xf32, #tpu.memory_space<vmem>> -> memref<1x1024xf32, #tpu.memory_space<vmem>>
    %dma_start3A_721 = tpu.memref_squeeze %dma_start3A_720 : memref<1x1024xf32, #tpu.memory_space<vmem>> -> memref<1024xf32, #tpu.memory_space<vmem>>
    tpu.enqueue_dma source(%dma_start3A_721 : memref<1024xf32, #tpu.memory_space<vmem>>) target(%dma_start3A_718 : memref<1024xf32, #tpu.memory_space<hbm>>) target_semaphore(%arg7 : memref<!tpu.dma_semaphore, #tpu.memory_space<semaphore_mem>>)
    %add3A_722 = arith.constant 13 : i32
    %add3A_723 = arith.addi %add3A_6, %add3A_722 : i32
    %slice3A_724 = vector.extract_strided_slice %get3A_4 {offsets = [13], sizes = [1], strides = [1]} : vector<16xi32> to vector<1xi32>
    %squeeze3A_725 = vector.extract %slice3A_724[0] : i32 from vector<1xi32>
    %jit3A_726 = arith.constant 100 : i32
    %div3A_727 = arith.divsi %add3A_723, %jit3A_726 : i32
    %sign3A_728 = arith.constant 0 : i32
    %sign3A_729 = arith.cmpi sgt, %add3A_723, %sign3A_728 : i32
    %sign3A_730 = arith.extui %sign3A_729 : i1 to i32
    %sign3A_731 = arith.constant 0 : i32
    %sign3A_732 = arith.cmpi slt, %add3A_723, %sign3A_731 : i32
    %sign3A_733 = arith.extui %sign3A_732 : i1 to i32
    %sign3A_734 = arith.subi %sign3A_730, %sign3A_733 : i32
    %sign3A_735 = arith.constant 0 : i32
    %sign3A_736 = arith.cmpi sgt, %jit3A_726, %sign3A_735 : i32
    %sign3A_737 = arith.extui %sign3A_736 : i1 to i32
    %sign3A_738 = arith.constant 0 : i32
    %sign3A_739 = arith.cmpi slt, %jit3A_726, %sign3A_738 : i32
    %sign3A_740 = arith.extui %sign3A_739 : i1 to i32
    %sign3A_741 = arith.subi %sign3A_737, %sign3A_740 : i32
    %ne3A_742 = arith.cmpi ne, %sign3A_734, %sign3A_741 : i32
    %rem3A_743 = arith.remsi %add3A_723, %jit3A_726 : i32
    %ne3A_744 = arith.constant 0 : i32
    %ne3A_745 = arith.cmpi ne, %rem3A_743, %ne3A_744 : i32
    %and3A_746 = arith.andi %ne3A_742, %ne3A_745 : i1
    %sub3A_747 = arith.constant 1 : i32
    %sub3A_748 = arith.subi %div3A_727, %sub3A_747 : i32
    %select_n3A_749 = arith.select %and3A_746, %sub3A_748, %div3A_727 : i32
    %jit3A_750 = arith.constant 100 : i32
    %eq3A_751 = arith.constant 0 : i32
    %eq3A_752 = arith.cmpi eq, %jit3A_750, %eq3A_751 : i32
    %jit3A_753 = arith.constant 1 : i32
    %select_n3A_754 = arith.select %eq3A_752, %jit3A_753, %jit3A_750 : i32
    %rem3A_755 = arith.remsi %add3A_723, %select_n3A_754 : i32
    %ne3A_756 = arith.constant 0 : i32
    %ne3A_757 = arith.cmpi ne, %rem3A_755, %ne3A_756 : i32
    %lt3A_758 = arith.constant 0 : i32
    %lt3A_759 = arith.cmpi slt, %rem3A_755, %lt3A_758 : i32
    %lt3A_760 = arith.constant 0 : i32
    %lt3A_761 = arith.cmpi slt, %select_n3A_754, %lt3A_760 : i32
    %ne3A_762 = arith.xori %lt3A_759, %lt3A_761 : i1
    %and3A_763 = arith.andi %ne3A_762, %ne3A_757 : i1
    %add3A_764 = arith.addi %rem3A_755, %select_n3A_754 : i32
    %select_n3A_765 = arith.select %and3A_763, %add3A_764, %rem3A_755 : i32
    %dma_start3A_766 = arith.constant 0 : i32
    %dma_start3A_767 = tpu.memref_slice %arg5[%squeeze3A_725, %dma_start3A_766] : memref<100x1024xf32, #tpu.memory_space<vmem>> -> memref<1x1024xf32, #tpu.memory_space<vmem>>
    %dma_start3A_768 = tpu.memref_squeeze %dma_start3A_767 : memref<1x1024xf32, #tpu.memory_space<vmem>> -> memref<1024xf32, #tpu.memory_space<vmem>>
    %dma_start3A_769 = arith.constant 0 : i32
    %dma_start3A_770 = tpu.memref_slice %arg4[%select_n3A_749, %select_n3A_765, %dma_start3A_769] : memref<1024x100x1024xf32, #tpu.memory_space<hbm>> -> memref<1x1x1024xf32, #tpu.memory_space<hbm>>
    %dma_start3A_771 = tpu.memref_squeeze %dma_start3A_770 : memref<1x1x1024xf32, #tpu.memory_space<hbm>> -> memref<1024xf32, #tpu.memory_space<hbm>>
    %dma_start3A_772 = arith.constant 0 : i32
    %dma_start3A_773 = tpu.memref_slice %arg4[%select_n3A_749, %select_n3A_765, %dma_start3A_772] : memref<1024x100x1024xf32, #tpu.memory_space<hbm>> -> memref<1x1x1024xf32, #tpu.memory_space<hbm>>
    %dma_start3A_774 = tpu.memref_squeeze %dma_start3A_773 : memref<1x1x1024xf32, #tpu.memory_space<hbm>> -> memref<1024xf32, #tpu.memory_space<hbm>>
    %dma_start3A_775 = arith.constant 0 : i32
    %dma_start3A_776 = tpu.memref_slice %arg5[%squeeze3A_725, %dma_start3A_775] : memref<100x1024xf32, #tpu.memory_space<vmem>> -> memref<1x1024xf32, #tpu.memory_space<vmem>>
    %dma_start3A_777 = tpu.memref_squeeze %dma_start3A_776 : memref<1x1024xf32, #tpu.memory_space<vmem>> -> memref<1024xf32, #tpu.memory_space<vmem>>
    tpu.enqueue_dma source(%dma_start3A_777 : memref<1024xf32, #tpu.memory_space<vmem>>) target(%dma_start3A_774 : memref<1024xf32, #tpu.memory_space<hbm>>) target_semaphore(%arg7 : memref<!tpu.dma_semaphore, #tpu.memory_space<semaphore_mem>>)
    %add3A_778 = arith.constant 14 : i32
    %add3A_779 = arith.addi %add3A_6, %add3A_778 : i32
    %slice3A_780 = vector.extract_strided_slice %get3A_4 {offsets = [14], sizes = [1], strides = [1]} : vector<16xi32> to vector<1xi32>
    %squeeze3A_781 = vector.extract %slice3A_780[0] : i32 from vector<1xi32>
    %jit3A_782 = arith.constant 100 : i32
    %div3A_783 = arith.divsi %add3A_779, %jit3A_782 : i32
    %sign3A_784 = arith.constant 0 : i32
    %sign3A_785 = arith.cmpi sgt, %add3A_779, %sign3A_784 : i32
    %sign3A_786 = arith.extui %sign3A_785 : i1 to i32
    %sign3A_787 = arith.constant 0 : i32
    %sign3A_788 = arith.cmpi slt, %add3A_779, %sign3A_787 : i32
    %sign3A_789 = arith.extui %sign3A_788 : i1 to i32
    %sign3A_790 = arith.subi %sign3A_786, %sign3A_789 : i32
    %sign3A_791 = arith.constant 0 : i32
    %sign3A_792 = arith.cmpi sgt, %jit3A_782, %sign3A_791 : i32
    %sign3A_793 = arith.extui %sign3A_792 : i1 to i32
    %sign3A_794 = arith.constant 0 : i32
    %sign3A_795 = arith.cmpi slt, %jit3A_782, %sign3A_794 : i32
    %sign3A_796 = arith.extui %sign3A_795 : i1 to i32
    %sign3A_797 = arith.subi %sign3A_793, %sign3A_796 : i32
    %ne3A_798 = arith.cmpi ne, %sign3A_790, %sign3A_797 : i32
    %rem3A_799 = arith.remsi %add3A_779, %jit3A_782 : i32
    %ne3A_800 = arith.constant 0 : i32
    %ne3A_801 = arith.cmpi ne, %rem3A_799, %ne3A_800 : i32
    %and3A_802 = arith.andi %ne3A_798, %ne3A_801 : i1
    %sub3A_803 = arith.constant 1 : i32
    %sub3A_804 = arith.subi %div3A_783, %sub3A_803 : i32
    %select_n3A_805 = arith.select %and3A_802, %sub3A_804, %div3A_783 : i32
    %jit3A_806 = arith.constant 100 : i32
    %eq3A_807 = arith.constant 0 : i32
    %eq3A_808 = arith.cmpi eq, %jit3A_806, %eq3A_807 : i32
    %jit3A_809 = arith.constant 1 : i32
    %select_n3A_810 = arith.select %eq3A_808, %jit3A_809, %jit3A_806 : i32
    %rem3A_811 = arith.remsi %add3A_779, %select_n3A_810 : i32
    %ne3A_812 = arith.constant 0 : i32
    %ne3A_813 = arith.cmpi ne, %rem3A_811, %ne3A_812 : i32
    %lt3A_814 = arith.constant 0 : i32
    %lt3A_815 = arith.cmpi slt, %rem3A_811, %lt3A_814 : i32
    %lt3A_816 = arith.constant 0 : i32
    %lt3A_817 = arith.cmpi slt, %select_n3A_810, %lt3A_816 : i32
    %ne3A_818 = arith.xori %lt3A_815, %lt3A_817 : i1
    %and3A_819 = arith.andi %ne3A_818, %ne3A_813 : i1
    %add3A_820 = arith.addi %rem3A_811, %select_n3A_810 : i32
    %select_n3A_821 = arith.select %and3A_819, %add3A_820, %rem3A_811 : i32
    %dma_start3A_822 = arith.constant 0 : i32
    %dma_start3A_823 = tpu.memref_slice %arg5[%squeeze3A_781, %dma_start3A_822] : memref<100x1024xf32, #tpu.memory_space<vmem>> -> memref<1x1024xf32, #tpu.memory_space<vmem>>
    %dma_start3A_824 = tpu.memref_squeeze %dma_start3A_823 : memref<1x1024xf32, #tpu.memory_space<vmem>> -> memref<1024xf32, #tpu.memory_space<vmem>>
    %dma_start3A_825 = arith.constant 0 : i32
    %dma_start3A_826 = tpu.memref_slice %arg4[%select_n3A_805, %select_n3A_821, %dma_start3A_825] : memref<1024x100x1024xf32, #tpu.memory_space<hbm>> -> memref<1x1x1024xf32, #tpu.memory_space<hbm>>
    %dma_start3A_827 = tpu.memref_squeeze %dma_start3A_826 : memref<1x1x1024xf32, #tpu.memory_space<hbm>> -> memref<1024xf32, #tpu.memory_space<hbm>>
    %dma_start3A_828 = arith.constant 0 : i32
    %dma_start3A_829 = tpu.memref_slice %arg4[%select_n3A_805, %select_n3A_821, %dma_start3A_828] : memref<1024x100x1024xf32, #tpu.memory_space<hbm>> -> memref<1x1x1024xf32, #tpu.memory_space<hbm>>
    %dma_start3A_830 = tpu.memref_squeeze %dma_start3A_829 : memref<1x1x1024xf32, #tpu.memory_space<hbm>> -> memref<1024xf32, #tpu.memory_space<hbm>>
    %dma_start3A_831 = arith.constant 0 : i32
    %dma_start3A_832 = tpu.memref_slice %arg5[%squeeze3A_781, %dma_start3A_831] : memref<100x1024xf32, #tpu.memory_space<vmem>> -> memref<1x1024xf32, #tpu.memory_space<vmem>>
    %dma_start3A_833 = tpu.memref_squeeze %dma_start3A_832 : memref<1x1024xf32, #tpu.memory_space<vmem>> -> memref<1024xf32, #tpu.memory_space<vmem>>
    tpu.enqueue_dma source(%dma_start3A_833 : memref<1024xf32, #tpu.memory_space<vmem>>) target(%dma_start3A_830 : memref<1024xf32, #tpu.memory_space<hbm>>) target_semaphore(%arg7 : memref<!tpu.dma_semaphore, #tpu.memory_space<semaphore_mem>>)
    %add3A_834 = arith.constant 15 : i32
    %add3A_835 = arith.addi %add3A_6, %add3A_834 : i32
    %slice3A_836 = vector.extract_strided_slice %get3A_4 {offsets = [15], sizes = [1], strides = [1]} : vector<16xi32> to vector<1xi32>
    %squeeze3A_837 = vector.extract %slice3A_836[0] : i32 from vector<1xi32>
    %jit3A_838 = arith.constant 100 : i32
    %div3A_839 = arith.divsi %add3A_835, %jit3A_838 : i32
    %sign3A_840 = arith.constant 0 : i32
    %sign3A_841 = arith.cmpi sgt, %add3A_835, %sign3A_840 : i32
    %sign3A_842 = arith.extui %sign3A_841 : i1 to i32
    %sign3A_843 = arith.constant 0 : i32
    %sign3A_844 = arith.cmpi slt, %add3A_835, %sign3A_843 : i32
    %sign3A_845 = arith.extui %sign3A_844 : i1 to i32
    %sign3A_846 = arith.subi %sign3A_842, %sign3A_845 : i32
    %sign3A_847 = arith.constant 0 : i32
    %sign3A_848 = arith.cmpi sgt, %jit3A_838, %sign3A_847 : i32
    %sign3A_849 = arith.extui %sign3A_848 : i1 to i32
    %sign3A_850 = arith.constant 0 : i32
    %sign3A_851 = arith.cmpi slt, %jit3A_838, %sign3A_850 : i32
    %sign3A_852 = arith.extui %sign3A_851 : i1 to i32
    %sign3A_853 = arith.subi %sign3A_849, %sign3A_852 : i32
    %ne3A_854 = arith.cmpi ne, %sign3A_846, %sign3A_853 : i32
    %rem3A_855 = arith.remsi %add3A_835, %jit3A_838 : i32
    %ne3A_856 = arith.constant 0 : i32
    %ne3A_857 = arith.cmpi ne, %rem3A_855, %ne3A_856 : i32
    %and3A_858 = arith.andi %ne3A_854, %ne3A_857 : i1
    %sub3A_859 = arith.constant 1 : i32
    %sub3A_860 = arith.subi %div3A_839, %sub3A_859 : i32
    %select_n3A_861 = arith.select %and3A_858, %sub3A_860, %div3A_839 : i32
    %jit3A_862 = arith.constant 100 : i32
    %eq3A_863 = arith.constant 0 : i32
    %eq3A_864 = arith.cmpi eq, %jit3A_862, %eq3A_863 : i32
    %jit3A_865 = arith.constant 1 : i32
    %select_n3A_866 = arith.select %eq3A_864, %jit3A_865, %jit3A_862 : i32
    %rem3A_867 = arith.remsi %add3A_835, %select_n3A_866 : i32
    %ne3A_868 = arith.constant 0 : i32
    %ne3A_869 = arith.cmpi ne, %rem3A_867, %ne3A_868 : i32
    %lt3A_870 = arith.constant 0 : i32
    %lt3A_871 = arith.cmpi slt, %rem3A_867, %lt3A_870 : i32
    %lt3A_872 = arith.constant 0 : i32
    %lt3A_873 = arith.cmpi slt, %select_n3A_866, %lt3A_872 : i32
    %ne3A_874 = arith.xori %lt3A_871, %lt3A_873 : i1
    %and3A_875 = arith.andi %ne3A_874, %ne3A_869 : i1
    %add3A_876 = arith.addi %rem3A_867, %select_n3A_866 : i32
    %select_n3A_877 = arith.select %and3A_875, %add3A_876, %rem3A_867 : i32
    %dma_start3A_878 = arith.constant 0 : i32
    %dma_start3A_879 = tpu.memref_slice %arg5[%squeeze3A_837, %dma_start3A_878] : memref<100x1024xf32, #tpu.memory_space<vmem>> -> memref<1x1024xf32, #tpu.memory_space<vmem>>
    %dma_start3A_880 = tpu.memref_squeeze %dma_start3A_879 : memref<1x1024xf32, #tpu.memory_space<vmem>> -> memref<1024xf32, #tpu.memory_space<vmem>>
    %dma_start3A_881 = arith.constant 0 : i32
    %dma_start3A_882 = tpu.memref_slice %arg4[%select_n3A_861, %select_n3A_877, %dma_start3A_881] : memref<1024x100x1024xf32, #tpu.memory_space<hbm>> -> memref<1x1x1024xf32, #tpu.memory_space<hbm>>
    %dma_start3A_883 = tpu.memref_squeeze %dma_start3A_882 : memref<1x1x1024xf32, #tpu.memory_space<hbm>> -> memref<1024xf32, #tpu.memory_space<hbm>>
    %dma_start3A_884 = arith.constant 0 : i32
    %dma_start3A_885 = tpu.memref_slice %arg4[%select_n3A_861, %select_n3A_877, %dma_start3A_884] : memref<1024x100x1024xf32, #tpu.memory_space<hbm>> -> memref<1x1x1024xf32, #tpu.memory_space<hbm>>
    %dma_start3A_886 = tpu.memref_squeeze %dma_start3A_885 : memref<1x1x1024xf32, #tpu.memory_space<hbm>> -> memref<1024xf32, #tpu.memory_space<hbm>>
    %dma_start3A_887 = arith.constant 0 : i32
    %dma_start3A_888 = tpu.memref_slice %arg5[%squeeze3A_837, %dma_start3A_887] : memref<100x1024xf32, #tpu.memory_space<vmem>> -> memref<1x1024xf32, #tpu.memory_space<vmem>>
    %dma_start3A_889 = tpu.memref_squeeze %dma_start3A_888 : memref<1x1024xf32, #tpu.memory_space<vmem>> -> memref<1024xf32, #tpu.memory_space<vmem>>
    tpu.enqueue_dma source(%dma_start3A_889 : memref<1024xf32, #tpu.memory_space<vmem>>) target(%dma_start3A_886 : memref<1024xf32, #tpu.memory_space<hbm>>) target_semaphore(%arg7 : memref<!tpu.dma_semaphore, #tpu.memory_space<semaphore_mem>>)
    %scan3A = arith.constant 0 : i32
    %scan3A_890 = arith.constant 199 : i32
    %scan3A_891 = arith.addi %scan3A, %scan3A_890 : i32
    %scan3A_892 = arith.constant 1 : i32
    scf.for %scan3A_1133 = %scan3A to %scan3A_891 step %scan3A_892  : i32 {
      %mul3A_1134 = arith.constant 1 : i32
      %mul3A_1135 = arith.muli %scan3A_1133, %mul3A_1134 : i32
      %add3A_1136 = arith.constant 1 : i32
      %add3A_1137 = arith.addi %add3A_1136, %mul3A_1135 : i32
      %mul3A_1138 = arith.constant 16 : i32
      %mul3A_1139 = arith.muli %add3A_1137, %mul3A_1138 : i32
      %get3A_1140 = arith.index_cast %mul3A_1139 : i32 to index
      %get3A_1141 = tpu.vector_load %arg6[%get3A_1140] {strides = array<i32>} : memref<3200xi32, #tpu.memory_space<vmem>>, vector<16xi32>,
      %get3A_1142 = vector.shape_cast %get3A_1141 : vector<16xi32> to vector<16xi32>
      %mul3A_1143 = arith.constant 16 : i32
      %mul3A_1144 = arith.muli %add3A_1137, %mul3A_1143 : i32
      %add3A_1145 = arith.addi %mul3A_2, %mul3A_1144 : i32
      %add3A_1146 = arith.constant 0 : i32
      %add3A_1147 = arith.addi %add3A_1145, %add3A_1146 : i32
      %slice3A_1148 = vector.extract_strided_slice %get3A_1142 {offsets = [0], sizes = [1], strides = [1]} : vector<16xi32> to vector<1xi32>
      %squeeze3A_1149 = vector.extract %slice3A_1148[0] : i32 from vector<1xi32>
      %jit3A_1150 = arith.constant 100 : i32
      %div3A_1151 = arith.divsi %add3A_1147, %jit3A_1150 : i32
      %sign3A_1152 = arith.constant 0 : i32
      %sign3A_1153 = arith.cmpi sgt, %add3A_1147, %sign3A_1152 : i32
      %sign3A_1154 = arith.extui %sign3A_1153 : i1 to i32
      %sign3A_1155 = arith.constant 0 : i32
      %sign3A_1156 = arith.cmpi slt, %add3A_1147, %sign3A_1155 : i32
      %sign3A_1157 = arith.extui %sign3A_1156 : i1 to i32
      %sign3A_1158 = arith.subi %sign3A_1154, %sign3A_1157 : i32
      %sign3A_1159 = arith.constant 0 : i32
      %sign3A_1160 = arith.cmpi sgt, %jit3A_1150, %sign3A_1159 : i32
      %sign3A_1161 = arith.extui %sign3A_1160 : i1 to i32
      %sign3A_1162 = arith.constant 0 : i32
      %sign3A_1163 = arith.cmpi slt, %jit3A_1150, %sign3A_1162 : i32
      %sign3A_1164 = arith.extui %sign3A_1163 : i1 to i32
      %sign3A_1165 = arith.subi %sign3A_1161, %sign3A_1164 : i32
      %ne3A_1166 = arith.cmpi ne, %sign3A_1158, %sign3A_1165 : i32
      %rem3A_1167 = arith.remsi %add3A_1147, %jit3A_1150 : i32
      %ne3A_1168 = arith.constant 0 : i32
      %ne3A_1169 = arith.cmpi ne, %rem3A_1167, %ne3A_1168 : i32
      %and3A_1170 = arith.andi %ne3A_1166, %ne3A_1169 : i1
      %sub3A_1171 = arith.constant 1 : i32
      %sub3A_1172 = arith.subi %div3A_1151, %sub3A_1171 : i32
      %select_n3A_1173 = arith.select %and3A_1170, %sub3A_1172, %div3A_1151 : i32
      %jit3A_1174 = arith.constant 100 : i32
      %eq3A_1175 = arith.constant 0 : i32
      %eq3A_1176 = arith.cmpi eq, %jit3A_1174, %eq3A_1175 : i32
      %jit3A_1177 = arith.constant 1 : i32
      %select_n3A_1178 = arith.select %eq3A_1176, %jit3A_1177, %jit3A_1174 : i32
      %rem3A_1179 = arith.remsi %add3A_1147, %select_n3A_1178 : i32
      %ne3A_1180 = arith.constant 0 : i32
      %ne3A_1181 = arith.cmpi ne, %rem3A_1179, %ne3A_1180 : i32
      %lt3A_1182 = arith.constant 0 : i32
      %lt3A_1183 = arith.cmpi slt, %rem3A_1179, %lt3A_1182 : i32
      %lt3A_1184 = arith.constant 0 : i32
      %lt3A_1185 = arith.cmpi slt, %select_n3A_1178, %lt3A_1184 : i32
      %ne3A_1186 = arith.xori %lt3A_1183, %lt3A_1185 : i1
      %and3A_1187 = arith.andi %ne3A_1186, %ne3A_1181 : i1
      %add3A_1188 = arith.addi %rem3A_1179, %select_n3A_1178 : i32
      %select_n3A_1189 = arith.select %and3A_1187, %add3A_1188, %rem3A_1179 : i32
      %dma_start3A_1190 = arith.constant 0 : i32
      %dma_start3A_1191 = tpu.memref_slice %arg5[%squeeze3A_1149, %dma_start3A_1190] : memref<100x1024xf32, #tpu.memory_space<vmem>> -> memref<1x1024xf32, #tpu.memory_space<vmem>>
      %dma_start3A_1192 = tpu.memref_squeeze %dma_start3A_1191 : memref<1x1024xf32, #tpu.memory_space<vmem>> -> memref<1024xf32, #tpu.memory_space<vmem>>
      %dma_start3A_1193 = arith.constant 0 : i32
      %dma_start3A_1194 = tpu.memref_slice %arg4[%select_n3A_1173, %select_n3A_1189, %dma_start3A_1193] : memref<1024x100x1024xf32, #tpu.memory_space<hbm>> -> memref<1x1x1024xf32, #tpu.memory_space<hbm>>
      %dma_start3A_1195 = tpu.memref_squeeze %dma_start3A_1194 : memref<1x1x1024xf32, #tpu.memory_space<hbm>> -> memref<1024xf32, #tpu.memory_space<hbm>>
      %dma_start3A_1196 = arith.constant 0 : i32
      %dma_start3A_1197 = tpu.memref_slice %arg4[%select_n3A_1173, %select_n3A_1189, %dma_start3A_1196] : memref<1024x100x1024xf32, #tpu.memory_space<hbm>> -> memref<1x1x1024xf32, #tpu.memory_space<hbm>>
      %dma_start3A_1198 = tpu.memref_squeeze %dma_start3A_1197 : memref<1x1x1024xf32, #tpu.memory_space<hbm>> -> memref<1024xf32, #tpu.memory_space<hbm>>
      %dma_start3A_1199 = arith.constant 0 : i32
      %dma_start3A_1200 = tpu.memref_slice %arg5[%squeeze3A_1149, %dma_start3A_1199] : memref<100x1024xf32, #tpu.memory_space<vmem>> -> memref<1x1024xf32, #tpu.memory_space<vmem>>
      %dma_start3A_1201 = tpu.memref_squeeze %dma_start3A_1200 : memref<1x1024xf32, #tpu.memory_space<vmem>> -> memref<1024xf32, #tpu.memory_space<vmem>>
      tpu.enqueue_dma source(%dma_start3A_1201 : memref<1024xf32, #tpu.memory_space<vmem>>) target(%dma_start3A_1198 : memref<1024xf32, #tpu.memory_space<hbm>>) target_semaphore(%arg7 : memref<!tpu.dma_semaphore, #tpu.memory_space<semaphore_mem>>)
      %add3A_1202 = arith.constant 1 : i32
      %add3A_1203 = arith.addi %add3A_1145, %add3A_1202 : i32
      %slice3A_1204 = vector.extract_strided_slice %get3A_1142 {offsets = [1], sizes = [1], strides = [1]} : vector<16xi32> to vector<1xi32>
      %squeeze3A_1205 = vector.extract %slice3A_1204[0] : i32 from vector<1xi32>
      %jit3A_1206 = arith.constant 100 : i32
      %div3A_1207 = arith.divsi %add3A_1203, %jit3A_1206 : i32
      %sign3A_1208 = arith.constant 0 : i32
      %sign3A_1209 = arith.cmpi sgt, %add3A_1203, %sign3A_1208 : i32
      %sign3A_1210 = arith.extui %sign3A_1209 : i1 to i32
      %sign3A_1211 = arith.constant 0 : i32
      %sign3A_1212 = arith.cmpi slt, %add3A_1203, %sign3A_1211 : i32
      %sign3A_1213 = arith.extui %sign3A_1212 : i1 to i32
      %sign3A_1214 = arith.subi %sign3A_1210, %sign3A_1213 : i32
      %sign3A_1215 = arith.constant 0 : i32
      %sign3A_1216 = arith.cmpi sgt, %jit3A_1206, %sign3A_1215 : i32
      %sign3A_1217 = arith.extui %sign3A_1216 : i1 to i32
      %sign3A_1218 = arith.constant 0 : i32
      %sign3A_1219 = arith.cmpi slt, %jit3A_1206, %sign3A_1218 : i32
      %sign3A_1220 = arith.extui %sign3A_1219 : i1 to i32
      %sign3A_1221 = arith.subi %sign3A_1217, %sign3A_1220 : i32
      %ne3A_1222 = arith.cmpi ne, %sign3A_1214, %sign3A_1221 : i32
      %rem3A_1223 = arith.remsi %add3A_1203, %jit3A_1206 : i32
      %ne3A_1224 = arith.constant 0 : i32
      %ne3A_1225 = arith.cmpi ne, %rem3A_1223, %ne3A_1224 : i32
      %and3A_1226 = arith.andi %ne3A_1222, %ne3A_1225 : i1
      %sub3A_1227 = arith.constant 1 : i32
      %sub3A_1228 = arith.subi %div3A_1207, %sub3A_1227 : i32
      %select_n3A_1229 = arith.select %and3A_1226, %sub3A_1228, %div3A_1207 : i32
      %jit3A_1230 = arith.constant 100 : i32
      %eq3A_1231 = arith.constant 0 : i32
      %eq3A_1232 = arith.cmpi eq, %jit3A_1230, %eq3A_1231 : i32
      %jit3A_1233 = arith.constant 1 : i32
      %select_n3A_1234 = arith.select %eq3A_1232, %jit3A_1233, %jit3A_1230 : i32
      %rem3A_1235 = arith.remsi %add3A_1203, %select_n3A_1234 : i32
      %ne3A_1236 = arith.constant 0 : i32
      %ne3A_1237 = arith.cmpi ne, %rem3A_1235, %ne3A_1236 : i32
      %lt3A_1238 = arith.constant 0 : i32
      %lt3A_1239 = arith.cmpi slt, %rem3A_1235, %lt3A_1238 : i32
      %lt3A_1240 = arith.constant 0 : i32
      %lt3A_1241 = arith.cmpi slt, %select_n3A_1234, %lt3A_1240 : i32
      %ne3A_1242 = arith.xori %lt3A_1239, %lt3A_1241 : i1
      %and3A_1243 = arith.andi %ne3A_1242, %ne3A_1237 : i1
      %add3A_1244 = arith.addi %rem3A_1235, %select_n3A_1234 : i32
      %select_n3A_1245 = arith.select %and3A_1243, %add3A_1244, %rem3A_1235 : i32
      %dma_start3A_1246 = arith.constant 0 : i32
      %dma_start3A_1247 = tpu.memref_slice %arg5[%squeeze3A_1205, %dma_start3A_1246] : memref<100x1024xf32, #tpu.memory_space<vmem>> -> memref<1x1024xf32, #tpu.memory_space<vmem>>
      %dma_start3A_1248 = tpu.memref_squeeze %dma_start3A_1247 : memref<1x1024xf32, #tpu.memory_space<vmem>> -> memref<1024xf32, #tpu.memory_space<vmem>>
      %dma_start3A_1249 = arith.constant 0 : i32
      %dma_start3A_1250 = tpu.memref_slice %arg4[%select_n3A_1229, %select_n3A_1245, %dma_start3A_1249] : memref<1024x100x1024xf32, #tpu.memory_space<hbm>> -> memref<1x1x1024xf32, #tpu.memory_space<hbm>>
      %dma_start3A_1251 = tpu.memref_squeeze %dma_start3A_1250 : memref<1x1x1024xf32, #tpu.memory_space<hbm>> -> memref<1024xf32, #tpu.memory_space<hbm>>
      %dma_start3A_1252 = arith.constant 0 : i32
      %dma_start3A_1253 = tpu.memref_slice %arg4[%select_n3A_1229, %select_n3A_1245, %dma_start3A_1252] : memref<1024x100x1024xf32, #tpu.memory_space<hbm>> -> memref<1x1x1024xf32, #tpu.memory_space<hbm>>
      %dma_start3A_1254 = tpu.memref_squeeze %dma_start3A_1253 : memref<1x1x1024xf32, #tpu.memory_space<hbm>> -> memref<1024xf32, #tpu.memory_space<hbm>>
      %dma_start3A_1255 = arith.constant 0 : i32
      %dma_start3A_1256 = tpu.memref_slice %arg5[%squeeze3A_1205, %dma_start3A_1255] : memref<100x1024xf32, #tpu.memory_space<vmem>> -> memref<1x1024xf32, #tpu.memory_space<vmem>>
      %dma_start3A_1257 = tpu.memref_squeeze %dma_start3A_1256 : memref<1x1024xf32, #tpu.memory_space<vmem>> -> memref<1024xf32, #tpu.memory_space<vmem>>
      tpu.enqueue_dma source(%dma_start3A_1257 : memref<1024xf32, #tpu.memory_space<vmem>>) target(%dma_start3A_1254 : memref<1024xf32, #tpu.memory_space<hbm>>) target_semaphore(%arg7 : memref<!tpu.dma_semaphore, #tpu.memory_space<semaphore_mem>>)
      %add3A_1258 = arith.constant 2 : i32
      %add3A_1259 = arith.addi %add3A_1145, %add3A_1258 : i32
      %slice3A_1260 = vector.extract_strided_slice %get3A_1142 {offsets = [2], sizes = [1], strides = [1]} : vector<16xi32> to vector<1xi32>
      %squeeze3A_1261 = vector.extract %slice3A_1260[0] : i32 from vector<1xi32>
      %jit3A_1262 = arith.constant 100 : i32
      %div3A_1263 = arith.divsi %add3A_1259, %jit3A_1262 : i32
      %sign3A_1264 = arith.constant 0 : i32
      %sign3A_1265 = arith.cmpi sgt, %add3A_1259, %sign3A_1264 : i32
      %sign3A_1266 = arith.extui %sign3A_1265 : i1 to i32
      %sign3A_1267 = arith.constant 0 : i32
      %sign3A_1268 = arith.cmpi slt, %add3A_1259, %sign3A_1267 : i32
      %sign3A_1269 = arith.extui %sign3A_1268 : i1 to i32
      %sign3A_1270 = arith.subi %sign3A_1266, %sign3A_1269 : i32
      %sign3A_1271 = arith.constant 0 : i32
      %sign3A_1272 = arith.cmpi sgt, %jit3A_1262, %sign3A_1271 : i32
      %sign3A_1273 = arith.extui %sign3A_1272 : i1 to i32
      %sign3A_1274 = arith.constant 0 : i32
      %sign3A_1275 = arith.cmpi slt, %jit3A_1262, %sign3A_1274 : i32
      %sign3A_1276 = arith.extui %sign3A_1275 : i1 to i32
      %sign3A_1277 = arith.subi %sign3A_1273, %sign3A_1276 : i32
      %ne3A_1278 = arith.cmpi ne, %sign3A_1270, %sign3A_1277 : i32
      %rem3A_1279 = arith.remsi %add3A_1259, %jit3A_1262 : i32
      %ne3A_1280 = arith.constant 0 : i32
      %ne3A_1281 = arith.cmpi ne, %rem3A_1279, %ne3A_1280 : i32
      %and3A_1282 = arith.andi %ne3A_1278, %ne3A_1281 : i1
      %sub3A_1283 = arith.constant 1 : i32
      %sub3A_1284 = arith.subi %div3A_1263, %sub3A_1283 : i32
      %select_n3A_1285 = arith.select %and3A_1282, %sub3A_1284, %div3A_1263 : i32
      %jit3A_1286 = arith.constant 100 : i32
      %eq3A_1287 = arith.constant 0 : i32
      %eq3A_1288 = arith.cmpi eq, %jit3A_1286, %eq3A_1287 : i32
      %jit3A_1289 = arith.constant 1 : i32
      %select_n3A_1290 = arith.select %eq3A_1288, %jit3A_1289, %jit3A_1286 : i32
      %rem3A_1291 = arith.remsi %add3A_1259, %select_n3A_1290 : i32
      %ne3A_1292 = arith.constant 0 : i32
      %ne3A_1293 = arith.cmpi ne, %rem3A_1291, %ne3A_1292 : i32
      %lt3A_1294 = arith.constant 0 : i32
      %lt3A_1295 = arith.cmpi slt, %rem3A_1291, %lt3A_1294 : i32
      %lt3A_1296 = arith.constant 0 : i32
      %lt3A_1297 = arith.cmpi slt, %select_n3A_1290, %lt3A_1296 : i32
      %ne3A_1298 = arith.xori %lt3A_1295, %lt3A_1297 : i1
      %and3A_1299 = arith.andi %ne3A_1298, %ne3A_1293 : i1
      %add3A_1300 = arith.addi %rem3A_1291, %select_n3A_1290 : i32
      %select_n3A_1301 = arith.select %and3A_1299, %add3A_1300, %rem3A_1291 : i32
      %dma_start3A_1302 = arith.constant 0 : i32
      %dma_start3A_1303 = tpu.memref_slice %arg5[%squeeze3A_1261, %dma_start3A_1302] : memref<100x1024xf32, #tpu.memory_space<vmem>> -> memref<1x1024xf32, #tpu.memory_space<vmem>>
      %dma_start3A_1304 = tpu.memref_squeeze %dma_start3A_1303 : memref<1x1024xf32, #tpu.memory_space<vmem>> -> memref<1024xf32, #tpu.memory_space<vmem>>
      %dma_start3A_1305 = arith.constant 0 : i32
      %dma_start3A_1306 = tpu.memref_slice %arg4[%select_n3A_1285, %select_n3A_1301, %dma_start3A_1305] : memref<1024x100x1024xf32, #tpu.memory_space<hbm>> -> memref<1x1x1024xf32, #tpu.memory_space<hbm>>
      %dma_start3A_1307 = tpu.memref_squeeze %dma_start3A_1306 : memref<1x1x1024xf32, #tpu.memory_space<hbm>> -> memref<1024xf32, #tpu.memory_space<hbm>>
      %dma_start3A_1308 = arith.constant 0 : i32
      %dma_start3A_1309 = tpu.memref_slice %arg4[%select_n3A_1285, %select_n3A_1301, %dma_start3A_1308] : memref<1024x100x1024xf32, #tpu.memory_space<hbm>> -> memref<1x1x1024xf32, #tpu.memory_space<hbm>>
      %dma_start3A_1310 = tpu.memref_squeeze %dma_start3A_1309 : memref<1x1x1024xf32, #tpu.memory_space<hbm>> -> memref<1024xf32, #tpu.memory_space<hbm>>
      %dma_start3A_1311 = arith.constant 0 : i32
      %dma_start3A_1312 = tpu.memref_slice %arg5[%squeeze3A_1261, %dma_start3A_1311] : memref<100x1024xf32, #tpu.memory_space<vmem>> -> memref<1x1024xf32, #tpu.memory_space<vmem>>
      %dma_start3A_1313 = tpu.memref_squeeze %dma_start3A_1312 : memref<1x1024xf32, #tpu.memory_space<vmem>> -> memref<1024xf32, #tpu.memory_space<vmem>>
      tpu.enqueue_dma source(%dma_start3A_1313 : memref<1024xf32, #tpu.memory_space<vmem>>) target(%dma_start3A_1310 : memref<1024xf32, #tpu.memory_space<hbm>>) target_semaphore(%arg7 : memref<!tpu.dma_semaphore, #tpu.memory_space<semaphore_mem>>)
      %add3A_1314 = arith.constant 3 : i32
      %add3A_1315 = arith.addi %add3A_1145, %add3A_1314 : i32
      %slice3A_1316 = vector.extract_strided_slice %get3A_1142 {offsets = [3], sizes = [1], strides = [1]} : vector<16xi32> to vector<1xi32>
      %squeeze3A_1317 = vector.extract %slice3A_1316[0] : i32 from vector<1xi32>
      %jit3A_1318 = arith.constant 100 : i32
      %div3A_1319 = arith.divsi %add3A_1315, %jit3A_1318 : i32
      %sign3A_1320 = arith.constant 0 : i32
      %sign3A_1321 = arith.cmpi sgt, %add3A_1315, %sign3A_1320 : i32
      %sign3A_1322 = arith.extui %sign3A_1321 : i1 to i32
      %sign3A_1323 = arith.constant 0 : i32
      %sign3A_1324 = arith.cmpi slt, %add3A_1315, %sign3A_1323 : i32
      %sign3A_1325 = arith.extui %sign3A_1324 : i1 to i32
      %sign3A_1326 = arith.subi %sign3A_1322, %sign3A_1325 : i32
      %sign3A_1327 = arith.constant 0 : i32
      %sign3A_1328 = arith.cmpi sgt, %jit3A_1318, %sign3A_1327 : i32
      %sign3A_1329 = arith.extui %sign3A_1328 : i1 to i32
      %sign3A_1330 = arith.constant 0 : i32
      %sign3A_1331 = arith.cmpi slt, %jit3A_1318, %sign3A_1330 : i32
      %sign3A_1332 = arith.extui %sign3A_1331 : i1 to i32
      %sign3A_1333 = arith.subi %sign3A_1329, %sign3A_1332 : i32
      %ne3A_1334 = arith.cmpi ne, %sign3A_1326, %sign3A_1333 : i32
      %rem3A_1335 = arith.remsi %add3A_1315, %jit3A_1318 : i32
      %ne3A_1336 = arith.constant 0 : i32
      %ne3A_1337 = arith.cmpi ne, %rem3A_1335, %ne3A_1336 : i32
      %and3A_1338 = arith.andi %ne3A_1334, %ne3A_1337 : i1
      %sub3A_1339 = arith.constant 1 : i32
      %sub3A_1340 = arith.subi %div3A_1319, %sub3A_1339 : i32
      %select_n3A_1341 = arith.select %and3A_1338, %sub3A_1340, %div3A_1319 : i32
      %jit3A_1342 = arith.constant 100 : i32
      %eq3A_1343 = arith.constant 0 : i32
      %eq3A_1344 = arith.cmpi eq, %jit3A_1342, %eq3A_1343 : i32
      %jit3A_1345 = arith.constant 1 : i32
      %select_n3A_1346 = arith.select %eq3A_1344, %jit3A_1345, %jit3A_1342 : i32
      %rem3A_1347 = arith.remsi %add3A_1315, %select_n3A_1346 : i32
      %ne3A_1348 = arith.constant 0 : i32
      %ne3A_1349 = arith.cmpi ne, %rem3A_1347, %ne3A_1348 : i32
      %lt3A_1350 = arith.constant 0 : i32
      %lt3A_1351 = arith.cmpi slt, %rem3A_1347, %lt3A_1350 : i32
      %lt3A_1352 = arith.constant 0 : i32
      %lt3A_1353 = arith.cmpi slt, %select_n3A_1346, %lt3A_1352 : i32
      %ne3A_1354 = arith.xori %lt3A_1351, %lt3A_1353 : i1
      %and3A_1355 = arith.andi %ne3A_1354, %ne3A_1349 : i1
      %add3A_1356 = arith.addi %rem3A_1347, %select_n3A_1346 : i32
      %select_n3A_1357 = arith.select %and3A_1355, %add3A_1356, %rem3A_1347 : i32
      %dma_start3A_1358 = arith.constant 0 : i32
      %dma_start3A_1359 = tpu.memref_slice %arg5[%squeeze3A_1317, %dma_start3A_1358] : memref<100x1024xf32, #tpu.memory_space<vmem>> -> memref<1x1024xf32, #tpu.memory_space<vmem>>
      %dma_start3A_1360 = tpu.memref_squeeze %dma_start3A_1359 : memref<1x1024xf32, #tpu.memory_space<vmem>> -> memref<1024xf32, #tpu.memory_space<vmem>>
      %dma_start3A_1361 = arith.constant 0 : i32
      %dma_start3A_1362 = tpu.memref_slice %arg4[%select_n3A_1341, %select_n3A_1357, %dma_start3A_1361] : memref<1024x100x1024xf32, #tpu.memory_space<hbm>> -> memref<1x1x1024xf32, #tpu.memory_space<hbm>>
      %dma_start3A_1363 = tpu.memref_squeeze %dma_start3A_1362 : memref<1x1x1024xf32, #tpu.memory_space<hbm>> -> memref<1024xf32, #tpu.memory_space<hbm>>
      %dma_start3A_1364 = arith.constant 0 : i32
      %dma_start3A_1365 = tpu.memref_slice %arg4[%select_n3A_1341, %select_n3A_1357, %dma_start3A_1364] : memref<1024x100x1024xf32, #tpu.memory_space<hbm>> -> memref<1x1x1024xf32, #tpu.memory_space<hbm>>
      %dma_start3A_1366 = tpu.memref_squeeze %dma_start3A_1365 : memref<1x1x1024xf32, #tpu.memory_space<hbm>> -> memref<1024xf32, #tpu.memory_space<hbm>>
      %dma_start3A_1367 = arith.constant 0 : i32
      %dma_start3A_1368 = tpu.memref_slice %arg5[%squeeze3A_1317, %dma_start3A_1367] : memref<100x1024xf32, #tpu.memory_space<vmem>> -> memref<1x1024xf32, #tpu.memory_space<vmem>>
      %dma_start3A_1369 = tpu.memref_squeeze %dma_start3A_1368 : memref<1x1024xf32, #tpu.memory_space<vmem>> -> memref<1024xf32, #tpu.memory_space<vmem>>
      tpu.enqueue_dma source(%dma_start3A_1369 : memref<1024xf32, #tpu.memory_space<vmem>>) target(%dma_start3A_1366 : memref<1024xf32, #tpu.memory_space<hbm>>) target_semaphore(%arg7 : memref<!tpu.dma_semaphore, #tpu.memory_space<semaphore_mem>>)
      %add3A_1370 = arith.constant 4 : i32
      %add3A_1371 = arith.addi %add3A_1145, %add3A_1370 : i32
      %slice3A_1372 = vector.extract_strided_slice %get3A_1142 {offsets = [4], sizes = [1], strides = [1]} : vector<16xi32> to vector<1xi32>
      %squeeze3A_1373 = vector.extract %slice3A_1372[0] : i32 from vector<1xi32>
      %jit3A_1374 = arith.constant 100 : i32
      %div3A_1375 = arith.divsi %add3A_1371, %jit3A_1374 : i32
      %sign3A_1376 = arith.constant 0 : i32
      %sign3A_1377 = arith.cmpi sgt, %add3A_1371, %sign3A_1376 : i32
      %sign3A_1378 = arith.extui %sign3A_1377 : i1 to i32
      %sign3A_1379 = arith.constant 0 : i32
      %sign3A_1380 = arith.cmpi slt, %add3A_1371, %sign3A_1379 : i32
      %sign3A_1381 = arith.extui %sign3A_1380 : i1 to i32
      %sign3A_1382 = arith.subi %sign3A_1378, %sign3A_1381 : i32
      %sign3A_1383 = arith.constant 0 : i32
      %sign3A_1384 = arith.cmpi sgt, %jit3A_1374, %sign3A_1383 : i32
      %sign3A_1385 = arith.extui %sign3A_1384 : i1 to i32
      %sign3A_1386 = arith.constant 0 : i32
      %sign3A_1387 = arith.cmpi slt, %jit3A_1374, %sign3A_1386 : i32
      %sign3A_1388 = arith.extui %sign3A_1387 : i1 to i32
      %sign3A_1389 = arith.subi %sign3A_1385, %sign3A_1388 : i32
      %ne3A_1390 = arith.cmpi ne, %sign3A_1382, %sign3A_1389 : i32
      %rem3A_1391 = arith.remsi %add3A_1371, %jit3A_1374 : i32
      %ne3A_1392 = arith.constant 0 : i32
      %ne3A_1393 = arith.cmpi ne, %rem3A_1391, %ne3A_1392 : i32
      %and3A_1394 = arith.andi %ne3A_1390, %ne3A_1393 : i1
      %sub3A_1395 = arith.constant 1 : i32
      %sub3A_1396 = arith.subi %div3A_1375, %sub3A_1395 : i32
      %select_n3A_1397 = arith.select %and3A_1394, %sub3A_1396, %div3A_1375 : i32
      %jit3A_1398 = arith.constant 100 : i32
      %eq3A_1399 = arith.constant 0 : i32
      %eq3A_1400 = arith.cmpi eq, %jit3A_1398, %eq3A_1399 : i32
      %jit3A_1401 = arith.constant 1 : i32
      %select_n3A_1402 = arith.select %eq3A_1400, %jit3A_1401, %jit3A_1398 : i32
      %rem3A_1403 = arith.remsi %add3A_1371, %select_n3A_1402 : i32
      %ne3A_1404 = arith.constant 0 : i32
      %ne3A_1405 = arith.cmpi ne, %rem3A_1403, %ne3A_1404 : i32
      %lt3A_1406 = arith.constant 0 : i32
      %lt3A_1407 = arith.cmpi slt, %rem3A_1403, %lt3A_1406 : i32
      %lt3A_1408 = arith.constant 0 : i32
      %lt3A_1409 = arith.cmpi slt, %select_n3A_1402, %lt3A_1408 : i32
      %ne3A_1410 = arith.xori %lt3A_1407, %lt3A_1409 : i1
      %and3A_1411 = arith.andi %ne3A_1410, %ne3A_1405 : i1
      %add3A_1412 = arith.addi %rem3A_1403, %select_n3A_1402 : i32
      %select_n3A_1413 = arith.select %and3A_1411, %add3A_1412, %rem3A_1403 : i32
      %dma_start3A_1414 = arith.constant 0 : i32
      %dma_start3A_1415 = tpu.memref_slice %arg5[%squeeze3A_1373, %dma_start3A_1414] : memref<100x1024xf32, #tpu.memory_space<vmem>> -> memref<1x1024xf32, #tpu.memory_space<vmem>>
      %dma_start3A_1416 = tpu.memref_squeeze %dma_start3A_1415 : memref<1x1024xf32, #tpu.memory_space<vmem>> -> memref<1024xf32, #tpu.memory_space<vmem>>
      %dma_start3A_1417 = arith.constant 0 : i32
      %dma_start3A_1418 = tpu.memref_slice %arg4[%select_n3A_1397, %select_n3A_1413, %dma_start3A_1417] : memref<1024x100x1024xf32, #tpu.memory_space<hbm>> -> memref<1x1x1024xf32, #tpu.memory_space<hbm>>
      %dma_start3A_1419 = tpu.memref_squeeze %dma_start3A_1418 : memref<1x1x1024xf32, #tpu.memory_space<hbm>> -> memref<1024xf32, #tpu.memory_space<hbm>>
      %dma_start3A_1420 = arith.constant 0 : i32
      %dma_start3A_1421 = tpu.memref_slice %arg4[%select_n3A_1397, %select_n3A_1413, %dma_start3A_1420] : memref<1024x100x1024xf32, #tpu.memory_space<hbm>> -> memref<1x1x1024xf32, #tpu.memory_space<hbm>>
      %dma_start3A_1422 = tpu.memref_squeeze %dma_start3A_1421 : memref<1x1x1024xf32, #tpu.memory_space<hbm>> -> memref<1024xf32, #tpu.memory_space<hbm>>
      %dma_start3A_1423 = arith.constant 0 : i32
      %dma_start3A_1424 = tpu.memref_slice %arg5[%squeeze3A_1373, %dma_start3A_1423] : memref<100x1024xf32, #tpu.memory_space<vmem>> -> memref<1x1024xf32, #tpu.memory_space<vmem>>
      %dma_start3A_1425 = tpu.memref_squeeze %dma_start3A_1424 : memref<1x1024xf32, #tpu.memory_space<vmem>> -> memref<1024xf32, #tpu.memory_space<vmem>>
      tpu.enqueue_dma source(%dma_start3A_1425 : memref<1024xf32, #tpu.memory_space<vmem>>) target(%dma_start3A_1422 : memref<1024xf32, #tpu.memory_space<hbm>>) target_semaphore(%arg7 : memref<!tpu.dma_semaphore, #tpu.memory_space<semaphore_mem>>)
      %add3A_1426 = arith.constant 5 : i32
      %add3A_1427 = arith.addi %add3A_1145, %add3A_1426 : i32
      %slice3A_1428 = vector.extract_strided_slice %get3A_1142 {offsets = [5], sizes = [1], strides = [1]} : vector<16xi32> to vector<1xi32>
      %squeeze3A_1429 = vector.extract %slice3A_1428[0] : i32 from vector<1xi32>
      %jit3A_1430 = arith.constant 100 : i32
      %div3A_1431 = arith.divsi %add3A_1427, %jit3A_1430 : i32
      %sign3A_1432 = arith.constant 0 : i32
      %sign3A_1433 = arith.cmpi sgt, %add3A_1427, %sign3A_1432 : i32
      %sign3A_1434 = arith.extui %sign3A_1433 : i1 to i32
      %sign3A_1435 = arith.constant 0 : i32
      %sign3A_1436 = arith.cmpi slt, %add3A_1427, %sign3A_1435 : i32
      %sign3A_1437 = arith.extui %sign3A_1436 : i1 to i32
      %sign3A_1438 = arith.subi %sign3A_1434, %sign3A_1437 : i32
      %sign3A_1439 = arith.constant 0 : i32
      %sign3A_1440 = arith.cmpi sgt, %jit3A_1430, %sign3A_1439 : i32
      %sign3A_1441 = arith.extui %sign3A_1440 : i1 to i32
      %sign3A_1442 = arith.constant 0 : i32
      %sign3A_1443 = arith.cmpi slt, %jit3A_1430, %sign3A_1442 : i32
      %sign3A_1444 = arith.extui %sign3A_1443 : i1 to i32
      %sign3A_1445 = arith.subi %sign3A_1441, %sign3A_1444 : i32
      %ne3A_1446 = arith.cmpi ne, %sign3A_1438, %sign3A_1445 : i32
      %rem3A_1447 = arith.remsi %add3A_1427, %jit3A_1430 : i32
      %ne3A_1448 = arith.constant 0 : i32
      %ne3A_1449 = arith.cmpi ne, %rem3A_1447, %ne3A_1448 : i32
      %and3A_1450 = arith.andi %ne3A_1446, %ne3A_1449 : i1
      %sub3A_1451 = arith.constant 1 : i32
      %sub3A_1452 = arith.subi %div3A_1431, %sub3A_1451 : i32
      %select_n3A_1453 = arith.select %and3A_1450, %sub3A_1452, %div3A_1431 : i32
      %jit3A_1454 = arith.constant 100 : i32
      %eq3A_1455 = arith.constant 0 : i32
      %eq3A_1456 = arith.cmpi eq, %jit3A_1454, %eq3A_1455 : i32
      %jit3A_1457 = arith.constant 1 : i32
      %select_n3A_1458 = arith.select %eq3A_1456, %jit3A_1457, %jit3A_1454 : i32
      %rem3A_1459 = arith.remsi %add3A_1427, %select_n3A_1458 : i32
      %ne3A_1460 = arith.constant 0 : i32
      %ne3A_1461 = arith.cmpi ne, %rem3A_1459, %ne3A_1460 : i32
      %lt3A_1462 = arith.constant 0 : i32
      %lt3A_1463 = arith.cmpi slt, %rem3A_1459, %lt3A_1462 : i32
      %lt3A_1464 = arith.constant 0 : i32
      %lt3A_1465 = arith.cmpi slt, %select_n3A_1458, %lt3A_1464 : i32
      %ne3A_1466 = arith.xori %lt3A_1463, %lt3A_1465 : i1
      %and3A_1467 = arith.andi %ne3A_1466, %ne3A_1461 : i1
      %add3A_1468 = arith.addi %rem3A_1459, %select_n3A_1458 : i32
      %select_n3A_1469 = arith.select %and3A_1467, %add3A_1468, %rem3A_1459 : i32
      %dma_start3A_1470 = arith.constant 0 : i32
      %dma_start3A_1471 = tpu.memref_slice %arg5[%squeeze3A_1429, %dma_start3A_1470] : memref<100x1024xf32, #tpu.memory_space<vmem>> -> memref<1x1024xf32, #tpu.memory_space<vmem>>
      %dma_start3A_1472 = tpu.memref_squeeze %dma_start3A_1471 : memref<1x1024xf32, #tpu.memory_space<vmem>> -> memref<1024xf32, #tpu.memory_space<vmem>>
      %dma_start3A_1473 = arith.constant 0 : i32
      %dma_start3A_1474 = tpu.memref_slice %arg4[%select_n3A_1453, %select_n3A_1469, %dma_start3A_1473] : memref<1024x100x1024xf32, #tpu.memory_space<hbm>> -> memref<1x1x1024xf32, #tpu.memory_space<hbm>>
      %dma_start3A_1475 = tpu.memref_squeeze %dma_start3A_1474 : memref<1x1x1024xf32, #tpu.memory_space<hbm>> -> memref<1024xf32, #tpu.memory_space<hbm>>
      %dma_start3A_1476 = arith.constant 0 : i32
      %dma_start3A_1477 = tpu.memref_slice %arg4[%select_n3A_1453, %select_n3A_1469, %dma_start3A_1476] : memref<1024x100x1024xf32, #tpu.memory_space<hbm>> -> memref<1x1x1024xf32, #tpu.memory_space<hbm>>
      %dma_start3A_1478 = tpu.memref_squeeze %dma_start3A_1477 : memref<1x1x1024xf32, #tpu.memory_space<hbm>> -> memref<1024xf32, #tpu.memory_space<hbm>>
      %dma_start3A_1479 = arith.constant 0 : i32
      %dma_start3A_1480 = tpu.memref_slice %arg5[%squeeze3A_1429, %dma_start3A_1479] : memref<100x1024xf32, #tpu.memory_space<vmem>> -> memref<1x1024xf32, #tpu.memory_space<vmem>>
      %dma_start3A_1481 = tpu.memref_squeeze %dma_start3A_1480 : memref<1x1024xf32, #tpu.memory_space<vmem>> -> memref<1024xf32, #tpu.memory_space<vmem>>
      tpu.enqueue_dma source(%dma_start3A_1481 : memref<1024xf32, #tpu.memory_space<vmem>>) target(%dma_start3A_1478 : memref<1024xf32, #tpu.memory_space<hbm>>) target_semaphore(%arg7 : memref<!tpu.dma_semaphore, #tpu.memory_space<semaphore_mem>>)
      %add3A_1482 = arith.constant 6 : i32
      %add3A_1483 = arith.addi %add3A_1145, %add3A_1482 : i32
      %slice3A_1484 = vector.extract_strided_slice %get3A_1142 {offsets = [6], sizes = [1], strides = [1]} : vector<16xi32> to vector<1xi32>
      %squeeze3A_1485 = vector.extract %slice3A_1484[0] : i32 from vector<1xi32>
      %jit3A_1486 = arith.constant 100 : i32
      %div3A_1487 = arith.divsi %add3A_1483, %jit3A_1486 : i32
      %sign3A_1488 = arith.constant 0 : i32
      %sign3A_1489 = arith.cmpi sgt, %add3A_1483, %sign3A_1488 : i32
      %sign3A_1490 = arith.extui %sign3A_1489 : i1 to i32
      %sign3A_1491 = arith.constant 0 : i32
      %sign3A_1492 = arith.cmpi slt, %add3A_1483, %sign3A_1491 : i32
      %sign3A_1493 = arith.extui %sign3A_1492 : i1 to i32
      %sign3A_1494 = arith.subi %sign3A_1490, %sign3A_1493 : i32
      %sign3A_1495 = arith.constant 0 : i32
      %sign3A_1496 = arith.cmpi sgt, %jit3A_1486, %sign3A_1495 : i32
      %sign3A_1497 = arith.extui %sign3A_1496 : i1 to i32
      %sign3A_1498 = arith.constant 0 : i32
      %sign3A_1499 = arith.cmpi slt, %jit3A_1486, %sign3A_1498 : i32
      %sign3A_1500 = arith.extui %sign3A_1499 : i1 to i32
      %sign3A_1501 = arith.subi %sign3A_1497, %sign3A_1500 : i32
      %ne3A_1502 = arith.cmpi ne, %sign3A_1494, %sign3A_1501 : i32
      %rem3A_1503 = arith.remsi %add3A_1483, %jit3A_1486 : i32
      %ne3A_1504 = arith.constant 0 : i32
      %ne3A_1505 = arith.cmpi ne, %rem3A_1503, %ne3A_1504 : i32
      %and3A_1506 = arith.andi %ne3A_1502, %ne3A_1505 : i1
      %sub3A_1507 = arith.constant 1 : i32
      %sub3A_1508 = arith.subi %div3A_1487, %sub3A_1507 : i32
      %select_n3A_1509 = arith.select %and3A_1506, %sub3A_1508, %div3A_1487 : i32
      %jit3A_1510 = arith.constant 100 : i32
      %eq3A_1511 = arith.constant 0 : i32
      %eq3A_1512 = arith.cmpi eq, %jit3A_1510, %eq3A_1511 : i32
      %jit3A_1513 = arith.constant 1 : i32
      %select_n3A_1514 = arith.select %eq3A_1512, %jit3A_1513, %jit3A_1510 : i32
      %rem3A_1515 = arith.remsi %add3A_1483, %select_n3A_1514 : i32
      %ne3A_1516 = arith.constant 0 : i32
      %ne3A_1517 = arith.cmpi ne, %rem3A_1515, %ne3A_1516 : i32
      %lt3A_1518 = arith.constant 0 : i32
      %lt3A_1519 = arith.cmpi slt, %rem3A_1515, %lt3A_1518 : i32
      %lt3A_1520 = arith.constant 0 : i32
      %lt3A_1521 = arith.cmpi slt, %select_n3A_1514, %lt3A_1520 : i32
      %ne3A_1522 = arith.xori %lt3A_1519, %lt3A_1521 : i1
      %and3A_1523 = arith.andi %ne3A_1522, %ne3A_1517 : i1
      %add3A_1524 = arith.addi %rem3A_1515, %select_n3A_1514 : i32
      %select_n3A_1525 = arith.select %and3A_1523, %add3A_1524, %rem3A_1515 : i32
      %dma_start3A_1526 = arith.constant 0 : i32
      %dma_start3A_1527 = tpu.memref_slice %arg5[%squeeze3A_1485, %dma_start3A_1526] : memref<100x1024xf32, #tpu.memory_space<vmem>> -> memref<1x1024xf32, #tpu.memory_space<vmem>>
      %dma_start3A_1528 = tpu.memref_squeeze %dma_start3A_1527 : memref<1x1024xf32, #tpu.memory_space<vmem>> -> memref<1024xf32, #tpu.memory_space<vmem>>
      %dma_start3A_1529 = arith.constant 0 : i32
      %dma_start3A_1530 = tpu.memref_slice %arg4[%select_n3A_1509, %select_n3A_1525, %dma_start3A_1529] : memref<1024x100x1024xf32, #tpu.memory_space<hbm>> -> memref<1x1x1024xf32, #tpu.memory_space<hbm>>
      %dma_start3A_1531 = tpu.memref_squeeze %dma_start3A_1530 : memref<1x1x1024xf32, #tpu.memory_space<hbm>> -> memref<1024xf32, #tpu.memory_space<hbm>>
      %dma_start3A_1532 = arith.constant 0 : i32
      %dma_start3A_1533 = tpu.memref_slice %arg4[%select_n3A_1509, %select_n3A_1525, %dma_start3A_1532] : memref<1024x100x1024xf32, #tpu.memory_space<hbm>> -> memref<1x1x1024xf32, #tpu.memory_space<hbm>>
      %dma_start3A_1534 = tpu.memref_squeeze %dma_start3A_1533 : memref<1x1x1024xf32, #tpu.memory_space<hbm>> -> memref<1024xf32, #tpu.memory_space<hbm>>
      %dma_start3A_1535 = arith.constant 0 : i32
      %dma_start3A_1536 = tpu.memref_slice %arg5[%squeeze3A_1485, %dma_start3A_1535] : memref<100x1024xf32, #tpu.memory_space<vmem>> -> memref<1x1024xf32, #tpu.memory_space<vmem>>
      %dma_start3A_1537 = tpu.memref_squeeze %dma_start3A_1536 : memref<1x1024xf32, #tpu.memory_space<vmem>> -> memref<1024xf32, #tpu.memory_space<vmem>>
      tpu.enqueue_dma source(%dma_start3A_1537 : memref<1024xf32, #tpu.memory_space<vmem>>) target(%dma_start3A_1534 : memref<1024xf32, #tpu.memory_space<hbm>>) target_semaphore(%arg7 : memref<!tpu.dma_semaphore, #tpu.memory_space<semaphore_mem>>)
      %add3A_1538 = arith.constant 7 : i32
      %add3A_1539 = arith.addi %add3A_1145, %add3A_1538 : i32
      %slice3A_1540 = vector.extract_strided_slice %get3A_1142 {offsets = [7], sizes = [1], strides = [1]} : vector<16xi32> to vector<1xi32>
      %squeeze3A_1541 = vector.extract %slice3A_1540[0] : i32 from vector<1xi32>
      %jit3A_1542 = arith.constant 100 : i32
      %div3A_1543 = arith.divsi %add3A_1539, %jit3A_1542 : i32
      %sign3A_1544 = arith.constant 0 : i32
      %sign3A_1545 = arith.cmpi sgt, %add3A_1539, %sign3A_1544 : i32
      %sign3A_1546 = arith.extui %sign3A_1545 : i1 to i32
      %sign3A_1547 = arith.constant 0 : i32
      %sign3A_1548 = arith.cmpi slt, %add3A_1539, %sign3A_1547 : i32
      %sign3A_1549 = arith.extui %sign3A_1548 : i1 to i32
      %sign3A_1550 = arith.subi %sign3A_1546, %sign3A_1549 : i32
      %sign3A_1551 = arith.constant 0 : i32
      %sign3A_1552 = arith.cmpi sgt, %jit3A_1542, %sign3A_1551 : i32
      %sign3A_1553 = arith.extui %sign3A_1552 : i1 to i32
      %sign3A_1554 = arith.constant 0 : i32
      %sign3A_1555 = arith.cmpi slt, %jit3A_1542, %sign3A_1554 : i32
      %sign3A_1556 = arith.extui %sign3A_1555 : i1 to i32
      %sign3A_1557 = arith.subi %sign3A_1553, %sign3A_1556 : i32
      %ne3A_1558 = arith.cmpi ne, %sign3A_1550, %sign3A_1557 : i32
      %rem3A_1559 = arith.remsi %add3A_1539, %jit3A_1542 : i32
      %ne3A_1560 = arith.constant 0 : i32
      %ne3A_1561 = arith.cmpi ne, %rem3A_1559, %ne3A_1560 : i32
      %and3A_1562 = arith.andi %ne3A_1558, %ne3A_1561 : i1
      %sub3A_1563 = arith.constant 1 : i32
      %sub3A_1564 = arith.subi %div3A_1543, %sub3A_1563 : i32
      %select_n3A_1565 = arith.select %and3A_1562, %sub3A_1564, %div3A_1543 : i32
      %jit3A_1566 = arith.constant 100 : i32
      %eq3A_1567 = arith.constant 0 : i32
      %eq3A_1568 = arith.cmpi eq, %jit3A_1566, %eq3A_1567 : i32
      %jit3A_1569 = arith.constant 1 : i32
      %select_n3A_1570 = arith.select %eq3A_1568, %jit3A_1569, %jit3A_1566 : i32
      %rem3A_1571 = arith.remsi %add3A_1539, %select_n3A_1570 : i32
      %ne3A_1572 = arith.constant 0 : i32
      %ne3A_1573 = arith.cmpi ne, %rem3A_1571, %ne3A_1572 : i32
      %lt3A_1574 = arith.constant 0 : i32
      %lt3A_1575 = arith.cmpi slt, %rem3A_1571, %lt3A_1574 : i32
      %lt3A_1576 = arith.constant 0 : i32
      %lt3A_1577 = arith.cmpi slt, %select_n3A_1570, %lt3A_1576 : i32
      %ne3A_1578 = arith.xori %lt3A_1575, %lt3A_1577 : i1
      %and3A_1579 = arith.andi %ne3A_1578, %ne3A_1573 : i1
      %add3A_1580 = arith.addi %rem3A_1571, %select_n3A_1570 : i32
      %select_n3A_1581 = arith.select %and3A_1579, %add3A_1580, %rem3A_1571 : i32
      %dma_start3A_1582 = arith.constant 0 : i32
      %dma_start3A_1583 = tpu.memref_slice %arg5[%squeeze3A_1541, %dma_start3A_1582] : memref<100x1024xf32, #tpu.memory_space<vmem>> -> memref<1x1024xf32, #tpu.memory_space<vmem>>
      %dma_start3A_1584 = tpu.memref_squeeze %dma_start3A_1583 : memref<1x1024xf32, #tpu.memory_space<vmem>> -> memref<1024xf32, #tpu.memory_space<vmem>>
      %dma_start3A_1585 = arith.constant 0 : i32
      %dma_start3A_1586 = tpu.memref_slice %arg4[%select_n3A_1565, %select_n3A_1581, %dma_start3A_1585] : memref<1024x100x1024xf32, #tpu.memory_space<hbm>> -> memref<1x1x1024xf32, #tpu.memory_space<hbm>>
      %dma_start3A_1587 = tpu.memref_squeeze %dma_start3A_1586 : memref<1x1x1024xf32, #tpu.memory_space<hbm>> -> memref<1024xf32, #tpu.memory_space<hbm>>
      %dma_start3A_1588 = arith.constant 0 : i32
      %dma_start3A_1589 = tpu.memref_slice %arg4[%select_n3A_1565, %select_n3A_1581, %dma_start3A_1588] : memref<1024x100x1024xf32, #tpu.memory_space<hbm>> -> memref<1x1x1024xf32, #tpu.memory_space<hbm>>
      %dma_start3A_1590 = tpu.memref_squeeze %dma_start3A_1589 : memref<1x1x1024xf32, #tpu.memory_space<hbm>> -> memref<1024xf32, #tpu.memory_space<hbm>>
      %dma_start3A_1591 = arith.constant 0 : i32
      %dma_start3A_1592 = tpu.memref_slice %arg5[%squeeze3A_1541, %dma_start3A_1591] : memref<100x1024xf32, #tpu.memory_space<vmem>> -> memref<1x1024xf32, #tpu.memory_space<vmem>>
      %dma_start3A_1593 = tpu.memref_squeeze %dma_start3A_1592 : memref<1x1024xf32, #tpu.memory_space<vmem>> -> memref<1024xf32, #tpu.memory_space<vmem>>
      tpu.enqueue_dma source(%dma_start3A_1593 : memref<1024xf32, #tpu.memory_space<vmem>>) target(%dma_start3A_1590 : memref<1024xf32, #tpu.memory_space<hbm>>) target_semaphore(%arg7 : memref<!tpu.dma_semaphore, #tpu.memory_space<semaphore_mem>>)
      %add3A_1594 = arith.constant 8 : i32
      %add3A_1595 = arith.addi %add3A_1145, %add3A_1594 : i32
      %slice3A_1596 = vector.extract_strided_slice %get3A_1142 {offsets = [8], sizes = [1], strides = [1]} : vector<16xi32> to vector<1xi32>
      %squeeze3A_1597 = vector.extract %slice3A_1596[0] : i32 from vector<1xi32>
      %jit3A_1598 = arith.constant 100 : i32
      %div3A_1599 = arith.divsi %add3A_1595, %jit3A_1598 : i32
      %sign3A_1600 = arith.constant 0 : i32
      %sign3A_1601 = arith.cmpi sgt, %add3A_1595, %sign3A_1600 : i32
      %sign3A_1602 = arith.extui %sign3A_1601 : i1 to i32
      %sign3A_1603 = arith.constant 0 : i32
      %sign3A_1604 = arith.cmpi slt, %add3A_1595, %sign3A_1603 : i32
      %sign3A_1605 = arith.extui %sign3A_1604 : i1 to i32
      %sign3A_1606 = arith.subi %sign3A_1602, %sign3A_1605 : i32
      %sign3A_1607 = arith.constant 0 : i32
      %sign3A_1608 = arith.cmpi sgt, %jit3A_1598, %sign3A_1607 : i32
      %sign3A_1609 = arith.extui %sign3A_1608 : i1 to i32
      %sign3A_1610 = arith.constant 0 : i32
      %sign3A_1611 = arith.cmpi slt, %jit3A_1598, %sign3A_1610 : i32
      %sign3A_1612 = arith.extui %sign3A_1611 : i1 to i32
      %sign3A_1613 = arith.subi %sign3A_1609, %sign3A_1612 : i32
      %ne3A_1614 = arith.cmpi ne, %sign3A_1606, %sign3A_1613 : i32
      %rem3A_1615 = arith.remsi %add3A_1595, %jit3A_1598 : i32
      %ne3A_1616 = arith.constant 0 : i32
      %ne3A_1617 = arith.cmpi ne, %rem3A_1615, %ne3A_1616 : i32
      %and3A_1618 = arith.andi %ne3A_1614, %ne3A_1617 : i1
      %sub3A_1619 = arith.constant 1 : i32
      %sub3A_1620 = arith.subi %div3A_1599, %sub3A_1619 : i32
      %select_n3A_1621 = arith.select %and3A_1618, %sub3A_1620, %div3A_1599 : i32
      %jit3A_1622 = arith.constant 100 : i32
      %eq3A_1623 = arith.constant 0 : i32
      %eq3A_1624 = arith.cmpi eq, %jit3A_1622, %eq3A_1623 : i32
      %jit3A_1625 = arith.constant 1 : i32
      %select_n3A_1626 = arith.select %eq3A_1624, %jit3A_1625, %jit3A_1622 : i32
      %rem3A_1627 = arith.remsi %add3A_1595, %select_n3A_1626 : i32
      %ne3A_1628 = arith.constant 0 : i32
      %ne3A_1629 = arith.cmpi ne, %rem3A_1627, %ne3A_1628 : i32
      %lt3A_1630 = arith.constant 0 : i32
      %lt3A_1631 = arith.cmpi slt, %rem3A_1627, %lt3A_1630 : i32
      %lt3A_1632 = arith.constant 0 : i32
      %lt3A_1633 = arith.cmpi slt, %select_n3A_1626, %lt3A_1632 : i32
      %ne3A_1634 = arith.xori %lt3A_1631, %lt3A_1633 : i1
      %and3A_1635 = arith.andi %ne3A_1634, %ne3A_1629 : i1
      %add3A_1636 = arith.addi %rem3A_1627, %select_n3A_1626 : i32
      %select_n3A_1637 = arith.select %and3A_1635, %add3A_1636, %rem3A_1627 : i32
      %dma_start3A_1638 = arith.constant 0 : i32
      %dma_start3A_1639 = tpu.memref_slice %arg5[%squeeze3A_1597, %dma_start3A_1638] : memref<100x1024xf32, #tpu.memory_space<vmem>> -> memref<1x1024xf32, #tpu.memory_space<vmem>>
      %dma_start3A_1640 = tpu.memref_squeeze %dma_start3A_1639 : memref<1x1024xf32, #tpu.memory_space<vmem>> -> memref<1024xf32, #tpu.memory_space<vmem>>
      %dma_start3A_1641 = arith.constant 0 : i32
      %dma_start3A_1642 = tpu.memref_slice %arg4[%select_n3A_1621, %select_n3A_1637, %dma_start3A_1641] : memref<1024x100x1024xf32, #tpu.memory_space<hbm>> -> memref<1x1x1024xf32, #tpu.memory_space<hbm>>
      %dma_start3A_1643 = tpu.memref_squeeze %dma_start3A_1642 : memref<1x1x1024xf32, #tpu.memory_space<hbm>> -> memref<1024xf32, #tpu.memory_space<hbm>>
      %dma_start3A_1644 = arith.constant 0 : i32
      %dma_start3A_1645 = tpu.memref_slice %arg4[%select_n3A_1621, %select_n3A_1637, %dma_start3A_1644] : memref<1024x100x1024xf32, #tpu.memory_space<hbm>> -> memref<1x1x1024xf32, #tpu.memory_space<hbm>>
      %dma_start3A_1646 = tpu.memref_squeeze %dma_start3A_1645 : memref<1x1x1024xf32, #tpu.memory_space<hbm>> -> memref<1024xf32, #tpu.memory_space<hbm>>
      %dma_start3A_1647 = arith.constant 0 : i32
      %dma_start3A_1648 = tpu.memref_slice %arg5[%squeeze3A_1597, %dma_start3A_1647] : memref<100x1024xf32, #tpu.memory_space<vmem>> -> memref<1x1024xf32, #tpu.memory_space<vmem>>
      %dma_start3A_1649 = tpu.memref_squeeze %dma_start3A_1648 : memref<1x1024xf32, #tpu.memory_space<vmem>> -> memref<1024xf32, #tpu.memory_space<vmem>>
      tpu.enqueue_dma source(%dma_start3A_1649 : memref<1024xf32, #tpu.memory_space<vmem>>) target(%dma_start3A_1646 : memref<1024xf32, #tpu.memory_space<hbm>>) target_semaphore(%arg7 : memref<!tpu.dma_semaphore, #tpu.memory_space<semaphore_mem>>)
      %add3A_1650 = arith.constant 9 : i32
      %add3A_1651 = arith.addi %add3A_1145, %add3A_1650 : i32
      %slice3A_1652 = vector.extract_strided_slice %get3A_1142 {offsets = [9], sizes = [1], strides = [1]} : vector<16xi32> to vector<1xi32>
      %squeeze3A_1653 = vector.extract %slice3A_1652[0] : i32 from vector<1xi32>
      %jit3A_1654 = arith.constant 100 : i32
      %div3A_1655 = arith.divsi %add3A_1651, %jit3A_1654 : i32
      %sign3A_1656 = arith.constant 0 : i32
      %sign3A_1657 = arith.cmpi sgt, %add3A_1651, %sign3A_1656 : i32
      %sign3A_1658 = arith.extui %sign3A_1657 : i1 to i32
      %sign3A_1659 = arith.constant 0 : i32
      %sign3A_1660 = arith.cmpi slt, %add3A_1651, %sign3A_1659 : i32
      %sign3A_1661 = arith.extui %sign3A_1660 : i1 to i32
      %sign3A_1662 = arith.subi %sign3A_1658, %sign3A_1661 : i32
      %sign3A_1663 = arith.constant 0 : i32
      %sign3A_1664 = arith.cmpi sgt, %jit3A_1654, %sign3A_1663 : i32
      %sign3A_1665 = arith.extui %sign3A_1664 : i1 to i32
      %sign3A_1666 = arith.constant 0 : i32
      %sign3A_1667 = arith.cmpi slt, %jit3A_1654, %sign3A_1666 : i32
      %sign3A_1668 = arith.extui %sign3A_1667 : i1 to i32
      %sign3A_1669 = arith.subi %sign3A_1665, %sign3A_1668 : i32
      %ne3A_1670 = arith.cmpi ne, %sign3A_1662, %sign3A_1669 : i32
      %rem3A_1671 = arith.remsi %add3A_1651, %jit3A_1654 : i32
      %ne3A_1672 = arith.constant 0 : i32
      %ne3A_1673 = arith.cmpi ne, %rem3A_1671, %ne3A_1672 : i32
      %and3A_1674 = arith.andi %ne3A_1670, %ne3A_1673 : i1
      %sub3A_1675 = arith.constant 1 : i32
      %sub3A_1676 = arith.subi %div3A_1655, %sub3A_1675 : i32
      %select_n3A_1677 = arith.select %and3A_1674, %sub3A_1676, %div3A_1655 : i32
      %jit3A_1678 = arith.constant 100 : i32
      %eq3A_1679 = arith.constant 0 : i32
      %eq3A_1680 = arith.cmpi eq, %jit3A_1678, %eq3A_1679 : i32
      %jit3A_1681 = arith.constant 1 : i32
      %select_n3A_1682 = arith.select %eq3A_1680, %jit3A_1681, %jit3A_1678 : i32
      %rem3A_1683 = arith.remsi %add3A_1651, %select_n3A_1682 : i32
      %ne3A_1684 = arith.constant 0 : i32
      %ne3A_1685 = arith.cmpi ne, %rem3A_1683, %ne3A_1684 : i32
      %lt3A_1686 = arith.constant 0 : i32
      %lt3A_1687 = arith.cmpi slt, %rem3A_1683, %lt3A_1686 : i32
      %lt3A_1688 = arith.constant 0 : i32
      %lt3A_1689 = arith.cmpi slt, %select_n3A_1682, %lt3A_1688 : i32
      %ne3A_1690 = arith.xori %lt3A_1687, %lt3A_1689 : i1
      %and3A_1691 = arith.andi %ne3A_1690, %ne3A_1685 : i1
      %add3A_1692 = arith.addi %rem3A_1683, %select_n3A_1682 : i32
      %select_n3A_1693 = arith.select %and3A_1691, %add3A_1692, %rem3A_1683 : i32
      %dma_start3A_1694 = arith.constant 0 : i32
      %dma_start3A_1695 = tpu.memref_slice %arg5[%squeeze3A_1653, %dma_start3A_1694] : memref<100x1024xf32, #tpu.memory_space<vmem>> -> memref<1x1024xf32, #tpu.memory_space<vmem>>
      %dma_start3A_1696 = tpu.memref_squeeze %dma_start3A_1695 : memref<1x1024xf32, #tpu.memory_space<vmem>> -> memref<1024xf32, #tpu.memory_space<vmem>>
      %dma_start3A_1697 = arith.constant 0 : i32
      %dma_start3A_1698 = tpu.memref_slice %arg4[%select_n3A_1677, %select_n3A_1693, %dma_start3A_1697] : memref<1024x100x1024xf32, #tpu.memory_space<hbm>> -> memref<1x1x1024xf32, #tpu.memory_space<hbm>>
      %dma_start3A_1699 = tpu.memref_squeeze %dma_start3A_1698 : memref<1x1x1024xf32, #tpu.memory_space<hbm>> -> memref<1024xf32, #tpu.memory_space<hbm>>
      %dma_start3A_1700 = arith.constant 0 : i32
      %dma_start3A_1701 = tpu.memref_slice %arg4[%select_n3A_1677, %select_n3A_1693, %dma_start3A_1700] : memref<1024x100x1024xf32, #tpu.memory_space<hbm>> -> memref<1x1x1024xf32, #tpu.memory_space<hbm>>
      %dma_start3A_1702 = tpu.memref_squeeze %dma_start3A_1701 : memref<1x1x1024xf32, #tpu.memory_space<hbm>> -> memref<1024xf32, #tpu.memory_space<hbm>>
      %dma_start3A_1703 = arith.constant 0 : i32
      %dma_start3A_1704 = tpu.memref_slice %arg5[%squeeze3A_1653, %dma_start3A_1703] : memref<100x1024xf32, #tpu.memory_space<vmem>> -> memref<1x1024xf32, #tpu.memory_space<vmem>>
      %dma_start3A_1705 = tpu.memref_squeeze %dma_start3A_1704 : memref<1x1024xf32, #tpu.memory_space<vmem>> -> memref<1024xf32, #tpu.memory_space<vmem>>
      tpu.enqueue_dma source(%dma_start3A_1705 : memref<1024xf32, #tpu.memory_space<vmem>>) target(%dma_start3A_1702 : memref<1024xf32, #tpu.memory_space<hbm>>) target_semaphore(%arg7 : memref<!tpu.dma_semaphore, #tpu.memory_space<semaphore_mem>>)
      %add3A_1706 = arith.constant 10 : i32
      %add3A_1707 = arith.addi %add3A_1145, %add3A_1706 : i32
      %slice3A_1708 = vector.extract_strided_slice %get3A_1142 {offsets = [10], sizes = [1], strides = [1]} : vector<16xi32> to vector<1xi32>
      %squeeze3A_1709 = vector.extract %slice3A_1708[0] : i32 from vector<1xi32>
      %jit3A_1710 = arith.constant 100 : i32
      %div3A_1711 = arith.divsi %add3A_1707, %jit3A_1710 : i32
      %sign3A_1712 = arith.constant 0 : i32
      %sign3A_1713 = arith.cmpi sgt, %add3A_1707, %sign3A_1712 : i32
      %sign3A_1714 = arith.extui %sign3A_1713 : i1 to i32
      %sign3A_1715 = arith.constant 0 : i32
      %sign3A_1716 = arith.cmpi slt, %add3A_1707, %sign3A_1715 : i32
      %sign3A_1717 = arith.extui %sign3A_1716 : i1 to i32
      %sign3A_1718 = arith.subi %sign3A_1714, %sign3A_1717 : i32
      %sign3A_1719 = arith.constant 0 : i32
      %sign3A_1720 = arith.cmpi sgt, %jit3A_1710, %sign3A_1719 : i32
      %sign3A_1721 = arith.extui %sign3A_1720 : i1 to i32
      %sign3A_1722 = arith.constant 0 : i32
      %sign3A_1723 = arith.cmpi slt, %jit3A_1710, %sign3A_1722 : i32
      %sign3A_1724 = arith.extui %sign3A_1723 : i1 to i32
      %sign3A_1725 = arith.subi %sign3A_1721, %sign3A_1724 : i32
      %ne3A_1726 = arith.cmpi ne, %sign3A_1718, %sign3A_1725 : i32
      %rem3A_1727 = arith.remsi %add3A_1707, %jit3A_1710 : i32
      %ne3A_1728 = arith.constant 0 : i32
      %ne3A_1729 = arith.cmpi ne, %rem3A_1727, %ne3A_1728 : i32
      %and3A_1730 = arith.andi %ne3A_1726, %ne3A_1729 : i1
      %sub3A_1731 = arith.constant 1 : i32
      %sub3A_1732 = arith.subi %div3A_1711, %sub3A_1731 : i32
      %select_n3A_1733 = arith.select %and3A_1730, %sub3A_1732, %div3A_1711 : i32
      %jit3A_1734 = arith.constant 100 : i32
      %eq3A_1735 = arith.constant 0 : i32
      %eq3A_1736 = arith.cmpi eq, %jit3A_1734, %eq3A_1735 : i32
      %jit3A_1737 = arith.constant 1 : i32
      %select_n3A_1738 = arith.select %eq3A_1736, %jit3A_1737, %jit3A_1734 : i32
      %rem3A_1739 = arith.remsi %add3A_1707, %select_n3A_1738 : i32
      %ne3A_1740 = arith.constant 0 : i32
      %ne3A_1741 = arith.cmpi ne, %rem3A_1739, %ne3A_1740 : i32
      %lt3A_1742 = arith.constant 0 : i32
      %lt3A_1743 = arith.cmpi slt, %rem3A_1739, %lt3A_1742 : i32
      %lt3A_1744 = arith.constant 0 : i32
      %lt3A_1745 = arith.cmpi slt, %select_n3A_1738, %lt3A_1744 : i32
      %ne3A_1746 = arith.xori %lt3A_1743, %lt3A_1745 : i1
      %and3A_1747 = arith.andi %ne3A_1746, %ne3A_1741 : i1
      %add3A_1748 = arith.addi %rem3A_1739, %select_n3A_1738 : i32
      %select_n3A_1749 = arith.select %and3A_1747, %add3A_1748, %rem3A_1739 : i32
      %dma_start3A_1750 = arith.constant 0 : i32
      %dma_start3A_1751 = tpu.memref_slice %arg5[%squeeze3A_1709, %dma_start3A_1750] : memref<100x1024xf32, #tpu.memory_space<vmem>> -> memref<1x1024xf32, #tpu.memory_space<vmem>>
      %dma_start3A_1752 = tpu.memref_squeeze %dma_start3A_1751 : memref<1x1024xf32, #tpu.memory_space<vmem>> -> memref<1024xf32, #tpu.memory_space<vmem>>
      %dma_start3A_1753 = arith.constant 0 : i32
      %dma_start3A_1754 = tpu.memref_slice %arg4[%select_n3A_1733, %select_n3A_1749, %dma_start3A_1753] : memref<1024x100x1024xf32, #tpu.memory_space<hbm>> -> memref<1x1x1024xf32, #tpu.memory_space<hbm>>
      %dma_start3A_1755 = tpu.memref_squeeze %dma_start3A_1754 : memref<1x1x1024xf32, #tpu.memory_space<hbm>> -> memref<1024xf32, #tpu.memory_space<hbm>>
      %dma_start3A_1756 = arith.constant 0 : i32
      %dma_start3A_1757 = tpu.memref_slice %arg4[%select_n3A_1733, %select_n3A_1749, %dma_start3A_1756] : memref<1024x100x1024xf32, #tpu.memory_space<hbm>> -> memref<1x1x1024xf32, #tpu.memory_space<hbm>>
      %dma_start3A_1758 = tpu.memref_squeeze %dma_start3A_1757 : memref<1x1x1024xf32, #tpu.memory_space<hbm>> -> memref<1024xf32, #tpu.memory_space<hbm>>
      %dma_start3A_1759 = arith.constant 0 : i32
      %dma_start3A_1760 = tpu.memref_slice %arg5[%squeeze3A_1709, %dma_start3A_1759] : memref<100x1024xf32, #tpu.memory_space<vmem>> -> memref<1x1024xf32, #tpu.memory_space<vmem>>
      %dma_start3A_1761 = tpu.memref_squeeze %dma_start3A_1760 : memref<1x1024xf32, #tpu.memory_space<vmem>> -> memref<1024xf32, #tpu.memory_space<vmem>>
      tpu.enqueue_dma source(%dma_start3A_1761 : memref<1024xf32, #tpu.memory_space<vmem>>) target(%dma_start3A_1758 : memref<1024xf32, #tpu.memory_space<hbm>>) target_semaphore(%arg7 : memref<!tpu.dma_semaphore, #tpu.memory_space<semaphore_mem>>)
      %add3A_1762 = arith.constant 11 : i32
      %add3A_1763 = arith.addi %add3A_1145, %add3A_1762 : i32
      %slice3A_1764 = vector.extract_strided_slice %get3A_1142 {offsets = [11], sizes = [1], strides = [1]} : vector<16xi32> to vector<1xi32>
      %squeeze3A_1765 = vector.extract %slice3A_1764[0] : i32 from vector<1xi32>
      %jit3A_1766 = arith.constant 100 : i32
      %div3A_1767 = arith.divsi %add3A_1763, %jit3A_1766 : i32
      %sign3A_1768 = arith.constant 0 : i32
      %sign3A_1769 = arith.cmpi sgt, %add3A_1763, %sign3A_1768 : i32
      %sign3A_1770 = arith.extui %sign3A_1769 : i1 to i32
      %sign3A_1771 = arith.constant 0 : i32
      %sign3A_1772 = arith.cmpi slt, %add3A_1763, %sign3A_1771 : i32
      %sign3A_1773 = arith.extui %sign3A_1772 : i1 to i32
      %sign3A_1774 = arith.subi %sign3A_1770, %sign3A_1773 : i32
      %sign3A_1775 = arith.constant 0 : i32
      %sign3A_1776 = arith.cmpi sgt, %jit3A_1766, %sign3A_1775 : i32
      %sign3A_1777 = arith.extui %sign3A_1776 : i1 to i32
      %sign3A_1778 = arith.constant 0 : i32
      %sign3A_1779 = arith.cmpi slt, %jit3A_1766, %sign3A_1778 : i32
      %sign3A_1780 = arith.extui %sign3A_1779 : i1 to i32
      %sign3A_1781 = arith.subi %sign3A_1777, %sign3A_1780 : i32
      %ne3A_1782 = arith.cmpi ne, %sign3A_1774, %sign3A_1781 : i32
      %rem3A_1783 = arith.remsi %add3A_1763, %jit3A_1766 : i32
      %ne3A_1784 = arith.constant 0 : i32
      %ne3A_1785 = arith.cmpi ne, %rem3A_1783, %ne3A_1784 : i32
      %and3A_1786 = arith.andi %ne3A_1782, %ne3A_1785 : i1
      %sub3A_1787 = arith.constant 1 : i32
      %sub3A_1788 = arith.subi %div3A_1767, %sub3A_1787 : i32
      %select_n3A_1789 = arith.select %and3A_1786, %sub3A_1788, %div3A_1767 : i32
      %jit3A_1790 = arith.constant 100 : i32
      %eq3A_1791 = arith.constant 0 : i32
      %eq3A_1792 = arith.cmpi eq, %jit3A_1790, %eq3A_1791 : i32
      %jit3A_1793 = arith.constant 1 : i32
      %select_n3A_1794 = arith.select %eq3A_1792, %jit3A_1793, %jit3A_1790 : i32
      %rem3A_1795 = arith.remsi %add3A_1763, %select_n3A_1794 : i32
      %ne3A_1796 = arith.constant 0 : i32
      %ne3A_1797 = arith.cmpi ne, %rem3A_1795, %ne3A_1796 : i32
      %lt3A_1798 = arith.constant 0 : i32
      %lt3A_1799 = arith.cmpi slt, %rem3A_1795, %lt3A_1798 : i32
      %lt3A_1800 = arith.constant 0 : i32
      %lt3A_1801 = arith.cmpi slt, %select_n3A_1794, %lt3A_1800 : i32
      %ne3A_1802 = arith.xori %lt3A_1799, %lt3A_1801 : i1
      %and3A_1803 = arith.andi %ne3A_1802, %ne3A_1797 : i1
      %add3A_1804 = arith.addi %rem3A_1795, %select_n3A_1794 : i32
      %select_n3A_1805 = arith.select %and3A_1803, %add3A_1804, %rem3A_1795 : i32
      %dma_start3A_1806 = arith.constant 0 : i32
      %dma_start3A_1807 = tpu.memref_slice %arg5[%squeeze3A_1765, %dma_start3A_1806] : memref<100x1024xf32, #tpu.memory_space<vmem>> -> memref<1x1024xf32, #tpu.memory_space<vmem>>
      %dma_start3A_1808 = tpu.memref_squeeze %dma_start3A_1807 : memref<1x1024xf32, #tpu.memory_space<vmem>> -> memref<1024xf32, #tpu.memory_space<vmem>>
      %dma_start3A_1809 = arith.constant 0 : i32
      %dma_start3A_1810 = tpu.memref_slice %arg4[%select_n3A_1789, %select_n3A_1805, %dma_start3A_1809] : memref<1024x100x1024xf32, #tpu.memory_space<hbm>> -> memref<1x1x1024xf32, #tpu.memory_space<hbm>>
      %dma_start3A_1811 = tpu.memref_squeeze %dma_start3A_1810 : memref<1x1x1024xf32, #tpu.memory_space<hbm>> -> memref<1024xf32, #tpu.memory_space<hbm>>
      %dma_start3A_1812 = arith.constant 0 : i32
      %dma_start3A_1813 = tpu.memref_slice %arg4[%select_n3A_1789, %select_n3A_1805, %dma_start3A_1812] : memref<1024x100x1024xf32, #tpu.memory_space<hbm>> -> memref<1x1x1024xf32, #tpu.memory_space<hbm>>
      %dma_start3A_1814 = tpu.memref_squeeze %dma_start3A_1813 : memref<1x1x1024xf32, #tpu.memory_space<hbm>> -> memref<1024xf32, #tpu.memory_space<hbm>>
      %dma_start3A_1815 = arith.constant 0 : i32
      %dma_start3A_1816 = tpu.memref_slice %arg5[%squeeze3A_1765, %dma_start3A_1815] : memref<100x1024xf32, #tpu.memory_space<vmem>> -> memref<1x1024xf32, #tpu.memory_space<vmem>>
      %dma_start3A_1817 = tpu.memref_squeeze %dma_start3A_1816 : memref<1x1024xf32, #tpu.memory_space<vmem>> -> memref<1024xf32, #tpu.memory_space<vmem>>
      tpu.enqueue_dma source(%dma_start3A_1817 : memref<1024xf32, #tpu.memory_space<vmem>>) target(%dma_start3A_1814 : memref<1024xf32, #tpu.memory_space<hbm>>) target_semaphore(%arg7 : memref<!tpu.dma_semaphore, #tpu.memory_space<semaphore_mem>>)
      %add3A_1818 = arith.constant 12 : i32
      %add3A_1819 = arith.addi %add3A_1145, %add3A_1818 : i32
      %slice3A_1820 = vector.extract_strided_slice %get3A_1142 {offsets = [12], sizes = [1], strides = [1]} : vector<16xi32> to vector<1xi32>
      %squeeze3A_1821 = vector.extract %slice3A_1820[0] : i32 from vector<1xi32>
      %jit3A_1822 = arith.constant 100 : i32
      %div3A_1823 = arith.divsi %add3A_1819, %jit3A_1822 : i32
      %sign3A_1824 = arith.constant 0 : i32
      %sign3A_1825 = arith.cmpi sgt, %add3A_1819, %sign3A_1824 : i32
      %sign3A_1826 = arith.extui %sign3A_1825 : i1 to i32
      %sign3A_1827 = arith.constant 0 : i32
      %sign3A_1828 = arith.cmpi slt, %add3A_1819, %sign3A_1827 : i32
      %sign3A_1829 = arith.extui %sign3A_1828 : i1 to i32
      %sign3A_1830 = arith.subi %sign3A_1826, %sign3A_1829 : i32
      %sign3A_1831 = arith.constant 0 : i32
      %sign3A_1832 = arith.cmpi sgt, %jit3A_1822, %sign3A_1831 : i32
      %sign3A_1833 = arith.extui %sign3A_1832 : i1 to i32
      %sign3A_1834 = arith.constant 0 : i32
      %sign3A_1835 = arith.cmpi slt, %jit3A_1822, %sign3A_1834 : i32
      %sign3A_1836 = arith.extui %sign3A_1835 : i1 to i32
      %sign3A_1837 = arith.subi %sign3A_1833, %sign3A_1836 : i32
      %ne3A_1838 = arith.cmpi ne, %sign3A_1830, %sign3A_1837 : i32
      %rem3A_1839 = arith.remsi %add3A_1819, %jit3A_1822 : i32
      %ne3A_1840 = arith.constant 0 : i32
      %ne3A_1841 = arith.cmpi ne, %rem3A_1839, %ne3A_1840 : i32
      %and3A_1842 = arith.andi %ne3A_1838, %ne3A_1841 : i1
      %sub3A_1843 = arith.constant 1 : i32
      %sub3A_1844 = arith.subi %div3A_1823, %sub3A_1843 : i32
      %select_n3A_1845 = arith.select %and3A_1842, %sub3A_1844, %div3A_1823 : i32
      %jit3A_1846 = arith.constant 100 : i32
      %eq3A_1847 = arith.constant 0 : i32
      %eq3A_1848 = arith.cmpi eq, %jit3A_1846, %eq3A_1847 : i32
      %jit3A_1849 = arith.constant 1 : i32
      %select_n3A_1850 = arith.select %eq3A_1848, %jit3A_1849, %jit3A_1846 : i32
      %rem3A_1851 = arith.remsi %add3A_1819, %select_n3A_1850 : i32
      %ne3A_1852 = arith.constant 0 : i32
      %ne3A_1853 = arith.cmpi ne, %rem3A_1851, %ne3A_1852 : i32
      %lt3A_1854 = arith.constant 0 : i32
      %lt3A_1855 = arith.cmpi slt, %rem3A_1851, %lt3A_1854 : i32
      %lt3A_1856 = arith.constant 0 : i32
      %lt3A_1857 = arith.cmpi slt, %select_n3A_1850, %lt3A_1856 : i32
      %ne3A_1858 = arith.xori %lt3A_1855, %lt3A_1857 : i1
      %and3A_1859 = arith.andi %ne3A_1858, %ne3A_1853 : i1
      %add3A_1860 = arith.addi %rem3A_1851, %select_n3A_1850 : i32
      %select_n3A_1861 = arith.select %and3A_1859, %add3A_1860, %rem3A_1851 : i32
      %dma_start3A_1862 = arith.constant 0 : i32
      %dma_start3A_1863 = tpu.memref_slice %arg5[%squeeze3A_1821, %dma_start3A_1862] : memref<100x1024xf32, #tpu.memory_space<vmem>> -> memref<1x1024xf32, #tpu.memory_space<vmem>>
      %dma_start3A_1864 = tpu.memref_squeeze %dma_start3A_1863 : memref<1x1024xf32, #tpu.memory_space<vmem>> -> memref<1024xf32, #tpu.memory_space<vmem>>
      %dma_start3A_1865 = arith.constant 0 : i32
      %dma_start3A_1866 = tpu.memref_slice %arg4[%select_n3A_1845, %select_n3A_1861, %dma_start3A_1865] : memref<1024x100x1024xf32, #tpu.memory_space<hbm>> -> memref<1x1x1024xf32, #tpu.memory_space<hbm>>
      %dma_start3A_1867 = tpu.memref_squeeze %dma_start3A_1866 : memref<1x1x1024xf32, #tpu.memory_space<hbm>> -> memref<1024xf32, #tpu.memory_space<hbm>>
      %dma_start3A_1868 = arith.constant 0 : i32
      %dma_start3A_1869 = tpu.memref_slice %arg4[%select_n3A_1845, %select_n3A_1861, %dma_start3A_1868] : memref<1024x100x1024xf32, #tpu.memory_space<hbm>> -> memref<1x1x1024xf32, #tpu.memory_space<hbm>>
      %dma_start3A_1870 = tpu.memref_squeeze %dma_start3A_1869 : memref<1x1x1024xf32, #tpu.memory_space<hbm>> -> memref<1024xf32, #tpu.memory_space<hbm>>
      %dma_start3A_1871 = arith.constant 0 : i32
      %dma_start3A_1872 = tpu.memref_slice %arg5[%squeeze3A_1821, %dma_start3A_1871] : memref<100x1024xf32, #tpu.memory_space<vmem>> -> memref<1x1024xf32, #tpu.memory_space<vmem>>
      %dma_start3A_1873 = tpu.memref_squeeze %dma_start3A_1872 : memref<1x1024xf32, #tpu.memory_space<vmem>> -> memref<1024xf32, #tpu.memory_space<vmem>>
      tpu.enqueue_dma source(%dma_start3A_1873 : memref<1024xf32, #tpu.memory_space<vmem>>) target(%dma_start3A_1870 : memref<1024xf32, #tpu.memory_space<hbm>>) target_semaphore(%arg7 : memref<!tpu.dma_semaphore, #tpu.memory_space<semaphore_mem>>)
      %add3A_1874 = arith.constant 13 : i32
      %add3A_1875 = arith.addi %add3A_1145, %add3A_1874 : i32
      %slice3A_1876 = vector.extract_strided_slice %get3A_1142 {offsets = [13], sizes = [1], strides = [1]} : vector<16xi32> to vector<1xi32>
      %squeeze3A_1877 = vector.extract %slice3A_1876[0] : i32 from vector<1xi32>
      %jit3A_1878 = arith.constant 100 : i32
      %div3A_1879 = arith.divsi %add3A_1875, %jit3A_1878 : i32
      %sign3A_1880 = arith.constant 0 : i32
      %sign3A_1881 = arith.cmpi sgt, %add3A_1875, %sign3A_1880 : i32
      %sign3A_1882 = arith.extui %sign3A_1881 : i1 to i32
      %sign3A_1883 = arith.constant 0 : i32
      %sign3A_1884 = arith.cmpi slt, %add3A_1875, %sign3A_1883 : i32
      %sign3A_1885 = arith.extui %sign3A_1884 : i1 to i32
      %sign3A_1886 = arith.subi %sign3A_1882, %sign3A_1885 : i32
      %sign3A_1887 = arith.constant 0 : i32
      %sign3A_1888 = arith.cmpi sgt, %jit3A_1878, %sign3A_1887 : i32
      %sign3A_1889 = arith.extui %sign3A_1888 : i1 to i32
      %sign3A_1890 = arith.constant 0 : i32
      %sign3A_1891 = arith.cmpi slt, %jit3A_1878, %sign3A_1890 : i32
      %sign3A_1892 = arith.extui %sign3A_1891 : i1 to i32
      %sign3A_1893 = arith.subi %sign3A_1889, %sign3A_1892 : i32
      %ne3A_1894 = arith.cmpi ne, %sign3A_1886, %sign3A_1893 : i32
      %rem3A_1895 = arith.remsi %add3A_1875, %jit3A_1878 : i32
      %ne3A_1896 = arith.constant 0 : i32
      %ne3A_1897 = arith.cmpi ne, %rem3A_1895, %ne3A_1896 : i32
      %and3A_1898 = arith.andi %ne3A_1894, %ne3A_1897 : i1
      %sub3A_1899 = arith.constant 1 : i32
      %sub3A_1900 = arith.subi %div3A_1879, %sub3A_1899 : i32
      %select_n3A_1901 = arith.select %and3A_1898, %sub3A_1900, %div3A_1879 : i32
      %jit3A_1902 = arith.constant 100 : i32
      %eq3A_1903 = arith.constant 0 : i32
      %eq3A_1904 = arith.cmpi eq, %jit3A_1902, %eq3A_1903 : i32
      %jit3A_1905 = arith.constant 1 : i32
      %select_n3A_1906 = arith.select %eq3A_1904, %jit3A_1905, %jit3A_1902 : i32
      %rem3A_1907 = arith.remsi %add3A_1875, %select_n3A_1906 : i32
      %ne3A_1908 = arith.constant 0 : i32
      %ne3A_1909 = arith.cmpi ne, %rem3A_1907, %ne3A_1908 : i32
      %lt3A_1910 = arith.constant 0 : i32
      %lt3A_1911 = arith.cmpi slt, %rem3A_1907, %lt3A_1910 : i32
      %lt3A_1912 = arith.constant 0 : i32
      %lt3A_1913 = arith.cmpi slt, %select_n3A_1906, %lt3A_1912 : i32
      %ne3A_1914 = arith.xori %lt3A_1911, %lt3A_1913 : i1
      %and3A_1915 = arith.andi %ne3A_1914, %ne3A_1909 : i1
      %add3A_1916 = arith.addi %rem3A_1907, %select_n3A_1906 : i32
      %select_n3A_1917 = arith.select %and3A_1915, %add3A_1916, %rem3A_1907 : i32
      %dma_start3A_1918 = arith.constant 0 : i32
      %dma_start3A_1919 = tpu.memref_slice %arg5[%squeeze3A_1877, %dma_start3A_1918] : memref<100x1024xf32, #tpu.memory_space<vmem>> -> memref<1x1024xf32, #tpu.memory_space<vmem>>
      %dma_start3A_1920 = tpu.memref_squeeze %dma_start3A_1919 : memref<1x1024xf32, #tpu.memory_space<vmem>> -> memref<1024xf32, #tpu.memory_space<vmem>>
      %dma_start3A_1921 = arith.constant 0 : i32
      %dma_start3A_1922 = tpu.memref_slice %arg4[%select_n3A_1901, %select_n3A_1917, %dma_start3A_1921] : memref<1024x100x1024xf32, #tpu.memory_space<hbm>> -> memref<1x1x1024xf32, #tpu.memory_space<hbm>>
      %dma_start3A_1923 = tpu.memref_squeeze %dma_start3A_1922 : memref<1x1x1024xf32, #tpu.memory_space<hbm>> -> memref<1024xf32, #tpu.memory_space<hbm>>
      %dma_start3A_1924 = arith.constant 0 : i32
      %dma_start3A_1925 = tpu.memref_slice %arg4[%select_n3A_1901, %select_n3A_1917, %dma_start3A_1924] : memref<1024x100x1024xf32, #tpu.memory_space<hbm>> -> memref<1x1x1024xf32, #tpu.memory_space<hbm>>
      %dma_start3A_1926 = tpu.memref_squeeze %dma_start3A_1925 : memref<1x1x1024xf32, #tpu.memory_space<hbm>> -> memref<1024xf32, #tpu.memory_space<hbm>>
      %dma_start3A_1927 = arith.constant 0 : i32
      %dma_start3A_1928 = tpu.memref_slice %arg5[%squeeze3A_1877, %dma_start3A_1927] : memref<100x1024xf32, #tpu.memory_space<vmem>> -> memref<1x1024xf32, #tpu.memory_space<vmem>>
      %dma_start3A_1929 = tpu.memref_squeeze %dma_start3A_1928 : memref<1x1024xf32, #tpu.memory_space<vmem>> -> memref<1024xf32, #tpu.memory_space<vmem>>
      tpu.enqueue_dma source(%dma_start3A_1929 : memref<1024xf32, #tpu.memory_space<vmem>>) target(%dma_start3A_1926 : memref<1024xf32, #tpu.memory_space<hbm>>) target_semaphore(%arg7 : memref<!tpu.dma_semaphore, #tpu.memory_space<semaphore_mem>>)
      %add3A_1930 = arith.constant 14 : i32
      %add3A_1931 = arith.addi %add3A_1145, %add3A_1930 : i32
      %slice3A_1932 = vector.extract_strided_slice %get3A_1142 {offsets = [14], sizes = [1], strides = [1]} : vector<16xi32> to vector<1xi32>
      %squeeze3A_1933 = vector.extract %slice3A_1932[0] : i32 from vector<1xi32>
      %jit3A_1934 = arith.constant 100 : i32
      %div3A_1935 = arith.divsi %add3A_1931, %jit3A_1934 : i32
      %sign3A_1936 = arith.constant 0 : i32
      %sign3A_1937 = arith.cmpi sgt, %add3A_1931, %sign3A_1936 : i32
      %sign3A_1938 = arith.extui %sign3A_1937 : i1 to i32
      %sign3A_1939 = arith.constant 0 : i32
      %sign3A_1940 = arith.cmpi slt, %add3A_1931, %sign3A_1939 : i32
      %sign3A_1941 = arith.extui %sign3A_1940 : i1 to i32
      %sign3A_1942 = arith.subi %sign3A_1938, %sign3A_1941 : i32
      %sign3A_1943 = arith.constant 0 : i32
      %sign3A_1944 = arith.cmpi sgt, %jit3A_1934, %sign3A_1943 : i32
      %sign3A_1945 = arith.extui %sign3A_1944 : i1 to i32
      %sign3A_1946 = arith.constant 0 : i32
      %sign3A_1947 = arith.cmpi slt, %jit3A_1934, %sign3A_1946 : i32
      %sign3A_1948 = arith.extui %sign3A_1947 : i1 to i32
      %sign3A_1949 = arith.subi %sign3A_1945, %sign3A_1948 : i32
      %ne3A_1950 = arith.cmpi ne, %sign3A_1942, %sign3A_1949 : i32
      %rem3A_1951 = arith.remsi %add3A_1931, %jit3A_1934 : i32
      %ne3A_1952 = arith.constant 0 : i32
      %ne3A_1953 = arith.cmpi ne, %rem3A_1951, %ne3A_1952 : i32
      %and3A_1954 = arith.andi %ne3A_1950, %ne3A_1953 : i1
      %sub3A_1955 = arith.constant 1 : i32
      %sub3A_1956 = arith.subi %div3A_1935, %sub3A_1955 : i32
      %select_n3A_1957 = arith.select %and3A_1954, %sub3A_1956, %div3A_1935 : i32
      %jit3A_1958 = arith.constant 100 : i32
      %eq3A_1959 = arith.constant 0 : i32
      %eq3A_1960 = arith.cmpi eq, %jit3A_1958, %eq3A_1959 : i32
      %jit3A_1961 = arith.constant 1 : i32
      %select_n3A_1962 = arith.select %eq3A_1960, %jit3A_1961, %jit3A_1958 : i32
      %rem3A_1963 = arith.remsi %add3A_1931, %select_n3A_1962 : i32
      %ne3A_1964 = arith.constant 0 : i32
      %ne3A_1965 = arith.cmpi ne, %rem3A_1963, %ne3A_1964 : i32
      %lt3A_1966 = arith.constant 0 : i32
      %lt3A_1967 = arith.cmpi slt, %rem3A_1963, %lt3A_1966 : i32
      %lt3A_1968 = arith.constant 0 : i32
      %lt3A_1969 = arith.cmpi slt, %select_n3A_1962, %lt3A_1968 : i32
      %ne3A_1970 = arith.xori %lt3A_1967, %lt3A_1969 : i1
      %and3A_1971 = arith.andi %ne3A_1970, %ne3A_1965 : i1
      %add3A_1972 = arith.addi %rem3A_1963, %select_n3A_1962 : i32
      %select_n3A_1973 = arith.select %and3A_1971, %add3A_1972, %rem3A_1963 : i32
      %dma_start3A_1974 = arith.constant 0 : i32
      %dma_start3A_1975 = tpu.memref_slice %arg5[%squeeze3A_1933, %dma_start3A_1974] : memref<100x1024xf32, #tpu.memory_space<vmem>> -> memref<1x1024xf32, #tpu.memory_space<vmem>>
      %dma_start3A_1976 = tpu.memref_squeeze %dma_start3A_1975 : memref<1x1024xf32, #tpu.memory_space<vmem>> -> memref<1024xf32, #tpu.memory_space<vmem>>
      %dma_start3A_1977 = arith.constant 0 : i32
      %dma_start3A_1978 = tpu.memref_slice %arg4[%select_n3A_1957, %select_n3A_1973, %dma_start3A_1977] : memref<1024x100x1024xf32, #tpu.memory_space<hbm>> -> memref<1x1x1024xf32, #tpu.memory_space<hbm>>
      %dma_start3A_1979 = tpu.memref_squeeze %dma_start3A_1978 : memref<1x1x1024xf32, #tpu.memory_space<hbm>> -> memref<1024xf32, #tpu.memory_space<hbm>>
      %dma_start3A_1980 = arith.constant 0 : i32
      %dma_start3A_1981 = tpu.memref_slice %arg4[%select_n3A_1957, %select_n3A_1973, %dma_start3A_1980] : memref<1024x100x1024xf32, #tpu.memory_space<hbm>> -> memref<1x1x1024xf32, #tpu.memory_space<hbm>>
      %dma_start3A_1982 = tpu.memref_squeeze %dma_start3A_1981 : memref<1x1x1024xf32, #tpu.memory_space<hbm>> -> memref<1024xf32, #tpu.memory_space<hbm>>
      %dma_start3A_1983 = arith.constant 0 : i32
      %dma_start3A_1984 = tpu.memref_slice %arg5[%squeeze3A_1933, %dma_start3A_1983] : memref<100x1024xf32, #tpu.memory_space<vmem>> -> memref<1x1024xf32, #tpu.memory_space<vmem>>
      %dma_start3A_1985 = tpu.memref_squeeze %dma_start3A_1984 : memref<1x1024xf32, #tpu.memory_space<vmem>> -> memref<1024xf32, #tpu.memory_space<vmem>>
      tpu.enqueue_dma source(%dma_start3A_1985 : memref<1024xf32, #tpu.memory_space<vmem>>) target(%dma_start3A_1982 : memref<1024xf32, #tpu.memory_space<hbm>>) target_semaphore(%arg7 : memref<!tpu.dma_semaphore, #tpu.memory_space<semaphore_mem>>)
      %add3A_1986 = arith.constant 15 : i32
      %add3A_1987 = arith.addi %add3A_1145, %add3A_1986 : i32
      %slice3A_1988 = vector.extract_strided_slice %get3A_1142 {offsets = [15], sizes = [1], strides = [1]} : vector<16xi32> to vector<1xi32>
      %squeeze3A_1989 = vector.extract %slice3A_1988[0] : i32 from vector<1xi32>
      %jit3A_1990 = arith.constant 100 : i32
      %div3A_1991 = arith.divsi %add3A_1987, %jit3A_1990 : i32
      %sign3A_1992 = arith.constant 0 : i32
      %sign3A_1993 = arith.cmpi sgt, %add3A_1987, %sign3A_1992 : i32
      %sign3A_1994 = arith.extui %sign3A_1993 : i1 to i32
      %sign3A_1995 = arith.constant 0 : i32
      %sign3A_1996 = arith.cmpi slt, %add3A_1987, %sign3A_1995 : i32
      %sign3A_1997 = arith.extui %sign3A_1996 : i1 to i32
      %sign3A_1998 = arith.subi %sign3A_1994, %sign3A_1997 : i32
      %sign3A_1999 = arith.constant 0 : i32
      %sign3A_2000 = arith.cmpi sgt, %jit3A_1990, %sign3A_1999 : i32
      %sign3A_2001 = arith.extui %sign3A_2000 : i1 to i32
      %sign3A_2002 = arith.constant 0 : i32
      %sign3A_2003 = arith.cmpi slt, %jit3A_1990, %sign3A_2002 : i32
      %sign3A_2004 = arith.extui %sign3A_2003 : i1 to i32
      %sign3A_2005 = arith.subi %sign3A_2001, %sign3A_2004 : i32
      %ne3A_2006 = arith.cmpi ne, %sign3A_1998, %sign3A_2005 : i32
      %rem3A_2007 = arith.remsi %add3A_1987, %jit3A_1990 : i32
      %ne3A_2008 = arith.constant 0 : i32
      %ne3A_2009 = arith.cmpi ne, %rem3A_2007, %ne3A_2008 : i32
      %and3A_2010 = arith.andi %ne3A_2006, %ne3A_2009 : i1
      %sub3A_2011 = arith.constant 1 : i32
      %sub3A_2012 = arith.subi %div3A_1991, %sub3A_2011 : i32
      %select_n3A_2013 = arith.select %and3A_2010, %sub3A_2012, %div3A_1991 : i32
      %jit3A_2014 = arith.constant 100 : i32
      %eq3A_2015 = arith.constant 0 : i32
      %eq3A_2016 = arith.cmpi eq, %jit3A_2014, %eq3A_2015 : i32
      %jit3A_2017 = arith.constant 1 : i32
      %select_n3A_2018 = arith.select %eq3A_2016, %jit3A_2017, %jit3A_2014 : i32
      %rem3A_2019 = arith.remsi %add3A_1987, %select_n3A_2018 : i32
      %ne3A_2020 = arith.constant 0 : i32
      %ne3A_2021 = arith.cmpi ne, %rem3A_2019, %ne3A_2020 : i32
      %lt3A_2022 = arith.constant 0 : i32
      %lt3A_2023 = arith.cmpi slt, %rem3A_2019, %lt3A_2022 : i32
      %lt3A_2024 = arith.constant 0 : i32
      %lt3A_2025 = arith.cmpi slt, %select_n3A_2018, %lt3A_2024 : i32
      %ne3A_2026 = arith.xori %lt3A_2023, %lt3A_2025 : i1
      %and3A_2027 = arith.andi %ne3A_2026, %ne3A_2021 : i1
      %add3A_2028 = arith.addi %rem3A_2019, %select_n3A_2018 : i32
      %select_n3A_2029 = arith.select %and3A_2027, %add3A_2028, %rem3A_2019 : i32
      %dma_start3A_2030 = arith.constant 0 : i32
      %dma_start3A_2031 = tpu.memref_slice %arg5[%squeeze3A_1989, %dma_start3A_2030] : memref<100x1024xf32, #tpu.memory_space<vmem>> -> memref<1x1024xf32, #tpu.memory_space<vmem>>
      %dma_start3A_2032 = tpu.memref_squeeze %dma_start3A_2031 : memref<1x1024xf32, #tpu.memory_space<vmem>> -> memref<1024xf32, #tpu.memory_space<vmem>>
      %dma_start3A_2033 = arith.constant 0 : i32
      %dma_start3A_2034 = tpu.memref_slice %arg4[%select_n3A_2013, %select_n3A_2029, %dma_start3A_2033] : memref<1024x100x1024xf32, #tpu.memory_space<hbm>> -> memref<1x1x1024xf32, #tpu.memory_space<hbm>>
      %dma_start3A_2035 = tpu.memref_squeeze %dma_start3A_2034 : memref<1x1x1024xf32, #tpu.memory_space<hbm>> -> memref<1024xf32, #tpu.memory_space<hbm>>
      %dma_start3A_2036 = arith.constant 0 : i32
      %dma_start3A_2037 = tpu.memref_slice %arg4[%select_n3A_2013, %select_n3A_2029, %dma_start3A_2036] : memref<1024x100x1024xf32, #tpu.memory_space<hbm>> -> memref<1x1x1024xf32, #tpu.memory_space<hbm>>
      %dma_start3A_2038 = tpu.memref_squeeze %dma_start3A_2037 : memref<1x1x1024xf32, #tpu.memory_space<hbm>> -> memref<1024xf32, #tpu.memory_space<hbm>>
      %dma_start3A_2039 = arith.constant 0 : i32
      %dma_start3A_2040 = tpu.memref_slice %arg5[%squeeze3A_1989, %dma_start3A_2039] : memref<100x1024xf32, #tpu.memory_space<vmem>> -> memref<1x1024xf32, #tpu.memory_space<vmem>>
      %dma_start3A_2041 = tpu.memref_squeeze %dma_start3A_2040 : memref<1x1024xf32, #tpu.memory_space<vmem>> -> memref<1024xf32, #tpu.memory_space<vmem>>
      tpu.enqueue_dma source(%dma_start3A_2041 : memref<1024xf32, #tpu.memory_space<vmem>>) target(%dma_start3A_2038 : memref<1024xf32, #tpu.memory_space<hbm>>) target_semaphore(%arg7 : memref<!tpu.dma_semaphore, #tpu.memory_space<semaphore_mem>>)
      %dma_wait3A_2042 = arith.constant 0 : i32
      %dma_wait3A_2043 = arith.constant 0 : i32
      %dma_wait3A_2044 = arith.constant 0 : i32
      %dma_wait3A_2045 = arith.constant 0 : i32
      %dma_wait3A_2046 = tpu.memref_slice %arg5[%dma_wait3A_2042, %dma_wait3A_2045] : memref<100x1024xf32, #tpu.memory_space<vmem>> -> memref<1x1024xf32, #tpu.memory_space<vmem>>
      %dma_wait3A_2047 = tpu.memref_squeeze %dma_wait3A_2046 : memref<1x1024xf32, #tpu.memory_space<vmem>> -> memref<1024xf32, #tpu.memory_space<vmem>>
      %dma_wait3A_2048 = arith.constant 0 : i32
      %dma_wait3A_2049 = tpu.memref_slice %arg4[%dma_wait3A_2043, %dma_wait3A_2044, %dma_wait3A_2048] : memref<1024x100x1024xf32, #tpu.memory_space<hbm>> -> memref<1x1x1024xf32, #tpu.memory_space<hbm>>
      %dma_wait3A_2050 = tpu.memref_squeeze %dma_wait3A_2049 : memref<1x1x1024xf32, #tpu.memory_space<hbm>> -> memref<1024xf32, #tpu.memory_space<hbm>>
      %dma_wait3A_2051 = arith.constant 0 : i32
      %dma_wait3A_2052 = tpu.memref_slice %arg4[%dma_wait3A_2043, %dma_wait3A_2044, %dma_wait3A_2051] : memref<1024x100x1024xf32, #tpu.memory_space<hbm>> -> memref<1x1x1024xf32, #tpu.memory_space<hbm>>
      %dma_wait3A_2053 = tpu.memref_squeeze %dma_wait3A_2052 : memref<1x1x1024xf32, #tpu.memory_space<hbm>> -> memref<1024xf32, #tpu.memory_space<hbm>>
      %dma_wait3A_2054 = arith.constant 0 : i32
      %dma_wait3A_2055 = tpu.memref_slice %arg5[%dma_wait3A_2042, %dma_wait3A_2054] : memref<100x1024xf32, #tpu.memory_space<vmem>> -> memref<1x1024xf32, #tpu.memory_space<vmem>>
      %dma_wait3A_2056 = tpu.memref_squeeze %dma_wait3A_2055 : memref<1x1024xf32, #tpu.memory_space<vmem>> -> memref<1024xf32, #tpu.memory_space<vmem>>
      tpu.wait_dma2 semaphore(%arg7 : memref<!tpu.dma_semaphore, #tpu.memory_space<semaphore_mem>>) src(%dma_wait3A_2056 : memref<1024xf32, #tpu.memory_space<vmem>>) dst(%dma_wait3A_2053 : memref<1024xf32, #tpu.memory_space<hbm>>)
      %dma_wait3A_2057 = arith.constant 0 : i32
      %dma_wait3A_2058 = arith.constant 0 : i32
      %dma_wait3A_2059 = arith.constant 0 : i32
      %dma_wait3A_2060 = arith.constant 0 : i32
      %dma_wait3A_2061 = tpu.memref_slice %arg5[%dma_wait3A_2057, %dma_wait3A_2060] : memref<100x1024xf32, #tpu.memory_space<vmem>> -> memref<1x1024xf32, #tpu.memory_space<vmem>>
      %dma_wait3A_2062 = tpu.memref_squeeze %dma_wait3A_2061 : memref<1x1024xf32, #tpu.memory_space<vmem>> -> memref<1024xf32, #tpu.memory_space<vmem>>
      %dma_wait3A_2063 = arith.constant 0 : i32
      %dma_wait3A_2064 = tpu.memref_slice %arg4[%dma_wait3A_2058, %dma_wait3A_2059, %dma_wait3A_2063] : memref<1024x100x1024xf32, #tpu.memory_space<hbm>> -> memref<1x1x1024xf32, #tpu.memory_space<hbm>>
      %dma_wait3A_2065 = tpu.memref_squeeze %dma_wait3A_2064 : memref<1x1x1024xf32, #tpu.memory_space<hbm>> -> memref<1024xf32, #tpu.memory_space<hbm>>
      %dma_wait3A_2066 = arith.constant 0 : i32
      %dma_wait3A_2067 = tpu.memref_slice %arg4[%dma_wait3A_2058, %dma_wait3A_2059, %dma_wait3A_2066] : memref<1024x100x1024xf32, #tpu.memory_space<hbm>> -> memref<1x1x1024xf32, #tpu.memory_space<hbm>>
      %dma_wait3A_2068 = tpu.memref_squeeze %dma_wait3A_2067 : memref<1x1x1024xf32, #tpu.memory_space<hbm>> -> memref<1024xf32, #tpu.memory_space<hbm>>
      %dma_wait3A_2069 = arith.constant 0 : i32
      %dma_wait3A_2070 = tpu.memref_slice %arg5[%dma_wait3A_2057, %dma_wait3A_2069] : memref<100x1024xf32, #tpu.memory_space<vmem>> -> memref<1x1024xf32, #tpu.memory_space<vmem>>
      %dma_wait3A_2071 = tpu.memref_squeeze %dma_wait3A_2070 : memref<1x1024xf32, #tpu.memory_space<vmem>> -> memref<1024xf32, #tpu.memory_space<vmem>>
      tpu.wait_dma2 semaphore(%arg7 : memref<!tpu.dma_semaphore, #tpu.memory_space<semaphore_mem>>) src(%dma_wait3A_2071 : memref<1024xf32, #tpu.memory_space<vmem>>) dst(%dma_wait3A_2068 : memref<1024xf32, #tpu.memory_space<hbm>>)
      %dma_wait3A_2072 = arith.constant 0 : i32
      %dma_wait3A_2073 = arith.constant 0 : i32
      %dma_wait3A_2074 = arith.constant 0 : i32
      %dma_wait3A_2075 = arith.constant 0 : i32
      %dma_wait3A_2076 = tpu.memref_slice %arg5[%dma_wait3A_2072, %dma_wait3A_2075] : memref<100x1024xf32, #tpu.memory_space<vmem>> -> memref<1x1024xf32, #tpu.memory_space<vmem>>
      %dma_wait3A_2077 = tpu.memref_squeeze %dma_wait3A_2076 : memref<1x1024xf32, #tpu.memory_space<vmem>> -> memref<1024xf32, #tpu.memory_space<vmem>>
      %dma_wait3A_2078 = arith.constant 0 : i32
      %dma_wait3A_2079 = tpu.memref_slice %arg4[%dma_wait3A_2073, %dma_wait3A_2074, %dma_wait3A_2078] : memref<1024x100x1024xf32, #tpu.memory_space<hbm>> -> memref<1x1x1024xf32, #tpu.memory_space<hbm>>
      %dma_wait3A_2080 = tpu.memref_squeeze %dma_wait3A_2079 : memref<1x1x1024xf32, #tpu.memory_space<hbm>> -> memref<1024xf32, #tpu.memory_space<hbm>>
      %dma_wait3A_2081 = arith.constant 0 : i32
      %dma_wait3A_2082 = tpu.memref_slice %arg4[%dma_wait3A_2073, %dma_wait3A_2074, %dma_wait3A_2081] : memref<1024x100x1024xf32, #tpu.memory_space<hbm>> -> memref<1x1x1024xf32, #tpu.memory_space<hbm>>
      %dma_wait3A_2083 = tpu.memref_squeeze %dma_wait3A_2082 : memref<1x1x1024xf32, #tpu.memory_space<hbm>> -> memref<1024xf32, #tpu.memory_space<hbm>>
      %dma_wait3A_2084 = arith.constant 0 : i32
      %dma_wait3A_2085 = tpu.memref_slice %arg5[%dma_wait3A_2072, %dma_wait3A_2084] : memref<100x1024xf32, #tpu.memory_space<vmem>> -> memref<1x1024xf32, #tpu.memory_space<vmem>>
      %dma_wait3A_2086 = tpu.memref_squeeze %dma_wait3A_2085 : memref<1x1024xf32, #tpu.memory_space<vmem>> -> memref<1024xf32, #tpu.memory_space<vmem>>
      tpu.wait_dma2 semaphore(%arg7 : memref<!tpu.dma_semaphore, #tpu.memory_space<semaphore_mem>>) src(%dma_wait3A_2086 : memref<1024xf32, #tpu.memory_space<vmem>>) dst(%dma_wait3A_2083 : memref<1024xf32, #tpu.memory_space<hbm>>)
      %dma_wait3A_2087 = arith.constant 0 : i32
      %dma_wait3A_2088 = arith.constant 0 : i32
      %dma_wait3A_2089 = arith.constant 0 : i32
      %dma_wait3A_2090 = arith.constant 0 : i32
      %dma_wait3A_2091 = tpu.memref_slice %arg5[%dma_wait3A_2087, %dma_wait3A_2090] : memref<100x1024xf32, #tpu.memory_space<vmem>> -> memref<1x1024xf32, #tpu.memory_space<vmem>>
      %dma_wait3A_2092 = tpu.memref_squeeze %dma_wait3A_2091 : memref<1x1024xf32, #tpu.memory_space<vmem>> -> memref<1024xf32, #tpu.memory_space<vmem>>
      %dma_wait3A_2093 = arith.constant 0 : i32
      %dma_wait3A_2094 = tpu.memref_slice %arg4[%dma_wait3A_2088, %dma_wait3A_2089, %dma_wait3A_2093] : memref<1024x100x1024xf32, #tpu.memory_space<hbm>> -> memref<1x1x1024xf32, #tpu.memory_space<hbm>>
      %dma_wait3A_2095 = tpu.memref_squeeze %dma_wait3A_2094 : memref<1x1x1024xf32, #tpu.memory_space<hbm>> -> memref<1024xf32, #tpu.memory_space<hbm>>
      %dma_wait3A_2096 = arith.constant 0 : i32
      %dma_wait3A_2097 = tpu.memref_slice %arg4[%dma_wait3A_2088, %dma_wait3A_2089, %dma_wait3A_2096] : memref<1024x100x1024xf32, #tpu.memory_space<hbm>> -> memref<1x1x1024xf32, #tpu.memory_space<hbm>>
      %dma_wait3A_2098 = tpu.memref_squeeze %dma_wait3A_2097 : memref<1x1x1024xf32, #tpu.memory_space<hbm>> -> memref<1024xf32, #tpu.memory_space<hbm>>
      %dma_wait3A_2099 = arith.constant 0 : i32
      %dma_wait3A_2100 = tpu.memref_slice %arg5[%dma_wait3A_2087, %dma_wait3A_2099] : memref<100x1024xf32, #tpu.memory_space<vmem>> -> memref<1x1024xf32, #tpu.memory_space<vmem>>
      %dma_wait3A_2101 = tpu.memref_squeeze %dma_wait3A_2100 : memref<1x1024xf32, #tpu.memory_space<vmem>> -> memref<1024xf32, #tpu.memory_space<vmem>>
      tpu.wait_dma2 semaphore(%arg7 : memref<!tpu.dma_semaphore, #tpu.memory_space<semaphore_mem>>) src(%dma_wait3A_2101 : memref<1024xf32, #tpu.memory_space<vmem>>) dst(%dma_wait3A_2098 : memref<1024xf32, #tpu.memory_space<hbm>>)
      %dma_wait3A_2102 = arith.constant 0 : i32
      %dma_wait3A_2103 = arith.constant 0 : i32
      %dma_wait3A_2104 = arith.constant 0 : i32
      %dma_wait3A_2105 = arith.constant 0 : i32
      %dma_wait3A_2106 = tpu.memref_slice %arg5[%dma_wait3A_2102, %dma_wait3A_2105] : memref<100x1024xf32, #tpu.memory_space<vmem>> -> memref<1x1024xf32, #tpu.memory_space<vmem>>
      %dma_wait3A_2107 = tpu.memref_squeeze %dma_wait3A_2106 : memref<1x1024xf32, #tpu.memory_space<vmem>> -> memref<1024xf32, #tpu.memory_space<vmem>>
      %dma_wait3A_2108 = arith.constant 0 : i32
      %dma_wait3A_2109 = tpu.memref_slice %arg4[%dma_wait3A_2103, %dma_wait3A_2104, %dma_wait3A_2108] : memref<1024x100x1024xf32, #tpu.memory_space<hbm>> -> memref<1x1x1024xf32, #tpu.memory_space<hbm>>
      %dma_wait3A_2110 = tpu.memref_squeeze %dma_wait3A_2109 : memref<1x1x1024xf32, #tpu.memory_space<hbm>> -> memref<1024xf32, #tpu.memory_space<hbm>>
      %dma_wait3A_2111 = arith.constant 0 : i32
      %dma_wait3A_2112 = tpu.memref_slice %arg4[%dma_wait3A_2103, %dma_wait3A_2104, %dma_wait3A_2111] : memref<1024x100x1024xf32, #tpu.memory_space<hbm>> -> memref<1x1x1024xf32, #tpu.memory_space<hbm>>
      %dma_wait3A_2113 = tpu.memref_squeeze %dma_wait3A_2112 : memref<1x1x1024xf32, #tpu.memory_space<hbm>> -> memref<1024xf32, #tpu.memory_space<hbm>>
      %dma_wait3A_2114 = arith.constant 0 : i32
      %dma_wait3A_2115 = tpu.memref_slice %arg5[%dma_wait3A_2102, %dma_wait3A_2114] : memref<100x1024xf32, #tpu.memory_space<vmem>> -> memref<1x1024xf32, #tpu.memory_space<vmem>>
      %dma_wait3A_2116 = tpu.memref_squeeze %dma_wait3A_2115 : memref<1x1024xf32, #tpu.memory_space<vmem>> -> memref<1024xf32, #tpu.memory_space<vmem>>
      tpu.wait_dma2 semaphore(%arg7 : memref<!tpu.dma_semaphore, #tpu.memory_space<semaphore_mem>>) src(%dma_wait3A_2116 : memref<1024xf32, #tpu.memory_space<vmem>>) dst(%dma_wait3A_2113 : memref<1024xf32, #tpu.memory_space<hbm>>)
      %dma_wait3A_2117 = arith.constant 0 : i32
      %dma_wait3A_2118 = arith.constant 0 : i32
      %dma_wait3A_2119 = arith.constant 0 : i32
      %dma_wait3A_2120 = arith.constant 0 : i32
      %dma_wait3A_2121 = tpu.memref_slice %arg5[%dma_wait3A_2117, %dma_wait3A_2120] : memref<100x1024xf32, #tpu.memory_space<vmem>> -> memref<1x1024xf32, #tpu.memory_space<vmem>>
      %dma_wait3A_2122 = tpu.memref_squeeze %dma_wait3A_2121 : memref<1x1024xf32, #tpu.memory_space<vmem>> -> memref<1024xf32, #tpu.memory_space<vmem>>
      %dma_wait3A_2123 = arith.constant 0 : i32
      %dma_wait3A_2124 = tpu.memref_slice %arg4[%dma_wait3A_2118, %dma_wait3A_2119, %dma_wait3A_2123] : memref<1024x100x1024xf32, #tpu.memory_space<hbm>> -> memref<1x1x1024xf32, #tpu.memory_space<hbm>>
      %dma_wait3A_2125 = tpu.memref_squeeze %dma_wait3A_2124 : memref<1x1x1024xf32, #tpu.memory_space<hbm>> -> memref<1024xf32, #tpu.memory_space<hbm>>
      %dma_wait3A_2126 = arith.constant 0 : i32
      %dma_wait3A_2127 = tpu.memref_slice %arg4[%dma_wait3A_2118, %dma_wait3A_2119, %dma_wait3A_2126] : memref<1024x100x1024xf32, #tpu.memory_space<hbm>> -> memref<1x1x1024xf32, #tpu.memory_space<hbm>>
      %dma_wait3A_2128 = tpu.memref_squeeze %dma_wait3A_2127 : memref<1x1x1024xf32, #tpu.memory_space<hbm>> -> memref<1024xf32, #tpu.memory_space<hbm>>
      %dma_wait3A_2129 = arith.constant 0 : i32
      %dma_wait3A_2130 = tpu.memref_slice %arg5[%dma_wait3A_2117, %dma_wait3A_2129] : memref<100x1024xf32, #tpu.memory_space<vmem>> -> memref<1x1024xf32, #tpu.memory_space<vmem>>
      %dma_wait3A_2131 = tpu.memref_squeeze %dma_wait3A_2130 : memref<1x1024xf32, #tpu.memory_space<vmem>> -> memref<1024xf32, #tpu.memory_space<vmem>>
      tpu.wait_dma2 semaphore(%arg7 : memref<!tpu.dma_semaphore, #tpu.memory_space<semaphore_mem>>) src(%dma_wait3A_2131 : memref<1024xf32, #tpu.memory_space<vmem>>) dst(%dma_wait3A_2128 : memref<1024xf32, #tpu.memory_space<hbm>>)
      %dma_wait3A_2132 = arith.constant 0 : i32
      %dma_wait3A_2133 = arith.constant 0 : i32
      %dma_wait3A_2134 = arith.constant 0 : i32
      %dma_wait3A_2135 = arith.constant 0 : i32
      %dma_wait3A_2136 = tpu.memref_slice %arg5[%dma_wait3A_2132, %dma_wait3A_2135] : memref<100x1024xf32, #tpu.memory_space<vmem>> -> memref<1x1024xf32, #tpu.memory_space<vmem>>
      %dma_wait3A_2137 = tpu.memref_squeeze %dma_wait3A_2136 : memref<1x1024xf32, #tpu.memory_space<vmem>> -> memref<1024xf32, #tpu.memory_space<vmem>>
      %dma_wait3A_2138 = arith.constant 0 : i32
      %dma_wait3A_2139 = tpu.memref_slice %arg4[%dma_wait3A_2133, %dma_wait3A_2134, %dma_wait3A_2138] : memref<1024x100x1024xf32, #tpu.memory_space<hbm>> -> memref<1x1x1024xf32, #tpu.memory_space<hbm>>
      %dma_wait3A_2140 = tpu.memref_squeeze %dma_wait3A_2139 : memref<1x1x1024xf32, #tpu.memory_space<hbm>> -> memref<1024xf32, #tpu.memory_space<hbm>>
      %dma_wait3A_2141 = arith.constant 0 : i32
      %dma_wait3A_2142 = tpu.memref_slice %arg4[%dma_wait3A_2133, %dma_wait3A_2134, %dma_wait3A_2141] : memref<1024x100x1024xf32, #tpu.memory_space<hbm>> -> memref<1x1x1024xf32, #tpu.memory_space<hbm>>
      %dma_wait3A_2143 = tpu.memref_squeeze %dma_wait3A_2142 : memref<1x1x1024xf32, #tpu.memory_space<hbm>> -> memref<1024xf32, #tpu.memory_space<hbm>>
      %dma_wait3A_2144 = arith.constant 0 : i32
      %dma_wait3A_2145 = tpu.memref_slice %arg5[%dma_wait3A_2132, %dma_wait3A_2144] : memref<100x1024xf32, #tpu.memory_space<vmem>> -> memref<1x1024xf32, #tpu.memory_space<vmem>>
      %dma_wait3A_2146 = tpu.memref_squeeze %dma_wait3A_2145 : memref<1x1024xf32, #tpu.memory_space<vmem>> -> memref<1024xf32, #tpu.memory_space<vmem>>
      tpu.wait_dma2 semaphore(%arg7 : memref<!tpu.dma_semaphore, #tpu.memory_space<semaphore_mem>>) src(%dma_wait3A_2146 : memref<1024xf32, #tpu.memory_space<vmem>>) dst(%dma_wait3A_2143 : memref<1024xf32, #tpu.memory_space<hbm>>)
      %dma_wait3A_2147 = arith.constant 0 : i32
      %dma_wait3A_2148 = arith.constant 0 : i32
      %dma_wait3A_2149 = arith.constant 0 : i32
      %dma_wait3A_2150 = arith.constant 0 : i32
      %dma_wait3A_2151 = tpu.memref_slice %arg5[%dma_wait3A_2147, %dma_wait3A_2150] : memref<100x1024xf32, #tpu.memory_space<vmem>> -> memref<1x1024xf32, #tpu.memory_space<vmem>>
      %dma_wait3A_2152 = tpu.memref_squeeze %dma_wait3A_2151 : memref<1x1024xf32, #tpu.memory_space<vmem>> -> memref<1024xf32, #tpu.memory_space<vmem>>
      %dma_wait3A_2153 = arith.constant 0 : i32
      %dma_wait3A_2154 = tpu.memref_slice %arg4[%dma_wait3A_2148, %dma_wait3A_2149, %dma_wait3A_2153] : memref<1024x100x1024xf32, #tpu.memory_space<hbm>> -> memref<1x1x1024xf32, #tpu.memory_space<hbm>>
      %dma_wait3A_2155 = tpu.memref_squeeze %dma_wait3A_2154 : memref<1x1x1024xf32, #tpu.memory_space<hbm>> -> memref<1024xf32, #tpu.memory_space<hbm>>
      %dma_wait3A_2156 = arith.constant 0 : i32
      %dma_wait3A_2157 = tpu.memref_slice %arg4[%dma_wait3A_2148, %dma_wait3A_2149, %dma_wait3A_2156] : memref<1024x100x1024xf32, #tpu.memory_space<hbm>> -> memref<1x1x1024xf32, #tpu.memory_space<hbm>>
      %dma_wait3A_2158 = tpu.memref_squeeze %dma_wait3A_2157 : memref<1x1x1024xf32, #tpu.memory_space<hbm>> -> memref<1024xf32, #tpu.memory_space<hbm>>
      %dma_wait3A_2159 = arith.constant 0 : i32
      %dma_wait3A_2160 = tpu.memref_slice %arg5[%dma_wait3A_2147, %dma_wait3A_2159] : memref<100x1024xf32, #tpu.memory_space<vmem>> -> memref<1x1024xf32, #tpu.memory_space<vmem>>
      %dma_wait3A_2161 = tpu.memref_squeeze %dma_wait3A_2160 : memref<1x1024xf32, #tpu.memory_space<vmem>> -> memref<1024xf32, #tpu.memory_space<vmem>>
      tpu.wait_dma2 semaphore(%arg7 : memref<!tpu.dma_semaphore, #tpu.memory_space<semaphore_mem>>) src(%dma_wait3A_2161 : memref<1024xf32, #tpu.memory_space<vmem>>) dst(%dma_wait3A_2158 : memref<1024xf32, #tpu.memory_space<hbm>>)
      %dma_wait3A_2162 = arith.constant 0 : i32
      %dma_wait3A_2163 = arith.constant 0 : i32
      %dma_wait3A_2164 = arith.constant 0 : i32
      %dma_wait3A_2165 = arith.constant 0 : i32
      %dma_wait3A_2166 = tpu.memref_slice %arg5[%dma_wait3A_2162, %dma_wait3A_2165] : memref<100x1024xf32, #tpu.memory_space<vmem>> -> memref<1x1024xf32, #tpu.memory_space<vmem>>
      %dma_wait3A_2167 = tpu.memref_squeeze %dma_wait3A_2166 : memref<1x1024xf32, #tpu.memory_space<vmem>> -> memref<1024xf32, #tpu.memory_space<vmem>>
      %dma_wait3A_2168 = arith.constant 0 : i32
      %dma_wait3A_2169 = tpu.memref_slice %arg4[%dma_wait3A_2163, %dma_wait3A_2164, %dma_wait3A_2168] : memref<1024x100x1024xf32, #tpu.memory_space<hbm>> -> memref<1x1x1024xf32, #tpu.memory_space<hbm>>
      %dma_wait3A_2170 = tpu.memref_squeeze %dma_wait3A_2169 : memref<1x1x1024xf32, #tpu.memory_space<hbm>> -> memref<1024xf32, #tpu.memory_space<hbm>>
      %dma_wait3A_2171 = arith.constant 0 : i32
      %dma_wait3A_2172 = tpu.memref_slice %arg4[%dma_wait3A_2163, %dma_wait3A_2164, %dma_wait3A_2171] : memref<1024x100x1024xf32, #tpu.memory_space<hbm>> -> memref<1x1x1024xf32, #tpu.memory_space<hbm>>
      %dma_wait3A_2173 = tpu.memref_squeeze %dma_wait3A_2172 : memref<1x1x1024xf32, #tpu.memory_space<hbm>> -> memref<1024xf32, #tpu.memory_space<hbm>>
      %dma_wait3A_2174 = arith.constant 0 : i32
      %dma_wait3A_2175 = tpu.memref_slice %arg5[%dma_wait3A_2162, %dma_wait3A_2174] : memref<100x1024xf32, #tpu.memory_space<vmem>> -> memref<1x1024xf32, #tpu.memory_space<vmem>>
      %dma_wait3A_2176 = tpu.memref_squeeze %dma_wait3A_2175 : memref<1x1024xf32, #tpu.memory_space<vmem>> -> memref<1024xf32, #tpu.memory_space<vmem>>
      tpu.wait_dma2 semaphore(%arg7 : memref<!tpu.dma_semaphore, #tpu.memory_space<semaphore_mem>>) src(%dma_wait3A_2176 : memref<1024xf32, #tpu.memory_space<vmem>>) dst(%dma_wait3A_2173 : memref<1024xf32, #tpu.memory_space<hbm>>)
      %dma_wait3A_2177 = arith.constant 0 : i32
      %dma_wait3A_2178 = arith.constant 0 : i32
      %dma_wait3A_2179 = arith.constant 0 : i32
      %dma_wait3A_2180 = arith.constant 0 : i32
      %dma_wait3A_2181 = tpu.memref_slice %arg5[%dma_wait3A_2177, %dma_wait3A_2180] : memref<100x1024xf32, #tpu.memory_space<vmem>> -> memref<1x1024xf32, #tpu.memory_space<vmem>>
      %dma_wait3A_2182 = tpu.memref_squeeze %dma_wait3A_2181 : memref<1x1024xf32, #tpu.memory_space<vmem>> -> memref<1024xf32, #tpu.memory_space<vmem>>
      %dma_wait3A_2183 = arith.constant 0 : i32
      %dma_wait3A_2184 = tpu.memref_slice %arg4[%dma_wait3A_2178, %dma_wait3A_2179, %dma_wait3A_2183] : memref<1024x100x1024xf32, #tpu.memory_space<hbm>> -> memref<1x1x1024xf32, #tpu.memory_space<hbm>>
      %dma_wait3A_2185 = tpu.memref_squeeze %dma_wait3A_2184 : memref<1x1x1024xf32, #tpu.memory_space<hbm>> -> memref<1024xf32, #tpu.memory_space<hbm>>
      %dma_wait3A_2186 = arith.constant 0 : i32
      %dma_wait3A_2187 = tpu.memref_slice %arg4[%dma_wait3A_2178, %dma_wait3A_2179, %dma_wait3A_2186] : memref<1024x100x1024xf32, #tpu.memory_space<hbm>> -> memref<1x1x1024xf32, #tpu.memory_space<hbm>>
      %dma_wait3A_2188 = tpu.memref_squeeze %dma_wait3A_2187 : memref<1x1x1024xf32, #tpu.memory_space<hbm>> -> memref<1024xf32, #tpu.memory_space<hbm>>
      %dma_wait3A_2189 = arith.constant 0 : i32
      %dma_wait3A_2190 = tpu.memref_slice %arg5[%dma_wait3A_2177, %dma_wait3A_2189] : memref<100x1024xf32, #tpu.memory_space<vmem>> -> memref<1x1024xf32, #tpu.memory_space<vmem>>
      %dma_wait3A_2191 = tpu.memref_squeeze %dma_wait3A_2190 : memref<1x1024xf32, #tpu.memory_space<vmem>> -> memref<1024xf32, #tpu.memory_space<vmem>>
      tpu.wait_dma2 semaphore(%arg7 : memref<!tpu.dma_semaphore, #tpu.memory_space<semaphore_mem>>) src(%dma_wait3A_2191 : memref<1024xf32, #tpu.memory_space<vmem>>) dst(%dma_wait3A_2188 : memref<1024xf32, #tpu.memory_space<hbm>>)
      %dma_wait3A_2192 = arith.constant 0 : i32
      %dma_wait3A_2193 = arith.constant 0 : i32
      %dma_wait3A_2194 = arith.constant 0 : i32
      %dma_wait3A_2195 = arith.constant 0 : i32
      %dma_wait3A_2196 = tpu.memref_slice %arg5[%dma_wait3A_2192, %dma_wait3A_2195] : memref<100x1024xf32, #tpu.memory_space<vmem>> -> memref<1x1024xf32, #tpu.memory_space<vmem>>
      %dma_wait3A_2197 = tpu.memref_squeeze %dma_wait3A_2196 : memref<1x1024xf32, #tpu.memory_space<vmem>> -> memref<1024xf32, #tpu.memory_space<vmem>>
      %dma_wait3A_2198 = arith.constant 0 : i32
      %dma_wait3A_2199 = tpu.memref_slice %arg4[%dma_wait3A_2193, %dma_wait3A_2194, %dma_wait3A_2198] : memref<1024x100x1024xf32, #tpu.memory_space<hbm>> -> memref<1x1x1024xf32, #tpu.memory_space<hbm>>
      %dma_wait3A_2200 = tpu.memref_squeeze %dma_wait3A_2199 : memref<1x1x1024xf32, #tpu.memory_space<hbm>> -> memref<1024xf32, #tpu.memory_space<hbm>>
      %dma_wait3A_2201 = arith.constant 0 : i32
      %dma_wait3A_2202 = tpu.memref_slice %arg4[%dma_wait3A_2193, %dma_wait3A_2194, %dma_wait3A_2201] : memref<1024x100x1024xf32, #tpu.memory_space<hbm>> -> memref<1x1x1024xf32, #tpu.memory_space<hbm>>
      %dma_wait3A_2203 = tpu.memref_squeeze %dma_wait3A_2202 : memref<1x1x1024xf32, #tpu.memory_space<hbm>> -> memref<1024xf32, #tpu.memory_space<hbm>>
      %dma_wait3A_2204 = arith.constant 0 : i32
      %dma_wait3A_2205 = tpu.memref_slice %arg5[%dma_wait3A_2192, %dma_wait3A_2204] : memref<100x1024xf32, #tpu.memory_space<vmem>> -> memref<1x1024xf32, #tpu.memory_space<vmem>>
      %dma_wait3A_2206 = tpu.memref_squeeze %dma_wait3A_2205 : memref<1x1024xf32, #tpu.memory_space<vmem>> -> memref<1024xf32, #tpu.memory_space<vmem>>
      tpu.wait_dma2 semaphore(%arg7 : memref<!tpu.dma_semaphore, #tpu.memory_space<semaphore_mem>>) src(%dma_wait3A_2206 : memref<1024xf32, #tpu.memory_space<vmem>>) dst(%dma_wait3A_2203 : memref<1024xf32, #tpu.memory_space<hbm>>)
      %dma_wait3A_2207 = arith.constant 0 : i32
      %dma_wait3A_2208 = arith.constant 0 : i32
      %dma_wait3A_2209 = arith.constant 0 : i32
      %dma_wait3A_2210 = arith.constant 0 : i32
      %dma_wait3A_2211 = tpu.memref_slice %arg5[%dma_wait3A_2207, %dma_wait3A_2210] : memref<100x1024xf32, #tpu.memory_space<vmem>> -> memref<1x1024xf32, #tpu.memory_space<vmem>>
      %dma_wait3A_2212 = tpu.memref_squeeze %dma_wait3A_2211 : memref<1x1024xf32, #tpu.memory_space<vmem>> -> memref<1024xf32, #tpu.memory_space<vmem>>
      %dma_wait3A_2213 = arith.constant 0 : i32
      %dma_wait3A_2214 = tpu.memref_slice %arg4[%dma_wait3A_2208, %dma_wait3A_2209, %dma_wait3A_2213] : memref<1024x100x1024xf32, #tpu.memory_space<hbm>> -> memref<1x1x1024xf32, #tpu.memory_space<hbm>>
      %dma_wait3A_2215 = tpu.memref_squeeze %dma_wait3A_2214 : memref<1x1x1024xf32, #tpu.memory_space<hbm>> -> memref<1024xf32, #tpu.memory_space<hbm>>
      %dma_wait3A_2216 = arith.constant 0 : i32
      %dma_wait3A_2217 = tpu.memref_slice %arg4[%dma_wait3A_2208, %dma_wait3A_2209, %dma_wait3A_2216] : memref<1024x100x1024xf32, #tpu.memory_space<hbm>> -> memref<1x1x1024xf32, #tpu.memory_space<hbm>>
      %dma_wait3A_2218 = tpu.memref_squeeze %dma_wait3A_2217 : memref<1x1x1024xf32, #tpu.memory_space<hbm>> -> memref<1024xf32, #tpu.memory_space<hbm>>
      %dma_wait3A_2219 = arith.constant 0 : i32
      %dma_wait3A_2220 = tpu.memref_slice %arg5[%dma_wait3A_2207, %dma_wait3A_2219] : memref<100x1024xf32, #tpu.memory_space<vmem>> -> memref<1x1024xf32, #tpu.memory_space<vmem>>
      %dma_wait3A_2221 = tpu.memref_squeeze %dma_wait3A_2220 : memref<1x1024xf32, #tpu.memory_space<vmem>> -> memref<1024xf32, #tpu.memory_space<vmem>>
      tpu.wait_dma2 semaphore(%arg7 : memref<!tpu.dma_semaphore, #tpu.memory_space<semaphore_mem>>) src(%dma_wait3A_2221 : memref<1024xf32, #tpu.memory_space<vmem>>) dst(%dma_wait3A_2218 : memref<1024xf32, #tpu.memory_space<hbm>>)
      %dma_wait3A_2222 = arith.constant 0 : i32
      %dma_wait3A_2223 = arith.constant 0 : i32
      %dma_wait3A_2224 = arith.constant 0 : i32
      %dma_wait3A_2225 = arith.constant 0 : i32
      %dma_wait3A_2226 = tpu.memref_slice %arg5[%dma_wait3A_2222, %dma_wait3A_2225] : memref<100x1024xf32, #tpu.memory_space<vmem>> -> memref<1x1024xf32, #tpu.memory_space<vmem>>
      %dma_wait3A_2227 = tpu.memref_squeeze %dma_wait3A_2226 : memref<1x1024xf32, #tpu.memory_space<vmem>> -> memref<1024xf32, #tpu.memory_space<vmem>>
      %dma_wait3A_2228 = arith.constant 0 : i32
      %dma_wait3A_2229 = tpu.memref_slice %arg4[%dma_wait3A_2223, %dma_wait3A_2224, %dma_wait3A_2228] : memref<1024x100x1024xf32, #tpu.memory_space<hbm>> -> memref<1x1x1024xf32, #tpu.memory_space<hbm>>
      %dma_wait3A_2230 = tpu.memref_squeeze %dma_wait3A_2229 : memref<1x1x1024xf32, #tpu.memory_space<hbm>> -> memref<1024xf32, #tpu.memory_space<hbm>>
      %dma_wait3A_2231 = arith.constant 0 : i32
      %dma_wait3A_2232 = tpu.memref_slice %arg4[%dma_wait3A_2223, %dma_wait3A_2224, %dma_wait3A_2231] : memref<1024x100x1024xf32, #tpu.memory_space<hbm>> -> memref<1x1x1024xf32, #tpu.memory_space<hbm>>
      %dma_wait3A_2233 = tpu.memref_squeeze %dma_wait3A_2232 : memref<1x1x1024xf32, #tpu.memory_space<hbm>> -> memref<1024xf32, #tpu.memory_space<hbm>>
      %dma_wait3A_2234 = arith.constant 0 : i32
      %dma_wait3A_2235 = tpu.memref_slice %arg5[%dma_wait3A_2222, %dma_wait3A_2234] : memref<100x1024xf32, #tpu.memory_space<vmem>> -> memref<1x1024xf32, #tpu.memory_space<vmem>>
      %dma_wait3A_2236 = tpu.memref_squeeze %dma_wait3A_2235 : memref<1x1024xf32, #tpu.memory_space<vmem>> -> memref<1024xf32, #tpu.memory_space<vmem>>
      tpu.wait_dma2 semaphore(%arg7 : memref<!tpu.dma_semaphore, #tpu.memory_space<semaphore_mem>>) src(%dma_wait3A_2236 : memref<1024xf32, #tpu.memory_space<vmem>>) dst(%dma_wait3A_2233 : memref<1024xf32, #tpu.memory_space<hbm>>)
      %dma_wait3A_2237 = arith.constant 0 : i32
      %dma_wait3A_2238 = arith.constant 0 : i32
      %dma_wait3A_2239 = arith.constant 0 : i32
      %dma_wait3A_2240 = arith.constant 0 : i32
      %dma_wait3A_2241 = tpu.memref_slice %arg5[%dma_wait3A_2237, %dma_wait3A_2240] : memref<100x1024xf32, #tpu.memory_space<vmem>> -> memref<1x1024xf32, #tpu.memory_space<vmem>>
      %dma_wait3A_2242 = tpu.memref_squeeze %dma_wait3A_2241 : memref<1x1024xf32, #tpu.memory_space<vmem>> -> memref<1024xf32, #tpu.memory_space<vmem>>
      %dma_wait3A_2243 = arith.constant 0 : i32
      %dma_wait3A_2244 = tpu.memref_slice %arg4[%dma_wait3A_2238, %dma_wait3A_2239, %dma_wait3A_2243] : memref<1024x100x1024xf32, #tpu.memory_space<hbm>> -> memref<1x1x1024xf32, #tpu.memory_space<hbm>>
      %dma_wait3A_2245 = tpu.memref_squeeze %dma_wait3A_2244 : memref<1x1x1024xf32, #tpu.memory_space<hbm>> -> memref<1024xf32, #tpu.memory_space<hbm>>
      %dma_wait3A_2246 = arith.constant 0 : i32
      %dma_wait3A_2247 = tpu.memref_slice %arg4[%dma_wait3A_2238, %dma_wait3A_2239, %dma_wait3A_2246] : memref<1024x100x1024xf32, #tpu.memory_space<hbm>> -> memref<1x1x1024xf32, #tpu.memory_space<hbm>>
      %dma_wait3A_2248 = tpu.memref_squeeze %dma_wait3A_2247 : memref<1x1x1024xf32, #tpu.memory_space<hbm>> -> memref<1024xf32, #tpu.memory_space<hbm>>
      %dma_wait3A_2249 = arith.constant 0 : i32
      %dma_wait3A_2250 = tpu.memref_slice %arg5[%dma_wait3A_2237, %dma_wait3A_2249] : memref<100x1024xf32, #tpu.memory_space<vmem>> -> memref<1x1024xf32, #tpu.memory_space<vmem>>
      %dma_wait3A_2251 = tpu.memref_squeeze %dma_wait3A_2250 : memref<1x1024xf32, #tpu.memory_space<vmem>> -> memref<1024xf32, #tpu.memory_space<vmem>>
      tpu.wait_dma2 semaphore(%arg7 : memref<!tpu.dma_semaphore, #tpu.memory_space<semaphore_mem>>) src(%dma_wait3A_2251 : memref<1024xf32, #tpu.memory_space<vmem>>) dst(%dma_wait3A_2248 : memref<1024xf32, #tpu.memory_space<hbm>>)
      %dma_wait3A_2252 = arith.constant 0 : i32
      %dma_wait3A_2253 = arith.constant 0 : i32
      %dma_wait3A_2254 = arith.constant 0 : i32
      %dma_wait3A_2255 = arith.constant 0 : i32
      %dma_wait3A_2256 = tpu.memref_slice %arg5[%dma_wait3A_2252, %dma_wait3A_2255] : memref<100x1024xf32, #tpu.memory_space<vmem>> -> memref<1x1024xf32, #tpu.memory_space<vmem>>
      %dma_wait3A_2257 = tpu.memref_squeeze %dma_wait3A_2256 : memref<1x1024xf32, #tpu.memory_space<vmem>> -> memref<1024xf32, #tpu.memory_space<vmem>>
      %dma_wait3A_2258 = arith.constant 0 : i32
      %dma_wait3A_2259 = tpu.memref_slice %arg4[%dma_wait3A_2253, %dma_wait3A_2254, %dma_wait3A_2258] : memref<1024x100x1024xf32, #tpu.memory_space<hbm>> -> memref<1x1x1024xf32, #tpu.memory_space<hbm>>
      %dma_wait3A_2260 = tpu.memref_squeeze %dma_wait3A_2259 : memref<1x1x1024xf32, #tpu.memory_space<hbm>> -> memref<1024xf32, #tpu.memory_space<hbm>>
      %dma_wait3A_2261 = arith.constant 0 : i32
      %dma_wait3A_2262 = tpu.memref_slice %arg4[%dma_wait3A_2253, %dma_wait3A_2254, %dma_wait3A_2261] : memref<1024x100x1024xf32, #tpu.memory_space<hbm>> -> memref<1x1x1024xf32, #tpu.memory_space<hbm>>
      %dma_wait3A_2263 = tpu.memref_squeeze %dma_wait3A_2262 : memref<1x1x1024xf32, #tpu.memory_space<hbm>> -> memref<1024xf32, #tpu.memory_space<hbm>>
      %dma_wait3A_2264 = arith.constant 0 : i32
      %dma_wait3A_2265 = tpu.memref_slice %arg5[%dma_wait3A_2252, %dma_wait3A_2264] : memref<100x1024xf32, #tpu.memory_space<vmem>> -> memref<1x1024xf32, #tpu.memory_space<vmem>>
      %dma_wait3A_2266 = tpu.memref_squeeze %dma_wait3A_2265 : memref<1x1024xf32, #tpu.memory_space<vmem>> -> memref<1024xf32, #tpu.memory_space<vmem>>
      tpu.wait_dma2 semaphore(%arg7 : memref<!tpu.dma_semaphore, #tpu.memory_space<semaphore_mem>>) src(%dma_wait3A_2266 : memref<1024xf32, #tpu.memory_space<vmem>>) dst(%dma_wait3A_2263 : memref<1024xf32, #tpu.memory_space<hbm>>)
      %dma_wait3A_2267 = arith.constant 0 : i32
      %dma_wait3A_2268 = arith.constant 0 : i32
      %dma_wait3A_2269 = arith.constant 0 : i32
      %dma_wait3A_2270 = arith.constant 0 : i32
      %dma_wait3A_2271 = tpu.memref_slice %arg5[%dma_wait3A_2267, %dma_wait3A_2270] : memref<100x1024xf32, #tpu.memory_space<vmem>> -> memref<1x1024xf32, #tpu.memory_space<vmem>>
      %dma_wait3A_2272 = tpu.memref_squeeze %dma_wait3A_2271 : memref<1x1024xf32, #tpu.memory_space<vmem>> -> memref<1024xf32, #tpu.memory_space<vmem>>
      %dma_wait3A_2273 = arith.constant 0 : i32
      %dma_wait3A_2274 = tpu.memref_slice %arg4[%dma_wait3A_2268, %dma_wait3A_2269, %dma_wait3A_2273] : memref<1024x100x1024xf32, #tpu.memory_space<hbm>> -> memref<1x1x1024xf32, #tpu.memory_space<hbm>>
      %dma_wait3A_2275 = tpu.memref_squeeze %dma_wait3A_2274 : memref<1x1x1024xf32, #tpu.memory_space<hbm>> -> memref<1024xf32, #tpu.memory_space<hbm>>
      %dma_wait3A_2276 = arith.constant 0 : i32
      %dma_wait3A_2277 = tpu.memref_slice %arg4[%dma_wait3A_2268, %dma_wait3A_2269, %dma_wait3A_2276] : memref<1024x100x1024xf32, #tpu.memory_space<hbm>> -> memref<1x1x1024xf32, #tpu.memory_space<hbm>>
      %dma_wait3A_2278 = tpu.memref_squeeze %dma_wait3A_2277 : memref<1x1x1024xf32, #tpu.memory_space<hbm>> -> memref<1024xf32, #tpu.memory_space<hbm>>
      %dma_wait3A_2279 = arith.constant 0 : i32
      %dma_wait3A_2280 = tpu.memref_slice %arg5[%dma_wait3A_2267, %dma_wait3A_2279] : memref<100x1024xf32, #tpu.memory_space<vmem>> -> memref<1x1024xf32, #tpu.memory_space<vmem>>
      %dma_wait3A_2281 = tpu.memref_squeeze %dma_wait3A_2280 : memref<1x1024xf32, #tpu.memory_space<vmem>> -> memref<1024xf32, #tpu.memory_space<vmem>>
      tpu.wait_dma2 semaphore(%arg7 : memref<!tpu.dma_semaphore, #tpu.memory_space<semaphore_mem>>) src(%dma_wait3A_2281 : memref<1024xf32, #tpu.memory_space<vmem>>) dst(%dma_wait3A_2278 : memref<1024xf32, #tpu.memory_space<hbm>>)
    }
    %scan3A_893 = arith.constant 199 : i32
    %dma_wait3A = arith.constant 0 : i32
    %dma_wait3A_894 = arith.constant 0 : i32
    %dma_wait3A_895 = arith.constant 0 : i32
    %dma_wait3A_896 = arith.constant 0 : i32
    %dma_wait3A_897 = tpu.memref_slice %arg5[%dma_wait3A, %dma_wait3A_896] : memref<100x1024xf32, #tpu.memory_space<vmem>> -> memref<1x1024xf32, #tpu.memory_space<vmem>>
    %dma_wait3A_898 = tpu.memref_squeeze %dma_wait3A_897 : memref<1x1024xf32, #tpu.memory_space<vmem>> -> memref<1024xf32, #tpu.memory_space<vmem>>
    %dma_wait3A_899 = arith.constant 0 : i32
    %dma_wait3A_900 = tpu.memref_slice %arg4[%dma_wait3A_894, %dma_wait3A_895, %dma_wait3A_899] : memref<1024x100x1024xf32, #tpu.memory_space<hbm>> -> memref<1x1x1024xf32, #tpu.memory_space<hbm>>
    %dma_wait3A_901 = tpu.memref_squeeze %dma_wait3A_900 : memref<1x1x1024xf32, #tpu.memory_space<hbm>> -> memref<1024xf32, #tpu.memory_space<hbm>>
    %dma_wait3A_902 = arith.constant 0 : i32
    %dma_wait3A_903 = tpu.memref_slice %arg4[%dma_wait3A_894, %dma_wait3A_895, %dma_wait3A_902] : memref<1024x100x1024xf32, #tpu.memory_space<hbm>> -> memref<1x1x1024xf32, #tpu.memory_space<hbm>>
    %dma_wait3A_904 = tpu.memref_squeeze %dma_wait3A_903 : memref<1x1x1024xf32, #tpu.memory_space<hbm>> -> memref<1024xf32, #tpu.memory_space<hbm>>
    %dma_wait3A_905 = arith.constant 0 : i32
    %dma_wait3A_906 = tpu.memref_slice %arg5[%dma_wait3A, %dma_wait3A_905] : memref<100x1024xf32, #tpu.memory_space<vmem>> -> memref<1x1024xf32, #tpu.memory_space<vmem>>
    %dma_wait3A_907 = tpu.memref_squeeze %dma_wait3A_906 : memref<1x1024xf32, #tpu.memory_space<vmem>> -> memref<1024xf32, #tpu.memory_space<vmem>>
    tpu.wait_dma2 semaphore(%arg7 : memref<!tpu.dma_semaphore, #tpu.memory_space<semaphore_mem>>) src(%dma_wait3A_907 : memref<1024xf32, #tpu.memory_space<vmem>>) dst(%dma_wait3A_904 : memref<1024xf32, #tpu.memory_space<hbm>>)
    %dma_wait3A_908 = arith.constant 0 : i32
    %dma_wait3A_909 = arith.constant 0 : i32
    %dma_wait3A_910 = arith.constant 0 : i32
    %dma_wait3A_911 = arith.constant 0 : i32
    %dma_wait3A_912 = tpu.memref_slice %arg5[%dma_wait3A_908, %dma_wait3A_911] : memref<100x1024xf32, #tpu.memory_space<vmem>> -> memref<1x1024xf32, #tpu.memory_space<vmem>>
    %dma_wait3A_913 = tpu.memref_squeeze %dma_wait3A_912 : memref<1x1024xf32, #tpu.memory_space<vmem>> -> memref<1024xf32, #tpu.memory_space<vmem>>
    %dma_wait3A_914 = arith.constant 0 : i32
    %dma_wait3A_915 = tpu.memref_slice %arg4[%dma_wait3A_909, %dma_wait3A_910, %dma_wait3A_914] : memref<1024x100x1024xf32, #tpu.memory_space<hbm>> -> memref<1x1x1024xf32, #tpu.memory_space<hbm>>
    %dma_wait3A_916 = tpu.memref_squeeze %dma_wait3A_915 : memref<1x1x1024xf32, #tpu.memory_space<hbm>> -> memref<1024xf32, #tpu.memory_space<hbm>>
    %dma_wait3A_917 = arith.constant 0 : i32
    %dma_wait3A_918 = tpu.memref_slice %arg4[%dma_wait3A_909, %dma_wait3A_910, %dma_wait3A_917] : memref<1024x100x1024xf32, #tpu.memory_space<hbm>> -> memref<1x1x1024xf32, #tpu.memory_space<hbm>>
    %dma_wait3A_919 = tpu.memref_squeeze %dma_wait3A_918 : memref<1x1x1024xf32, #tpu.memory_space<hbm>> -> memref<1024xf32, #tpu.memory_space<hbm>>
    %dma_wait3A_920 = arith.constant 0 : i32
    %dma_wait3A_921 = tpu.memref_slice %arg5[%dma_wait3A_908, %dma_wait3A_920] : memref<100x1024xf32, #tpu.memory_space<vmem>> -> memref<1x1024xf32, #tpu.memory_space<vmem>>
    %dma_wait3A_922 = tpu.memref_squeeze %dma_wait3A_921 : memref<1x1024xf32, #tpu.memory_space<vmem>> -> memref<1024xf32, #tpu.memory_space<vmem>>
    tpu.wait_dma2 semaphore(%arg7 : memref<!tpu.dma_semaphore, #tpu.memory_space<semaphore_mem>>) src(%dma_wait3A_922 : memref<1024xf32, #tpu.memory_space<vmem>>) dst(%dma_wait3A_919 : memref<1024xf32, #tpu.memory_space<hbm>>)
    %dma_wait3A_923 = arith.constant 0 : i32
    %dma_wait3A_924 = arith.constant 0 : i32
    %dma_wait3A_925 = arith.constant 0 : i32
    %dma_wait3A_926 = arith.constant 0 : i32
    %dma_wait3A_927 = tpu.memref_slice %arg5[%dma_wait3A_923, %dma_wait3A_926] : memref<100x1024xf32, #tpu.memory_space<vmem>> -> memref<1x1024xf32, #tpu.memory_space<vmem>>
    %dma_wait3A_928 = tpu.memref_squeeze %dma_wait3A_927 : memref<1x1024xf32, #tpu.memory_space<vmem>> -> memref<1024xf32, #tpu.memory_space<vmem>>
    %dma_wait3A_929 = arith.constant 0 : i32
    %dma_wait3A_930 = tpu.memref_slice %arg4[%dma_wait3A_924, %dma_wait3A_925, %dma_wait3A_929] : memref<1024x100x1024xf32, #tpu.memory_space<hbm>> -> memref<1x1x1024xf32, #tpu.memory_space<hbm>>
    %dma_wait3A_931 = tpu.memref_squeeze %dma_wait3A_930 : memref<1x1x1024xf32, #tpu.memory_space<hbm>> -> memref<1024xf32, #tpu.memory_space<hbm>>
    %dma_wait3A_932 = arith.constant 0 : i32
    %dma_wait3A_933 = tpu.memref_slice %arg4[%dma_wait3A_924, %dma_wait3A_925, %dma_wait3A_932] : memref<1024x100x1024xf32, #tpu.memory_space<hbm>> -> memref<1x1x1024xf32, #tpu.memory_space<hbm>>
    %dma_wait3A_934 = tpu.memref_squeeze %dma_wait3A_933 : memref<1x1x1024xf32, #tpu.memory_space<hbm>> -> memref<1024xf32, #tpu.memory_space<hbm>>
    %dma_wait3A_935 = arith.constant 0 : i32
    %dma_wait3A_936 = tpu.memref_slice %arg5[%dma_wait3A_923, %dma_wait3A_935] : memref<100x1024xf32, #tpu.memory_space<vmem>> -> memref<1x1024xf32, #tpu.memory_space<vmem>>
    %dma_wait3A_937 = tpu.memref_squeeze %dma_wait3A_936 : memref<1x1024xf32, #tpu.memory_space<vmem>> -> memref<1024xf32, #tpu.memory_space<vmem>>
    tpu.wait_dma2 semaphore(%arg7 : memref<!tpu.dma_semaphore, #tpu.memory_space<semaphore_mem>>) src(%dma_wait3A_937 : memref<1024xf32, #tpu.memory_space<vmem>>) dst(%dma_wait3A_934 : memref<1024xf32, #tpu.memory_space<hbm>>)
    %dma_wait3A_938 = arith.constant 0 : i32
    %dma_wait3A_939 = arith.constant 0 : i32
    %dma_wait3A_940 = arith.constant 0 : i32
    %dma_wait3A_941 = arith.constant 0 : i32
    %dma_wait3A_942 = tpu.memref_slice %arg5[%dma_wait3A_938, %dma_wait3A_941] : memref<100x1024xf32, #tpu.memory_space<vmem>> -> memref<1x1024xf32, #tpu.memory_space<vmem>>
    %dma_wait3A_943 = tpu.memref_squeeze %dma_wait3A_942 : memref<1x1024xf32, #tpu.memory_space<vmem>> -> memref<1024xf32, #tpu.memory_space<vmem>>
    %dma_wait3A_944 = arith.constant 0 : i32
    %dma_wait3A_945 = tpu.memref_slice %arg4[%dma_wait3A_939, %dma_wait3A_940, %dma_wait3A_944] : memref<1024x100x1024xf32, #tpu.memory_space<hbm>> -> memref<1x1x1024xf32, #tpu.memory_space<hbm>>
    %dma_wait3A_946 = tpu.memref_squeeze %dma_wait3A_945 : memref<1x1x1024xf32, #tpu.memory_space<hbm>> -> memref<1024xf32, #tpu.memory_space<hbm>>
    %dma_wait3A_947 = arith.constant 0 : i32
    %dma_wait3A_948 = tpu.memref_slice %arg4[%dma_wait3A_939, %dma_wait3A_940, %dma_wait3A_947] : memref<1024x100x1024xf32, #tpu.memory_space<hbm>> -> memref<1x1x1024xf32, #tpu.memory_space<hbm>>
    %dma_wait3A_949 = tpu.memref_squeeze %dma_wait3A_948 : memref<1x1x1024xf32, #tpu.memory_space<hbm>> -> memref<1024xf32, #tpu.memory_space<hbm>>
    %dma_wait3A_950 = arith.constant 0 : i32
    %dma_wait3A_951 = tpu.memref_slice %arg5[%dma_wait3A_938, %dma_wait3A_950] : memref<100x1024xf32, #tpu.memory_space<vmem>> -> memref<1x1024xf32, #tpu.memory_space<vmem>>
    %dma_wait3A_952 = tpu.memref_squeeze %dma_wait3A_951 : memref<1x1024xf32, #tpu.memory_space<vmem>> -> memref<1024xf32, #tpu.memory_space<vmem>>
    tpu.wait_dma2 semaphore(%arg7 : memref<!tpu.dma_semaphore, #tpu.memory_space<semaphore_mem>>) src(%dma_wait3A_952 : memref<1024xf32, #tpu.memory_space<vmem>>) dst(%dma_wait3A_949 : memref<1024xf32, #tpu.memory_space<hbm>>)
    %dma_wait3A_953 = arith.constant 0 : i32
    %dma_wait3A_954 = arith.constant 0 : i32
    %dma_wait3A_955 = arith.constant 0 : i32
    %dma_wait3A_956 = arith.constant 0 : i32
    %dma_wait3A_957 = tpu.memref_slice %arg5[%dma_wait3A_953, %dma_wait3A_956] : memref<100x1024xf32, #tpu.memory_space<vmem>> -> memref<1x1024xf32, #tpu.memory_space<vmem>>
    %dma_wait3A_958 = tpu.memref_squeeze %dma_wait3A_957 : memref<1x1024xf32, #tpu.memory_space<vmem>> -> memref<1024xf32, #tpu.memory_space<vmem>>
    %dma_wait3A_959 = arith.constant 0 : i32
    %dma_wait3A_960 = tpu.memref_slice %arg4[%dma_wait3A_954, %dma_wait3A_955, %dma_wait3A_959] : memref<1024x100x1024xf32, #tpu.memory_space<hbm>> -> memref<1x1x1024xf32, #tpu.memory_space<hbm>>
    %dma_wait3A_961 = tpu.memref_squeeze %dma_wait3A_960 : memref<1x1x1024xf32, #tpu.memory_space<hbm>> -> memref<1024xf32, #tpu.memory_space<hbm>>
    %dma_wait3A_962 = arith.constant 0 : i32
    %dma_wait3A_963 = tpu.memref_slice %arg4[%dma_wait3A_954, %dma_wait3A_955, %dma_wait3A_962] : memref<1024x100x1024xf32, #tpu.memory_space<hbm>> -> memref<1x1x1024xf32, #tpu.memory_space<hbm>>
    %dma_wait3A_964 = tpu.memref_squeeze %dma_wait3A_963 : memref<1x1x1024xf32, #tpu.memory_space<hbm>> -> memref<1024xf32, #tpu.memory_space<hbm>>
    %dma_wait3A_965 = arith.constant 0 : i32
    %dma_wait3A_966 = tpu.memref_slice %arg5[%dma_wait3A_953, %dma_wait3A_965] : memref<100x1024xf32, #tpu.memory_space<vmem>> -> memref<1x1024xf32, #tpu.memory_space<vmem>>
    %dma_wait3A_967 = tpu.memref_squeeze %dma_wait3A_966 : memref<1x1024xf32, #tpu.memory_space<vmem>> -> memref<1024xf32, #tpu.memory_space<vmem>>
    tpu.wait_dma2 semaphore(%arg7 : memref<!tpu.dma_semaphore, #tpu.memory_space<semaphore_mem>>) src(%dma_wait3A_967 : memref<1024xf32, #tpu.memory_space<vmem>>) dst(%dma_wait3A_964 : memref<1024xf32, #tpu.memory_space<hbm>>)
    %dma_wait3A_968 = arith.constant 0 : i32
    %dma_wait3A_969 = arith.constant 0 : i32
    %dma_wait3A_970 = arith.constant 0 : i32
    %dma_wait3A_971 = arith.constant 0 : i32
    %dma_wait3A_972 = tpu.memref_slice %arg5[%dma_wait3A_968, %dma_wait3A_971] : memref<100x1024xf32, #tpu.memory_space<vmem>> -> memref<1x1024xf32, #tpu.memory_space<vmem>>
    %dma_wait3A_973 = tpu.memref_squeeze %dma_wait3A_972 : memref<1x1024xf32, #tpu.memory_space<vmem>> -> memref<1024xf32, #tpu.memory_space<vmem>>
    %dma_wait3A_974 = arith.constant 0 : i32
    %dma_wait3A_975 = tpu.memref_slice %arg4[%dma_wait3A_969, %dma_wait3A_970, %dma_wait3A_974] : memref<1024x100x1024xf32, #tpu.memory_space<hbm>> -> memref<1x1x1024xf32, #tpu.memory_space<hbm>>
    %dma_wait3A_976 = tpu.memref_squeeze %dma_wait3A_975 : memref<1x1x1024xf32, #tpu.memory_space<hbm>> -> memref<1024xf32, #tpu.memory_space<hbm>>
    %dma_wait3A_977 = arith.constant 0 : i32
    %dma_wait3A_978 = tpu.memref_slice %arg4[%dma_wait3A_969, %dma_wait3A_970, %dma_wait3A_977] : memref<1024x100x1024xf32, #tpu.memory_space<hbm>> -> memref<1x1x1024xf32, #tpu.memory_space<hbm>>
    %dma_wait3A_979 = tpu.memref_squeeze %dma_wait3A_978 : memref<1x1x1024xf32, #tpu.memory_space<hbm>> -> memref<1024xf32, #tpu.memory_space<hbm>>
    %dma_wait3A_980 = arith.constant 0 : i32
    %dma_wait3A_981 = tpu.memref_slice %arg5[%dma_wait3A_968, %dma_wait3A_980] : memref<100x1024xf32, #tpu.memory_space<vmem>> -> memref<1x1024xf32, #tpu.memory_space<vmem>>
    %dma_wait3A_982 = tpu.memref_squeeze %dma_wait3A_981 : memref<1x1024xf32, #tpu.memory_space<vmem>> -> memref<1024xf32, #tpu.memory_space<vmem>>
    tpu.wait_dma2 semaphore(%arg7 : memref<!tpu.dma_semaphore, #tpu.memory_space<semaphore_mem>>) src(%dma_wait3A_982 : memref<1024xf32, #tpu.memory_space<vmem>>) dst(%dma_wait3A_979 : memref<1024xf32, #tpu.memory_space<hbm>>)
    %dma_wait3A_983 = arith.constant 0 : i32
    %dma_wait3A_984 = arith.constant 0 : i32
    %dma_wait3A_985 = arith.constant 0 : i32
    %dma_wait3A_986 = arith.constant 0 : i32
    %dma_wait3A_987 = tpu.memref_slice %arg5[%dma_wait3A_983, %dma_wait3A_986] : memref<100x1024xf32, #tpu.memory_space<vmem>> -> memref<1x1024xf32, #tpu.memory_space<vmem>>
    %dma_wait3A_988 = tpu.memref_squeeze %dma_wait3A_987 : memref<1x1024xf32, #tpu.memory_space<vmem>> -> memref<1024xf32, #tpu.memory_space<vmem>>
    %dma_wait3A_989 = arith.constant 0 : i32
    %dma_wait3A_990 = tpu.memref_slice %arg4[%dma_wait3A_984, %dma_wait3A_985, %dma_wait3A_989] : memref<1024x100x1024xf32, #tpu.memory_space<hbm>> -> memref<1x1x1024xf32, #tpu.memory_space<hbm>>
    %dma_wait3A_991 = tpu.memref_squeeze %dma_wait3A_990 : memref<1x1x1024xf32, #tpu.memory_space<hbm>> -> memref<1024xf32, #tpu.memory_space<hbm>>
    %dma_wait3A_992 = arith.constant 0 : i32
    %dma_wait3A_993 = tpu.memref_slice %arg4[%dma_wait3A_984, %dma_wait3A_985, %dma_wait3A_992] : memref<1024x100x1024xf32, #tpu.memory_space<hbm>> -> memref<1x1x1024xf32, #tpu.memory_space<hbm>>
    %dma_wait3A_994 = tpu.memref_squeeze %dma_wait3A_993 : memref<1x1x1024xf32, #tpu.memory_space<hbm>> -> memref<1024xf32, #tpu.memory_space<hbm>>
    %dma_wait3A_995 = arith.constant 0 : i32
    %dma_wait3A_996 = tpu.memref_slice %arg5[%dma_wait3A_983, %dma_wait3A_995] : memref<100x1024xf32, #tpu.memory_space<vmem>> -> memref<1x1024xf32, #tpu.memory_space<vmem>>
    %dma_wait3A_997 = tpu.memref_squeeze %dma_wait3A_996 : memref<1x1024xf32, #tpu.memory_space<vmem>> -> memref<1024xf32, #tpu.memory_space<vmem>>
    tpu.wait_dma2 semaphore(%arg7 : memref<!tpu.dma_semaphore, #tpu.memory_space<semaphore_mem>>) src(%dma_wait3A_997 : memref<1024xf32, #tpu.memory_space<vmem>>) dst(%dma_wait3A_994 : memref<1024xf32, #tpu.memory_space<hbm>>)
    %dma_wait3A_998 = arith.constant 0 : i32
    %dma_wait3A_999 = arith.constant 0 : i32
    %dma_wait3A_1000 = arith.constant 0 : i32
    %dma_wait3A_1001 = arith.constant 0 : i32
    %dma_wait3A_1002 = tpu.memref_slice %arg5[%dma_wait3A_998, %dma_wait3A_1001] : memref<100x1024xf32, #tpu.memory_space<vmem>> -> memref<1x1024xf32, #tpu.memory_space<vmem>>
    %dma_wait3A_1003 = tpu.memref_squeeze %dma_wait3A_1002 : memref<1x1024xf32, #tpu.memory_space<vmem>> -> memref<1024xf32, #tpu.memory_space<vmem>>
    %dma_wait3A_1004 = arith.constant 0 : i32
    %dma_wait3A_1005 = tpu.memref_slice %arg4[%dma_wait3A_999, %dma_wait3A_1000, %dma_wait3A_1004] : memref<1024x100x1024xf32, #tpu.memory_space<hbm>> -> memref<1x1x1024xf32, #tpu.memory_space<hbm>>
    %dma_wait3A_1006 = tpu.memref_squeeze %dma_wait3A_1005 : memref<1x1x1024xf32, #tpu.memory_space<hbm>> -> memref<1024xf32, #tpu.memory_space<hbm>>
    %dma_wait3A_1007 = arith.constant 0 : i32
    %dma_wait3A_1008 = tpu.memref_slice %arg4[%dma_wait3A_999, %dma_wait3A_1000, %dma_wait3A_1007] : memref<1024x100x1024xf32, #tpu.memory_space<hbm>> -> memref<1x1x1024xf32, #tpu.memory_space<hbm>>
    %dma_wait3A_1009 = tpu.memref_squeeze %dma_wait3A_1008 : memref<1x1x1024xf32, #tpu.memory_space<hbm>> -> memref<1024xf32, #tpu.memory_space<hbm>>
    %dma_wait3A_1010 = arith.constant 0 : i32
    %dma_wait3A_1011 = tpu.memref_slice %arg5[%dma_wait3A_998, %dma_wait3A_1010] : memref<100x1024xf32, #tpu.memory_space<vmem>> -> memref<1x1024xf32, #tpu.memory_space<vmem>>
    %dma_wait3A_1012 = tpu.memref_squeeze %dma_wait3A_1011 : memref<1x1024xf32, #tpu.memory_space<vmem>> -> memref<1024xf32, #tpu.memory_space<vmem>>
    tpu.wait_dma2 semaphore(%arg7 : memref<!tpu.dma_semaphore, #tpu.memory_space<semaphore_mem>>) src(%dma_wait3A_1012 : memref<1024xf32, #tpu.memory_space<vmem>>) dst(%dma_wait3A_1009 : memref<1024xf32, #tpu.memory_space<hbm>>)
    %dma_wait3A_1013 = arith.constant 0 : i32
    %dma_wait3A_1014 = arith.constant 0 : i32
    %dma_wait3A_1015 = arith.constant 0 : i32
    %dma_wait3A_1016 = arith.constant 0 : i32
    %dma_wait3A_1017 = tpu.memref_slice %arg5[%dma_wait3A_1013, %dma_wait3A_1016] : memref<100x1024xf32, #tpu.memory_space<vmem>> -> memref<1x1024xf32, #tpu.memory_space<vmem>>
    %dma_wait3A_1018 = tpu.memref_squeeze %dma_wait3A_1017 : memref<1x1024xf32, #tpu.memory_space<vmem>> -> memref<1024xf32, #tpu.memory_space<vmem>>
    %dma_wait3A_1019 = arith.constant 0 : i32
    %dma_wait3A_1020 = tpu.memref_slice %arg4[%dma_wait3A_1014, %dma_wait3A_1015, %dma_wait3A_1019] : memref<1024x100x1024xf32, #tpu.memory_space<hbm>> -> memref<1x1x1024xf32, #tpu.memory_space<hbm>>
    %dma_wait3A_1021 = tpu.memref_squeeze %dma_wait3A_1020 : memref<1x1x1024xf32, #tpu.memory_space<hbm>> -> memref<1024xf32, #tpu.memory_space<hbm>>
    %dma_wait3A_1022 = arith.constant 0 : i32
    %dma_wait3A_1023 = tpu.memref_slice %arg4[%dma_wait3A_1014, %dma_wait3A_1015, %dma_wait3A_1022] : memref<1024x100x1024xf32, #tpu.memory_space<hbm>> -> memref<1x1x1024xf32, #tpu.memory_space<hbm>>
    %dma_wait3A_1024 = tpu.memref_squeeze %dma_wait3A_1023 : memref<1x1x1024xf32, #tpu.memory_space<hbm>> -> memref<1024xf32, #tpu.memory_space<hbm>>
    %dma_wait3A_1025 = arith.constant 0 : i32
    %dma_wait3A_1026 = tpu.memref_slice %arg5[%dma_wait3A_1013, %dma_wait3A_1025] : memref<100x1024xf32, #tpu.memory_space<vmem>> -> memref<1x1024xf32, #tpu.memory_space<vmem>>
    %dma_wait3A_1027 = tpu.memref_squeeze %dma_wait3A_1026 : memref<1x1024xf32, #tpu.memory_space<vmem>> -> memref<1024xf32, #tpu.memory_space<vmem>>
    tpu.wait_dma2 semaphore(%arg7 : memref<!tpu.dma_semaphore, #tpu.memory_space<semaphore_mem>>) src(%dma_wait3A_1027 : memref<1024xf32, #tpu.memory_space<vmem>>) dst(%dma_wait3A_1024 : memref<1024xf32, #tpu.memory_space<hbm>>)
    %dma_wait3A_1028 = arith.constant 0 : i32
    %dma_wait3A_1029 = arith.constant 0 : i32
    %dma_wait3A_1030 = arith.constant 0 : i32
    %dma_wait3A_1031 = arith.constant 0 : i32
    %dma_wait3A_1032 = tpu.memref_slice %arg5[%dma_wait3A_1028, %dma_wait3A_1031] : memref<100x1024xf32, #tpu.memory_space<vmem>> -> memref<1x1024xf32, #tpu.memory_space<vmem>>
    %dma_wait3A_1033 = tpu.memref_squeeze %dma_wait3A_1032 : memref<1x1024xf32, #tpu.memory_space<vmem>> -> memref<1024xf32, #tpu.memory_space<vmem>>
    %dma_wait3A_1034 = arith.constant 0 : i32
    %dma_wait3A_1035 = tpu.memref_slice %arg4[%dma_wait3A_1029, %dma_wait3A_1030, %dma_wait3A_1034] : memref<1024x100x1024xf32, #tpu.memory_space<hbm>> -> memref<1x1x1024xf32, #tpu.memory_space<hbm>>
    %dma_wait3A_1036 = tpu.memref_squeeze %dma_wait3A_1035 : memref<1x1x1024xf32, #tpu.memory_space<hbm>> -> memref<1024xf32, #tpu.memory_space<hbm>>
    %dma_wait3A_1037 = arith.constant 0 : i32
    %dma_wait3A_1038 = tpu.memref_slice %arg4[%dma_wait3A_1029, %dma_wait3A_1030, %dma_wait3A_1037] : memref<1024x100x1024xf32, #tpu.memory_space<hbm>> -> memref<1x1x1024xf32, #tpu.memory_space<hbm>>
    %dma_wait3A_1039 = tpu.memref_squeeze %dma_wait3A_1038 : memref<1x1x1024xf32, #tpu.memory_space<hbm>> -> memref<1024xf32, #tpu.memory_space<hbm>>
    %dma_wait3A_1040 = arith.constant 0 : i32
    %dma_wait3A_1041 = tpu.memref_slice %arg5[%dma_wait3A_1028, %dma_wait3A_1040] : memref<100x1024xf32, #tpu.memory_space<vmem>> -> memref<1x1024xf32, #tpu.memory_space<vmem>>
    %dma_wait3A_1042 = tpu.memref_squeeze %dma_wait3A_1041 : memref<1x1024xf32, #tpu.memory_space<vmem>> -> memref<1024xf32, #tpu.memory_space<vmem>>
    tpu.wait_dma2 semaphore(%arg7 : memref<!tpu.dma_semaphore, #tpu.memory_space<semaphore_mem>>) src(%dma_wait3A_1042 : memref<1024xf32, #tpu.memory_space<vmem>>) dst(%dma_wait3A_1039 : memref<1024xf32, #tpu.memory_space<hbm>>)
    %dma_wait3A_1043 = arith.constant 0 : i32
    %dma_wait3A_1044 = arith.constant 0 : i32
    %dma_wait3A_1045 = arith.constant 0 : i32
    %dma_wait3A_1046 = arith.constant 0 : i32
    %dma_wait3A_1047 = tpu.memref_slice %arg5[%dma_wait3A_1043, %dma_wait3A_1046] : memref<100x1024xf32, #tpu.memory_space<vmem>> -> memref<1x1024xf32, #tpu.memory_space<vmem>>
    %dma_wait3A_1048 = tpu.memref_squeeze %dma_wait3A_1047 : memref<1x1024xf32, #tpu.memory_space<vmem>> -> memref<1024xf32, #tpu.memory_space<vmem>>
    %dma_wait3A_1049 = arith.constant 0 : i32
    %dma_wait3A_1050 = tpu.memref_slice %arg4[%dma_wait3A_1044, %dma_wait3A_1045, %dma_wait3A_1049] : memref<1024x100x1024xf32, #tpu.memory_space<hbm>> -> memref<1x1x1024xf32, #tpu.memory_space<hbm>>
    %dma_wait3A_1051 = tpu.memref_squeeze %dma_wait3A_1050 : memref<1x1x1024xf32, #tpu.memory_space<hbm>> -> memref<1024xf32, #tpu.memory_space<hbm>>
    %dma_wait3A_1052 = arith.constant 0 : i32
    %dma_wait3A_1053 = tpu.memref_slice %arg4[%dma_wait3A_1044, %dma_wait3A_1045, %dma_wait3A_1052] : memref<1024x100x1024xf32, #tpu.memory_space<hbm>> -> memref<1x1x1024xf32, #tpu.memory_space<hbm>>
    %dma_wait3A_1054 = tpu.memref_squeeze %dma_wait3A_1053 : memref<1x1x1024xf32, #tpu.memory_space<hbm>> -> memref<1024xf32, #tpu.memory_space<hbm>>
    %dma_wait3A_1055 = arith.constant 0 : i32
    %dma_wait3A_1056 = tpu.memref_slice %arg5[%dma_wait3A_1043, %dma_wait3A_1055] : memref<100x1024xf32, #tpu.memory_space<vmem>> -> memref<1x1024xf32, #tpu.memory_space<vmem>>
    %dma_wait3A_1057 = tpu.memref_squeeze %dma_wait3A_1056 : memref<1x1024xf32, #tpu.memory_space<vmem>> -> memref<1024xf32, #tpu.memory_space<vmem>>
    tpu.wait_dma2 semaphore(%arg7 : memref<!tpu.dma_semaphore, #tpu.memory_space<semaphore_mem>>) src(%dma_wait3A_1057 : memref<1024xf32, #tpu.memory_space<vmem>>) dst(%dma_wait3A_1054 : memref<1024xf32, #tpu.memory_space<hbm>>)
    %dma_wait3A_1058 = arith.constant 0 : i32
    %dma_wait3A_1059 = arith.constant 0 : i32
    %dma_wait3A_1060 = arith.constant 0 : i32
    %dma_wait3A_1061 = arith.constant 0 : i32
    %dma_wait3A_1062 = tpu.memref_slice %arg5[%dma_wait3A_1058, %dma_wait3A_1061] : memref<100x1024xf32, #tpu.memory_space<vmem>> -> memref<1x1024xf32, #tpu.memory_space<vmem>>
    %dma_wait3A_1063 = tpu.memref_squeeze %dma_wait3A_1062 : memref<1x1024xf32, #tpu.memory_space<vmem>> -> memref<1024xf32, #tpu.memory_space<vmem>>
    %dma_wait3A_1064 = arith.constant 0 : i32
    %dma_wait3A_1065 = tpu.memref_slice %arg4[%dma_wait3A_1059, %dma_wait3A_1060, %dma_wait3A_1064] : memref<1024x100x1024xf32, #tpu.memory_space<hbm>> -> memref<1x1x1024xf32, #tpu.memory_space<hbm>>
    %dma_wait3A_1066 = tpu.memref_squeeze %dma_wait3A_1065 : memref<1x1x1024xf32, #tpu.memory_space<hbm>> -> memref<1024xf32, #tpu.memory_space<hbm>>
    %dma_wait3A_1067 = arith.constant 0 : i32
    %dma_wait3A_1068 = tpu.memref_slice %arg4[%dma_wait3A_1059, %dma_wait3A_1060, %dma_wait3A_1067] : memref<1024x100x1024xf32, #tpu.memory_space<hbm>> -> memref<1x1x1024xf32, #tpu.memory_space<hbm>>
    %dma_wait3A_1069 = tpu.memref_squeeze %dma_wait3A_1068 : memref<1x1x1024xf32, #tpu.memory_space<hbm>> -> memref<1024xf32, #tpu.memory_space<hbm>>
    %dma_wait3A_1070 = arith.constant 0 : i32
    %dma_wait3A_1071 = tpu.memref_slice %arg5[%dma_wait3A_1058, %dma_wait3A_1070] : memref<100x1024xf32, #tpu.memory_space<vmem>> -> memref<1x1024xf32, #tpu.memory_space<vmem>>
    %dma_wait3A_1072 = tpu.memref_squeeze %dma_wait3A_1071 : memref<1x1024xf32, #tpu.memory_space<vmem>> -> memref<1024xf32, #tpu.memory_space<vmem>>
    tpu.wait_dma2 semaphore(%arg7 : memref<!tpu.dma_semaphore, #tpu.memory_space<semaphore_mem>>) src(%dma_wait3A_1072 : memref<1024xf32, #tpu.memory_space<vmem>>) dst(%dma_wait3A_1069 : memref<1024xf32, #tpu.memory_space<hbm>>)
    %dma_wait3A_1073 = arith.constant 0 : i32
    %dma_wait3A_1074 = arith.constant 0 : i32
    %dma_wait3A_1075 = arith.constant 0 : i32
    %dma_wait3A_1076 = arith.constant 0 : i32
    %dma_wait3A_1077 = tpu.memref_slice %arg5[%dma_wait3A_1073, %dma_wait3A_1076] : memref<100x1024xf32, #tpu.memory_space<vmem>> -> memref<1x1024xf32, #tpu.memory_space<vmem>>
    %dma_wait3A_1078 = tpu.memref_squeeze %dma_wait3A_1077 : memref<1x1024xf32, #tpu.memory_space<vmem>> -> memref<1024xf32, #tpu.memory_space<vmem>>
    %dma_wait3A_1079 = arith.constant 0 : i32
    %dma_wait3A_1080 = tpu.memref_slice %arg4[%dma_wait3A_1074, %dma_wait3A_1075, %dma_wait3A_1079] : memref<1024x100x1024xf32, #tpu.memory_space<hbm>> -> memref<1x1x1024xf32, #tpu.memory_space<hbm>>
    %dma_wait3A_1081 = tpu.memref_squeeze %dma_wait3A_1080 : memref<1x1x1024xf32, #tpu.memory_space<hbm>> -> memref<1024xf32, #tpu.memory_space<hbm>>
    %dma_wait3A_1082 = arith.constant 0 : i32
    %dma_wait3A_1083 = tpu.memref_slice %arg4[%dma_wait3A_1074, %dma_wait3A_1075, %dma_wait3A_1082] : memref<1024x100x1024xf32, #tpu.memory_space<hbm>> -> memref<1x1x1024xf32, #tpu.memory_space<hbm>>
    %dma_wait3A_1084 = tpu.memref_squeeze %dma_wait3A_1083 : memref<1x1x1024xf32, #tpu.memory_space<hbm>> -> memref<1024xf32, #tpu.memory_space<hbm>>
    %dma_wait3A_1085 = arith.constant 0 : i32
    %dma_wait3A_1086 = tpu.memref_slice %arg5[%dma_wait3A_1073, %dma_wait3A_1085] : memref<100x1024xf32, #tpu.memory_space<vmem>> -> memref<1x1024xf32, #tpu.memory_space<vmem>>
    %dma_wait3A_1087 = tpu.memref_squeeze %dma_wait3A_1086 : memref<1x1024xf32, #tpu.memory_space<vmem>> -> memref<1024xf32, #tpu.memory_space<vmem>>
    tpu.wait_dma2 semaphore(%arg7 : memref<!tpu.dma_semaphore, #tpu.memory_space<semaphore_mem>>) src(%dma_wait3A_1087 : memref<1024xf32, #tpu.memory_space<vmem>>) dst(%dma_wait3A_1084 : memref<1024xf32, #tpu.memory_space<hbm>>)
    %dma_wait3A_1088 = arith.constant 0 : i32
    %dma_wait3A_1089 = arith.constant 0 : i32
    %dma_wait3A_1090 = arith.constant 0 : i32
    %dma_wait3A_1091 = arith.constant 0 : i32
    %dma_wait3A_1092 = tpu.memref_slice %arg5[%dma_wait3A_1088, %dma_wait3A_1091] : memref<100x1024xf32, #tpu.memory_space<vmem>> -> memref<1x1024xf32, #tpu.memory_space<vmem>>
    %dma_wait3A_1093 = tpu.memref_squeeze %dma_wait3A_1092 : memref<1x1024xf32, #tpu.memory_space<vmem>> -> memref<1024xf32, #tpu.memory_space<vmem>>
    %dma_wait3A_1094 = arith.constant 0 : i32
    %dma_wait3A_1095 = tpu.memref_slice %arg4[%dma_wait3A_1089, %dma_wait3A_1090, %dma_wait3A_1094] : memref<1024x100x1024xf32, #tpu.memory_space<hbm>> -> memref<1x1x1024xf32, #tpu.memory_space<hbm>>
    %dma_wait3A_1096 = tpu.memref_squeeze %dma_wait3A_1095 : memref<1x1x1024xf32, #tpu.memory_space<hbm>> -> memref<1024xf32, #tpu.memory_space<hbm>>
    %dma_wait3A_1097 = arith.constant 0 : i32
    %dma_wait3A_1098 = tpu.memref_slice %arg4[%dma_wait3A_1089, %dma_wait3A_1090, %dma_wait3A_1097] : memref<1024x100x1024xf32, #tpu.memory_space<hbm>> -> memref<1x1x1024xf32, #tpu.memory_space<hbm>>
    %dma_wait3A_1099 = tpu.memref_squeeze %dma_wait3A_1098 : memref<1x1x1024xf32, #tpu.memory_space<hbm>> -> memref<1024xf32, #tpu.memory_space<hbm>>
    %dma_wait3A_1100 = arith.constant 0 : i32
    %dma_wait3A_1101 = tpu.memref_slice %arg5[%dma_wait3A_1088, %dma_wait3A_1100] : memref<100x1024xf32, #tpu.memory_space<vmem>> -> memref<1x1024xf32, #tpu.memory_space<vmem>>
    %dma_wait3A_1102 = tpu.memref_squeeze %dma_wait3A_1101 : memref<1x1024xf32, #tpu.memory_space<vmem>> -> memref<1024xf32, #tpu.memory_space<vmem>>
    tpu.wait_dma2 semaphore(%arg7 : memref<!tpu.dma_semaphore, #tpu.memory_space<semaphore_mem>>) src(%dma_wait3A_1102 : memref<1024xf32, #tpu.memory_space<vmem>>) dst(%dma_wait3A_1099 : memref<1024xf32, #tpu.memory_space<hbm>>)
    %dma_wait3A_1103 = arith.constant 0 : i32
    %dma_wait3A_1104 = arith.constant 0 : i32
    %dma_wait3A_1105 = arith.constant 0 : i32
    %dma_wait3A_1106 = arith.constant 0 : i32
    %dma_wait3A_1107 = tpu.memref_slice %arg5[%dma_wait3A_1103, %dma_wait3A_1106] : memref<100x1024xf32, #tpu.memory_space<vmem>> -> memref<1x1024xf32, #tpu.memory_space<vmem>>
    %dma_wait3A_1108 = tpu.memref_squeeze %dma_wait3A_1107 : memref<1x1024xf32, #tpu.memory_space<vmem>> -> memref<1024xf32, #tpu.memory_space<vmem>>
    %dma_wait3A_1109 = arith.constant 0 : i32
    %dma_wait3A_1110 = tpu.memref_slice %arg4[%dma_wait3A_1104, %dma_wait3A_1105, %dma_wait3A_1109] : memref<1024x100x1024xf32, #tpu.memory_space<hbm>> -> memref<1x1x1024xf32, #tpu.memory_space<hbm>>
    %dma_wait3A_1111 = tpu.memref_squeeze %dma_wait3A_1110 : memref<1x1x1024xf32, #tpu.memory_space<hbm>> -> memref<1024xf32, #tpu.memory_space<hbm>>
    %dma_wait3A_1112 = arith.constant 0 : i32
    %dma_wait3A_1113 = tpu.memref_slice %arg4[%dma_wait3A_1104, %dma_wait3A_1105, %dma_wait3A_1112] : memref<1024x100x1024xf32, #tpu.memory_space<hbm>> -> memref<1x1x1024xf32, #tpu.memory_space<hbm>>
    %dma_wait3A_1114 = tpu.memref_squeeze %dma_wait3A_1113 : memref<1x1x1024xf32, #tpu.memory_space<hbm>> -> memref<1024xf32, #tpu.memory_space<hbm>>
    %dma_wait3A_1115 = arith.constant 0 : i32
    %dma_wait3A_1116 = tpu.memref_slice %arg5[%dma_wait3A_1103, %dma_wait3A_1115] : memref<100x1024xf32, #tpu.memory_space<vmem>> -> memref<1x1024xf32, #tpu.memory_space<vmem>>
    %dma_wait3A_1117 = tpu.memref_squeeze %dma_wait3A_1116 : memref<1x1024xf32, #tpu.memory_space<vmem>> -> memref<1024xf32, #tpu.memory_space<vmem>>
    tpu.wait_dma2 semaphore(%arg7 : memref<!tpu.dma_semaphore, #tpu.memory_space<semaphore_mem>>) src(%dma_wait3A_1117 : memref<1024xf32, #tpu.memory_space<vmem>>) dst(%dma_wait3A_1114 : memref<1024xf32, #tpu.memory_space<hbm>>)
    %dma_wait3A_1118 = arith.constant 0 : i32
    %dma_wait3A_1119 = arith.constant 0 : i32
    %dma_wait3A_1120 = arith.constant 0 : i32
    %dma_wait3A_1121 = arith.constant 0 : i32
    %dma_wait3A_1122 = tpu.memref_slice %arg5[%dma_wait3A_1118, %dma_wait3A_1121] : memref<100x1024xf32, #tpu.memory_space<vmem>> -> memref<1x1024xf32, #tpu.memory_space<vmem>>
    %dma_wait3A_1123 = tpu.memref_squeeze %dma_wait3A_1122 : memref<1x1024xf32, #tpu.memory_space<vmem>> -> memref<1024xf32, #tpu.memory_space<vmem>>
    %dma_wait3A_1124 = arith.constant 0 : i32
    %dma_wait3A_1125 = tpu.memref_slice %arg4[%dma_wait3A_1119, %dma_wait3A_1120, %dma_wait3A_1124] : memref<1024x100x1024xf32, #tpu.memory_space<hbm>> -> memref<1x1x1024xf32, #tpu.memory_space<hbm>>
    %dma_wait3A_1126 = tpu.memref_squeeze %dma_wait3A_1125 : memref<1x1x1024xf32, #tpu.memory_space<hbm>> -> memref<1024xf32, #tpu.memory_space<hbm>>
    %dma_wait3A_1127 = arith.constant 0 : i32
    %dma_wait3A_1128 = tpu.memref_slice %arg4[%dma_wait3A_1119, %dma_wait3A_1120, %dma_wait3A_1127] : memref<1024x100x1024xf32, #tpu.memory_space<hbm>> -> memref<1x1x1024xf32, #tpu.memory_space<hbm>>
    %dma_wait3A_1129 = tpu.memref_squeeze %dma_wait3A_1128 : memref<1x1x1024xf32, #tpu.memory_space<hbm>> -> memref<1024xf32, #tpu.memory_space<hbm>>
    %dma_wait3A_1130 = arith.constant 0 : i32
    %dma_wait3A_1131 = tpu.memref_slice %arg5[%dma_wait3A_1118, %dma_wait3A_1130] : memref<100x1024xf32, #tpu.memory_space<vmem>> -> memref<1x1024xf32, #tpu.memory_space<vmem>>
    %dma_wait3A_1132 = tpu.memref_squeeze %dma_wait3A_1131 : memref<1x1024xf32, #tpu.memory_space<vmem>> -> memref<1024xf32, #tpu.memory_space<vmem>>
    tpu.wait_dma2 semaphore(%arg7 : memref<!tpu.dma_semaphore, #tpu.memory_space<semaphore_mem>>) src(%dma_wait3A_1132 : memref<1024xf32, #tpu.memory_space<vmem>>) dst(%dma_wait3A_1129 : memref<1024xf32, #tpu.memory_space<hbm>>)
    return
  }
}

</mosaic_0001>

<sc_bundles>
// kernel: _sc_lookup.3.cloned.1.call-start
scs
__scs_entry_jumppad:
0x0: {  	(pc) =	sbr.rel $0x88, $3  }
0x1: {  	(tag) =	ssettag $0x0;
	lr =	simm.s32 $0x1  }
0x2: {  	[smem:$0x3F9F] =	sst lr;
	_ =	strace $0xD0000000  }
0x3: {  	_ = 	snop  }
0x4: {  	_ = 	snop  }
0x5: {  	_ = 	snop  }
0x6: {  	_ = 	snop  }
0x7: {  	_ = 	snop  }
__scs_overlays_trampoline_lowered:
0x8: {  	[smem:$0x3FAE] =	sst s0  }
0x9: {  	[smem:$0x3FAF] =	sst s1  }
0xa: {  	[smem:$0x3FB0] =	sst s2  }
0xb: {  	[smem:$0x3FB1] =	sst s3  }
0xc: {  	[smem:$0x3FB2] =	sst s4  }
0xd: {  	[smem:$0x3FB3] =	sst s5  }
0xe: {  	[smem:$0x3FB4] =	sst s6  }
0xf: {  	[smem:$0x3FB5] =	sst s7  }
0x10: {  	[smem:$0x3FB6] =	sst s8  }
0x11: {  	[smem:$0x3FB7] =	sst s9;
	s0 =	simm.s32 @!p0 $0x0  }
0x12: {  	s1 =	sld [smem:$0x3F9D];
	s0 =	simm.s32 @p0 $0x1  }
0x13: {  	[smem:$0x3FB8] =	sst s0;
	s0 =	simm.s32 @!p1 $0x0  }
0x14: {  	s2 =	sld [smem:$0x3F9C];
	s0 =	simm.s32 @p1 $0x1  }
0x15: {  	[smem:$0x3FB9] =	sst s0;
	s0 =	simm.s32 @!p2 $0x0  }
0x16: {  	s3 =	sld [smem:$0x3FDB];
	s0 =	simm.s32 @p2 $0x1  }
0x17: {  	s4 =	simm.s32 $0x1BF5;
	[smem:$0x3FBB] =	sst s0  }
0x18: {  	s0 =	sld [smem:$0x3F9E];
	_ =	swait.ge [sflag:s4], $0x0  }
0x19: {  	s7 =	sld [smem:$0x3F9F]  }
0x1a: {  	s8 =	sadd.s32 $0xFFFFE003, lr  }
0x1b: {  	s9 =	sadd.s32 $0xFFFFFEF7, lr;
	s5 =	simm.s32 $0xFFFFFFFF;
	p2 =	slt.u32 s8, $0xFFFFF086  }
0x1c: {  	p1 =	slt.u32 s9, $0xF7A;
	s5 =	simm.s32 @!p2 $0x0  }
0x1d: {  	s5 =	simm.s32 @p1 $0x1;
	p0 =	seq.s32 s7, s2  }
0x1e: {  	s7 =	smul.u32 @!p0 $0xF7A, s2;
	p2 =	seq.s32 @!p0 s5, $0x0  }
0x1f: {  	s9 =	smul.u32 $0xF7A, s1;
	s8 =	simm.s32 @!p0 $0x1BF5;
	p2 =	por !p2, p0  }
0x20: {  	[sflag:s8] =	ssyncset.s32 @!p0 $0xFFFFF086;
	s6 =	sadd.s32 @!p0 s3, s7;
	s7 =	simm.s32 @!p0 $0x108  }
0x21: {  	s3 =	sadd.s32 s3, s9;
	s6 =	sadd.s32 @!p0 $0x88, s6;
	s7 =	simm.s32 @p2 $0x1082  }
0x22: {  	[simem:s7], [sflag:s8] =	dma.local @!p0 [hbm:s6], $0xF7A  }
0x23: {  	s9 =	sor.u32 $0xD0000000, s2;
	s6 =	simm.s32 $0x108;
	_ =	swait.ge @!p0 [sflag:s8], $0x0  }
0x24: {  	s3 =	sadd.s32 $0x88, s3;
	s6 =	simm.s32 @!p1 $0x1082;
	[sflag:s4] =	ssyncset.s32 $0xFFFFF086  }
0x25: {  	[simem:s6], [sflag:s4] =	dma.local [hbm:s3], $0xF7A  }
0x26: {  	[smem:$0x3F9F] =	sst s1;
	(tag) =	ssettag s2;
	_ =	strace s9  }
0x27: {  	s1 =	sld [smem:$0x3FAF]  }
0x28: {  	s2 =	sld [smem:$0x3FB0]  }
0x29: {  	s4 =	sld [smem:$0x3FB2]  }
0x2a: {  	p0 =	seq.s32 s5, $0x0;
	s5 =	sld [smem:$0x3FB3]  }
0x2b: {  	s6 =	sld [smem:$0x3FB4]  }
0x2c: {  	s7 =	sld [smem:$0x3FB5]  }
0x2d: {  	s3 =	simm.s32 $0x108;
	s8 =	sld [smem:$0x3FB6]  }
0x2e: {  	s3 =	simm.s32 @!p0 $0x1082;
	s9 =	sld [smem:$0x3FB7]  }
0x2f: {  	lr =	sadd.s32 s0, s3;
	s0 =	sld [smem:$0x3FAE]  }
0x30: {  	s3 =	sld [smem:$0x3FB1]  }
0x31: {  	[smem:$0x3FBA] =	sst s10  }
0x32: {  	s10 =	sld [smem:$0x3FB8];
	_ =	sdelay $0x3  }
0x33: {  	p0 =	seq.s32 s10, $0x1;
	s10 =	sld [smem:$0x3FBA];
	_ =	sdelay $0x3  }
0x34: {  	[smem:$0x3FBA] =	sst s10  }
0x35: {  	s10 =	sld [smem:$0x3FB9];
	_ =	sdelay $0x3  }
0x36: {  	p1 =	seq.s32 s10, $0x1;
	s10 =	sld [smem:$0x3FBA];
	_ =	sdelay $0x3  }
0x37: {  	[smem:$0x3FBA] =	sst s10  }
0x38: {  	s10 =	sld [smem:$0x3FBB]  }
0x39: {  	_ = 	snop;
	(pc) =	sbr.ind lr, $3  }
0x3a: {  	_ = 	snop  }
0x3b: {  	_ = 	snop  }
0x3c: {  	p2 =	seq.s32 s10, $0x1;
	s10 =	sld [smem:$0x3FBA]  }
0x3d: {  	_ =	shalt  }
0x3e: {  	_ =	shalt  }
0x3f: {  	_ =	shalt  }
0x40: {  	_ =	shalt  }
0x41: {  	_ =	shalt  }
0x42: {  	_ =	shalt  }
0x43: {  	_ =	shalt  }
0x44: {  	_ =	shalt  }
0x45: {  	_ =	shalt  }
0x46: {  	_ =	shalt  }
0x47: {  	_ =	shalt  }
0x48: {  	_ =	shalt  }
0x49: {  	_ =	shalt  }
0x4a: {  	_ =	shalt  }
0x4b: {  	_ =	shalt  }
0x4c: {  	_ =	shalt  }
0x4d: {  	_ =	shalt  }
0x4e: {  	_ =	shalt  }
0x4f: {  	_ =	shalt  }
0x50: {  	_ =	shalt  }
0x51: {  	_ =	shalt  }
0x52: {  	_ =	shalt  }
0x53: {  	_ =	shalt  }
0x54: {  	_ =	shalt  }
0x55: {  	_ =	shalt  }
0x56: {  	_ =	shalt  }
0x57: {  	_ =	shalt  }
0x58: {  	_ =	shalt  }
0x59: {  	_ =	shalt  }
0x5a: {  	_ =	shalt  }
0x5b: {  	_ =	shalt  }
0x5c: {  	_ =	shalt  }
0x5d: {  	_ =	shalt  }
0x5e: {  	_ =	shalt  }
0x5f: {  	_ =	shalt  }
0x60: {  	_ =	shalt  }
0x61: {  	_ =	shalt  }
0x62: {  	_ =	shalt  }
0x63: {  	_ =	shalt  }
0x64: {  	_ =	shalt  }
0x65: {  	_ =	shalt  }
0x66: {  	_ =	shalt  }
0x67: {  	_ =	shalt  }
0x68: {  	_ =	shalt  }
0x69: {  	_ =	shalt  }
0x6a: {  	_ =	shalt  }
0x6b: {  	_ =	shalt  }
0x6c: {  	_ =	shalt  }
0x6d: {  	_ =	shalt  }
0x6e: {  	_ =	shalt  }
0x6f: {  	_ =	shalt  }
0x70: {  	_ =	shalt  }
0x71: {  	_ =	shalt  }
0x72: {  	_ =	shalt  }
0x73: {  	_ =	shalt  }
0x74: {  	_ =	shalt  }
0x75: {  	_ =	shalt  }
0x76: {  	_ =	shalt  }
0x77: {  	_ =	shalt  }
0x78: {  	_ =	shalt  }
0x79: {  	_ =	shalt  }
0x7a: {  	_ =	shalt  }
0x7b: {  	_ =	shalt  }
0x7c: {  	_ =	shalt  }
0x7d: {  	_ =	shalt  }
0x7e: {  	_ =	shalt  }
0x7f: {  	_ =	shalt  }
0x80: {  	_ =	shalt  }
0x81: {  	_ =	shalt  }
0x82: {  	_ =	shalt  }
0x83: {  	_ =	shalt  }
0x84: {  	_ =	shalt  }
0x85: {  	_ =	shalt  }
0x86: {  	_ =	shalt  }
0x87: {  	_ =	shalt  }
.Lfunc_end0:
.L_simem_size_0:
called_computation_lowered:
.L_overlay_start_0:
0x88: {  	s2 =	sld [smem:$0x3FD9]  }
0x89: {  	s3 =	sld [smem:$0x3FFE];
	_ =	sdelay $0x1  }
0x8a: {  	s1 =	srdreg.scid  }
0x8b: {  	s0 =	sand.u32 $0x1, s1  }
0x8c: {  	s17 =	sshll.u32 s0, $0xA;
	s2 =	sadd.s32 s3, s2  }
0x8d: {  	s2 =	sadd.s32 s2, s17  }
0x8e: {  	[smem:$0x3FC6] =	sst s2  }
0x8f: {  	_ = 	snop  }
0x90: {  	s2 =	sld [smem:$0x3FC9]  }
0x91: {  	s18 =	sld [smem:$0x3FC8];
	(tm) =	ssettm $0x1  }
0x92: {  	s4 =	sld [smem:$0x3FFB];
	_ =	sdelay $0x3  }
0x93: {  	_ =	strace s4  }
0x94: {  	s4 =	sld [smem:$0x3FFC];
	_ =	sdelay $0x3  }
0x95: {  	_ =	strace s4  }
0x96: {  	s4 =	sld [smem:$0x3FFD];
	_ =	sdelay $0x3  }
0x97: {  	_ =	strace s4  }
0x98: {  	_ =	strace $0x8FFFFFFF  }
0x99: {  	s19 =	sld [smem:$0x3FDB];
	_ =	sdelay $0x1  }
0x9a: {  	s5 =	simm.s32 $_scs_section_size  }
0x9b: {  	s6 =	simm.s32 $_size__tile_overlayer_lowered;
	s7 =	simm.s32 $_tile_overlayer_lowered  }
0x9c: {  	s22 =	simm.s32 $0x1BFF;
	s21 =	sshll.u32 s7, $0x1;
	s4 =	sadd.s32 s5, s19  }
0x9d: {  	s8 =	simm.s32 $0x0;
	s20 =	sshll.u32 s6, $0x1;
	s6 =	sadd.s32 s21, s4  }
0x9e: {  	[timem:s8], [sflag:s22] =	dma.local [hbm:s6], s20  }
0x9f: {  	_ =	swait.ge [sflag:s22], s20  }
0xa0: {  	s5 =	ssub.s32 $0x0, s20;
	[sflag:s22] =	ssyncset.done $0x0  }
0xa1: {  	[sflag:s22] =	ssyncadd.s32 s5;
	_ =	sdelay $0x1  }
0xa2: {  	s23 =	simm.s32 $0x1B8B  }
0xa3: {  	_ =	swait.ge [sflag:s23], $0x1  }
0xa4: {  	[sflag:s23] =	ssyncset.done $0x0  }
0xa5: {  	s25 =	simm.s32 $0x1B8E;
	s24 =	sld [smem:$0x3FFE];
	[sflag:s23] =	ssyncadd.s32 $0xFFFFFFFF  }
0xa6: {  	s26 =	simm.s32 $execute0_lowered;
	[smem:$0x3FD2] =	sst s25  }
0xa7: {  	s6 =	sshll.u32 s26, $0x1;
	_ =	strace $0x80000046;
	[dreg:$0x1] =	wrdreg $0xFFFFFFFF  }
0xa8: {  	s28 =	simm.s32 $_size_execute0_lowered;
	s4 =	sadd.s32 s4, s6;
	[dreg:$0x0] =	wrdreg $0x0  }
0xa9: {  	s6 =	sshll.u32 s28, $0x1;
	[dreg:$0x2] =	wrdreg s4  }
0xaa: {  	[dreg:$0x3] =	wrdreg s6  }
0xab: {  	[dreg:$0x4] =	wrdreg $0xC0  }
0xac: {  	_ =	task [dreg:s8], $0x5FFFF  }
0xad: {  	[dreg:$0x1] =	wrdreg $0xFFFFFFFF  }
0xae: {  	[dreg:$0x0] =	wrdreg $0x60  }
0xaf: {  	[dreg:$0x2] =	wrdreg s2  }
0xb0: {  	[dreg:$0x3] =	wrdreg s18  }
0xb1: {  	[dreg:$0x4] =	wrdreg s24  }
0xb2: {  	[dreg:$0x5] =	wrdreg $0x9  }
0xb3: {  	_ =	task.clear_ibuf [dreg:s8], $0x6FFFF;
	_ =	strace $0x90000046  }
0xb4: {  	s29 =	simm.s32 $0x9;
	_ =	strace $0x80000048  }
0xb5: {  	_ =	swait.ge [sflag:s29], $0x1  }
0xb6: {  	[sflag:s29] =	ssyncadd.s32 $0xFFFFFFFF  }
0xb7: {  	_ =	strace $0x90000048  }
0xb8: {  	_ =	sfence  }
0xb9: {  	s30 =	sld [smem:$0x0];
	_ =	sdelay $0x2  }
0xba: {  	s31 =	sshll.u32 s1, $0xD;
	s1 =	sshrl.u32 s1, $0x2  }
0xbb: {  	s3 =	sand.u32 $0x4000, s31;
	s1 =	sadd.s32 s1, s30  }
0xbc: {  	s0 =	sor.u32 s3, s0;
	s1 =	sshll.u32 s1, $0x11  }
0xbd: {  	s0 =	sor.u32 s1, s0  }
0xbe: {  	s0 =	sadd.s32 $0x8F2B, s0  }
0xbf: {  	[sflag:s0] =	ssyncadd.remote.s32 $0x1  }
0xc0: {  	_ =	sfence.sel $0xFFFF  }
0xc1: {  	[dreg:$0x0] =	wrdreg $0xFFFFFFFF;
	(pc) =	sbr.abs _section_cstart, $3  }
0xc2: {  	[dreg:$0x1] =	wrdreg $0xFFFFFFFF  }
0xc3: {  	_ =	task.clear_ibuf [dreg:s8], $0x2FFFF;
	_ =	strace $0x9FFFFFFF  }
0xc4: {  	(tm) =	ssettm $0x7FFFFFFF  }
0xc5: {  	_ =	shalt  }
tec
execute0_lowered:
.L_overlay_start_1:
0x0: {  	(tag) =	ssettag $0x1  }
0x1: {  	s0 =	srdreg.scid;
	s24 =	stileid.u32  }
0x2: {  	s0 =	sand.u32 $0x1, s0;
	s1 =	sshll.u32 s24, $0x1  }
0x3: {  	s2 =	sor.u32 s0, s1  }
0x4: {  	s3 =	smul.u32 $0xC80, s2  }
0x5: {  	s20 =	smul.u32 $0x340000, s2  }
0x6: {  	s2 =	smul.u32 $0x68000, s2;
	s4 =	sor.u32 $0x1, s3  }
0x7: {  	s7 =	sor.u32 $0x2, s3;
	s13 =	smulhi.u32 $0x28F5C29, s4  }
0x8: {  	s18 =	sor.u32 $0x3, s3;
	s9 =	smulhi.u32 $0x28F5C29, s7  }
0x9: {  	s10 =	sor.u32 $0x4, s3;
	s19 =	smulhi.u32 $0x28F5C29, s18  }
0xa: {  	s12 =	smulhi.u32 $0x28F5C29, s10  }
0xb: {  	s5 =	ssub.s32 $0x2, s0;
	s6 =	smul.u32 $0x64, s13  }
0xc: {  	s8 =	rddreg [dreg:$0x1];
	s14 =	sshrl.u32 s5, $0x1;
	s17 =	smul.u32 $0x64, s9  }
0xd: {  	s15 =	sshrl.u32 s3, $0x3;
	s28 =	sor.u32 $0x5, s3;
	s26 =	smul.u32 $0x64, s12  }
0xe: {  	s1 =	ssub.s32 s5, s14;
	s5 =	sadd.s32 s8, s15;
	s13 =	smulhi.u32 $0x28F5C29, s28  }
0xf: {  	s15 =	sor.u32 $0x6, s3;
	[dreg:$0x5] =	wrdreg s5;
	s30 =	smul.u32 $0x1A000, s12  }
0x10: {  	s4 =	ssub.s32 s4, s6;
	s6 =	ssub.s32 s7, s17;
	s7 =	smul.u32 $0x64, s19  }
0x11: {  	s10 =	ssub.s32 s10, s26;
	s14 =	smul.u32 $0x64, s13;
	s16 =	sshll.u32 s4, $0xA  }
0x12: {  	s4 =	sshll.u32 s4, $0x7;
	s21 =	sshll.u32 s6, $0xA;
	s6 =	sshll.u32 s6, $0x7  }
0x13: {  	s8 =	sshll.u32 s10, $0xA;
	s17 =	sshll.u32 s10, $0x7;
	s5 =	sand.u32 $0x1E000, s16  }
0x14: {  	s4 =	sand.u32 $0x280, s4;
	s11 =	sand.u32 $0x300, s6;
	s16 =	smulhi.u32 $0x28F5C29, s15  }
0x15: {  	s23 =	ssub.s32 s18, s7;
	s31 =	sand.u32 $0x1E000, s8;
	s18 =	smul.u32 $0x1A000, s13  }
0x16: {  	s9 =	sand.u32 $0x200, s17;
	s4 =	sor.u32 s5, s4;
	s5 =	sand.u32 $0x1E000, s21  }
0x17: {  	s25 =	sshll.u32 s23, $0xA;
	s12 =	sadd.s32 s30, s31;
	s31 =	sor.u32 $0x8, s3  }
0x18: {  	s6 =	sor.u32 s20, s4;
	s22 =	sor.u32 s5, s11;
	s4 =	sand.u32 $0x1E000, s25  }
0x19: {  	s5 =	sshll.u32 s23, $0x7;
	s7 =	sor.u32 s20, s22;
	s22 =	sor.u32 $0x7, s3  }
0x1a: {  	s11 =	ssub.s32 s28, s14;
	s5 =	sand.u32 $0x380, s5;
	s23 =	smulhi.u32 $0x28F5C29, s22  }
0x1b: {  	s19 =	sshll.u32 s11, $0xA;
	s4 =	sor.u32 s4, s5;
	s5 =	smul.u32 $0x1A000, s16  }
0x1c: {  	s21 =	sand.u32 $0x1E000, s19;
	s8 =	sor.u32 s20, s4;
	s20 =	smul.u32 $0x64, s16  }
0x1d: {  	s25 =	sshll.u32 s11, $0x7;
	s4 =	sadd.s32 s18, s21;
	s18 =	smulhi.u32 $0x28F5C29, s31  }
0x1e: {  	s9 =	sor.u32 s9, s12;
	s10 =	sand.u32 $0x280, s25;
	s28 =	smul.u32 $0x64, s23  }
0x1f: {  	s25 =	sor.u32 $0xA, s3;
	s14 =	smul.u32 $0x1A000, s23;
	s13 =	ssub.s32 s15, s20  }
0x20: {  	s16 =	smul.u32 $0x64, s18;
	s26 =	sshll.u32 s13, $0xA;
	s17 =	sshll.u32 s13, $0x7  }
0x21: {  	s12 =	ssub.s32 s22, s28;
	s13 =	smul.u32 $0x1A000, s18;
	s11 =	sand.u32 $0x1E000, s26  }
0x22: {  	s15 =	sshll.u32 s12, $0xA;
	s12 =	sshll.u32 s12, $0x7;
	s26 =	smulhi.u32 $0x28F5C29, s25  }
0x23: {  	s30 =	sadd.s32 s5, s11;
	s11 =	sand.u32 $0x300, s17;
	s15 =	sand.u32 $0x1E000, s15  }
0x24: {  	s17 =	sor.u32 $0x9, s3;
	s5 =	ssub.s32 s31, s16;
	s12 =	sand.u32 $0x380, s12  }
0x25: {  	s31 =	sor.u32 $0xB, s3;
	s19 =	sadd.s32 s14, s15;
	s20 =	smulhi.u32 $0x28F5C29, s17  }
0x26: {  	s21 =	sshll.u32 s5, $0xA;
	s12 =	sor.u32 s12, s19;
	s19 =	smul.u32 $0x64, s26  }
0x27: {  	s1 =	smax.u32 s1, $0x1;
	s23 =	sand.u32 $0x1E000, s21;
	s21 =	smulhi.u32 $0x28F5C29, s31  }
0x28: {  	s10 =	sor.u32 s10, s4;
	s5 =	sshll.u32 s5, $0x7;
	s22 =	smul.u32 $0x64, s20  }
0x29: {  	s5 =	sand.u32 $0x200, s5;
	s4 =	sadd.s32 s13, s23;
	s14 =	smul.u32 $0x1A000, s20  }
0x2a: {  	s11 =	sor.u32 s11, s30;
	s13 =	sor.u32 s5, s4;
	s23 =	smul.u32 $0x64, s21  }
0x2b: {  	s15 =	ssub.s32 s25, s19;
	s16 =	ssub.s32 s17, s22;
	s17 =	smul.u32 $0x1A000, s26  }
0x2c: {  	s22 =	sshll.u32 s15, $0xA;
	s15 =	sshll.u32 s15, $0x7;
	s28 =	sshll.u32 s16, $0xA  }
0x2d: {  	s20 =	sshll.u32 s16, $0x7;
	s5 =	ssub.s32 s31, s23;
	s18 =	sand.u32 $0x1E000, s28  }
0x2e: {  	s30 =	sadd.s32 s14, s18;
	s14 =	sand.u32 $0x280, s20;
	s20 =	sor.u32 $0xC, s3  }
0x2f: {  	s15 =	sand.u32 $0x300, s15;
	s18 =	sand.u32 $0x1E000, s22;
	s26 =	smulhi.u32 $0x28F5C29, s20  }
0x30: {  	s28 =	smul.u32 $0x1A000, s21;
	s19 =	sshll.u32 s5, $0xA;
	s25 =	sadd.s32 s17, s18  }
0x31: {  	s16 =	sor.u32 s15, s25;
	s15 =	sor.u32 $0xD, s3;
	s21 =	smul.u32 $0x64, s26  }
0x32: {  	s14 =	sor.u32 s14, s30;
	s30 =	sand.u32 $0x1E000, s19;
	s19 =	smulhi.u32 $0x28F5C29, s15  }
0x33: {  	s6 =	sshrl.u32 s6, $0x3;
	s5 =	sshll.u32 s5, $0x7;
	s23 =	smul.u32 $0x1A000, s26  }
0x34: {  	s5 =	sand.u32 $0x380, s5;
	s4 =	sadd.s32 s28, s30;
	s22 =	smul.u32 $0x64, s19  }
0x35: {  	s30 =	sor.u32 $0xE, s3;
	s3 =	sor.u32 $0xF, s3;
	s19 =	smul.u32 $0x1A000, s19  }
0x36: {  	s17 =	sor.u32 s5, s4;
	s31 =	ssub.s32 s20, s21;
	s21 =	smulhi.u32 $0x28F5C29, s3  }
0x37: {  	s25 =	sshll.u32 s31, $0xA;
	s18 =	sshll.u32 s31, $0x7;
	s31 =	smulhi.u32 $0x28F5C29, s30  }
0x38: {  	s26 =	sand.u32 $0x1E000, s25;
	s15 =	ssub.s32 s15, s22;
	s18 =	sand.u32 $0x200, s18  }
0x39: {  	s20 =	smul.u32 $0x64, s21;
	s28 =	sadd.s32 s23, s26;
	s22 =	sshll.u32 s15, $0xA  }
0x3a: {  	s25 =	smul.u32 $0x64, s31;
	s26 =	rddreg [dreg:$0x2];
	s15 =	sshll.u32 s15, $0x7  }
0x3b: {  	s18 =	sor.u32 s18, s28;
	s23 =	sand.u32 $0x1E000, s22;
	s28 =	sand.u32 $0x280, s15  }
0x3c: {  	s3 =	ssub.s32 s3, s20;
	s4 =	sadd.s32 s19, s23;
	s19 =	ssub.s32 s30, s25  }
0x3d: {  	s22 =	sshrl.u32 s16, $0x3;
	s30 =	smul.u32 $0x1A000, s31;
	s31 =	sshll.u32 s19, $0xA  }
0x3e: {  	s23 =	sor.u32 s28, s4;
	s4 =	simm.s32 $0x0;
	s28 =	sshrl.u32 s8, $0x3  }
0x3f: {  	s8 =	sshll.u32 s19, $0x7;
	s5 =	sand.u32 $0x1E000, s31;
	[smem:$0x7FF] =	sst s4  }
0x40: {  	s19 =	smul.u32 $0x320000, s0;
	s15 =	sadd.s32 s30, s5;
	_ =	strace $0x80000047  }
0x41: {  	s5 =	sadd.s32 $0x400, s26;
	s26 =	sshrl.u32 s7, $0x3;
	s30 =	sshrl.u32 s9, $0x3  }
0x42: {  	s7 =	sshrl.u32 s11, $0x3;
	s9 =	sshrl.u32 s12, $0x3;
	s11 =	sshll.u32 s3, $0xA  }
0x43: {  	s12 =	sshrl.u32 s13, $0x3;
	s3 =	sshll.u32 s3, $0x7;
	s13 =	smul.u32 $0x640000, s24  }
0x44: {  	[dreg:$0x14] =	wrdreg s1;
	s2 =	sadd.s32 s5, s2;
	s25 =	sadd.s32 s5, s6  }
0x45: {  	s31 =	sadd.s32 s5, s30;
	s6 =	sshrl.u32 s10, $0x3;
	[dreg:$0x6] =	wrdreg s2  }
0x46: {  	s10 =	smul.u32 $0x1A000, s21;
	s3 =	sand.u32 $0x380, s3;
	[dreg:$0x7] =	wrdreg s25  }
0x47: {  	s20 =	sadd.s32 s5, s12;
	s2 =	sadd.s32 s5, s26;
	[dreg:$0xa] =	wrdreg s31  }
0x48: {  	[dreg:$0xe] =	wrdreg s20;
	s25 =	smul.u32 $0x1900, s24;
	s26 =	sshrl.u32 s17, $0x3  }
0x49: {  	[dreg:$0x8] =	wrdreg s2;
	s2 =	sadd.s32 s5, s28;
	s30 =	sadd.s32 s5, s26  }
0x4a: {  	[dreg:$0x9] =	wrdreg s2;
	s2 =	sadd.s32 s5, s6;
	s6 =	sand.u32 $0x300, s8  }
0x4b: {  	s8 =	sand.u32 $0x1E000, s11;
	[dreg:$0x11] =	wrdreg s30;
	s11 =	sshrl.u32 s23, $0x3  }
0x4c: {  	[dreg:$0xb] =	wrdreg s2;
	s2 =	sadd.s32 s5, s7;
	s6 =	sor.u32 s6, s15  }
0x4d: {  	s7 =	sadd.s32 s10, s8;
	s8 =	sadd.s32 s5, s11;
	[dreg:$0xc] =	wrdreg s2  }
0x4e: {  	s15 =	sshrl.u32 s14, $0x3;
	s2 =	sadd.s32 s5, s9;
	[dreg:$0x13] =	wrdreg s8  }
0x4f: {  	s28 =	smul.u32 $0xC80, s0;
	s21 =	sadd.s32 s5, s15;
	[dreg:$0xd] =	wrdreg s2  }
0x50: {  	s3 =	sor.u32 s3, s7;
	s7 =	sadd.s32 s19, s13;
	[dreg:$0xf] =	wrdreg s21  }
0x51: {  	s9 =	sadd.s32 s28, s25;
	[dreg:$0x4] =	wrdreg s7;
	s2 =	sadd.s32 s5, s22  }
0x52: {  	s12 =	sor.u32 $0x10, s9;
	[dreg:$0x10] =	wrdreg s2  }
0x53: {  	s13 =	sor.u32 $0x1F, s9;
	[dreg:$0x15] =	wrdreg s12  }
0x54: {  	s14 =	sor.u32 $0x1E, s9;
	[dreg:$0x17] =	wrdreg s13  }
0x55: {  	s15 =	sor.u32 $0x1D, s9;
	[dreg:$0x18] =	wrdreg s14  }
0x56: {  	s16 =	sor.u32 $0x1C, s9;
	[dreg:$0x19] =	wrdreg s15  }
0x57: {  	s17 =	sor.u32 $0x1B, s9;
	[dreg:$0x1a] =	wrdreg s16  }
0x58: {  	s31 =	sshrl.u32 s18, $0x3;
	s18 =	sor.u32 $0x1A, s9;
	[dreg:$0x1b] =	wrdreg s17  }
0x59: {  	s19 =	sor.u32 $0x19, s9;
	[dreg:$0x1c] =	wrdreg s18  }
0x5a: {  	s22 =	sor.u32 $0x18, s9;
	[dreg:$0x1d] =	wrdreg s19  }
0x5b: {  	s23 =	sor.u32 $0x17, s9;
	[dreg:$0x1e] =	wrdreg s22  }
0x5c: {  	s10 =	smul.u32 $0xC8000, s24;
	s24 =	sor.u32 $0x16, s9;
	[dreg:$0x1f] =	wrdreg s23  }
0x5d: {  	s25 =	sor.u32 $0x15, s9;
	[smem:$0x7F8] =	sst s24  }
0x5e: {  	s29 =	simm.s32 $0x1;
	s26 =	sor.u32 $0x14, s9;
	[smem:$0x7F9] =	sst s25  }
0x5f: {  	s0 =	smul.u32 $0x64000, s0;
	s28 =	sor.u32 $0x13, s9;
	[smem:$0x7FA] =	sst s26  }
0x60: {  	s1 =	simm.s32 $0x0;
	s30 =	sor.u32 $0x12, s9;
	[smem:$0x7FB] =	sst s28  }
0x61: {  	s0 =	sadd.s32 s0, s10;
	s2 =	sadd.s32 s5, s31;
	[smem:$0x7FC] =	sst s30  }
0x62: {  	s6 =	sshrl.u32 s6, $0x3;
	s0 =	sor.u32 $0x800, s0;
	[dreg:$0x12] =	wrdreg s2  }
0x63: {  	s3 =	sshrl.u32 s3, $0x3;
	s31 =	sor.u32 $0x11, s9;
	[dreg:$0x16] =	wrdreg s0  }
0x64: {  	s20 =	sadd.s32 s5, s6;
	s21 =	sadd.s32 s5, s3;
	[smem:$0x7FD] =	sst s31  }
.LBB2_1:
0x65: {  	[smem:$0x7F7] =	sst s1  }
0x66: {  	s0 =	rddreg [dreg:$0x0];
	s25 =	simm.s32 $0x2  }
0x67: {  	[tilespmem:s4], [sflag:$0x2] =	stream.linear.gather [hbm4b:s0+s4], $0x1A000, $0x38;
	[tilespmem:$0x1AC80] =	vst v63  }
0x68: {  	_ =	swait.ge [sflag:s25], $0x1A000  }
0x69: {  	[sflag:s25] =	ssyncset.done $0x0  }
0x6a: {  	s2 =	simm.s32 $0x1A000;
	s26 =	rddreg [dreg:$0x5];
	[sflag:s25] =	ssyncadd.s32 $0xFFFE6000  }
0x6b: {  	[tilespmem:s2], [sflag:$0x2] =	stream.linear.gather [hbm4b:s26+s4], $0xC80, $0x38;
	[tilespmem:$0x1AC80] =	vst v63  }
0x6c: {  	_ =	swait.ge [sflag:s25], $0xC80  }
0x6d: {  	[sflag:s25] =	ssyncset.done $0x0  }
0x6e: {  	[sflag:s25] =	ssyncadd.s32 $0xFFFFF380  }
0x6f: {  	v0 =	vld [tilespmem:$0x1A000];
	_ =	sdelay $0x4  }
0x70: {  	(v2sf) =	vpush v0, $0x0;
	_ =	sdelay $0xe  }
0x71: {  	s3 =	spop (v2sf)  }
0x72: {  	s6 =	sshll.u32 s3, $0xA;
	s0 =	sshll.u32 s3, $0x7  }
0x73: {  	(v2sf) =	vpush v0, $0x1;
	s1 =	sand.u32 $0xFFFFE000, s6;
	s0 =	sand.u32 $0x380, s0  }
0x74: {  	s3 =	rddreg [dreg:$0x6];
	s0 =	sor.u32 s0, s1  }
0x75: {  	[hbm4b:s3+s4] =	stream.linear.scatter [tilespmem:s0], [sflag:$0x1], $0x80, $0x38;
	[tilespmem:$0x1AC80] =	vst v63  }
0x76: {  	s7 =	sadd.s32 $0x80, s3;
	s1 =	sor.u32 $0x400, s0  }
0x77: {  	[hbm4b:s7+s4] =	stream.linear.scatter [tilespmem:s1], [sflag:$0x1], $0x80, $0x38;
	[tilespmem:$0x1AC80] =	vst v63  }
0x78: {  	s9 =	sadd.s32 $0x100, s3;
	s8 =	sor.u32 $0x800, s0  }
0x79: {  	[hbm4b:s9+s4] =	stream.linear.scatter [tilespmem:s8], [sflag:$0x1], $0x80, $0x38;
	[tilespmem:$0x1AC80] =	vst v63  }
0x7a: {  	s11 =	sadd.s32 $0x180, s3;
	s10 =	sor.u32 $0xC00, s0  }
0x7b: {  	[hbm4b:s11+s4] =	stream.linear.scatter [tilespmem:s10], [sflag:$0x1], $0x80, $0x38;
	[tilespmem:$0x1AC80] =	vst v63  }
0x7c: {  	s13 =	sadd.s32 $0x200, s3;
	s12 =	sor.u32 $0x1000, s0  }
0x7d: {  	[hbm4b:s13+s4] =	stream.linear.scatter [tilespmem:s12], [sflag:$0x1], $0x80, $0x38;
	[tilespmem:$0x1AC80] =	vst v63  }
0x7e: {  	s15 =	sadd.s32 $0x280, s3;
	s14 =	sor.u32 $0x1400, s0  }
0x7f: {  	[hbm4b:s15+s4] =	stream.linear.scatter [tilespmem:s14], [sflag:$0x1], $0x80, $0x38;
	[tilespmem:$0x1AC80] =	vst v63  }
0x80: {  	s17 =	sadd.s32 $0x300, s3;
	s16 =	sor.u32 $0x1800, s0  }
0x81: {  	[hbm4b:s17+s4] =	stream.linear.scatter [tilespmem:s16], [sflag:$0x1], $0x80, $0x38;
	[tilespmem:$0x1AC80] =	vst v63  }
0x82: {  	s18 =	sadd.s32 $0x380, s3;
	s0 =	sor.u32 $0x1C00, s0;
	s19 =	spop (v2sf)  }
0x83: {  	[hbm4b:s18+s4] =	stream.linear.scatter [tilespmem:s0], [sflag:$0x1], $0x80, $0x38;
	[tilespmem:$0x1AC80] =	vst v63  }
0x84: {  	s22 =	sshll.u32 s19, $0xA;
	s0 =	sshll.u32 s19, $0x7  }
0x85: {  	(v2sf) =	vpush v0, $0x2;
	s1 =	sand.u32 $0xFFFFE000, s22;
	s0 =	sand.u32 $0x380, s0  }
0x86: {  	s23 =	rddreg [dreg:$0x7];
	s0 =	sor.u32 s0, s1  }
0x87: {  	[hbm4b:s23+s4] =	stream.linear.scatter [tilespmem:s0], [sflag:$0x1], $0x80, $0x38;
	[tilespmem:$0x1AC80] =	vst v63  }
0x88: {  	s24 =	sadd.s32 $0x80, s23;
	s1 =	sor.u32 $0x400, s0  }
0x89: {  	[hbm4b:s24+s4] =	stream.linear.scatter [tilespmem:s1], [sflag:$0x1], $0x80, $0x38;
	[tilespmem:$0x1AC80] =	vst v63  }
0x8a: {  	s26 =	sadd.s32 $0x100, s23;
	s25 =	sor.u32 $0x800, s0  }
0x8b: {  	[hbm4b:s26+s4] =	stream.linear.scatter [tilespmem:s25], [sflag:$0x1], $0x80, $0x38;
	[tilespmem:$0x1AC80] =	vst v63  }
0x8c: {  	s7 =	sadd.s32 $0x180, s23;
	s6 =	sor.u32 $0xC00, s0  }
0x8d: {  	[hbm4b:s7+s4] =	stream.linear.scatter [tilespmem:s6], [sflag:$0x1], $0x80, $0x38;
	[tilespmem:$0x1AC80] =	vst v63  }
0x8e: {  	s9 =	sadd.s32 $0x200, s23;
	s8 =	sor.u32 $0x1000, s0  }
0x8f: {  	[hbm4b:s9+s4] =	stream.linear.scatter [tilespmem:s8], [sflag:$0x1], $0x80, $0x38;
	[tilespmem:$0x1AC80] =	vst v63  }
0x90: {  	s11 =	sadd.s32 $0x280, s23;
	s10 =	sor.u32 $0x1400, s0  }
0x91: {  	[hbm4b:s11+s4] =	stream.linear.scatter [tilespmem:s10], [sflag:$0x1], $0x80, $0x38;
	[tilespmem:$0x1AC80] =	vst v63  }
0x92: {  	s13 =	sadd.s32 $0x300, s23;
	s12 =	sor.u32 $0x1800, s0  }
0x93: {  	[hbm4b:s13+s4] =	stream.linear.scatter [tilespmem:s12], [sflag:$0x1], $0x80, $0x38;
	[tilespmem:$0x1AC80] =	vst v63  }
0x94: {  	s14 =	sadd.s32 $0x380, s23;
	s0 =	sor.u32 $0x1C00, s0;
	s15 =	spop (v2sf)  }
0x95: {  	[hbm4b:s14+s4] =	stream.linear.scatter [tilespmem:s0], [sflag:$0x1], $0x80, $0x38;
	[tilespmem:$0x1AC80] =	vst v63  }
0x96: {  	s16 =	sshll.u32 s15, $0xA;
	s0 =	sshll.u32 s15, $0x7  }
0x97: {  	(v2sf) =	vpush v0, $0x3;
	s1 =	sand.u32 $0xFFFFE000, s16;
	s0 =	sand.u32 $0x380, s0  }
0x98: {  	s17 =	rddreg [dreg:$0x8];
	s0 =	sor.u32 s0, s1  }
0x99: {  	[hbm4b:s17+s4] =	stream.linear.scatter [tilespmem:s0], [sflag:$0x1], $0x80, $0x38;
	[tilespmem:$0x1AC80] =	vst v63  }
0x9a: {  	s18 =	sadd.s32 $0x80, s17;
	s1 =	sor.u32 $0x400, s0  }
0x9b: {  	[hbm4b:s18+s4] =	stream.linear.scatter [tilespmem:s1], [sflag:$0x1], $0x80, $0x38;
	[tilespmem:$0x1AC80] =	vst v63  }
0x9c: {  	s22 =	sadd.s32 $0x100, s17;
	s19 =	sor.u32 $0x800, s0  }
0x9d: {  	[hbm4b:s22+s4] =	stream.linear.scatter [tilespmem:s19], [sflag:$0x1], $0x80, $0x38;
	[tilespmem:$0x1AC80] =	vst v63  }
0x9e: {  	s24 =	sadd.s32 $0x180, s17;
	s23 =	sor.u32 $0xC00, s0  }
0x9f: {  	[hbm4b:s24+s4] =	stream.linear.scatter [tilespmem:s23], [sflag:$0x1], $0x80, $0x38;
	[tilespmem:$0x1AC80] =	vst v63  }
0xa0: {  	s26 =	sadd.s32 $0x200, s17;
	s25 =	sor.u32 $0x1000, s0  }
0xa1: {  	[hbm4b:s26+s4] =	stream.linear.scatter [tilespmem:s25], [sflag:$0x1], $0x80, $0x38;
	[tilespmem:$0x1AC80] =	vst v63  }
0xa2: {  	s6 =	sadd.s32 $0x280, s17;
	s2 =	sor.u32 $0x1400, s0  }
0xa3: {  	[hbm4b:s6+s4] =	stream.linear.scatter [tilespmem:s2], [sflag:$0x1], $0x80, $0x38;
	[tilespmem:$0x1AC80] =	vst v63  }
0xa4: {  	s8 =	sadd.s32 $0x300, s17;
	s7 =	sor.u32 $0x1800, s0  }
0xa5: {  	[hbm4b:s8+s4] =	stream.linear.scatter [tilespmem:s7], [sflag:$0x1], $0x80, $0x38;
	[tilespmem:$0x1AC80] =	vst v63  }
0xa6: {  	s9 =	sadd.s32 $0x380, s17;
	s0 =	sor.u32 $0x1C00, s0;
	s10 =	spop (v2sf)  }
0xa7: {  	[hbm4b:s9+s4] =	stream.linear.scatter [tilespmem:s0], [sflag:$0x1], $0x80, $0x38;
	[tilespmem:$0x1AC80] =	vst v63  }
0xa8: {  	s11 =	sshll.u32 s10, $0xA;
	s0 =	sshll.u32 s10, $0x7  }
0xa9: {  	(v2sf) =	vpush v0, $0x4;
	s1 =	sand.u32 $0xFFFFE000, s11;
	s0 =	sand.u32 $0x380, s0  }
0xaa: {  	s12 =	rddreg [dreg:$0x9];
	s0 =	sor.u32 s0, s1  }
0xab: {  	[hbm4b:s12+s4] =	stream.linear.scatter [tilespmem:s0], [sflag:$0x1], $0x80, $0x38;
	[tilespmem:$0x1AC80] =	vst v63  }
0xac: {  	s13 =	sadd.s32 $0x80, s12;
	s1 =	sor.u32 $0x400, s0  }
0xad: {  	[hbm4b:s13+s4] =	stream.linear.scatter [tilespmem:s1], [sflag:$0x1], $0x80, $0x38;
	[tilespmem:$0x1AC80] =	vst v63  }
0xae: {  	s15 =	sadd.s32 $0x100, s12;
	s14 =	sor.u32 $0x800, s0  }
0xaf: {  	[hbm4b:s15+s4] =	stream.linear.scatter [tilespmem:s14], [sflag:$0x1], $0x80, $0x38;
	[tilespmem:$0x1AC80] =	vst v63  }
0xb0: {  	s17 =	sadd.s32 $0x180, s12;
	s16 =	sor.u32 $0xC00, s0  }
0xb1: {  	[hbm4b:s17+s4] =	stream.linear.scatter [tilespmem:s16], [sflag:$0x1], $0x80, $0x38;
	[tilespmem:$0x1AC80] =	vst v63  }
0xb2: {  	s19 =	sadd.s32 $0x200, s12;
	s18 =	sor.u32 $0x1000, s0  }
0xb3: {  	[hbm4b:s19+s4] =	stream.linear.scatter [tilespmem:s18], [sflag:$0x1], $0x80, $0x38;
	[tilespmem:$0x1AC80] =	vst v63  }
0xb4: {  	s23 =	sadd.s32 $0x280, s12;
	s22 =	sor.u32 $0x1400, s0  }
0xb5: {  	[hbm4b:s23+s4] =	stream.linear.scatter [tilespmem:s22], [sflag:$0x1], $0x80, $0x38;
	[tilespmem:$0x1AC80] =	vst v63  }
0xb6: {  	s25 =	sadd.s32 $0x300, s12;
	s24 =	sor.u32 $0x1800, s0  }
0xb7: {  	[hbm4b:s25+s4] =	stream.linear.scatter [tilespmem:s24], [sflag:$0x1], $0x80, $0x38;
	[tilespmem:$0x1AC80] =	vst v63  }
0xb8: {  	s26 =	sadd.s32 $0x380, s12;
	s0 =	sor.u32 $0x1C00, s0;
	s2 =	spop (v2sf)  }
0xb9: {  	[hbm4b:s26+s4] =	stream.linear.scatter [tilespmem:s0], [sflag:$0x1], $0x80, $0x38;
	[tilespmem:$0x1AC80] =	vst v63  }
0xba: {  	s3 =	sshll.u32 s2, $0xA;
	s0 =	sshll.u32 s2, $0x7  }
0xbb: {  	(v2sf) =	vpush v0, $0x5;
	s1 =	sand.u32 $0xFFFFE000, s3;
	s0 =	sand.u32 $0x380, s0  }
0xbc: {  	s6 =	rddreg [dreg:$0xa];
	s0 =	sor.u32 s0, s1  }
0xbd: {  	[hbm4b:s6+s4] =	stream.linear.scatter [tilespmem:s0], [sflag:$0x1], $0x80, $0x38;
	[tilespmem:$0x1AC80] =	vst v63  }
0xbe: {  	s7 =	sadd.s32 $0x80, s6;
	s1 =	sor.u32 $0x400, s0  }
0xbf: {  	[hbm4b:s7+s4] =	stream.linear.scatter [tilespmem:s1], [sflag:$0x1], $0x80, $0x38;
	[tilespmem:$0x1AC80] =	vst v63  }
0xc0: {  	s9 =	sadd.s32 $0x100, s6;
	s8 =	sor.u32 $0x800, s0  }
0xc1: {  	[hbm4b:s9+s4] =	stream.linear.scatter [tilespmem:s8], [sflag:$0x1], $0x80, $0x38;
	[tilespmem:$0x1AC80] =	vst v63  }
0xc2: {  	s11 =	sadd.s32 $0x180, s6;
	s10 =	sor.u32 $0xC00, s0  }
0xc3: {  	[hbm4b:s11+s4] =	stream.linear.scatter [tilespmem:s10], [sflag:$0x1], $0x80, $0x38;
	[tilespmem:$0x1AC80] =	vst v63  }
0xc4: {  	s13 =	sadd.s32 $0x200, s6;
	s12 =	sor.u32 $0x1000, s0  }
0xc5: {  	[hbm4b:s13+s4] =	stream.linear.scatter [tilespmem:s12], [sflag:$0x1], $0x80, $0x38;
	[tilespmem:$0x1AC80] =	vst v63  }
0xc6: {  	s15 =	sadd.s32 $0x280, s6;
	s14 =	sor.u32 $0x1400, s0  }
0xc7: {  	[hbm4b:s15+s4] =	stream.linear.scatter [tilespmem:s14], [sflag:$0x1], $0x80, $0x38;
	[tilespmem:$0x1AC80] =	vst v63  }
0xc8: {  	s17 =	sadd.s32 $0x300, s6;
	s16 =	sor.u32 $0x1800, s0  }
0xc9: {  	[hbm4b:s17+s4] =	stream.linear.scatter [tilespmem:s16], [sflag:$0x1], $0x80, $0x38;
	[tilespmem:$0x1AC80] =	vst v63  }
0xca: {  	s18 =	sadd.s32 $0x380, s6;
	s0 =	sor.u32 $0x1C00, s0;
	s19 =	spop (v2sf)  }
0xcb: {  	[hbm4b:s18+s4] =	stream.linear.scatter [tilespmem:s0], [sflag:$0x1], $0x80, $0x38;
	[tilespmem:$0x1AC80] =	vst v63  }
0xcc: {  	s22 =	sshll.u32 s19, $0xA;
	s0 =	sshll.u32 s19, $0x7  }
0xcd: {  	(v2sf) =	vpush v0, $0x6;
	s1 =	sand.u32 $0xFFFFE000, s22;
	s0 =	sand.u32 $0x380, s0  }
0xce: {  	s23 =	rddreg [dreg:$0xb];
	s0 =	sor.u32 s0, s1  }
0xcf: {  	[hbm4b:s23+s4] =	stream.linear.scatter [tilespmem:s0], [sflag:$0x1], $0x80, $0x38;
	[tilespmem:$0x1AC80] =	vst v63  }
0xd0: {  	s24 =	sadd.s32 $0x80, s23;
	s1 =	sor.u32 $0x400, s0  }
0xd1: {  	[hbm4b:s24+s4] =	stream.linear.scatter [tilespmem:s1], [sflag:$0x1], $0x80, $0x38;
	[tilespmem:$0x1AC80] =	vst v63  }
0xd2: {  	s26 =	sadd.s32 $0x100, s23;
	s25 =	sor.u32 $0x800, s0  }
0xd3: {  	[hbm4b:s26+s4] =	stream.linear.scatter [tilespmem:s25], [sflag:$0x1], $0x80, $0x38;
	[tilespmem:$0x1AC80] =	vst v63  }
0xd4: {  	s7 =	sadd.s32 $0x180, s23;
	s6 =	sor.u32 $0xC00, s0  }
0xd5: {  	[hbm4b:s7+s4] =	stream.linear.scatter [tilespmem:s6], [sflag:$0x1], $0x80, $0x38;
	[tilespmem:$0x1AC80] =	vst v63  }
0xd6: {  	s9 =	sadd.s32 $0x200, s23;
	s8 =	sor.u32 $0x1000, s0  }
0xd7: {  	[hbm4b:s9+s4] =	stream.linear.scatter [tilespmem:s8], [sflag:$0x1], $0x80, $0x38;
	[tilespmem:$0x1AC80] =	vst v63  }
0xd8: {  	s11 =	sadd.s32 $0x280, s23;
	s10 =	sor.u32 $0x1400, s0  }
0xd9: {  	[hbm4b:s11+s4] =	stream.linear.scatter [tilespmem:s10], [sflag:$0x1], $0x80, $0x38;
	[tilespmem:$0x1AC80] =	vst v63  }
0xda: {  	s13 =	sadd.s32 $0x300, s23;
	s12 =	sor.u32 $0x1800, s0  }
0xdb: {  	[hbm4b:s13+s4] =	stream.linear.scatter [tilespmem:s12], [sflag:$0x1], $0x80, $0x38;
	[tilespmem:$0x1AC80] =	vst v63  }
0xdc: {  	s14 =	sadd.s32 $0x380, s23;
	s0 =	sor.u32 $0x1C00, s0;
	s15 =	spop (v2sf)  }
0xdd: {  	[hbm4b:s14+s4] =	stream.linear.scatter [tilespmem:s0], [sflag:$0x1], $0x80, $0x38;
	[tilespmem:$0x1AC80] =	vst v63  }
0xde: {  	s16 =	sshll.u32 s15, $0xA;
	s0 =	sshll.u32 s15, $0x7  }
0xdf: {  	(v2sf) =	vpush v0, $0x7;
	s1 =	sand.u32 $0xFFFFE000, s16;
	s0 =	sand.u32 $0x380, s0  }
0xe0: {  	s17 =	rddreg [dreg:$0xc];
	s0 =	sor.u32 s0, s1  }
0xe1: {  	[hbm4b:s17+s4] =	stream.linear.scatter [tilespmem:s0], [sflag:$0x1], $0x80, $0x38;
	[tilespmem:$0x1AC80] =	vst v63  }
0xe2: {  	s18 =	sadd.s32 $0x80, s17;
	s1 =	sor.u32 $0x400, s0  }
0xe3: {  	[hbm4b:s18+s4] =	stream.linear.scatter [tilespmem:s1], [sflag:$0x1], $0x80, $0x38;
	[tilespmem:$0x1AC80] =	vst v63  }
0xe4: {  	s22 =	sadd.s32 $0x100, s17;
	s19 =	sor.u32 $0x800, s0  }
0xe5: {  	[hbm4b:s22+s4] =	stream.linear.scatter [tilespmem:s19], [sflag:$0x1], $0x80, $0x38;
	[tilespmem:$0x1AC80] =	vst v63  }
0xe6: {  	s24 =	sadd.s32 $0x180, s17;
	s23 =	sor.u32 $0xC00, s0  }
0xe7: {  	[hbm4b:s24+s4] =	stream.linear.scatter [tilespmem:s23], [sflag:$0x1], $0x80, $0x38;
	[tilespmem:$0x1AC80] =	vst v63  }
0xe8: {  	s26 =	sadd.s32 $0x200, s17;
	s25 =	sor.u32 $0x1000, s0  }
0xe9: {  	[hbm4b:s26+s4] =	stream.linear.scatter [tilespmem:s25], [sflag:$0x1], $0x80, $0x38;
	[tilespmem:$0x1AC80] =	vst v63  }
0xea: {  	s6 =	sadd.s32 $0x280, s17;
	s2 =	sor.u32 $0x1400, s0  }
0xeb: {  	[hbm4b:s6+s4] =	stream.linear.scatter [tilespmem:s2], [sflag:$0x1], $0x80, $0x38;
	[tilespmem:$0x1AC80] =	vst v63  }
0xec: {  	s8 =	sadd.s32 $0x300, s17;
	s7 =	sor.u32 $0x1800, s0  }
0xed: {  	[hbm4b:s8+s4] =	stream.linear.scatter [tilespmem:s7], [sflag:$0x1], $0x80, $0x38;
	[tilespmem:$0x1AC80] =	vst v63  }
0xee: {  	s9 =	sadd.s32 $0x380, s17;
	s10 =	spop (v2sf);
	s0 =	sor.u32 $0x1C00, s0  }
0xef: {  	[hbm4b:s9+s4] =	stream.linear.scatter [tilespmem:s0], [sflag:$0x1], $0x80, $0x38;
	[tilespmem:$0x1AC80] =	vst v63  }
0xf0: {  	s11 =	sshll.u32 s10, $0xA;
	s0 =	sshll.u32 s10, $0x7  }
0xf1: {  	(v2sf) =	vpush v0, $0x8;
	s1 =	sand.u32 $0xFFFFE000, s11;
	s0 =	sand.u32 $0x380, s0  }
0xf2: {  	s12 =	rddreg [dreg:$0xd];
	s0 =	sor.u32 s0, s1  }
0xf3: {  	[hbm4b:s12+s4] =	stream.linear.scatter [tilespmem:s0], [sflag:$0x1], $0x80, $0x38;
	[tilespmem:$0x1AC80] =	vst v63  }
0xf4: {  	s13 =	sadd.s32 $0x80, s12;
	s1 =	sor.u32 $0x400, s0  }
0xf5: {  	[hbm4b:s13+s4] =	stream.linear.scatter [tilespmem:s1], [sflag:$0x1], $0x80, $0x38;
	[tilespmem:$0x1AC80] =	vst v63  }
0xf6: {  	s15 =	sadd.s32 $0x100, s12;
	s14 =	sor.u32 $0x800, s0  }
0xf7: {  	[hbm4b:s15+s4] =	stream.linear.scatter [tilespmem:s14], [sflag:$0x1], $0x80, $0x38;
	[tilespmem:$0x1AC80] =	vst v63  }
0xf8: {  	s17 =	sadd.s32 $0x180, s12;
	s16 =	sor.u32 $0xC00, s0  }
0xf9: {  	[hbm4b:s17+s4] =	stream.linear.scatter [tilespmem:s16], [sflag:$0x1], $0x80, $0x38;
	[tilespmem:$0x1AC80] =	vst v63  }
0xfa: {  	s19 =	sadd.s32 $0x200, s12;
	s18 =	sor.u32 $0x1000, s0  }
0xfb: {  	[hbm4b:s19+s4] =	stream.linear.scatter [tilespmem:s18], [sflag:$0x1], $0x80, $0x38;
	[tilespmem:$0x1AC80] =	vst v63  }
0xfc: {  	s23 =	sadd.s32 $0x280, s12;
	s22 =	sor.u32 $0x1400, s0  }
0xfd: {  	[hbm4b:s23+s4] =	stream.linear.scatter [tilespmem:s22], [sflag:$0x1], $0x80, $0x38;
	[tilespmem:$0x1AC80] =	vst v63  }
0xfe: {  	s25 =	sadd.s32 $0x300, s12;
	s24 =	sor.u32 $0x1800, s0  }
0xff: {  	[hbm4b:s25+s4] =	stream.linear.scatter [tilespmem:s24], [sflag:$0x1], $0x80, $0x38;
	[tilespmem:$0x1AC80] =	vst v63  }
0x100: {  	s26 =	sadd.s32 $0x380, s12;
	s2 =	spop (v2sf);
	s0 =	sor.u32 $0x1C00, s0  }
0x101: {  	[hbm4b:s26+s4] =	stream.linear.scatter [tilespmem:s0], [sflag:$0x1], $0x80, $0x38;
	[tilespmem:$0x1AC80] =	vst v63  }
0x102: {  	s3 =	sshll.u32 s2, $0xA;
	s0 =	sshll.u32 s2, $0x7  }
0x103: {  	(v2sf) =	vpush v0, $0x9;
	s1 =	sand.u32 $0xFFFFE000, s3;
	s0 =	sand.u32 $0x380, s0  }
0x104: {  	s6 =	rddreg [dreg:$0xe];
	s0 =	sor.u32 s0, s1  }
0x105: {  	[hbm4b:s6+s4] =	stream.linear.scatter [tilespmem:s0], [sflag:$0x1], $0x80, $0x38;
	[tilespmem:$0x1AC80] =	vst v63  }
0x106: {  	s7 =	sadd.s32 $0x80, s6;
	s1 =	sor.u32 $0x400, s0  }
0x107: {  	[hbm4b:s7+s4] =	stream.linear.scatter [tilespmem:s1], [sflag:$0x1], $0x80, $0x38;
	[tilespmem:$0x1AC80] =	vst v63  }
0x108: {  	s9 =	sadd.s32 $0x100, s6;
	s8 =	sor.u32 $0x800, s0  }
0x109: {  	[hbm4b:s9+s4] =	stream.linear.scatter [tilespmem:s8], [sflag:$0x1], $0x80, $0x38;
	[tilespmem:$0x1AC80] =	vst v63  }
0x10a: {  	s11 =	sadd.s32 $0x180, s6;
	s10 =	sor.u32 $0xC00, s0  }
0x10b: {  	[hbm4b:s11+s4] =	stream.linear.scatter [tilespmem:s10], [sflag:$0x1], $0x80, $0x38;
	[tilespmem:$0x1AC80] =	vst v63  }
0x10c: {  	s13 =	sadd.s32 $0x200, s6;
	s12 =	sor.u32 $0x1000, s0  }
0x10d: {  	[hbm4b:s13+s4] =	stream.linear.scatter [tilespmem:s12], [sflag:$0x1], $0x80, $0x38;
	[tilespmem:$0x1AC80] =	vst v63  }
0x10e: {  	s15 =	sadd.s32 $0x280, s6;
	s14 =	sor.u32 $0x1400, s0  }
0x10f: {  	[hbm4b:s15+s4] =	stream.linear.scatter [tilespmem:s14], [sflag:$0x1], $0x80, $0x38;
	[tilespmem:$0x1AC80] =	vst v63  }
0x110: {  	s17 =	sadd.s32 $0x300, s6;
	s16 =	sor.u32 $0x1800, s0  }
0x111: {  	[hbm4b:s17+s4] =	stream.linear.scatter [tilespmem:s16], [sflag:$0x1], $0x80, $0x38;
	[tilespmem:$0x1AC80] =	vst v63  }
0x112: {  	s18 =	sadd.s32 $0x380, s6;
	s19 =	spop (v2sf);
	s0 =	sor.u32 $0x1C00, s0  }
0x113: {  	[hbm4b:s18+s4] =	stream.linear.scatter [tilespmem:s0], [sflag:$0x1], $0x80, $0x38;
	[tilespmem:$0x1AC80] =	vst v63  }
0x114: {  	s22 =	sshll.u32 s19, $0xA;
	s0 =	sshll.u32 s19, $0x7  }
0x115: {  	(v2sf) =	vpush v0, $0xA;
	s1 =	sand.u32 $0xFFFFE000, s22;
	s0 =	sand.u32 $0x380, s0  }
0x116: {  	s23 =	rddreg [dreg:$0xf];
	s0 =	sor.u32 s0, s1  }
0x117: {  	[hbm4b:s23+s4] =	stream.linear.scatter [tilespmem:s0], [sflag:$0x1], $0x80, $0x38;
	[tilespmem:$0x1AC80] =	vst v63  }
0x118: {  	s24 =	sadd.s32 $0x80, s23;
	s1 =	sor.u32 $0x400, s0  }
0x119: {  	[hbm4b:s24+s4] =	stream.linear.scatter [tilespmem:s1], [sflag:$0x1], $0x80, $0x38;
	[tilespmem:$0x1AC80] =	vst v63  }
0x11a: {  	s26 =	sadd.s32 $0x100, s23;
	s25 =	sor.u32 $0x800, s0  }
0x11b: {  	[hbm4b:s26+s4] =	stream.linear.scatter [tilespmem:s25], [sflag:$0x1], $0x80, $0x38;
	[tilespmem:$0x1AC80] =	vst v63  }
0x11c: {  	s7 =	sadd.s32 $0x180, s23;
	s6 =	sor.u32 $0xC00, s0  }
0x11d: {  	[hbm4b:s7+s4] =	stream.linear.scatter [tilespmem:s6], [sflag:$0x1], $0x80, $0x38;
	[tilespmem:$0x1AC80] =	vst v63  }
0x11e: {  	s9 =	sadd.s32 $0x200, s23;
	s8 =	sor.u32 $0x1000, s0  }
0x11f: {  	[hbm4b:s9+s4] =	stream.linear.scatter [tilespmem:s8], [sflag:$0x1], $0x80, $0x38;
	[tilespmem:$0x1AC80] =	vst v63  }
0x120: {  	s11 =	sadd.s32 $0x280, s23;
	s10 =	sor.u32 $0x1400, s0  }
0x121: {  	[hbm4b:s11+s4] =	stream.linear.scatter [tilespmem:s10], [sflag:$0x1], $0x80, $0x38;
	[tilespmem:$0x1AC80] =	vst v63  }
0x122: {  	s13 =	sadd.s32 $0x300, s23;
	s12 =	sor.u32 $0x1800, s0  }
0x123: {  	[hbm4b:s13+s4] =	stream.linear.scatter [tilespmem:s12], [sflag:$0x1], $0x80, $0x38;
	[tilespmem:$0x1AC80] =	vst v63  }
0x124: {  	s14 =	sadd.s32 $0x380, s23;
	s15 =	spop (v2sf);
	s0 =	sor.u32 $0x1C00, s0  }
0x125: {  	[hbm4b:s14+s4] =	stream.linear.scatter [tilespmem:s0], [sflag:$0x1], $0x80, $0x38;
	[tilespmem:$0x1AC80] =	vst v63  }
0x126: {  	s16 =	sshll.u32 s15, $0xA;
	s0 =	sshll.u32 s15, $0x7  }
0x127: {  	(v2sf) =	vpush v0, $0xB;
	s1 =	sand.u32 $0xFFFFE000, s16;
	s0 =	sand.u32 $0x380, s0  }
0x128: {  	s17 =	rddreg [dreg:$0x10];
	s0 =	sor.u32 s0, s1  }
0x129: {  	[hbm4b:s17+s4] =	stream.linear.scatter [tilespmem:s0], [sflag:$0x1], $0x80, $0x38;
	[tilespmem:$0x1AC80] =	vst v63  }
0x12a: {  	s18 =	sadd.s32 $0x80, s17;
	s1 =	sor.u32 $0x400, s0  }
0x12b: {  	[hbm4b:s18+s4] =	stream.linear.scatter [tilespmem:s1], [sflag:$0x1], $0x80, $0x38;
	[tilespmem:$0x1AC80] =	vst v63  }
0x12c: {  	s22 =	sadd.s32 $0x100, s17;
	s19 =	sor.u32 $0x800, s0  }
0x12d: {  	[hbm4b:s22+s4] =	stream.linear.scatter [tilespmem:s19], [sflag:$0x1], $0x80, $0x38;
	[tilespmem:$0x1AC80] =	vst v63  }
0x12e: {  	s24 =	sadd.s32 $0x180, s17;
	s23 =	sor.u32 $0xC00, s0  }
0x12f: {  	[hbm4b:s24+s4] =	stream.linear.scatter [tilespmem:s23], [sflag:$0x1], $0x80, $0x38;
	[tilespmem:$0x1AC80] =	vst v63  }
0x130: {  	s26 =	sadd.s32 $0x200, s17;
	s25 =	sor.u32 $0x1000, s0  }
0x131: {  	[hbm4b:s26+s4] =	stream.linear.scatter [tilespmem:s25], [sflag:$0x1], $0x80, $0x38;
	[tilespmem:$0x1AC80] =	vst v63  }
0x132: {  	s7 =	sadd.s32 $0x280, s17;
	s6 =	sor.u32 $0x1400, s0  }
0x133: {  	[hbm4b:s7+s4] =	stream.linear.scatter [tilespmem:s6], [sflag:$0x1], $0x80, $0x38;
	[tilespmem:$0x1AC80] =	vst v63  }
0x134: {  	s9 =	sadd.s32 $0x300, s17;
	s8 =	sor.u32 $0x1800, s0  }
0x135: {  	[hbm4b:s9+s4] =	stream.linear.scatter [tilespmem:s8], [sflag:$0x1], $0x80, $0x38;
	[tilespmem:$0x1AC80] =	vst v63  }
0x136: {  	s10 =	sadd.s32 $0x380, s17;
	s11 =	spop (v2sf);
	s0 =	sor.u32 $0x1C00, s0  }
0x137: {  	[hbm4b:s10+s4] =	stream.linear.scatter [tilespmem:s0], [sflag:$0x1], $0x80, $0x38;
	[tilespmem:$0x1AC80] =	vst v63  }
0x138: {  	s12 =	sshll.u32 s11, $0xA;
	s0 =	sshll.u32 s11, $0x7  }
0x139: {  	(v2sf) =	vpush v0, $0xC;
	s1 =	sand.u32 $0xFFFFE000, s12;
	s0 =	sand.u32 $0x380, s0  }
0x13a: {  	s13 =	rddreg [dreg:$0x11];
	s0 =	sor.u32 s0, s1  }
0x13b: {  	[hbm4b:s13+s4] =	stream.linear.scatter [tilespmem:s0], [sflag:$0x1], $0x80, $0x38;
	[tilespmem:$0x1AC80] =	vst v63  }
0x13c: {  	s14 =	sadd.s32 $0x80, s13;
	s1 =	sor.u32 $0x400, s0  }
0x13d: {  	[hbm4b:s14+s4] =	stream.linear.scatter [tilespmem:s1], [sflag:$0x1], $0x80, $0x38;
	[tilespmem:$0x1AC80] =	vst v63  }
0x13e: {  	s16 =	sadd.s32 $0x100, s13;
	s15 =	sor.u32 $0x800, s0  }
0x13f: {  	[hbm4b:s16+s4] =	stream.linear.scatter [tilespmem:s15], [sflag:$0x1], $0x80, $0x38;
	[tilespmem:$0x1AC80] =	vst v63  }
0x140: {  	s18 =	sadd.s32 $0x180, s13;
	s17 =	sor.u32 $0xC00, s0  }
0x141: {  	[hbm4b:s18+s4] =	stream.linear.scatter [tilespmem:s17], [sflag:$0x1], $0x80, $0x38;
	[tilespmem:$0x1AC80] =	vst v63  }
0x142: {  	s22 =	sadd.s32 $0x200, s13;
	s19 =	sor.u32 $0x1000, s0  }
0x143: {  	[hbm4b:s22+s4] =	stream.linear.scatter [tilespmem:s19], [sflag:$0x1], $0x80, $0x38;
	[tilespmem:$0x1AC80] =	vst v63  }
0x144: {  	s24 =	sadd.s32 $0x280, s13;
	s23 =	sor.u32 $0x1400, s0  }
0x145: {  	[hbm4b:s24+s4] =	stream.linear.scatter [tilespmem:s23], [sflag:$0x1], $0x80, $0x38;
	[tilespmem:$0x1AC80] =	vst v63  }
0x146: {  	s26 =	sadd.s32 $0x300, s13;
	s25 =	sor.u32 $0x1800, s0  }
0x147: {  	[hbm4b:s26+s4] =	stream.linear.scatter [tilespmem:s25], [sflag:$0x1], $0x80, $0x38;
	[tilespmem:$0x1AC80] =	vst v63  }
0x148: {  	s6 =	sadd.s32 $0x380, s13;
	s7 =	spop (v2sf);
	s0 =	sor.u32 $0x1C00, s0  }
0x149: {  	[hbm4b:s6+s4] =	stream.linear.scatter [tilespmem:s0], [sflag:$0x1], $0x80, $0x38;
	[tilespmem:$0x1AC80] =	vst v63  }
0x14a: {  	s8 =	sshll.u32 s7, $0xA;
	s0 =	sshll.u32 s7, $0x7  }
0x14b: {  	(v2sf) =	vpush v0, $0xD;
	s1 =	sand.u32 $0xFFFFE000, s8;
	s0 =	sand.u32 $0x380, s0  }
0x14c: {  	s9 =	rddreg [dreg:$0x12];
	s0 =	sor.u32 s0, s1  }
0x14d: {  	[hbm4b:s9+s4] =	stream.linear.scatter [tilespmem:s0], [sflag:$0x1], $0x80, $0x38;
	[tilespmem:$0x1AC80] =	vst v63  }
0x14e: {  	s10 =	sadd.s32 $0x80, s9;
	s1 =	sor.u32 $0x400, s0  }
0x14f: {  	[hbm4b:s10+s4] =	stream.linear.scatter [tilespmem:s1], [sflag:$0x1], $0x80, $0x38;
	[tilespmem:$0x1AC80] =	vst v63  }
0x150: {  	s12 =	sadd.s32 $0x100, s9;
	s11 =	sor.u32 $0x800, s0  }
0x151: {  	[hbm4b:s12+s4] =	stream.linear.scatter [tilespmem:s11], [sflag:$0x1], $0x80, $0x38;
	[tilespmem:$0x1AC80] =	vst v63  }
0x152: {  	s14 =	sadd.s32 $0x180, s9;
	s13 =	sor.u32 $0xC00, s0  }
0x153: {  	[hbm4b:s14+s4] =	stream.linear.scatter [tilespmem:s13], [sflag:$0x1], $0x80, $0x38;
	[tilespmem:$0x1AC80] =	vst v63  }
0x154: {  	s16 =	sadd.s32 $0x200, s9;
	s15 =	sor.u32 $0x1000, s0  }
0x155: {  	[hbm4b:s16+s4] =	stream.linear.scatter [tilespmem:s15], [sflag:$0x1], $0x80, $0x38;
	[tilespmem:$0x1AC80] =	vst v63  }
0x156: {  	s18 =	sadd.s32 $0x280, s9;
	s17 =	sor.u32 $0x1400, s0  }
0x157: {  	[hbm4b:s18+s4] =	stream.linear.scatter [tilespmem:s17], [sflag:$0x1], $0x80, $0x38;
	[tilespmem:$0x1AC80] =	vst v63  }
0x158: {  	s22 =	sadd.s32 $0x300, s9;
	s19 =	sor.u32 $0x1800, s0  }
0x159: {  	[hbm4b:s22+s4] =	stream.linear.scatter [tilespmem:s19], [sflag:$0x1], $0x80, $0x38;
	[tilespmem:$0x1AC80] =	vst v63  }
0x15a: {  	s23 =	sadd.s32 $0x380, s9;
	s24 =	spop (v2sf);
	s0 =	sor.u32 $0x1C00, s0  }
0x15b: {  	[hbm4b:s23+s4] =	stream.linear.scatter [tilespmem:s0], [sflag:$0x1], $0x80, $0x38;
	[tilespmem:$0x1AC80] =	vst v63  }
0x15c: {  	s25 =	sshll.u32 s24, $0xA;
	s0 =	sshll.u32 s24, $0x7  }
0x15d: {  	(v2sf) =	vpush v0, $0xE;
	s1 =	sand.u32 $0xFFFFE000, s25;
	s0 =	sand.u32 $0x380, s0  }
0x15e: {  	s26 =	rddreg [dreg:$0x13];
	s0 =	sor.u32 s0, s1  }
0x15f: {  	[hbm4b:s26+s4] =	stream.linear.scatter [tilespmem:s0], [sflag:$0x1], $0x80, $0x38;
	[tilespmem:$0x1AC80] =	vst v63  }
0x160: {  	s6 =	sadd.s32 $0x80, s26;
	s1 =	sor.u32 $0x400, s0  }
0x161: {  	[hbm4b:s6+s4] =	stream.linear.scatter [tilespmem:s1], [sflag:$0x1], $0x80, $0x38;
	[tilespmem:$0x1AC80] =	vst v63  }
0x162: {  	s8 =	sadd.s32 $0x100, s26;
	s7 =	sor.u32 $0x800, s0  }
0x163: {  	[hbm4b:s8+s4] =	stream.linear.scatter [tilespmem:s7], [sflag:$0x1], $0x80, $0x38;
	[tilespmem:$0x1AC80] =	vst v63  }
0x164: {  	s10 =	sadd.s32 $0x180, s26;
	s9 =	sor.u32 $0xC00, s0  }
0x165: {  	[hbm4b:s10+s4] =	stream.linear.scatter [tilespmem:s9], [sflag:$0x1], $0x80, $0x38;
	[tilespmem:$0x1AC80] =	vst v63  }
0x166: {  	s12 =	sadd.s32 $0x200, s26;
	s11 =	sor.u32 $0x1000, s0  }
0x167: {  	[hbm4b:s12+s4] =	stream.linear.scatter [tilespmem:s11], [sflag:$0x1], $0x80, $0x38;
	[tilespmem:$0x1AC80] =	vst v63  }
0x168: {  	s14 =	sadd.s32 $0x280, s26;
	s13 =	sor.u32 $0x1400, s0  }
0x169: {  	[hbm4b:s14+s4] =	stream.linear.scatter [tilespmem:s13], [sflag:$0x1], $0x80, $0x38;
	[tilespmem:$0x1AC80] =	vst v63  }
0x16a: {  	s16 =	sadd.s32 $0x300, s26;
	s15 =	sor.u32 $0x1800, s0  }
0x16b: {  	[hbm4b:s16+s4] =	stream.linear.scatter [tilespmem:s15], [sflag:$0x1], $0x80, $0x38;
	[tilespmem:$0x1AC80] =	vst v63  }
0x16c: {  	s17 =	sadd.s32 $0x380, s26;
	s18 =	spop (v2sf);
	s0 =	sor.u32 $0x1C00, s0  }
0x16d: {  	[hbm4b:s17+s4] =	stream.linear.scatter [tilespmem:s0], [sflag:$0x1], $0x80, $0x38;
	[tilespmem:$0x1AC80] =	vst v63  }
0x16e: {  	s19 =	sshll.u32 s18, $0xA;
	s0 =	sshll.u32 s18, $0x7  }
0x16f: {  	(v2sf) =	vpush v0, $0xF;
	s1 =	sand.u32 $0xFFFFE000, s19;
	s0 =	sand.u32 $0x380, s0  }
0x170: {  	s0 =	sor.u32 s0, s1  }
0x171: {  	[hbm4b:s20+s4] =	stream.linear.scatter [tilespmem:s0], [sflag:$0x1], $0x80, $0x38;
	[tilespmem:$0x1AC80] =	vst v63  }
0x172: {  	s22 =	sadd.s32 $0x80, s20;
	s1 =	sor.u32 $0x400, s0  }
0x173: {  	[hbm4b:s22+s4] =	stream.linear.scatter [tilespmem:s1], [sflag:$0x1], $0x80, $0x38;
	[tilespmem:$0x1AC80] =	vst v63  }
0x174: {  	s24 =	sadd.s32 $0x100, s20;
	s23 =	sor.u32 $0x800, s0  }
0x175: {  	[hbm4b:s24+s4] =	stream.linear.scatter [tilespmem:s23], [sflag:$0x1], $0x80, $0x38;
	[tilespmem:$0x1AC80] =	vst v63  }
0x176: {  	s26 =	sadd.s32 $0x180, s20;
	s25 =	sor.u32 $0xC00, s0  }
0x177: {  	[hbm4b:s26+s4] =	stream.linear.scatter [tilespmem:s25], [sflag:$0x1], $0x80, $0x38;
	[tilespmem:$0x1AC80] =	vst v63  }
0x178: {  	s28 =	rddreg [dreg:$0x1c];
	s3 =	sadd.s32 $0x200, s20;
	s2 =	sor.u32 $0x1000, s0  }
0x179: {  	[hbm4b:s3+s4] =	stream.linear.scatter [tilespmem:s2], [sflag:$0x1], $0x80, $0x38;
	[tilespmem:$0x1AC80] =	vst v63  }
0x17a: {  	s30 =	rddreg [dreg:$0x1b];
	s7 =	sadd.s32 $0x280, s20;
	s6 =	sor.u32 $0x1400, s0  }
0x17b: {  	[hbm4b:s7+s4] =	stream.linear.scatter [tilespmem:s6], [sflag:$0x1], $0x80, $0x38;
	[tilespmem:$0x1AC80] =	vst v63  }
0x17c: {  	s9 =	sadd.s32 $0x300, s20;
	s10 =	sadd.s32 $0x380, s20;
	s8 =	sor.u32 $0x1800, s0  }
0x17d: {  	[hbm4b:s9+s4] =	stream.linear.scatter [tilespmem:s8], [sflag:$0x1], $0x80, $0x38;
	[tilespmem:$0x1AC80] =	vst v63  }
0x17e: {  	s11 =	spop (v2sf);
	s0 =	sor.u32 $0x1C00, s0;
	s2 =	sld [smem:$0x7F8]  }
0x17f: {  	[hbm4b:s10+s4] =	stream.linear.scatter [tilespmem:s0], [sflag:$0x1], $0x80, $0x38;
	[tilespmem:$0x1AC80] =	vst v63  }
0x180: {  	s12 =	sshll.u32 s11, $0xA;
	s3 =	rddreg [dreg:$0x1d];
	s0 =	sshll.u32 s11, $0x7  }
0x181: {  	s1 =	sand.u32 $0xFFFFE000, s12;
	s6 =	rddreg [dreg:$0x1a];
	s0 =	sand.u32 $0x380, s0  }
0x182: {  	s7 =	rddreg [dreg:$0x19];
	s0 =	sor.u32 s0, s1  }
0x183: {  	[hbm4b:s21+s4] =	stream.linear.scatter [tilespmem:s0], [sflag:$0x1], $0x80, $0x38;
	[tilespmem:$0x1AC80] =	vst v63  }
0x184: {  	s13 =	sadd.s32 $0x80, s21;
	s8 =	rddreg [dreg:$0x18];
	s1 =	sor.u32 $0x400, s0  }
0x185: {  	[hbm4b:s13+s4] =	stream.linear.scatter [tilespmem:s1], [sflag:$0x1], $0x80, $0x38;
	[tilespmem:$0x1AC80] =	vst v63  }
0x186: {  	s15 =	sadd.s32 $0x100, s21;
	s9 =	rddreg [dreg:$0x17];
	s14 =	sor.u32 $0x800, s0  }
0x187: {  	[hbm4b:s15+s4] =	stream.linear.scatter [tilespmem:s14], [sflag:$0x1], $0x80, $0x38;
	[tilespmem:$0x1AC80] =	vst v63  }
0x188: {  	s17 =	sadd.s32 $0x180, s21;
	s10 =	rddreg [dreg:$0x16];
	s16 =	sor.u32 $0xC00, s0  }
0x189: {  	[hbm4b:s17+s4] =	stream.linear.scatter [tilespmem:s16], [sflag:$0x1], $0x80, $0x38;
	[tilespmem:$0x1AC80] =	vst v63  }
0x18a: {  	s19 =	sadd.s32 $0x200, s21;
	s11 =	rddreg [dreg:$0x15];
	s18 =	sor.u32 $0x1000, s0  }
0x18b: {  	[hbm4b:s19+s4] =	stream.linear.scatter [tilespmem:s18], [sflag:$0x1], $0x80, $0x38;
	[tilespmem:$0x1AC80] =	vst v63  }
0x18c: {  	s23 =	sadd.s32 $0x280, s21;
	s22 =	sor.u32 $0x1400, s0;
	s1 =	rddreg [dreg:$0x1f]  }
0x18d: {  	[hbm4b:s23+s4] =	stream.linear.scatter [tilespmem:s22], [sflag:$0x1], $0x80, $0x38;
	[tilespmem:$0x1AC80] =	vst v63  }
0x18e: {  	s23 =	sld [smem:$0x7FA]  }
0x18f: {  	s25 =	sadd.s32 $0x300, s21;
	s24 =	sor.u32 $0x1800, s0;
	s22 =	sld [smem:$0x7F9]  }
0x190: {  	[hbm4b:s25+s4] =	stream.linear.scatter [tilespmem:s24], [sflag:$0x1], $0x80, $0x38;
	[tilespmem:$0x1AC80] =	vst v63  }
0x191: {  	s25 =	sld [smem:$0x7FC]  }
0x192: {  	s26 =	sadd.s32 $0x380, s21;
	s0 =	sor.u32 $0x1C00, s0;
	s24 =	sld [smem:$0x7FB]  }
0x193: {  	[hbm4b:s26+s4] =	stream.linear.scatter [tilespmem:s0], [sflag:$0x1], $0x80, $0x38;
	[tilespmem:$0x1AC80] =	vst v63  }
0x194: {  	s26 =	sld [smem:$0x7FD]  }
0x195: {  	s31 =	simm.s32 $0x1A010;
	s12 =	simm.s32 $0x0;
	s0 =	rddreg [dreg:$0x1e]  }
.LBB2_2:
0x196: {  	v0 =	vld [tilespmem:s31+$0x0];
	_ =	sdelay $0x4  }
0x197: {  	(v2sf) =	vpush v0, $0x0;
	_ =	sdelay $0x6  }
0x198: {  	s13 =	smulhi.u32 $0x51EB851F, s11;
	_ =	sdelay $0x1  }
0x199: {  	s15 =	sshrl.u32 s13, $0x5  }
0x19a: {  	s14 =	rddreg [dreg:$0x4];
	s16 =	smul.u32 $0x19000, s15  }
0x19b: {  	s13 =	sadd.s32 s12, s14  }
0x19c: {  	s16 =	ssub.s32 s13, s16  }
0x19d: {  	s14 =	smul.u32 $0x1A000, s15;
	s15 =	sshll.u32 s15, $0x9;
	s16 =	sadd.s32 $0x4000, s16  }
0x19e: {  	s15 =	ssub.s32 s10, s15;
	s16 =	sand.u32 $0x1E000, s16  }
0x19f: {  	s15 =	sand.u32 $0x200, s15;
	s16 =	sadd.s32 s14, s16;
	s17 =	spop (v2sf)  }
0x1a0: {  	s15 =	sor.u32 s15, s16;
	s19 =	sshll.u32 s17, $0xA;
	s17 =	sshll.u32 s17, $0x7  }
0x1a1: {  	s15 =	sshrl.u32 s15, $0x3;
	s16 =	sand.u32 $0xFFFFE000, s19;
	s17 =	sand.u32 $0x380, s17  }
0x1a2: {  	s15 =	sadd.s32 s5, s15;
	s16 =	sor.u32 s17, s16  }
0x1a3: {  	[hbm4b:s15+s4] =	stream.linear.scatter [tilespmem:s16], [sflag:$0x1], $0x80, $0x38;
	[tilespmem:$0x1AC80] =	vst v63  }
0x1a4: {  	s18 =	sadd.s32 $0x80, s15;
	s17 =	sor.u32 $0x400, s16  }
0x1a5: {  	[hbm4b:s18+s4] =	stream.linear.scatter [tilespmem:s17], [sflag:$0x1], $0x80, $0x38;
	[tilespmem:$0x1AC80] =	vst v63  }
0x1a6: {  	(v2sf) =	vpush v0, $0x1;
	s19 =	sadd.s32 $0x100, s15;
	s18 =	sor.u32 $0x800, s16  }
0x1a7: {  	[hbm4b:s19+s4] =	stream.linear.scatter [tilespmem:s18], [sflag:$0x1], $0x80, $0x38;
	[tilespmem:$0x1AC80] =	vst v63  }
0x1a8: {  	s18 =	sor.u32 $0xC00, s16;
	s19 =	sadd.s32 $0x180, s15  }
0x1a9: {  	[hbm4b:s19+s4] =	stream.linear.scatter [tilespmem:s18], [sflag:$0x1], $0x80, $0x38;
	[tilespmem:$0x1AC80] =	vst v63  }
0x1aa: {  	s18 =	sor.u32 $0x1000, s16;
	s19 =	sadd.s32 $0x200, s15  }
0x1ab: {  	[hbm4b:s19+s4] =	stream.linear.scatter [tilespmem:s18], [sflag:$0x1], $0x80, $0x38;
	[tilespmem:$0x1AC80] =	vst v63  }
0x1ac: {  	s17 =	smulhi.u32 $0x51EB851F, s26;
	s18 =	sor.u32 $0x1400, s16;
	s19 =	sadd.s32 $0x280, s15  }
0x1ad: {  	[hbm4b:s19+s4] =	stream.linear.scatter [tilespmem:s18], [sflag:$0x1], $0x80, $0x38;
	[tilespmem:$0x1AC80] =	vst v63  }
0x1ae: {  	s17 =	sshrl.u32 s17, $0x5;
	s18 =	sor.u32 $0x1800, s16;
	s19 =	sadd.s32 $0x300, s15  }
0x1af: {  	[hbm4b:s19+s4] =	stream.linear.scatter [tilespmem:s18], [sflag:$0x1], $0x80, $0x38;
	[tilespmem:$0x1AC80] =	vst v63  }
0x1b0: {  	s16 =	sor.u32 $0x1C00, s16;
	s15 =	sadd.s32 $0x380, s15;
	s19 =	smul.u32 $0x19000, s17  }
0x1b1: {  	[hbm4b:s15+s4] =	stream.linear.scatter [tilespmem:s16], [sflag:$0x1], $0x80, $0x38;
	[tilespmem:$0x1AC80] =	vst v63  }
0x1b2: {  	s18 =	sshll.u32 s17, $0x9;
	s16 =	ssub.s32 s13, s19  }
0x1b3: {  	s15 =	sadd.s32 $0x4400, s16;
	s16 =	ssub.s32 s10, s18  }
0x1b4: {  	s15 =	sand.u32 $0x1E000, s15;
	s16 =	sadd.s32 $0x80, s16  }
0x1b5: {  	s19 =	spop (v2sf);
	s15 =	sadd.s32 s14, s15;
	s16 =	sand.u32 $0x280, s16  }
0x1b6: {  	s18 =	sshll.u32 s19, $0xA;
	s17 =	sshll.u32 s19, $0x7;
	s15 =	sor.u32 s16, s15  }
0x1b7: {  	s17 =	sand.u32 $0x380, s17;
	s16 =	sand.u32 $0xFFFFE000, s18;
	s15 =	sshrl.u32 s15, $0x3  }
0x1b8: {  	s16 =	sor.u32 s17, s16;
	s15 =	sadd.s32 s5, s15  }
0x1b9: {  	[hbm4b:s15+s4] =	stream.linear.scatter [tilespmem:s16], [sflag:$0x1], $0x80, $0x38;
	[tilespmem:$0x1AC80] =	vst v63  }
0x1ba: {  	s17 =	sor.u32 $0x400, s16;
	s19 =	sadd.s32 $0x80, s15  }
0x1bb: {  	[hbm4b:s19+s4] =	stream.linear.scatter [tilespmem:s17], [sflag:$0x1], $0x80, $0x38;
	[tilespmem:$0x1AC80] =	vst v63  }
0x1bc: {  	(v2sf) =	vpush v0, $0x2;
	s18 =	sor.u32 $0x800, s16;
	s19 =	sadd.s32 $0x100, s15  }
0x1bd: {  	[hbm4b:s19+s4] =	stream.linear.scatter [tilespmem:s18], [sflag:$0x1], $0x80, $0x38;
	[tilespmem:$0x1AC80] =	vst v63  }
0x1be: {  	s18 =	sor.u32 $0xC00, s16;
	s19 =	sadd.s32 $0x180, s15  }
0x1bf: {  	[hbm4b:s19+s4] =	stream.linear.scatter [tilespmem:s18], [sflag:$0x1], $0x80, $0x38;
	[tilespmem:$0x1AC80] =	vst v63  }
0x1c0: {  	s18 =	sor.u32 $0x1000, s16;
	s19 =	sadd.s32 $0x200, s15  }
0x1c1: {  	[hbm4b:s19+s4] =	stream.linear.scatter [tilespmem:s18], [sflag:$0x1], $0x80, $0x38;
	[tilespmem:$0x1AC80] =	vst v63  }
0x1c2: {  	s17 =	smulhi.u32 $0x51EB851F, s25;
	s18 =	sor.u32 $0x1400, s16;
	s19 =	sadd.s32 $0x280, s15  }
0x1c3: {  	[hbm4b:s19+s4] =	stream.linear.scatter [tilespmem:s18], [sflag:$0x1], $0x80, $0x38;
	[tilespmem:$0x1AC80] =	vst v63  }
0x1c4: {  	s17 =	sshrl.u32 s17, $0x5;
	s18 =	sor.u32 $0x1800, s16;
	s19 =	sadd.s32 $0x300, s15  }
0x1c5: {  	[hbm4b:s19+s4] =	stream.linear.scatter [tilespmem:s18], [sflag:$0x1], $0x80, $0x38;
	[tilespmem:$0x1AC80] =	vst v63  }
0x1c6: {  	s16 =	sor.u32 $0x1C00, s16;
	s15 =	sadd.s32 $0x380, s15;
	s19 =	smul.u32 $0x19000, s17  }
0x1c7: {  	[hbm4b:s15+s4] =	stream.linear.scatter [tilespmem:s16], [sflag:$0x1], $0x80, $0x38;
	[tilespmem:$0x1AC80] =	vst v63  }
0x1c8: {  	s18 =	sshll.u32 s17, $0x9;
	s16 =	ssub.s32 s13, s19  }
0x1c9: {  	s15 =	sadd.s32 $0x4800, s16;
	s16 =	ssub.s32 s10, s18  }
0x1ca: {  	s15 =	sand.u32 $0x1E000, s15;
	s16 =	sadd.s32 $0x100, s16  }
0x1cb: {  	s19 =	spop (v2sf);
	s15 =	sadd.s32 s14, s15;
	s16 =	sand.u32 $0x300, s16  }
0x1cc: {  	s18 =	sshll.u32 s19, $0xA;
	s17 =	sshll.u32 s19, $0x7;
	s15 =	sor.u32 s16, s15  }
0x1cd: {  	s17 =	sand.u32 $0x380, s17;
	s16 =	sand.u32 $0xFFFFE000, s18;
	s15 =	sshrl.u32 s15, $0x3  }
0x1ce: {  	s16 =	sor.u32 s17, s16;
	s15 =	sadd.s32 s5, s15  }
0x1cf: {  	[hbm4b:s15+s4] =	stream.linear.scatter [tilespmem:s16], [sflag:$0x1], $0x80, $0x38;
	[tilespmem:$0x1AC80] =	vst v63  }
0x1d0: {  	s17 =	sor.u32 $0x400, s16;
	s19 =	sadd.s32 $0x80, s15  }
0x1d1: {  	[hbm4b:s19+s4] =	stream.linear.scatter [tilespmem:s17], [sflag:$0x1], $0x80, $0x38;
	[tilespmem:$0x1AC80] =	vst v63  }
0x1d2: {  	(v2sf) =	vpush v0, $0x3;
	s18 =	sor.u32 $0x800, s16;
	s19 =	sadd.s32 $0x100, s15  }
0x1d3: {  	[hbm4b:s19+s4] =	stream.linear.scatter [tilespmem:s18], [sflag:$0x1], $0x80, $0x38;
	[tilespmem:$0x1AC80] =	vst v63  }
0x1d4: {  	s18 =	sor.u32 $0xC00, s16;
	s19 =	sadd.s32 $0x180, s15  }
0x1d5: {  	[hbm4b:s19+s4] =	stream.linear.scatter [tilespmem:s18], [sflag:$0x1], $0x80, $0x38;
	[tilespmem:$0x1AC80] =	vst v63  }
0x1d6: {  	s18 =	sor.u32 $0x1000, s16;
	s19 =	sadd.s32 $0x200, s15  }
0x1d7: {  	[hbm4b:s19+s4] =	stream.linear.scatter [tilespmem:s18], [sflag:$0x1], $0x80, $0x38;
	[tilespmem:$0x1AC80] =	vst v63  }
0x1d8: {  	s17 =	smulhi.u32 $0x51EB851F, s24;
	s18 =	sor.u32 $0x1400, s16;
	s19 =	sadd.s32 $0x280, s15  }
0x1d9: {  	[hbm4b:s19+s4] =	stream.linear.scatter [tilespmem:s18], [sflag:$0x1], $0x80, $0x38;
	[tilespmem:$0x1AC80] =	vst v63  }
0x1da: {  	s17 =	sshrl.u32 s17, $0x5;
	s18 =	sor.u32 $0x1800, s16;
	s19 =	sadd.s32 $0x300, s15  }
0x1db: {  	[hbm4b:s19+s4] =	stream.linear.scatter [tilespmem:s18], [sflag:$0x1], $0x80, $0x38;
	[tilespmem:$0x1AC80] =	vst v63  }
0x1dc: {  	s16 =	sor.u32 $0x1C00, s16;
	s15 =	sadd.s32 $0x380, s15;
	s19 =	smul.u32 $0x19000, s17  }
0x1dd: {  	[hbm4b:s15+s4] =	stream.linear.scatter [tilespmem:s16], [sflag:$0x1], $0x80, $0x38;
	[tilespmem:$0x1AC80] =	vst v63  }
0x1de: {  	s18 =	ssub.s32 s13, s19;
	s19 =	sshll.u32 s17, $0x9  }
0x1df: {  	s15 =	sadd.s32 $0x4C00, s18;
	s16 =	ssub.s32 s10, s19  }
0x1e0: {  	s15 =	sand.u32 $0x1E000, s15;
	s16 =	sadd.s32 $0x180, s16  }
0x1e1: {  	s17 =	spop (v2sf);
	s14 =	sadd.s32 s14, s15;
	s16 =	sand.u32 $0x380, s16  }
0x1e2: {  	s18 =	sshll.u32 s17, $0xA;
	s14 =	sor.u32 s16, s14;
	s16 =	sshll.u32 s17, $0x7  }
0x1e3: {  	s15 =	sand.u32 $0xFFFFE000, s18;
	s14 =	sshrl.u32 s14, $0x3;
	s16 =	sand.u32 $0x380, s16  }
0x1e4: {  	s14 =	sadd.s32 s5, s14;
	s15 =	sor.u32 s16, s15  }
0x1e5: {  	[hbm4b:s14+s4] =	stream.linear.scatter [tilespmem:s15], [sflag:$0x1], $0x80, $0x38;
	[tilespmem:$0x1AC80] =	vst v63  }
0x1e6: {  	s16 =	sor.u32 $0x400, s15;
	s19 =	sadd.s32 $0x80, s14  }
0x1e7: {  	[hbm4b:s19+s4] =	stream.linear.scatter [tilespmem:s16], [sflag:$0x1], $0x80, $0x38;
	[tilespmem:$0x1AC80] =	vst v63  }
0x1e8: {  	s18 =	sor.u32 $0x800, s15;
	s19 =	sadd.s32 $0x100, s14  }
0x1e9: {  	(v2sf) =	vpush v0, $0x4;
	[hbm4b:s19+s4] =	stream.linear.scatter [tilespmem:s18], [sflag:$0x1], $0x80, $0x38;
	[tilespmem:$0x1AC80] =	vst v63  }
0x1ea: {  	s18 =	sor.u32 $0xC00, s15;
	s19 =	sadd.s32 $0x180, s14  }
0x1eb: {  	[hbm4b:s19+s4] =	stream.linear.scatter [tilespmem:s18], [sflag:$0x1], $0x80, $0x38;
	[tilespmem:$0x1AC80] =	vst v63  }
0x1ec: {  	s18 =	sor.u32 $0x1000, s15;
	s19 =	sadd.s32 $0x200, s14  }
0x1ed: {  	[hbm4b:s19+s4] =	stream.linear.scatter [tilespmem:s18], [sflag:$0x1], $0x80, $0x38;
	[tilespmem:$0x1AC80] =	vst v63  }
0x1ee: {  	s16 =	smulhi.u32 $0x51EB851F, s23;
	s18 =	sor.u32 $0x1400, s15;
	s19 =	sadd.s32 $0x280, s14  }
0x1ef: {  	[hbm4b:s19+s4] =	stream.linear.scatter [tilespmem:s18], [sflag:$0x1], $0x80, $0x38;
	[tilespmem:$0x1AC80] =	vst v63  }
0x1f0: {  	s16 =	sshrl.u32 s16, $0x5;
	s18 =	sor.u32 $0x1800, s15;
	s19 =	sadd.s32 $0x300, s14  }
0x1f1: {  	[hbm4b:s19+s4] =	stream.linear.scatter [tilespmem:s18], [sflag:$0x1], $0x80, $0x38;
	[tilespmem:$0x1AC80] =	vst v63  }
0x1f2: {  	s17 =	smul.u32 $0x19000, s16;
	s19 =	sadd.s32 $0x4, s11  }
0x1f3: {  	s15 =	sor.u32 $0x1C00, s15;
	s14 =	sadd.s32 $0x380, s14;
	s18 =	smulhi.u32 $0x51EB851F, s19  }
0x1f4: {  	[hbm4b:s14+s4] =	stream.linear.scatter [tilespmem:s15], [sflag:$0x1], $0x80, $0x38;
	[tilespmem:$0x1AC80] =	vst v63  }
0x1f5: {  	s16 =	sshll.u32 s16, $0x9;
	s19 =	ssub.s32 s13, s17;
	s18 =	sshrl.u32 s18, $0x5  }
0x1f6: {  	s16 =	ssub.s32 s10, s16;
	s15 =	sadd.s32 $0x5000, s19;
	s14 =	smul.u32 $0x1A000, s18  }
0x1f7: {  	s16 =	sxor.u32 $0xFFFFFFFF, s16;
	s15 =	sand.u32 $0x1E000, s15  }
0x1f8: {  	s16 =	sand.u32 $0x200, s16;
	s17 =	spop (v2sf);
	s14 =	sadd.s32 s14, s15  }
0x1f9: {  	s18 =	sshll.u32 s17, $0xA;
	s14 =	sor.u32 s16, s14;
	s16 =	sshll.u32 s17, $0x7  }
0x1fa: {  	s15 =	sand.u32 $0xFFFFE000, s18;
	s14 =	sshrl.u32 s14, $0x3;
	s16 =	sand.u32 $0x380, s16  }
0x1fb: {  	s14 =	sadd.s32 s5, s14;
	s15 =	sor.u32 s16, s15  }
0x1fc: {  	[hbm4b:s14+s4] =	stream.linear.scatter [tilespmem:s15], [sflag:$0x1], $0x80, $0x38;
	[tilespmem:$0x1AC80] =	vst v63  }
0x1fd: {  	s16 =	sor.u32 $0x400, s15;
	s19 =	sadd.s32 $0x80, s14  }
0x1fe: {  	[hbm4b:s19+s4] =	stream.linear.scatter [tilespmem:s16], [sflag:$0x1], $0x80, $0x38;
	[tilespmem:$0x1AC80] =	vst v63  }
0x1ff: {  	s18 =	sor.u32 $0x800, s15;
	s19 =	sadd.s32 $0x100, s14  }
0x200: {  	(v2sf) =	vpush v0, $0x5;
	[hbm4b:s19+s4] =	stream.linear.scatter [tilespmem:s18], [sflag:$0x1], $0x80, $0x38;
	[tilespmem:$0x1AC80] =	vst v63  }
0x201: {  	s18 =	sor.u32 $0xC00, s15;
	s19 =	sadd.s32 $0x180, s14  }
0x202: {  	[hbm4b:s19+s4] =	stream.linear.scatter [tilespmem:s18], [sflag:$0x1], $0x80, $0x38;
	[tilespmem:$0x1AC80] =	vst v63  }
0x203: {  	s18 =	sor.u32 $0x1000, s15;
	s19 =	sadd.s32 $0x200, s14  }
0x204: {  	[hbm4b:s19+s4] =	stream.linear.scatter [tilespmem:s18], [sflag:$0x1], $0x80, $0x38;
	[tilespmem:$0x1AC80] =	vst v63  }
0x205: {  	s16 =	smulhi.u32 $0x51EB851F, s22;
	s18 =	sor.u32 $0x1400, s15;
	s19 =	sadd.s32 $0x280, s14  }
0x206: {  	[hbm4b:s19+s4] =	stream.linear.scatter [tilespmem:s18], [sflag:$0x1], $0x80, $0x38;
	[tilespmem:$0x1AC80] =	vst v63  }
0x207: {  	s16 =	sshrl.u32 s16, $0x5;
	s18 =	sor.u32 $0x1800, s15;
	s19 =	sadd.s32 $0x300, s14  }
0x208: {  	[hbm4b:s19+s4] =	stream.linear.scatter [tilespmem:s18], [sflag:$0x1], $0x80, $0x38;
	[tilespmem:$0x1AC80] =	vst v63  }
0x209: {  	s17 =	smul.u32 $0x19000, s16;
	s19 =	sadd.s32 $0x5, s11  }
0x20a: {  	s15 =	sor.u32 $0x1C00, s15;
	s14 =	sadd.s32 $0x380, s14;
	s18 =	smulhi.u32 $0x51EB851F, s19  }
0x20b: {  	[hbm4b:s14+s4] =	stream.linear.scatter [tilespmem:s15], [sflag:$0x1], $0x80, $0x38;
	[tilespmem:$0x1AC80] =	vst v63  }
0x20c: {  	s16 =	sshll.u32 s16, $0x9;
	s19 =	ssub.s32 s13, s17;
	s18 =	sshrl.u32 s18, $0x5  }
0x20d: {  	s16 =	ssub.s32 s10, s16;
	s15 =	sadd.s32 $0x5400, s19;
	s14 =	smul.u32 $0x1A000, s18  }
0x20e: {  	s16 =	sadd.s32 $0x280, s16;
	s15 =	sand.u32 $0x1E000, s15  }
0x20f: {  	s16 =	sand.u32 $0x280, s16;
	s17 =	spop (v2sf);
	s14 =	sadd.s32 s14, s15  }
0x210: {  	s18 =	sshll.u32 s17, $0xA;
	s14 =	sor.u32 s16, s14;
	s16 =	sshll.u32 s17, $0x7  }
0x211: {  	s15 =	sand.u32 $0xFFFFE000, s18;
	s14 =	sshrl.u32 s14, $0x3;
	s16 =	sand.u32 $0x380, s16  }
0x212: {  	s14 =	sadd.s32 s5, s14;
	s15 =	sor.u32 s16, s15  }
0x213: {  	[hbm4b:s14+s4] =	stream.linear.scatter [tilespmem:s15], [sflag:$0x1], $0x80, $0x38;
	[tilespmem:$0x1AC80] =	vst v63  }
0x214: {  	s16 =	sor.u32 $0x400, s15;
	s19 =	sadd.s32 $0x80, s14  }
0x215: {  	[hbm4b:s19+s4] =	stream.linear.scatter [tilespmem:s16], [sflag:$0x1], $0x80, $0x38;
	[tilespmem:$0x1AC80] =	vst v63  }
0x216: {  	s18 =	sor.u32 $0x800, s15;
	s19 =	sadd.s32 $0x100, s14  }
0x217: {  	(v2sf) =	vpush v0, $0x6;
	[hbm4b:s19+s4] =	stream.linear.scatter [tilespmem:s18], [sflag:$0x1], $0x80, $0x38;
	[tilespmem:$0x1AC80] =	vst v63  }
0x218: {  	s18 =	sor.u32 $0xC00, s15;
	s19 =	sadd.s32 $0x180, s14  }
0x219: {  	[hbm4b:s19+s4] =	stream.linear.scatter [tilespmem:s18], [sflag:$0x1], $0x80, $0x38;
	[tilespmem:$0x1AC80] =	vst v63  }
0x21a: {  	s18 =	sor.u32 $0x1000, s15;
	s19 =	sadd.s32 $0x200, s14  }
0x21b: {  	[hbm4b:s19+s4] =	stream.linear.scatter [tilespmem:s18], [sflag:$0x1], $0x80, $0x38;
	[tilespmem:$0x1AC80] =	vst v63  }
0x21c: {  	s16 =	smulhi.u32 $0x51EB851F, s2;
	s18 =	sor.u32 $0x1400, s15;
	s19 =	sadd.s32 $0x280, s14  }
0x21d: {  	[hbm4b:s19+s4] =	stream.linear.scatter [tilespmem:s18], [sflag:$0x1], $0x80, $0x38;
	[tilespmem:$0x1AC80] =	vst v63  }
0x21e: {  	s16 =	sshrl.u32 s16, $0x5;
	s18 =	sor.u32 $0x1800, s15;
	s19 =	sadd.s32 $0x300, s14  }
0x21f: {  	[hbm4b:s19+s4] =	stream.linear.scatter [tilespmem:s18], [sflag:$0x1], $0x80, $0x38;
	[tilespmem:$0x1AC80] =	vst v63  }
0x220: {  	s17 =	smul.u32 $0x19000, s16;
	s19 =	sadd.s32 $0x6, s11  }
0x221: {  	s15 =	sor.u32 $0x1C00, s15;
	s14 =	sadd.s32 $0x380, s14;
	s18 =	smulhi.u32 $0x51EB851F, s19  }
0x222: {  	[hbm4b:s14+s4] =	stream.linear.scatter [tilespmem:s15], [sflag:$0x1], $0x80, $0x38;
	[tilespmem:$0x1AC80] =	vst v63  }
0x223: {  	s16 =	sshll.u32 s16, $0x9;
	s19 =	ssub.s32 s13, s17;
	s18 =	sshrl.u32 s18, $0x5  }
0x224: {  	s16 =	ssub.s32 s10, s16;
	s15 =	sadd.s32 $0x5800, s19;
	s14 =	smul.u32 $0x1A000, s18  }
0x225: {  	s16 =	sadd.s32 $0x300, s16;
	s15 =	sand.u32 $0x1E000, s15  }
0x226: {  	s16 =	sand.u32 $0x300, s16;
	s17 =	spop (v2sf);
	s14 =	sadd.s32 s14, s15  }
0x227: {  	s18 =	sshll.u32 s17, $0xA;
	s14 =	sor.u32 s16, s14;
	s16 =	sshll.u32 s17, $0x7  }
0x228: {  	s15 =	sand.u32 $0xFFFFE000, s18;
	s14 =	sshrl.u32 s14, $0x3;
	s16 =	sand.u32 $0x380, s16  }
0x229: {  	s14 =	sadd.s32 s5, s14;
	s15 =	sor.u32 s16, s15  }
0x22a: {  	[hbm4b:s14+s4] =	stream.linear.scatter [tilespmem:s15], [sflag:$0x1], $0x80, $0x38;
	[tilespmem:$0x1AC80] =	vst v63  }
0x22b: {  	s16 =	sor.u32 $0x400, s15;
	s19 =	sadd.s32 $0x80, s14  }
0x22c: {  	[hbm4b:s19+s4] =	stream.linear.scatter [tilespmem:s16], [sflag:$0x1], $0x80, $0x38;
	[tilespmem:$0x1AC80] =	vst v63  }
0x22d: {  	s18 =	sor.u32 $0x800, s15;
	s19 =	sadd.s32 $0x100, s14  }
0x22e: {  	(v2sf) =	vpush v0, $0x7;
	[hbm4b:s19+s4] =	stream.linear.scatter [tilespmem:s18], [sflag:$0x1], $0x80, $0x38;
	[tilespmem:$0x1AC80] =	vst v63  }
0x22f: {  	s18 =	sor.u32 $0xC00, s15;
	s19 =	sadd.s32 $0x180, s14  }
0x230: {  	[hbm4b:s19+s4] =	stream.linear.scatter [tilespmem:s18], [sflag:$0x1], $0x80, $0x38;
	[tilespmem:$0x1AC80] =	vst v63  }
0x231: {  	s18 =	sor.u32 $0x1000, s15;
	s19 =	sadd.s32 $0x200, s14  }
0x232: {  	[hbm4b:s19+s4] =	stream.linear.scatter [tilespmem:s18], [sflag:$0x1], $0x80, $0x38;
	[tilespmem:$0x1AC80] =	vst v63  }
0x233: {  	s16 =	smulhi.u32 $0x51EB851F, s1;
	s18 =	sor.u32 $0x1400, s15;
	s19 =	sadd.s32 $0x280, s14  }
0x234: {  	[hbm4b:s19+s4] =	stream.linear.scatter [tilespmem:s18], [sflag:$0x1], $0x80, $0x38;
	[tilespmem:$0x1AC80] =	vst v63  }
0x235: {  	s16 =	sshrl.u32 s16, $0x5;
	s18 =	sor.u32 $0x1800, s15;
	s19 =	sadd.s32 $0x300, s14  }
0x236: {  	[hbm4b:s19+s4] =	stream.linear.scatter [tilespmem:s18], [sflag:$0x1], $0x80, $0x38;
	[tilespmem:$0x1AC80] =	vst v63  }
0x237: {  	s17 =	smul.u32 $0x19000, s16;
	s19 =	sadd.s32 $0x7, s11  }
0x238: {  	s15 =	sor.u32 $0x1C00, s15;
	s14 =	sadd.s32 $0x380, s14;
	s18 =	smulhi.u32 $0x51EB851F, s19  }
0x239: {  	[hbm4b:s14+s4] =	stream.linear.scatter [tilespmem:s15], [sflag:$0x1], $0x80, $0x38;
	[tilespmem:$0x1AC80] =	vst v63  }
0x23a: {  	s16 =	sshll.u32 s16, $0x9;
	s19 =	ssub.s32 s13, s17;
	s18 =	sshrl.u32 s18, $0x5  }
0x23b: {  	s16 =	ssub.s32 s10, s16;
	s15 =	sadd.s32 $0x5C00, s19;
	s14 =	smul.u32 $0x1A000, s18  }
0x23c: {  	s16 =	sadd.s32 $0x380, s16;
	s15 =	sand.u32 $0x1E000, s15  }
0x23d: {  	s16 =	sand.u32 $0x380, s16;
	s17 =	spop (v2sf);
	s14 =	sadd.s32 s14, s15  }
0x23e: {  	s18 =	sshll.u32 s17, $0xA;
	s14 =	sor.u32 s16, s14;
	s16 =	sshll.u32 s17, $0x7  }
0x23f: {  	s15 =	sand.u32 $0xFFFFE000, s18;
	s14 =	sshrl.u32 s14, $0x3;
	s16 =	sand.u32 $0x380, s16  }
0x240: {  	s14 =	sadd.s32 s5, s14;
	s15 =	sor.u32 s16, s15  }
0x241: {  	[hbm4b:s14+s4] =	stream.linear.scatter [tilespmem:s15], [sflag:$0x1], $0x80, $0x38;
	[tilespmem:$0x1AC80] =	vst v63  }
0x242: {  	s16 =	sor.u32 $0x400, s15;
	s19 =	sadd.s32 $0x80, s14  }
0x243: {  	[hbm4b:s19+s4] =	stream.linear.scatter [tilespmem:s16], [sflag:$0x1], $0x80, $0x38;
	[tilespmem:$0x1AC80] =	vst v63  }
0x244: {  	s18 =	sor.u32 $0x800, s15;
	s19 =	sadd.s32 $0x100, s14  }
0x245: {  	(v2sf) =	vpush v0, $0x8;
	[hbm4b:s19+s4] =	stream.linear.scatter [tilespmem:s18], [sflag:$0x1], $0x80, $0x38;
	[tilespmem:$0x1AC80] =	vst v63  }
0x246: {  	s18 =	sor.u32 $0xC00, s15;
	s19 =	sadd.s32 $0x180, s14  }
0x247: {  	[hbm4b:s19+s4] =	stream.linear.scatter [tilespmem:s18], [sflag:$0x1], $0x80, $0x38;
	[tilespmem:$0x1AC80] =	vst v63  }
0x248: {  	s18 =	sor.u32 $0x1000, s15;
	s19 =	sadd.s32 $0x200, s14  }
0x249: {  	[hbm4b:s19+s4] =	stream.linear.scatter [tilespmem:s18], [sflag:$0x1], $0x80, $0x38;
	[tilespmem:$0x1AC80] =	vst v63  }
0x24a: {  	s16 =	smulhi.u32 $0x51EB851F, s0;
	s18 =	sor.u32 $0x1400, s15;
	s19 =	sadd.s32 $0x280, s14  }
0x24b: {  	[hbm4b:s19+s4] =	stream.linear.scatter [tilespmem:s18], [sflag:$0x1], $0x80, $0x38;
	[tilespmem:$0x1AC80] =	vst v63  }
0x24c: {  	s16 =	sshrl.u32 s16, $0x5;
	s18 =	sor.u32 $0x1800, s15;
	s19 =	sadd.s32 $0x300, s14  }
0x24d: {  	[hbm4b:s19+s4] =	stream.linear.scatter [tilespmem:s18], [sflag:$0x1], $0x80, $0x38;
	[tilespmem:$0x1AC80] =	vst v63  }
0x24e: {  	s17 =	smul.u32 $0x19000, s16;
	s19 =	sadd.s32 $0x8, s11  }
0x24f: {  	s15 =	sor.u32 $0x1C00, s15;
	s14 =	sadd.s32 $0x380, s14;
	s18 =	smulhi.u32 $0x51EB851F, s19  }
0x250: {  	[hbm4b:s14+s4] =	stream.linear.scatter [tilespmem:s15], [sflag:$0x1], $0x80, $0x38;
	[tilespmem:$0x1AC80] =	vst v63  }
0x251: {  	s16 =	sshll.u32 s16, $0x9;
	s19 =	ssub.s32 s13, s17;
	s18 =	sshrl.u32 s18, $0x5  }
0x252: {  	s16 =	ssub.s32 s10, s16;
	s15 =	sadd.s32 $0x6000, s19;
	s14 =	smul.u32 $0x1A000, s18  }
0x253: {  	s16 =	sadd.s32 $0x400, s16;
	s15 =	sand.u32 $0x1E000, s15  }
0x254: {  	s16 =	sand.u32 $0x200, s16;
	s17 =	spop (v2sf);
	s14 =	sadd.s32 s14, s15  }
0x255: {  	s18 =	sshll.u32 s17, $0xA;
	s14 =	sor.u32 s16, s14;
	s16 =	sshll.u32 s17, $0x7  }
0x256: {  	s15 =	sand.u32 $0xFFFFE000, s18;
	s14 =	sshrl.u32 s14, $0x3;
	s16 =	sand.u32 $0x380, s16  }
0x257: {  	s14 =	sadd.s32 s5, s14;
	s15 =	sor.u32 s16, s15  }
0x258: {  	[hbm4b:s14+s4] =	stream.linear.scatter [tilespmem:s15], [sflag:$0x1], $0x80, $0x38;
	[tilespmem:$0x1AC80] =	vst v63  }
0x259: {  	s16 =	sor.u32 $0x400, s15;
	s19 =	sadd.s32 $0x80, s14  }
0x25a: {  	[hbm4b:s19+s4] =	stream.linear.scatter [tilespmem:s16], [sflag:$0x1], $0x80, $0x38;
	[tilespmem:$0x1AC80] =	vst v63  }
0x25b: {  	s18 =	sor.u32 $0x800, s15;
	s19 =	sadd.s32 $0x100, s14  }
0x25c: {  	(v2sf) =	vpush v0, $0x9;
	[hbm4b:s19+s4] =	stream.linear.scatter [tilespmem:s18], [sflag:$0x1], $0x80, $0x38;
	[tilespmem:$0x1AC80] =	vst v63  }
0x25d: {  	s18 =	sor.u32 $0xC00, s15;
	s19 =	sadd.s32 $0x180, s14  }
0x25e: {  	[hbm4b:s19+s4] =	stream.linear.scatter [tilespmem:s18], [sflag:$0x1], $0x80, $0x38;
	[tilespmem:$0x1AC80] =	vst v63  }
0x25f: {  	s18 =	sor.u32 $0x1000, s15;
	s19 =	sadd.s32 $0x200, s14  }
0x260: {  	[hbm4b:s19+s4] =	stream.linear.scatter [tilespmem:s18], [sflag:$0x1], $0x80, $0x38;
	[tilespmem:$0x1AC80] =	vst v63  }
0x261: {  	s16 =	smulhi.u32 $0x51EB851F, s3;
	s18 =	sor.u32 $0x1400, s15;
	s19 =	sadd.s32 $0x280, s14  }
0x262: {  	[hbm4b:s19+s4] =	stream.linear.scatter [tilespmem:s18], [sflag:$0x1], $0x80, $0x38;
	[tilespmem:$0x1AC80] =	vst v63  }
0x263: {  	s16 =	sshrl.u32 s16, $0x5;
	s18 =	sor.u32 $0x1800, s15;
	s19 =	sadd.s32 $0x300, s14  }
0x264: {  	[hbm4b:s19+s4] =	stream.linear.scatter [tilespmem:s18], [sflag:$0x1], $0x80, $0x38;
	[tilespmem:$0x1AC80] =	vst v63  }
0x265: {  	s17 =	smul.u32 $0x19000, s16;
	s19 =	sadd.s32 $0x9, s11  }
0x266: {  	s15 =	sor.u32 $0x1C00, s15;
	s14 =	sadd.s32 $0x380, s14;
	s18 =	smulhi.u32 $0x51EB851F, s19  }
0x267: {  	[hbm4b:s14+s4] =	stream.linear.scatter [tilespmem:s15], [sflag:$0x1], $0x80, $0x38;
	[tilespmem:$0x1AC80] =	vst v63  }
0x268: {  	s16 =	sshll.u32 s16, $0x9;
	s19 =	ssub.s32 s13, s17;
	s18 =	sshrl.u32 s18, $0x5  }
0x269: {  	s16 =	ssub.s32 s10, s16;
	s15 =	sadd.s32 $0x6400, s19;
	s14 =	smul.u32 $0x1A000, s18  }
0x26a: {  	s16 =	sadd.s32 $0x480, s16;
	s15 =	sand.u32 $0x1E000, s15  }
0x26b: {  	s16 =	sand.u32 $0x280, s16;
	s17 =	spop (v2sf);
	s14 =	sadd.s32 s14, s15  }
0x26c: {  	s18 =	sshll.u32 s17, $0xA;
	s14 =	sor.u32 s16, s14;
	s16 =	sshll.u32 s17, $0x7  }
0x26d: {  	s15 =	sand.u32 $0xFFFFE000, s18;
	s14 =	sshrl.u32 s14, $0x3;
	s16 =	sand.u32 $0x380, s16  }
0x26e: {  	s14 =	sadd.s32 s5, s14;
	s15 =	sor.u32 s16, s15  }
0x26f: {  	[hbm4b:s14+s4] =	stream.linear.scatter [tilespmem:s15], [sflag:$0x1], $0x80, $0x38;
	[tilespmem:$0x1AC80] =	vst v63  }
0x270: {  	s16 =	sor.u32 $0x400, s15;
	s19 =	sadd.s32 $0x80, s14  }
0x271: {  	[hbm4b:s19+s4] =	stream.linear.scatter [tilespmem:s16], [sflag:$0x1], $0x80, $0x38;
	[tilespmem:$0x1AC80] =	vst v63  }
0x272: {  	s18 =	sor.u32 $0x800, s15;
	s19 =	sadd.s32 $0x100, s14  }
0x273: {  	(v2sf) =	vpush v0, $0xA;
	[hbm4b:s19+s4] =	stream.linear.scatter [tilespmem:s18], [sflag:$0x1], $0x80, $0x38;
	[tilespmem:$0x1AC80] =	vst v63  }
0x274: {  	s18 =	sor.u32 $0xC00, s15;
	s19 =	sadd.s32 $0x180, s14  }
0x275: {  	[hbm4b:s19+s4] =	stream.linear.scatter [tilespmem:s18], [sflag:$0x1], $0x80, $0x38;
	[tilespmem:$0x1AC80] =	vst v63  }
0x276: {  	s18 =	sor.u32 $0x1000, s15;
	s19 =	sadd.s32 $0x200, s14  }
0x277: {  	[hbm4b:s19+s4] =	stream.linear.scatter [tilespmem:s18], [sflag:$0x1], $0x80, $0x38;
	[tilespmem:$0x1AC80] =	vst v63  }
0x278: {  	s16 =	smulhi.u32 $0x51EB851F, s28;
	s18 =	sor.u32 $0x1400, s15;
	s19 =	sadd.s32 $0x280, s14  }
0x279: {  	[hbm4b:s19+s4] =	stream.linear.scatter [tilespmem:s18], [sflag:$0x1], $0x80, $0x38;
	[tilespmem:$0x1AC80] =	vst v63  }
0x27a: {  	s16 =	sshrl.u32 s16, $0x5;
	s18 =	sor.u32 $0x1800, s15;
	s19 =	sadd.s32 $0x300, s14  }
0x27b: {  	[hbm4b:s19+s4] =	stream.linear.scatter [tilespmem:s18], [sflag:$0x1], $0x80, $0x38;
	[tilespmem:$0x1AC80] =	vst v63  }
0x27c: {  	s17 =	smul.u32 $0x19000, s16;
	s19 =	sadd.s32 $0xA, s11  }
0x27d: {  	s15 =	sor.u32 $0x1C00, s15;
	s14 =	sadd.s32 $0x380, s14;
	s18 =	smulhi.u32 $0x51EB851F, s19  }
0x27e: {  	[hbm4b:s14+s4] =	stream.linear.scatter [tilespmem:s15], [sflag:$0x1], $0x80, $0x38;
	[tilespmem:$0x1AC80] =	vst v63  }
0x27f: {  	s16 =	sshll.u32 s16, $0x9;
	s19 =	ssub.s32 s13, s17;
	s18 =	sshrl.u32 s18, $0x5  }
0x280: {  	s16 =	ssub.s32 s10, s16;
	s15 =	sadd.s32 $0x6800, s19;
	s14 =	smul.u32 $0x1A000, s18  }
0x281: {  	s16 =	sadd.s32 $0x500, s16;
	s15 =	sand.u32 $0x1E000, s15  }
0x282: {  	s16 =	sand.u32 $0x300, s16;
	s17 =	spop (v2sf);
	s14 =	sadd.s32 s14, s15  }
0x283: {  	s18 =	sshll.u32 s17, $0xA;
	s14 =	sor.u32 s16, s14;
	s16 =	sshll.u32 s17, $0x7  }
0x284: {  	s15 =	sand.u32 $0xFFFFE000, s18;
	s14 =	sshrl.u32 s14, $0x3;
	s16 =	sand.u32 $0x380, s16  }
0x285: {  	s14 =	sadd.s32 s5, s14;
	s15 =	sor.u32 s16, s15  }
0x286: {  	[hbm4b:s14+s4] =	stream.linear.scatter [tilespmem:s15], [sflag:$0x1], $0x80, $0x38;
	[tilespmem:$0x1AC80] =	vst v63  }
0x287: {  	s16 =	sor.u32 $0x400, s15;
	s19 =	sadd.s32 $0x80, s14  }
0x288: {  	[hbm4b:s19+s4] =	stream.linear.scatter [tilespmem:s16], [sflag:$0x1], $0x80, $0x38;
	[tilespmem:$0x1AC80] =	vst v63  }
0x289: {  	s18 =	sor.u32 $0x800, s15;
	s19 =	sadd.s32 $0x100, s14  }
0x28a: {  	(v2sf) =	vpush v0, $0xB;
	[hbm4b:s19+s4] =	stream.linear.scatter [tilespmem:s18], [sflag:$0x1], $0x80, $0x38;
	[tilespmem:$0x1AC80] =	vst v63  }
0x28b: {  	s18 =	sor.u32 $0xC00, s15;
	s19 =	sadd.s32 $0x180, s14  }
0x28c: {  	[hbm4b:s19+s4] =	stream.linear.scatter [tilespmem:s18], [sflag:$0x1], $0x80, $0x38;
	[tilespmem:$0x1AC80] =	vst v63  }
0x28d: {  	s18 =	sor.u32 $0x1000, s15;
	s19 =	sadd.s32 $0x200, s14  }
0x28e: {  	[hbm4b:s19+s4] =	stream.linear.scatter [tilespmem:s18], [sflag:$0x1], $0x80, $0x38;
	[tilespmem:$0x1AC80] =	vst v63  }
0x28f: {  	s16 =	smulhi.u32 $0x51EB851F, s30;
	s18 =	sor.u32 $0x1400, s15;
	s19 =	sadd.s32 $0x280, s14  }
0x290: {  	[hbm4b:s19+s4] =	stream.linear.scatter [tilespmem:s18], [sflag:$0x1], $0x80, $0x38;
	[tilespmem:$0x1AC80] =	vst v63  }
0x291: {  	s16 =	sshrl.u32 s16, $0x5;
	s18 =	sor.u32 $0x1800, s15;
	s19 =	sadd.s32 $0x300, s14  }
0x292: {  	[hbm4b:s19+s4] =	stream.linear.scatter [tilespmem:s18], [sflag:$0x1], $0x80, $0x38;
	[tilespmem:$0x1AC80] =	vst v63  }
0x293: {  	s17 =	smul.u32 $0x19000, s16;
	s19 =	sadd.s32 $0xB, s11  }
0x294: {  	s15 =	sor.u32 $0x1C00, s15;
	s14 =	sadd.s32 $0x380, s14;
	s18 =	smulhi.u32 $0x51EB851F, s19  }
0x295: {  	[hbm4b:s14+s4] =	stream.linear.scatter [tilespmem:s15], [sflag:$0x1], $0x80, $0x38;
	[tilespmem:$0x1AC80] =	vst v63  }
0x296: {  	s16 =	sshll.u32 s16, $0x9;
	s19 =	ssub.s32 s13, s17;
	s18 =	sshrl.u32 s18, $0x5  }
0x297: {  	s16 =	ssub.s32 s10, s16;
	s15 =	sadd.s32 $0x6C00, s19;
	s14 =	smul.u32 $0x1A000, s18  }
0x298: {  	s16 =	sadd.s32 $0x580, s16;
	s15 =	sand.u32 $0x1E000, s15  }
0x299: {  	s16 =	sand.u32 $0x380, s16;
	s17 =	spop (v2sf);
	s14 =	sadd.s32 s14, s15  }
0x29a: {  	s18 =	sshll.u32 s17, $0xA;
	s14 =	sor.u32 s16, s14;
	s16 =	sshll.u32 s17, $0x7  }
0x29b: {  	s15 =	sand.u32 $0xFFFFE000, s18;
	s14 =	sshrl.u32 s14, $0x3;
	s16 =	sand.u32 $0x380, s16  }
0x29c: {  	s14 =	sadd.s32 s5, s14;
	s15 =	sor.u32 s16, s15  }
0x29d: {  	[hbm4b:s14+s4] =	stream.linear.scatter [tilespmem:s15], [sflag:$0x1], $0x80, $0x38;
	[tilespmem:$0x1AC80] =	vst v63  }
0x29e: {  	s16 =	sor.u32 $0x400, s15;
	s19 =	sadd.s32 $0x80, s14  }
0x29f: {  	[hbm4b:s19+s4] =	stream.linear.scatter [tilespmem:s16], [sflag:$0x1], $0x80, $0x38;
	[tilespmem:$0x1AC80] =	vst v63  }
0x2a0: {  	s18 =	sor.u32 $0x800, s15;
	s19 =	sadd.s32 $0x100, s14  }
0x2a1: {  	(v2sf) =	vpush v0, $0xC;
	[hbm4b:s19+s4] =	stream.linear.scatter [tilespmem:s18], [sflag:$0x1], $0x80, $0x38;
	[tilespmem:$0x1AC80] =	vst v63  }
0x2a2: {  	s18 =	sor.u32 $0xC00, s15;
	s19 =	sadd.s32 $0x180, s14  }
0x2a3: {  	[hbm4b:s19+s4] =	stream.linear.scatter [tilespmem:s18], [sflag:$0x1], $0x80, $0x38;
	[tilespmem:$0x1AC80] =	vst v63  }
0x2a4: {  	s18 =	sor.u32 $0x1000, s15;
	s19 =	sadd.s32 $0x200, s14  }
0x2a5: {  	[hbm4b:s19+s4] =	stream.linear.scatter [tilespmem:s18], [sflag:$0x1], $0x80, $0x38;
	[tilespmem:$0x1AC80] =	vst v63  }
0x2a6: {  	s16 =	smulhi.u32 $0x51EB851F, s6;
	s18 =	sor.u32 $0x1400, s15;
	s19 =	sadd.s32 $0x280, s14  }
0x2a7: {  	[hbm4b:s19+s4] =	stream.linear.scatter [tilespmem:s18], [sflag:$0x1], $0x80, $0x38;
	[tilespmem:$0x1AC80] =	vst v63  }
0x2a8: {  	s16 =	sshrl.u32 s16, $0x5;
	s18 =	sor.u32 $0x1800, s15;
	s19 =	sadd.s32 $0x300, s14  }
0x2a9: {  	[hbm4b:s19+s4] =	stream.linear.scatter [tilespmem:s18], [sflag:$0x1], $0x80, $0x38;
	[tilespmem:$0x1AC80] =	vst v63  }
0x2aa: {  	s17 =	smul.u32 $0x19000, s16;
	s19 =	sadd.s32 $0xC, s11  }
0x2ab: {  	s15 =	sor.u32 $0x1C00, s15;
	s14 =	sadd.s32 $0x380, s14;
	s18 =	smulhi.u32 $0x51EB851F, s19  }
0x2ac: {  	[hbm4b:s14+s4] =	stream.linear.scatter [tilespmem:s15], [sflag:$0x1], $0x80, $0x38;
	[tilespmem:$0x1AC80] =	vst v63  }
0x2ad: {  	s16 =	sshll.u32 s16, $0x9;
	s19 =	ssub.s32 s13, s17;
	s18 =	sshrl.u32 s18, $0x5  }
0x2ae: {  	s16 =	ssub.s32 s10, s16;
	s15 =	sadd.s32 $0x7000, s19;
	s14 =	smul.u32 $0x1A000, s18  }
0x2af: {  	s16 =	sadd.s32 $0x600, s16;
	s15 =	sand.u32 $0x1E000, s15  }
0x2b0: {  	s16 =	sand.u32 $0x200, s16;
	s17 =	spop (v2sf);
	s14 =	sadd.s32 s14, s15  }
0x2b1: {  	s18 =	sshll.u32 s17, $0xA;
	s14 =	sor.u32 s16, s14;
	s16 =	sshll.u32 s17, $0x7  }
0x2b2: {  	s15 =	sand.u32 $0xFFFFE000, s18;
	s14 =	sshrl.u32 s14, $0x3;
	s16 =	sand.u32 $0x380, s16  }
0x2b3: {  	s14 =	sadd.s32 s5, s14;
	s15 =	sor.u32 s16, s15  }
0x2b4: {  	[hbm4b:s14+s4] =	stream.linear.scatter [tilespmem:s15], [sflag:$0x1], $0x80, $0x38;
	[tilespmem:$0x1AC80] =	vst v63  }
0x2b5: {  	s16 =	sor.u32 $0x400, s15;
	s19 =	sadd.s32 $0x80, s14  }
0x2b6: {  	[hbm4b:s19+s4] =	stream.linear.scatter [tilespmem:s16], [sflag:$0x1], $0x80, $0x38;
	[tilespmem:$0x1AC80] =	vst v63  }
0x2b7: {  	s18 =	sor.u32 $0x800, s15;
	s19 =	sadd.s32 $0x100, s14  }
0x2b8: {  	(v2sf) =	vpush v0, $0xD;
	[hbm4b:s19+s4] =	stream.linear.scatter [tilespmem:s18], [sflag:$0x1], $0x80, $0x38;
	[tilespmem:$0x1AC80] =	vst v63  }
0x2b9: {  	s18 =	sor.u32 $0xC00, s15;
	s19 =	sadd.s32 $0x180, s14  }
0x2ba: {  	[hbm4b:s19+s4] =	stream.linear.scatter [tilespmem:s18], [sflag:$0x1], $0x80, $0x38;
	[tilespmem:$0x1AC80] =	vst v63  }
0x2bb: {  	s18 =	sor.u32 $0x1000, s15;
	s19 =	sadd.s32 $0x200, s14  }
0x2bc: {  	[hbm4b:s19+s4] =	stream.linear.scatter [tilespmem:s18], [sflag:$0x1], $0x80, $0x38;
	[tilespmem:$0x1AC80] =	vst v63  }
0x2bd: {  	s16 =	smulhi.u32 $0x51EB851F, s7;
	s18 =	sor.u32 $0x1400, s15;
	s19 =	sadd.s32 $0x280, s14  }
0x2be: {  	[hbm4b:s19+s4] =	stream.linear.scatter [tilespmem:s18], [sflag:$0x1], $0x80, $0x38;
	[tilespmem:$0x1AC80] =	vst v63  }
0x2bf: {  	s16 =	sshrl.u32 s16, $0x5;
	s18 =	sor.u32 $0x1800, s15;
	s19 =	sadd.s32 $0x300, s14  }
0x2c0: {  	[hbm4b:s19+s4] =	stream.linear.scatter [tilespmem:s18], [sflag:$0x1], $0x80, $0x38;
	[tilespmem:$0x1AC80] =	vst v63  }
0x2c1: {  	s17 =	smul.u32 $0x19000, s16;
	s19 =	sadd.s32 $0xD, s11  }
0x2c2: {  	s15 =	sor.u32 $0x1C00, s15;
	s14 =	sadd.s32 $0x380, s14;
	s18 =	smulhi.u32 $0x51EB851F, s19  }
0x2c3: {  	[hbm4b:s14+s4] =	stream.linear.scatter [tilespmem:s15], [sflag:$0x1], $0x80, $0x38;
	[tilespmem:$0x1AC80] =	vst v63  }
0x2c4: {  	s16 =	sshll.u32 s16, $0x9;
	s19 =	ssub.s32 s13, s17;
	s18 =	sshrl.u32 s18, $0x5  }
0x2c5: {  	s16 =	ssub.s32 s10, s16;
	s15 =	sadd.s32 $0x7400, s19;
	s14 =	smul.u32 $0x1A000, s18  }
0x2c6: {  	s16 =	sadd.s32 $0x680, s16;
	s15 =	sand.u32 $0x1E000, s15  }
0x2c7: {  	s16 =	sand.u32 $0x280, s16;
	s17 =	spop (v2sf);
	s14 =	sadd.s32 s14, s15  }
0x2c8: {  	s18 =	sshll.u32 s17, $0xA;
	s14 =	sor.u32 s16, s14;
	s16 =	sshll.u32 s17, $0x7  }
0x2c9: {  	s15 =	sand.u32 $0xFFFFE000, s18;
	s14 =	sshrl.u32 s14, $0x3;
	s16 =	sand.u32 $0x380, s16  }
0x2ca: {  	s14 =	sadd.s32 s5, s14;
	s15 =	sor.u32 s16, s15  }
0x2cb: {  	[hbm4b:s14+s4] =	stream.linear.scatter [tilespmem:s15], [sflag:$0x1], $0x80, $0x38;
	[tilespmem:$0x1AC80] =	vst v63  }
0x2cc: {  	s16 =	sor.u32 $0x400, s15;
	s19 =	sadd.s32 $0x80, s14  }
0x2cd: {  	[hbm4b:s19+s4] =	stream.linear.scatter [tilespmem:s16], [sflag:$0x1], $0x80, $0x38;
	[tilespmem:$0x1AC80] =	vst v63  }
0x2ce: {  	s18 =	sor.u32 $0x800, s15;
	s19 =	sadd.s32 $0x100, s14  }
0x2cf: {  	(v2sf) =	vpush v0, $0xE;
	[hbm4b:s19+s4] =	stream.linear.scatter [tilespmem:s18], [sflag:$0x1], $0x80, $0x38;
	[tilespmem:$0x1AC80] =	vst v63  }
0x2d0: {  	s18 =	sor.u32 $0xC00, s15;
	s19 =	sadd.s32 $0x180, s14  }
0x2d1: {  	[hbm4b:s19+s4] =	stream.linear.scatter [tilespmem:s18], [sflag:$0x1], $0x80, $0x38;
	[tilespmem:$0x1AC80] =	vst v63  }
0x2d2: {  	s18 =	sor.u32 $0x1000, s15;
	s19 =	sadd.s32 $0x200, s14  }
0x2d3: {  	[hbm4b:s19+s4] =	stream.linear.scatter [tilespmem:s18], [sflag:$0x1], $0x80, $0x38;
	[tilespmem:$0x1AC80] =	vst v63  }
0x2d4: {  	s16 =	smulhi.u32 $0x51EB851F, s8;
	s18 =	sor.u32 $0x1400, s15;
	s19 =	sadd.s32 $0x280, s14  }
0x2d5: {  	[hbm4b:s19+s4] =	stream.linear.scatter [tilespmem:s18], [sflag:$0x1], $0x80, $0x38;
	[tilespmem:$0x1AC80] =	vst v63  }
0x2d6: {  	s16 =	sshrl.u32 s16, $0x5;
	s18 =	sor.u32 $0x1800, s15;
	s19 =	sadd.s32 $0x300, s14  }
0x2d7: {  	[hbm4b:s19+s4] =	stream.linear.scatter [tilespmem:s18], [sflag:$0x1], $0x80, $0x38;
	[tilespmem:$0x1AC80] =	vst v63  }
0x2d8: {  	s17 =	smul.u32 $0x19000, s16;
	s19 =	sadd.s32 $0xE, s11  }
0x2d9: {  	s15 =	sor.u32 $0x1C00, s15;
	s14 =	sadd.s32 $0x380, s14;
	s18 =	smulhi.u32 $0x51EB851F, s19  }
0x2da: {  	[hbm4b:s14+s4] =	stream.linear.scatter [tilespmem:s15], [sflag:$0x1], $0x80, $0x38;
	[tilespmem:$0x1AC80] =	vst v63  }
0x2db: {  	s16 =	sshll.u32 s16, $0x9;
	s19 =	ssub.s32 s13, s17;
	s18 =	sshrl.u32 s18, $0x5  }
0x2dc: {  	s16 =	ssub.s32 s10, s16;
	s15 =	sadd.s32 $0x7800, s19;
	s14 =	smul.u32 $0x1A000, s18  }
0x2dd: {  	s16 =	sadd.s32 $0x700, s16;
	s15 =	sand.u32 $0x1E000, s15  }
0x2de: {  	s16 =	sand.u32 $0x300, s16;
	s17 =	spop (v2sf);
	s14 =	sadd.s32 s14, s15  }
0x2df: {  	s18 =	sshll.u32 s17, $0xA;
	s14 =	sor.u32 s16, s14;
	s16 =	sshll.u32 s17, $0x7  }
0x2e0: {  	s15 =	sand.u32 $0xFFFFE000, s18;
	s14 =	sshrl.u32 s14, $0x3;
	s16 =	sand.u32 $0x380, s16  }
0x2e1: {  	s14 =	sadd.s32 s5, s14;
	s15 =	sor.u32 s16, s15  }
0x2e2: {  	[hbm4b:s14+s4] =	stream.linear.scatter [tilespmem:s15], [sflag:$0x1], $0x80, $0x38;
	[tilespmem:$0x1AC80] =	vst v63  }
0x2e3: {  	s16 =	sor.u32 $0x400, s15;
	s19 =	sadd.s32 $0x80, s14  }
0x2e4: {  	[hbm4b:s19+s4] =	stream.linear.scatter [tilespmem:s16], [sflag:$0x1], $0x80, $0x38;
	[tilespmem:$0x1AC80] =	vst v63  }
0x2e5: {  	s18 =	sor.u32 $0x800, s15;
	s19 =	sadd.s32 $0x100, s14  }
0x2e6: {  	(v2sf) =	vpush v0, $0xF;
	[hbm4b:s19+s4] =	stream.linear.scatter [tilespmem:s18], [sflag:$0x1], $0x80, $0x38;
	[tilespmem:$0x1AC80] =	vst v63  }
0x2e7: {  	s18 =	sor.u32 $0xC00, s15;
	s19 =	sadd.s32 $0x180, s14  }
0x2e8: {  	[hbm4b:s19+s4] =	stream.linear.scatter [tilespmem:s18], [sflag:$0x1], $0x80, $0x38;
	[tilespmem:$0x1AC80] =	vst v63  }
0x2e9: {  	s18 =	sor.u32 $0x1000, s15;
	s19 =	sadd.s32 $0x200, s14  }
0x2ea: {  	[hbm4b:s19+s4] =	stream.linear.scatter [tilespmem:s18], [sflag:$0x1], $0x80, $0x38;
	[tilespmem:$0x1AC80] =	vst v63  }
0x2eb: {  	s16 =	smulhi.u32 $0x51EB851F, s9;
	s18 =	sor.u32 $0x1400, s15;
	s19 =	sadd.s32 $0x280, s14  }
0x2ec: {  	[hbm4b:s19+s4] =	stream.linear.scatter [tilespmem:s18], [sflag:$0x1], $0x80, $0x38;
	[tilespmem:$0x1AC80] =	vst v63  }
0x2ed: {  	s16 =	sshrl.u32 s16, $0x5;
	s18 =	sor.u32 $0x1800, s15;
	s19 =	sadd.s32 $0x300, s14  }
0x2ee: {  	[hbm4b:s19+s4] =	stream.linear.scatter [tilespmem:s18], [sflag:$0x1], $0x80, $0x38;
	[tilespmem:$0x1AC80] =	vst v63  }
0x2ef: {  	s17 =	smul.u32 $0x19000, s16;
	s19 =	sadd.s32 $0xF, s11  }
0x2f0: {  	s15 =	sor.u32 $0x1C00, s15;
	s14 =	sadd.s32 $0x380, s14;
	s18 =	smulhi.u32 $0x51EB851F, s19  }
0x2f1: {  	[hbm4b:s14+s4] =	stream.linear.scatter [tilespmem:s15], [sflag:$0x1], $0x80, $0x38;
	[tilespmem:$0x1AC80] =	vst v63  }
0x2f2: {  	s13 =	ssub.s32 s13, s17;
	s17 =	sshll.u32 s16, $0x9;
	s15 =	sshrl.u32 s18, $0x5  }
0x2f3: {  	s13 =	sadd.s32 $0x7C00, s13;
	s14 =	smul.u32 $0x1A000, s15;
	s15 =	ssub.s32 s10, s17  }
0x2f4: {  	s13 =	sand.u32 $0x1E000, s13;
	s15 =	sadd.s32 $0x780, s15  }
0x2f5: {  	s19 =	spop (v2sf);
	s13 =	sadd.s32 s14, s13;
	s18 =	sand.u32 $0x380, s15  }
0x2f6: {  	s16 =	sshll.u32 s19, $0xA;
	s15 =	sshll.u32 s19, $0x7;
	s13 =	sor.u32 s18, s13  }
0x2f7: {  	s14 =	sand.u32 $0xFFFFE000, s16;
	s15 =	sand.u32 $0x380, s15;
	s13 =	sshrl.u32 s13, $0x3  }
0x2f8: {  	s14 =	sor.u32 s15, s14;
	s13 =	sadd.s32 s5, s13  }
0x2f9: {  	[hbm4b:s13+s4] =	stream.linear.scatter [tilespmem:s14], [sflag:$0x1], $0x80, $0x38;
	[tilespmem:$0x1AC80] =	vst v63  }
0x2fa: {  	s15 =	sor.u32 $0x400, s14;
	s17 =	sadd.s32 $0x80, s13  }
0x2fb: {  	[hbm4b:s17+s4] =	stream.linear.scatter [tilespmem:s15], [sflag:$0x1], $0x80, $0x38;
	[tilespmem:$0x1AC80] =	vst v63  }
0x2fc: {  	s18 =	sor.u32 $0x800, s14;
	s19 =	sadd.s32 $0x100, s13  }
0x2fd: {  	[hbm4b:s19+s4] =	stream.linear.scatter [tilespmem:s18], [sflag:$0x1], $0x80, $0x38;
	[tilespmem:$0x1AC80] =	vst v63  }
0x2fe: {  	s16 =	sor.u32 $0xC00, s14;
	s17 =	sadd.s32 $0x180, s13  }
0x2ff: {  	[hbm4b:s17+s4] =	stream.linear.scatter [tilespmem:s16], [sflag:$0x1], $0x80, $0x38;
	[tilespmem:$0x1AC80] =	vst v63  }
0x300: {  	s18 =	sor.u32 $0x1000, s14;
	s19 =	sadd.s32 $0x200, s13  }
0x301: {  	[hbm4b:s19+s4] =	stream.linear.scatter [tilespmem:s18], [sflag:$0x1], $0x80, $0x38;
	[tilespmem:$0x1AC80] =	vst v63  }
0x302: {  	s16 =	sor.u32 $0x1400, s14;
	s17 =	sadd.s32 $0x280, s13  }
0x303: {  	[hbm4b:s17+s4] =	stream.linear.scatter [tilespmem:s16], [sflag:$0x1], $0x80, $0x38;
	[tilespmem:$0x1AC80] =	vst v63  }
0x304: {  	s18 =	sor.u32 $0x1800, s14;
	s19 =	sadd.s32 $0x300, s13  }
0x305: {  	[hbm4b:s19+s4] =	stream.linear.scatter [tilespmem:s18], [sflag:$0x1], $0x80, $0x38;
	[tilespmem:$0x1AC80] =	vst v63  }
0x306: {  	s14 =	sor.u32 $0x1C00, s14;
	s13 =	sadd.s32 $0x380, s13  }
0x307: {  	[hbm4b:s13+s4] =	stream.linear.scatter [tilespmem:s14], [sflag:$0x1], $0x80, $0x38;
	[tilespmem:$0x1AC80] =	vst v63  }
0x308: {  	_ =	swait.ge [sflag:s29], $0x400  }
0x309: {  	[sflag:s29] =	ssyncset.done $0x0  }
0x30a: {  	[sflag:s29] =	ssyncadd.s32 $0xFFFFFC00  }
0x30b: {  	_ =	swait.ge [sflag:s29], $0x400  }
0x30c: {  	[sflag:s29] =	ssyncset.done $0x0  }
0x30d: {  	[sflag:s29] =	ssyncadd.s32 $0xFFFFFC00  }
0x30e: {  	_ =	swait.ge [sflag:s29], $0x400  }
0x30f: {  	[sflag:s29] =	ssyncset.done $0x0  }
0x310: {  	[sflag:s29] =	ssyncadd.s32 $0xFFFFFC00  }
0x311: {  	_ =	swait.ge [sflag:s29], $0x400  }
0x312: {  	[sflag:s29] =	ssyncset.done $0x0  }
0x313: {  	[sflag:s29] =	ssyncadd.s32 $0xFFFFFC00  }
0x314: {  	_ =	swait.ge [sflag:s29], $0x400  }
0x315: {  	[sflag:s29] =	ssyncset.done $0x0  }
0x316: {  	[sflag:s29] =	ssyncadd.s32 $0xFFFFFC00  }
0x317: {  	_ =	swait.ge [sflag:s29], $0x400  }
0x318: {  	[sflag:s29] =	ssyncset.done $0x0  }
0x319: {  	[sflag:s29] =	ssyncadd.s32 $0xFFFFFC00  }
0x31a: {  	_ =	swait.ge [sflag:s29], $0x400  }
0x31b: {  	[sflag:s29] =	ssyncset.done $0x0  }
0x31c: {  	[sflag:s29] =	ssyncadd.s32 $0xFFFFFC00  }
0x31d: {  	_ =	swait.ge [sflag:s29], $0x400  }
0x31e: {  	[sflag:s29] =	ssyncset.done $0x0  }
0x31f: {  	[sflag:s29] =	ssyncadd.s32 $0xFFFFFC00  }
0x320: {  	_ =	swait.ge [sflag:s29], $0x400  }
0x321: {  	[sflag:s29] =	ssyncset.done $0x0  }
0x322: {  	[sflag:s29] =	ssyncadd.s32 $0xFFFFFC00  }
0x323: {  	_ =	swait.ge [sflag:s29], $0x400  }
0x324: {  	[sflag:s29] =	ssyncset.done $0x0  }
0x325: {  	[sflag:s29] =	ssyncadd.s32 $0xFFFFFC00  }
0x326: {  	_ =	swait.ge [sflag:s29], $0x400  }
0x327: {  	[sflag:s29] =	ssyncset.done $0x0  }
0x328: {  	[sflag:s29] =	ssyncadd.s32 $0xFFFFFC00  }
0x329: {  	_ =	swait.ge [sflag:s29], $0x400  }
0x32a: {  	[sflag:s29] =	ssyncset.done $0x0  }
0x32b: {  	[sflag:s29] =	ssyncadd.s32 $0xFFFFFC00  }
0x32c: {  	_ =	swait.ge [sflag:s29], $0x400  }
0x32d: {  	s31 =	sadd.s32 $0x10, s31;
	[sflag:s29] =	ssyncset.done $0x0  }
0x32e: {  	p0 =	sne.s32 s12, $0x318000;
	s12 =	sadd.s32 $0x4000, s12;
	[sflag:s29] =	ssyncadd.s32 $0xFFFFFC00  }
0x32f: {  	s26 =	sadd.s32 $0x10, s26;
	s25 =	sadd.s32 $0x10, s25;
	_ =	swait.ge [sflag:s29], $0x400  }
0x330: {  	s24 =	sadd.s32 $0x10, s24;
	s23 =	sadd.s32 $0x10, s23;
	[sflag:s29] =	ssyncset.done $0x0  }
0x331: {  	s22 =	sadd.s32 $0x10, s22;
	s2 =	sadd.s32 $0x10, s2;
	[sflag:s29] =	ssyncadd.s32 $0xFFFFFC00  }
0x332: {  	s1 =	sadd.s32 $0x10, s1;
	s0 =	sadd.s32 $0x10, s0;
	_ =	swait.ge [sflag:s29], $0x400  }
.Ltmp0:
0x333: {  	s3 =	sadd.s32 $0x10, s3;
	[sflag:s29] =	ssyncset.done $0x0;
	(pc) =	sbr.rel @p0 .LBB2_2-.Ltmp0, $4  }
0x334: {  	s28 =	sadd.s32 $0x10, s28;
	s30 =	sadd.s32 $0x10, s30;
	[sflag:s29] =	ssyncadd.s32 $0xFFFFFC00  }
0x335: {  	s6 =	sadd.s32 $0x10, s6;
	s7 =	sadd.s32 $0x10, s7;
	_ =	swait.ge [sflag:s29], $0x400  }
0x336: {  	s8 =	sadd.s32 $0x10, s8;
	s9 =	sadd.s32 $0x10, s9;
	[sflag:s29] =	ssyncset.done $0x0  }
0x337: {  	s11 =	sadd.s32 $0x10, s11;
	s10 =	sadd.s32 $0x800, s10;
	[sflag:s29] =	ssyncadd.s32 $0xFFFFFC00  }
0x338: {  	_ =	swait.ge [sflag:s29], $0x400  }
0x339: {  	[sflag:s29] =	ssyncset.done $0x0  }
0x33a: {  	[sflag:s29] =	ssyncadd.s32 $0xFFFFFC00  }
0x33b: {  	_ =	swait.ge [sflag:s29], $0x400  }
0x33c: {  	[sflag:s29] =	ssyncset.done $0x0  }
0x33d: {  	[sflag:s29] =	ssyncadd.s32 $0xFFFFFC00  }
0x33e: {  	_ =	swait.ge [sflag:s29], $0x400  }
0x33f: {  	[sflag:s29] =	ssyncset.done $0x0  }
0x340: {  	[sflag:s29] =	ssyncadd.s32 $0xFFFFFC00  }
0x341: {  	_ =	swait.ge [sflag:s29], $0x400  }
0x342: {  	[sflag:s29] =	ssyncset.done $0x0  }
0x343: {  	[sflag:s29] =	ssyncadd.s32 $0xFFFFFC00  }
0x344: {  	_ =	swait.ge [sflag:s29], $0x400  }
0x345: {  	[sflag:s29] =	ssyncset.done $0x0  }
0x346: {  	[sflag:s29] =	ssyncadd.s32 $0xFFFFFC00  }
0x347: {  	_ =	swait.ge [sflag:s29], $0x400  }
0x348: {  	[sflag:s29] =	ssyncset.done $0x0  }
0x349: {  	[sflag:s29] =	ssyncadd.s32 $0xFFFFFC00  }
0x34a: {  	_ =	swait.ge [sflag:s29], $0x400  }
0x34b: {  	[sflag:s29] =	ssyncset.done $0x0  }
0x34c: {  	[sflag:s29] =	ssyncadd.s32 $0xFFFFFC00  }
0x34d: {  	_ =	swait.ge [sflag:s29], $0x400  }
0x34e: {  	[sflag:s29] =	ssyncset.done $0x0  }
0x34f: {  	[sflag:s29] =	ssyncadd.s32 $0xFFFFFC00  }
0x350: {  	_ =	swait.ge [sflag:s29], $0x400  }
0x351: {  	[sflag:s29] =	ssyncset.done $0x0  }
0x352: {  	[sflag:s29] =	ssyncadd.s32 $0xFFFFFC00  }
0x353: {  	_ =	swait.ge [sflag:s29], $0x400  }
0x354: {  	[sflag:s29] =	ssyncset.done $0x0  }
0x355: {  	[sflag:s29] =	ssyncadd.s32 $0xFFFFFC00  }
0x356: {  	_ =	swait.ge [sflag:s29], $0x400  }
0x357: {  	[sflag:s29] =	ssyncset.done $0x0  }
0x358: {  	[sflag:s29] =	ssyncadd.s32 $0xFFFFFC00  }
0x359: {  	_ =	swait.ge [sflag:s29], $0x400  }
0x35a: {  	[sflag:s29] =	ssyncset.done $0x0  }
0x35b: {  	[sflag:s29] =	ssyncadd.s32 $0xFFFFFC00  }
0x35c: {  	_ =	swait.ge [sflag:s29], $0x400  }
0x35d: {  	[sflag:s29] =	ssyncset.done $0x0  }
0x35e: {  	[sflag:s29] =	ssyncadd.s32 $0xFFFFFC00  }
0x35f: {  	_ =	swait.ge [sflag:s29], $0x400  }
0x360: {  	[sflag:s29] =	ssyncset.done $0x0  }
0x361: {  	[sflag:s29] =	ssyncadd.s32 $0xFFFFFC00  }
0x362: {  	_ =	swait.ge [sflag:s29], $0x400  }
0x363: {  	[sflag:s29] =	ssyncset.done $0x0  }
0x364: {  	[sflag:s29] =	ssyncadd.s32 $0xFFFFFC00  }
0x365: {  	_ =	swait.ge [sflag:s29], $0x400  }
0x366: {  	s1 =	sld [smem:$0x7F7];
	_ =	sdelay $0x2  }
0x367: {  	s0 =	rddreg [dreg:$0x14];
	s1 =	sadd.s32 $0x1, s1  }
0x368: {  	p0 =	sne.s32 s1, s0  }
.Ltmp1:
0x369: {  	_ = 	snop;
	(pc) =	sbr.rel @p0 .LBB2_1-.Ltmp1, $3  }
0x36a: {  	_ =	sdelay $0x1  }
0x36b: {  	[sflag:s29] =	ssyncset.done $0x0  }
0x36c: {  	[sflag:s29] =	ssyncadd.s32 $0xFFFFFC00  }
0x36d: {  	_ =	sfence.sel $0x180000  }
0x36e: {  	[bflag:$0x0] =	sbarrier.arrive $0xFFFF  }
0x36f: {  	_ =	strace $0x90000047  }
0x370: {  	s0 =	stileid.u32;
	[bflag:$0x2] =	sbarrier.arrive $0xFFFF  }
0x371: {  	p0 =	sne.s32 s0, $0x0;
	s0 =	rddreg [dreg:$0x3]  }
0x372: {  	s0 =	sadd.s32 @!p0 $0x100000, s0  }
0x373: {  	[sflag:s0] =	ssyncadd.tile.s32 @!p0 $0x1;
	_ =	shalt  }
.Lfunc_end2:
_tile_overlayer_lowered:
.L_overlay_start_2:
0x374: {  	(tag) =	ssettag $0x2  }
0x375: {  	s0 =	rddreg [dreg:$0x0];
	s2 =	stileid.u32  }
0x376: {  	s1 =	rddreg [dreg:$0x1];
	p0 =	sne.s32 s2, $0x0  }
0x377: {  	s3 =	rddreg [dreg:$0x2];
	[bflag:$0x3] =	sbarrier.arrive $0xFFFF;
	s2 =	simm.s32 @!p0 $0x1C02  }
0x378: {  	[timem:s3], [sflag:s2] =	dma.local @!p0 [hbm:s0], s1  }
0x379: {  	s0 =	simm.s32 @!p0 $0x2  }
0x37a: {  	_ =	swait.ge @!p0 [sflag:s0], s1  }
0x37b: {  	s1 =	ssub.s32 @!p0 $0x0, s1;
	[sflag:s0] =	ssyncset.done @!p0 $0x0  }
0x37c: {  	[sflag:s0] =	ssyncadd.s32 @!p0 s1  }
0x37d: {  	[bflag:$0x3] =	sbarrier.arrive $0xFFFF  }
0x37e: {  	_ =	shalt  }

</sc_bundles>
